<compile_context>
chip_gen: v7x
topology: tpu7x:2x2x1
jax: 0.10.2.dev20260603
libtpu: 0.0.44.dev20260713+nightly
codegen_flags: <defaults>
</compile_context>

<pallas_src>
import math

import jax
import jax.numpy as jnp
from jax import lax
from jax.experimental import pallas as pl
from jax.experimental.pallas import tpu as pltpu
from jax.experimental.pallas import tpu_sc as plsc

N = 10000
E = 320000
D = 128
C = 128
ED = 16
SBF6 = 42

NC = 2
NS = 16
NW = NC * NS
CHUNK = 128
CPW = 79
E2 = NW * CPW * CHUNK
NPAD = 10240
RPS = NPAD // NS
SCH = 64

_SQRT_C_INV = 1.0 / math.sqrt(C)


def _node_kernel(x_ref, rbf_ref, wr0_ref, wr1_ref, wk_ref, bk_ref, wq_ref,
                 bq_ref, wv_ref, bv_ref, ws_ref, bs_ref,
                 kv_ref, q_ref, skip_ref):
    x = x_ref[...]
    rbf_f = jnp.dot(jnp.dot(rbf_ref[...], wr0_ref[...],
                            preferred_element_type=jnp.float32),
                    wr1_ref[...], preferred_element_type=jnp.float32)
    x_src = rbf_f * x
    kv_ref[:, :D] = jnp.dot(x_src, wk_ref[...],
                            preferred_element_type=jnp.float32) + bk_ref[...]
    kv_ref[:, D:] = jnp.dot(x_src, wv_ref[...],
                            preferred_element_type=jnp.float32) + bv_ref[...]
    q_ref[...] = jnp.dot(x, wq_ref[...],
                         preferred_element_type=jnp.float32) + bq_ref[...]
    skip_ref[...] = jnp.dot(x, ws_ref[...],
                            preferred_element_type=jnp.float32) + bs_ref[...]


def _node_pass(x_p, rbf_p, W_rbf0, W_rbf1, W_k, b_k, W_q, b_q, W_v, b_v,
               W_skip, b_skip):
    B = 512
    g = NPAD // B
    row = lambda i: (i, 0)
    full = lambda i: (0, 0)
    nd = jax.ShapeDtypeStruct((NPAD, D), jnp.float32)
    return pl.pallas_call(
        _node_kernel,
        grid=(g,),
        in_specs=[
            pl.BlockSpec((B, D), row),
            pl.BlockSpec((B, SBF6), row),
            pl.BlockSpec((SBF6, D), full),
            pl.BlockSpec((D, D), full),
            pl.BlockSpec((D, D), full),
            pl.BlockSpec((1, D), full),
            pl.BlockSpec((D, D), full),
            pl.BlockSpec((1, D), full),
            pl.BlockSpec((D, D), full),
            pl.BlockSpec((1, D), full),
            pl.BlockSpec((D, D), full),
            pl.BlockSpec((1, D), full),
        ],
        out_specs=[pl.BlockSpec((B, 2 * D), row),
                   pl.BlockSpec((B, D), row),
                   pl.BlockSpec((B, D), row)],
        out_shape=[jax.ShapeDtypeStruct((NPAD, 2 * D), jnp.float32), nd, nd],
    )(x_p, rbf_p, W_rbf0, W_rbf1, W_k, b_k.reshape(1, D), W_q,
      b_q.reshape(1, D), W_v, b_v.reshape(1, D), W_skip,
      b_skip.reshape(1, D))


def _gather_body(cpw, e_base, kvtab, qtab, src_h, dst_h,
                 kvsrc_o, qdst_o,
                 idx_s, idx_d, bkv0, bq0, bkv1, bq1,
                 gs0, gs1, ws0, ws1):
    epw = cpw * CHUNK
    wid = lax.axis_index("s") * NC + lax.axis_index("c")
    e0 = e_base + wid * epw
    pltpu.sync_copy(src_h.at[pl.ds(e0, epw)], idx_s)
    pltpu.sync_copy(dst_h.at[pl.ds(e0, epw)], idx_d)

    bufs = ((bkv0, bq0), (bkv1, bq1))
    gsems = (gs0, gs1)
    wsems = (ws0, ws1)

    def fire_gathers(j, s):
        o = j * CHUNK
        i_s = idx_s.at[pl.ds(o, CHUNK)]
        i_d = idx_d.at[pl.ds(o, CHUNK)]
        pltpu.async_copy(kvtab.at[i_s], bufs[s][0], gsems[s])
        pltpu.async_copy(qtab.at[i_d], bufs[s][1], gsems[s])

    def drain_gathers(s):
        pltpu.make_async_copy(kvtab.at[idx_s.at[pl.ds(0, CHUNK)]],
                              bufs[s][0], gsems[s]).wait()
        pltpu.make_async_copy(qtab.at[idx_d.at[pl.ds(0, CHUNK)]],
                              bufs[s][1], gsems[s]).wait()

    def fire_writes(j, s):
        base = wid * epw + j * CHUNK
        pltpu.async_copy(bufs[s][0], kvsrc_o.at[pl.ds(base, CHUNK)], wsems[s])
        pltpu.async_copy(bufs[s][1], qdst_o.at[pl.ds(base, CHUNK)], wsems[s])

    def drain_writes(s):
        pltpu.make_async_copy(bufs[s][0], kvsrc_o.at[pl.ds(0, CHUNK)],
                              wsems[s]).wait()
        pltpu.make_async_copy(bufs[s][1], qdst_o.at[pl.ds(0, CHUNK)],
                              wsems[s]).wait()

    fire_gathers(0, 0)

    def body(j, _):
        s = lax.rem(j, 2)
        ns = 1 - s

        @pl.when(j >= 1)
        def _():
            @pl.when(ns == 0)
            def _():
                drain_writes(0)

            @pl.when(ns == 1)
            def _():
                drain_writes(1)

        @pl.when(j + 1 < cpw)
        def _():
            @pl.when(ns == 0)
            def _():
                fire_gathers(j + 1, 0)

            @pl.when(ns == 1)
            def _():
                fire_gathers(j + 1, 1)

        @pl.when(s == 0)
        def _():
            drain_gathers(0)
            fire_writes(j, 0)

        @pl.when(s == 1)
        def _():
            drain_gathers(1)
            fire_writes(j, 1)

        return 0

    lax.fori_loop(0, cpw, body, 0)
    drain_writes((cpw - 1) % 2)


def _gather_pass(kvtab, qtab, src_p, dst_p, e_base, cpw, ne):
    import functools
    mesh = plsc.VectorSubcoreMesh(core_axis_name="c", subcore_axis_name="s")
    bkv = pltpu.VMEM((CHUNK, 2 * D), jnp.float32)
    bq = pltpu.VMEM((CHUNK, D), jnp.float32)
    fn = pl.kernel(
        functools.partial(_gather_body, cpw, e_base),
        out_type=(jax.ShapeDtypeStruct((ne, 2 * D), jnp.float32),
                  jax.ShapeDtypeStruct((ne, D), jnp.float32)),
        mesh=mesh,
        scratch_types=[
            pltpu.VMEM((cpw * CHUNK,), jnp.int32),
            pltpu.VMEM((cpw * CHUNK,), jnp.int32),
            bkv, bq, bkv, bq,
            pltpu.SemaphoreType.DMA,
            pltpu.SemaphoreType.DMA,
            pltpu.SemaphoreType.DMA,
            pltpu.SemaphoreType.DMA,
        ],
    )
    return fn(kvtab, qtab, src_p, dst_p)


def _edge_kernel(kvs_ref, qd_ref, ea_ref, sbf_ref,
                 wekt_ref, wev_ref, ws0_ref, ws1_ref, msg_ref, eal_ref):
    ks = kvs_ref[:, :D]
    vs = kvs_ref[:, D:]
    qd = qd_ref[...]
    ea = ea_ref[...]
    qw = jnp.dot(qd, wekt_ref[...], preferred_element_type=jnp.float32)
    alpha = (jnp.sum(ks * qd, axis=1, keepdims=True)
             + jnp.sum(qw * ea, axis=1, keepdims=True)) * _SQRT_C_INV
    ealpha = jnp.exp(alpha)
    ev = jnp.dot(ea, wev_ref[...], preferred_element_type=jnp.float32)
    sb = jnp.dot(jnp.dot(sbf_ref[...], ws0_ref[...],
                         preferred_element_type=jnp.float32),
                 ws1_ref[...], preferred_element_type=jnp.float32)
    msg_ref[...] = (vs + ev) * sb * ealpha
    eal_ref[...] = ealpha


def _edge_pass(kvsrc, qdst, ea_p, sbf_p, W_ekT, W_ev, W_sbf0, W_sbf1,
               e_base):
    B = 512
    ne = kvsrc.shape[0]
    g = ne // B
    ob = e_base // B
    row = lambda i: (i, 0)
    rowo = lambda i: (i + ob, 0)
    full = lambda i: (0, 0)
    return pl.pallas_call(
        _edge_kernel,
        grid=(g,),
        in_specs=[
            pl.BlockSpec((B, 2 * D), row),
            pl.BlockSpec((B, D), row),
            pl.BlockSpec((B, ED), rowo),
            pl.BlockSpec((B, ED), rowo),
            pl.BlockSpec((D, ED), full),
            pl.BlockSpec((ED, D), full),
            pl.BlockSpec((ED, D), full),
            pl.BlockSpec((D, D), full),
        ],
        out_specs=[
            pl.BlockSpec((B, D), row),
            pl.BlockSpec((B, 1), row),
        ],
        out_shape=[
            jax.ShapeDtypeStruct((ne, D), jnp.float32),
            jax.ShapeDtypeStruct((ne, 1), jnp.float32),
        ],
    )(kvsrc, qdst, ea_p, sbf_p, W_ekT, W_ev, W_sbf0, W_sbf1)


def _scatter_body(cpw, e_base, msg_h, eal_h, dst_h, acc_o, den_o,
                  idx_d0, mbuf0, ebuf0, idx_d1, mbuf1, ebuf1,
                  tbuf, dacc, denom, acc, den_sh,
                  ls0, ls1):
    cid = lax.axis_index("c")
    sid = lax.axis_index("s")
    wid = sid * NC + cid

    if True:
        def zrow(r, _):
            for k in range(D // 16):
                mbuf0[r, pl.ds(k * 16, 16)] = jnp.zeros((16,), jnp.float32)
            return 0

        def initz(s, _):
            r0 = sid * RPS + s * SCH
            pltpu.sync_copy(mbuf0, acc.at[pl.ds(r0, SCH)])
            return 0

        def initd(i, _):
            denom[pl.ds(i * 16, 16)] = jnp.zeros((16,), jnp.float32)
            return 0

        lax.fori_loop(0, SCH, zrow, 0)
        lax.fori_loop(0, RPS // SCH, initz, 0)
        lax.fori_loop(0, NPAD // 16, initd, 0)
        plsc.subcore_barrier()

        slots = ((idx_d0, mbuf0, ebuf0), (idx_d1, mbuf1, ebuf1))
        lsems = (ls0, ls1)

        def fire_loads(j, s):
            lbase = (wid * cpw + j) * SCH
            idx_d, mbuf, ebuf = slots[s]
            pltpu.async_copy(dst_h.at[pl.ds(e_base + lbase, SCH)],
                             idx_d, lsems[s])
            pltpu.async_copy(msg_h.at[pl.ds(lbase, SCH)], mbuf, lsems[s])
            pltpu.async_copy(eal_h.at[pl.ds(lbase, SCH)], ebuf, lsems[s])

        def drain_loads(s):
            idx_d, mbuf, ebuf = slots[s]
            pltpu.make_async_copy(dst_h.at[pl.ds(0, SCH)], idx_d,
                                  lsems[s]).wait()
            pltpu.make_async_copy(msg_h.at[pl.ds(0, SCH)], mbuf,
                                  lsems[s]).wait()
            pltpu.make_async_copy(eal_h.at[pl.ds(0, SCH)], ebuf,
                                  lsems[s]).wait()

        def consume(s):
            idx_d, mbuf, ebuf = slots[s]
            drain_loads(s)
            pltpu.sync_copy(mbuf, acc.at[idx_d], add=True)
            for k in range(SCH // 16):
                i16 = idx_d[pl.ds(k * 16, 16)]
                e16 = ebuf[pl.ds(k * 16, 16)]
                plsc.addupdate_scatter(denom, [i16], e16)

        fire_loads(0, 0)

        def chunk(j, _):
            s = lax.rem(j, 2)
            ns = 1 - s

            @pl.when(j + 1 < cpw)
            def _():
                @pl.when(ns == 0)
                def _():
                    fire_loads(j + 1, 0)

                @pl.when(ns == 1)
                def _():
                    fire_loads(j + 1, 1)

            @pl.when(s == 0)
            def _():
                consume(0)

            @pl.when(s == 1)
            def _():
                consume(1)

            return 0

        lax.fori_loop(0, cpw, chunk, 0)

        pltpu.sync_copy(denom, den_sh.at[sid])
        plsc.subcore_barrier()

        def zslice(i, _):
            dacc[pl.ds(i * 16, 16)] = jnp.zeros((16,), jnp.float32)
            return 0

        lax.fori_loop(0, RPS // 16, zslice, 0)

        def redt(t, _):
            pltpu.sync_copy(den_sh.at[t, pl.ds(sid * RPS, RPS)], tbuf)

            def addv(i, _):
                dacc[pl.ds(i * 16, 16)] = (dacc[pl.ds(i * 16, 16)]
                                           + tbuf[pl.ds(i * 16, 16)])
                return 0

            lax.fori_loop(0, RPS // 16, addv, 0)
            return 0

        lax.fori_loop(0, NS, redt, 0)

        r0 = sid * RPS
        pltpu.sync_copy(acc.at[pl.ds(r0, RPS)],
                        acc_o.at[cid, pl.ds(r0, RPS)])
        pltpu.sync_copy(dacc, den_o.at[cid, pl.ds(r0, RPS)])


def _scatter_pass(msg, eal, dst_p, e_base, cpw):
    import functools
    mesh = plsc.VectorSubcoreMesh(core_axis_name="c", subcore_axis_name="s")
    fn = pl.kernel(
        functools.partial(_scatter_body, cpw, e_base),
        out_type=(
            jax.ShapeDtypeStruct((NC, NPAD, D), jnp.float32),
            jax.ShapeDtypeStruct((NC, NPAD), jnp.float32),
        ),
        mesh=mesh,
        scratch_types=[
            pltpu.VMEM((SCH,), jnp.int32),
            pltpu.VMEM((SCH, D), jnp.float32),
            pltpu.VMEM((SCH,), jnp.float32),
            pltpu.VMEM((SCH,), jnp.int32),
            pltpu.VMEM((SCH, D), jnp.float32),
            pltpu.VMEM((SCH,), jnp.float32),
            pltpu.VMEM((RPS,), jnp.float32),
            pltpu.VMEM((RPS,), jnp.float32),
            pltpu.VMEM((NPAD,), jnp.float32),
            pltpu.VMEM_SHARED((NPAD, D), jnp.float32),
            pltpu.VMEM_SHARED((NS, NPAD), jnp.float32),
            pltpu.SemaphoreType.DMA,
            pltpu.SemaphoreType.DMA,
        ],
        compiler_params=pltpu.CompilerParams(needs_layout_passes=False),
    )
    return fn(msg, eal, dst_p)


def _final_kernel(a0_ref, a1_ref, a2_ref, a3_ref,
                  d0_ref, d1_ref, d2_ref, d3_ref, skip_ref, out_ref):
    a = (a0_ref[0] + a1_ref[0]) + (a2_ref[0] + a3_ref[0])
    den = (d0_ref[0] + d1_ref[0]) + (d2_ref[0] + d3_ref[0]) + 1e-16
    out_ref[...] = a / den + skip_ref[...]


def _final_pass(accsA, accsB, dens3A, dens3B, skip):
    B = 512
    g = pl.cdiv(N, B)
    row = lambda i: (i, 0)
    c0 = lambda i: (0, i, 0)
    c1 = lambda i: (1, i, 0)
    return pl.pallas_call(
        _final_kernel,
        grid=(g,),
        in_specs=[
            pl.BlockSpec((1, B, D), c0),
            pl.BlockSpec((1, B, D), c1),
            pl.BlockSpec((1, B, D), c0),
            pl.BlockSpec((1, B, D), c1),
            pl.BlockSpec((1, B, 1), c0),
            pl.BlockSpec((1, B, 1), c1),
            pl.BlockSpec((1, B, 1), c0),
            pl.BlockSpec((1, B, 1), c1),
            pl.BlockSpec((B, D), row),
        ],
        out_specs=pl.BlockSpec((B, D), row),
        out_shape=jax.ShapeDtypeStruct((N, D), jnp.float32),
    )(accsA, accsA, accsB, accsB, dens3A, dens3A, dens3B, dens3B, skip)


def kernel(x, edge_index, edge_attr, rbf, sbf, edge_index_0,
           W_rbf0, W_rbf1, W_sbf0, W_sbf1, W_ek, W_ev,
           W_k, b_k, W_q, b_q, W_v, b_v, W_skip, b_skip):
    pad_e = E2 - E
    src_p = jnp.concatenate(
        [edge_index[0], jnp.zeros((pad_e,), jnp.int32)])
    dst_p = jnp.concatenate(
        [edge_index[1], jnp.full((pad_e,), N, jnp.int32)])
    ea_p = edge_attr
    sbf_p = sbf.reshape(E, ED)
    x_p = x
    rbf_p = rbf

    kvtab, qtab, skip = _node_pass(
        x_p, rbf_p, W_rbf0, W_rbf1, W_k, b_k, W_q, b_q, W_v, b_v,
        W_skip, b_skip)

    CPW_A, CPW_B = 40, 39
    EA_N = NW * CPW_A * CHUNK
    EB_N = NW * CPW_B * CHUNK
    W_ekT = W_ek.T

    gA = _gather_pass(kvtab, qtab, src_p, dst_p, 0, CPW_A, EA_N)
    gB = _gather_pass(kvtab, qtab, src_p, dst_p, EA_N, CPW_B, EB_N)

    msgA, ealA = _edge_pass(*gA, ea_p, sbf_p, W_ekT, W_ev, W_sbf0, W_sbf1, 0)
    msgB, ealB = _edge_pass(*gB, ea_p, sbf_p, W_ekT, W_ev, W_sbf0, W_sbf1,
                            EA_N)

    accsA, densA = _scatter_pass(msgA, ealA.reshape(EA_N), dst_p, 0,
                                 CPW_A * CHUNK // SCH)
    accsB, densB = _scatter_pass(msgB, ealB.reshape(EB_N), dst_p, EA_N,
                                 CPW_B * CHUNK // SCH)

    return _final_pass(accsA, accsB,
                       densA.reshape(NC, NPAD, 1), densB.reshape(NC, NPAD, 1),
                       skip)

# --- scband reference (transcript-rebuilt; emitter-appended) ---
"""Pipeline reference for scband-sbftransformer-conv-80135499809053 (READ-ONLY COPY).

The authoritative reference and input builder live on the scoring server;
editing this copy changes nothing except your own understanding.
"""

import math
import jax, jax.numpy as jnp
import numpy as np

N = 10000
E = 320000
D = 128
HEADS = 1
C = 128
ED = 16
SBF6 = 42   # sbf_dim(7) * 6, input dim of lin_rbf
RBFD = 16   # rbf_dim, input dim of lin_sbf


def _w(k, shape):
    return jax.random.normal(k, shape, dtype=jnp.float32) / np.sqrt(shape[0])


def setup_inputs(seed: int = 0):
    key = jax.random.key(seed)
    ks = jax.random.split(key, 20)
    return {
        "x": jax.random.normal(ks[0], (N, D), dtype=jnp.float32),
        "edge_index": jax.random.randint(ks[1], (2, E), 0, N, dtype=jnp.int32),
        "edge_attr": jax.random.normal(ks[2], (E, ED), dtype=jnp.float32),
        "rbf": jax.random.normal(ks[3], (N, SBF6), dtype=jnp.float32),
        "sbf": jax.random.normal(ks[4], (E, 1, RBFD), dtype=jnp.float32),
        "edge_index_0": jax.random.randint(ks[5], (E,), 0, N, dtype=jnp.int32),
        "W_rbf0": _w(ks[6], (SBF6, D)),
        "W_rbf1": _w(ks[7], (D, D)),
        "W_sbf0": _w(ks[8], (RBFD, D)),
        "W_sbf1": _w(ks[9], (D, D)),
        "W_ek": _w(ks[10], (ED, HEADS * C)),
        "W_ev": _w(ks[11], (ED, HEADS * C)),
        "W_k": _w(ks[12], (D, HEADS * C)),
        "b_k": jnp.zeros((HEADS * C,), dtype=jnp.float32),
        "W_q": _w(ks[13], (D, HEADS * C)),
        "b_q": jnp.zeros((HEADS * C,), dtype=jnp.float32),
        "W_v": _w(ks[14], (D, HEADS * C)),
        "b_v": jnp.zeros((HEADS * C,), dtype=jnp.float32),
        "W_skip": _w(ks[15], (D, HEADS * C)),
        "b_skip": jnp.zeros((HEADS * C,), dtype=jnp.float32),
    }


def reference(x, edge_index, edge_attr, rbf, sbf, edge_index_0,
              W_rbf0, W_rbf1, W_sbf0, W_sbf1, W_ek, W_ev,
              W_k, b_k, W_q, b_q, W_v, b_v, W_skip, b_skip):
    # lin_rbf: Sequential(Linear(sbf_dim*6, in), Linear(in, in)) applied to rbf [N, 42]
    rbf_filter = (rbf @ W_rbf0) @ W_rbf1            # [N, D]
    # lin_sbf: Sequential(Linear(rbf_dim, in), Linear(in, in)) applied to sbf [E, 1, 16]
    sbf_filter = (sbf @ W_sbf0) @ W_sbf1            # [E, 1, D]

    x_src = rbf_filter * x                           # [N, D]
    x_dst = x

    key_ = (x_src @ W_k + b_k).reshape(-1, HEADS, C)   # [N, H, C]
    query = (x_dst @ W_q + b_q).reshape(-1, HEADS, C)  # [N, H, C]
    value = (x_src @ W_v + b_v).reshape(-1, HEADS, C)  # [N, H, C]

    src = edge_index[0]
    dst = edge_index[1]

    edge_key = (edge_attr @ W_ek).reshape(-1, HEADS, C)    # [E, H, C]
    edge_value = (edge_attr @ W_ev).reshape(-1, HEADS, C)  # [E, H, C]

    key_j = jnp.take(key_, src, axis=0) + edge_key         # gather [E, H, C]
    value_j = jnp.take(value, src, axis=0) + edge_value    # gather [E, H, C]
    query_i = jnp.take(query, dst, axis=0)                 # gather [E, H, C]

    alpha = (query_i * key_j).sum(axis=-1) / math.sqrt(C)  # [E, H]
    # segment softmax over destination nodes
    amax = jax.ops.segment_max(alpha, dst, num_segments=N)  # [N, H]
    alpha = jnp.exp(alpha - jnp.take(amax, dst, axis=0))
    denom = jax.ops.segment_sum(alpha, dst, num_segments=N)
    alpha = alpha / (jnp.take(denom, dst, axis=0) + 1e-16)
    # dropout p=0.0 -> identity

    message = value_j * alpha[:, :, None]                  # [E, H, C]
    message = message * sbf_filter                          # [E, H, C]

    aggr_out = jax.ops.segment_sum(message, dst, num_segments=N)  # [N, H, C]
    out = aggr_out.reshape(-1, HEADS * C)                   # concat=True
    out = out + (x_dst @ W_skip + b_skip)                   # root skip
    return out


if False:  # reference __main__ guard neutralized (emitter)
    inp = setup_inputs()
    o = reference(**inp)
    print(o.shape, o.dtype)

if __name__ == "__main__":
    import jax
    _d = setup_inputs()
    print(jax.jit(kernel)(*tuple(_d.values())))

</pallas_src>

<mosaic_0001>
#map = affine_map<(d0, d1) -> (0, 0)>
#map1 = affine_map<(d0, d1) -> (0)>
module attributes {stable_mosaic.version = 14 : i64} {
  func.func @_gather_body(%arg0: i32, %arg1: i32, %arg2: memref<10240x256xf32, #tpu.memory_space<hbm>>, %arg3: memref<10240x128xf32, #tpu.memory_space<hbm>>, %arg4: memref<323584xi32, #tpu.memory_space<hbm>>, %arg5: memref<323584xi32, #tpu.memory_space<hbm>>, %arg6: memref<163840x256xf32, #tpu.memory_space<hbm>>, %arg7: memref<163840x128xf32, #tpu.memory_space<hbm>>, %arg8: memref<5120xi32, #tpu.memory_space<vmem>>, %arg9: memref<5120xi32, #tpu.memory_space<vmem>>, %arg10: memref<128x256xf32, #tpu.memory_space<vmem>>, %arg11: memref<128x128xf32, #tpu.memory_space<vmem>>, %arg12: memref<128x256xf32, #tpu.memory_space<vmem>>, %arg13: memref<128x128xf32, #tpu.memory_space<vmem>>, %arg14: memref<!tpu.dma_semaphore, #tpu.memory_space<semaphore_mem>>, %arg15: memref<!tpu.dma_semaphore, #tpu.memory_space<semaphore_mem>>, %arg16: memref<!tpu.dma_semaphore, #tpu.memory_space<semaphore_mem>>, %arg17: memref<!tpu.dma_semaphore, #tpu.memory_space<semaphore_mem>>) attributes {dimension_semantics = [#tpu.dimension_semantics<core_parallel>, #tpu.dimension_semantics<subcore_parallel>], iteration_bounds = array<i64: 2, 16>, scalar_prefetch = 0 : i64, scratch_operands = 10 : i64, tpu.core_type = #tpu.core_type<sc_vector_subcore>, window_params = [{transform_indices = #map}, {transform_indices = #map}, {transform_indices = #map1}, {transform_indices = #map1}, {transform_indices = #map}, {transform_indices = #map}]} {
    %mul3A = arith.constant 2 : i32
    %mul3A_0 = arith.muli %arg1, %mul3A : i32
    %add3A = arith.addi %mul3A_0, %arg0 : i32
    %mul3A_1 = arith.constant 5120 : i32
    %mul3A_2 = arith.muli %add3A, %mul3A_1 : i32
    %add3A_3 = arith.constant 0 : i32
    %add3A_4 = arith.addi %add3A_3, %mul3A_2 : i32
    "tpu.region"() ({
      %run_scoped3A = tpu.sem_alloc : memref<!tpu.dma_semaphore, #tpu.memory_space<semaphore_mem>>
      %dma_start3A_31 = tpu.memref_slice %arg4[%add3A_4] : memref<323584xi32, #tpu.memory_space<hbm>> -> memref<5120xi32, #tpu.memory_space<hbm>>
      %dma_start3A_32 = tpu.memref_slice %arg4[%add3A_4] : memref<323584xi32, #tpu.memory_space<hbm>> -> memref<5120xi32, #tpu.memory_space<hbm>>
      tpu.enqueue_dma source(%dma_start3A_32 : memref<5120xi32, #tpu.memory_space<hbm>>) target(%arg8 : memref<5120xi32, #tpu.memory_space<vmem>>) target_semaphore(%run_scoped3A : memref<!tpu.dma_semaphore, #tpu.memory_space<semaphore_mem>>)
      %dma_wait3A_33 = tpu.memref_slice %arg4[%add3A_4] : memref<323584xi32, #tpu.memory_space<hbm>> -> memref<5120xi32, #tpu.memory_space<hbm>>
      %dma_wait3A_34 = tpu.memref_slice %arg4[%add3A_4] : memref<323584xi32, #tpu.memory_space<hbm>> -> memref<5120xi32, #tpu.memory_space<hbm>>
      tpu.wait_dma2 semaphore(%run_scoped3A : memref<!tpu.dma_semaphore, #tpu.memory_space<semaphore_mem>>) src(%dma_wait3A_34 : memref<5120xi32, #tpu.memory_space<hbm>>) dst(%arg8 : memref<5120xi32, #tpu.memory_space<vmem>>)
      tpu.yield
    }) : () -> ()
    "tpu.region"() ({
      %run_scoped3A = tpu.sem_alloc : memref<!tpu.dma_semaphore, #tpu.memory_space<semaphore_mem>>
      %dma_start3A_31 = tpu.memref_slice %arg5[%add3A_4] : memref<323584xi32, #tpu.memory_space<hbm>> -> memref<5120xi32, #tpu.memory_space<hbm>>
      %dma_start3A_32 = tpu.memref_slice %arg5[%add3A_4] : memref<323584xi32, #tpu.memory_space<hbm>> -> memref<5120xi32, #tpu.memory_space<hbm>>
      tpu.enqueue_dma source(%dma_start3A_32 : memref<5120xi32, #tpu.memory_space<hbm>>) target(%arg9 : memref<5120xi32, #tpu.memory_space<vmem>>) target_semaphore(%run_scoped3A : memref<!tpu.dma_semaphore, #tpu.memory_space<semaphore_mem>>)
      %dma_wait3A_33 = tpu.memref_slice %arg5[%add3A_4] : memref<323584xi32, #tpu.memory_space<hbm>> -> memref<5120xi32, #tpu.memory_space<hbm>>
      %dma_wait3A_34 = tpu.memref_slice %arg5[%add3A_4] : memref<323584xi32, #tpu.memory_space<hbm>> -> memref<5120xi32, #tpu.memory_space<hbm>>
      tpu.wait_dma2 semaphore(%run_scoped3A : memref<!tpu.dma_semaphore, #tpu.memory_space<semaphore_mem>>) src(%dma_wait3A_34 : memref<5120xi32, #tpu.memory_space<hbm>>) dst(%arg9 : memref<5120xi32, #tpu.memory_space<vmem>>)
      tpu.yield
    }) : () -> ()
    %dma_start3A = arith.constant 0 : i32
    %dma_start3A_5 = tpu.memref_slice %arg8[%dma_start3A] : memref<5120xi32, #tpu.memory_space<vmem>> -> memref<128xi32, #tpu.memory_space<vmem>>
    %dma_start3A_6 = arith.constant 0 : i32
    %dma_start3A_7 = arith.constant 0 : i32
    %dma_start3A_8 = tpu.memref_slice %arg2[%dma_start3A_6, %dma_start3A_7] : memref<10240x256xf32, #tpu.memory_space<hbm>> -> memref<10240x256xf32, #tpu.memory_space<hbm>>
    tpu.enqueue_indirect_dma source(%dma_start3A_8 : memref<10240x256xf32, #tpu.memory_space<hbm>>) target(%arg10 : memref<128x256xf32, #tpu.memory_space<vmem>>) offsets(%dma_start3A_5 : memref<128xi32, #tpu.memory_space<vmem>>) semaphore(%arg14 : memref<!tpu.dma_semaphore, #tpu.memory_space<semaphore_mem>>)
    %dma_start3A_9 = arith.constant 0 : i32
    %dma_start3A_10 = tpu.memref_slice %arg9[%dma_start3A_9] : memref<5120xi32, #tpu.memory_space<vmem>> -> memref<128xi32, #tpu.memory_space<vmem>>
    %dma_start3A_11 = arith.constant 0 : i32
    %dma_start3A_12 = arith.constant 0 : i32
    %dma_start3A_13 = tpu.memref_slice %arg3[%dma_start3A_11, %dma_start3A_12] : memref<10240x128xf32, #tpu.memory_space<hbm>> -> memref<10240x128xf32, #tpu.memory_space<hbm>>
    tpu.enqueue_indirect_dma source(%dma_start3A_13 : memref<10240x128xf32, #tpu.memory_space<hbm>>) target(%arg11 : memref<128x128xf32, #tpu.memory_space<vmem>>) offsets(%dma_start3A_10 : memref<128xi32, #tpu.memory_space<vmem>>) semaphore(%arg14 : memref<!tpu.dma_semaphore, #tpu.memory_space<semaphore_mem>>)
    %scan3A = arith.constant 0 : i32
    %scan3A_14 = arith.constant 0 : i32
    %scan3A_15 = arith.constant 40 : i32
    %scan3A_16 = arith.addi %scan3A_14, %scan3A_15 : i32
    %scan3A_17 = arith.constant 1 : i32
    %scan3A_18 = scf.for %scan3A_31 = %scan3A_14 to %scan3A_16 step %scan3A_17 iter_args(%scan3A_32 = %scan3A) -> (i32)  : i32 {
      %rem3A = arith.constant 2 : i32
      %rem3A_33 = arith.remsi %scan3A_31, %rem3A : i32
      %sub3A = arith.constant 1 : i32
      %sub3A_34 = arith.subi %sub3A, %rem3A_33 : i32
      %ge3A = arith.constant 1 : i32
      %ge3A_35 = arith.cmpi sge, %scan3A_31, %ge3A : i32
      %convert_element_type3A = arith.extui %ge3A_35 : i1 to i32
      %cond3A = arith.constant 0 : i32
      %cond3A_36 = arith.cmpi ne, %convert_element_type3A, %cond3A : i32
      scf.if %cond3A_36 {
        %eq3A_53 = arith.constant 0 : i32
        %eq3A_54 = arith.cmpi eq, %sub3A_34, %eq3A_53 : i32
        %convert_element_type3A_55 = arith.extui %eq3A_54 : i1 to i32
        %cond3A_56 = arith.constant 0 : i32
        %cond3A_57 = arith.cmpi ne, %convert_element_type3A_55, %cond3A_56 : i32
        scf.if %cond3A_57 {
          %dma_wait3A_63 = arith.constant 0 : i32
          %dma_wait3A_64 = arith.constant 0 : i32
          %dma_wait3A_65 = tpu.memref_slice %arg6[%dma_wait3A_63, %dma_wait3A_64] : memref<163840x256xf32, #tpu.memory_space<hbm>> -> memref<128x256xf32, #tpu.memory_space<hbm>>
          %dma_wait3A_66 = arith.constant 0 : i32
          %dma_wait3A_67 = arith.constant 0 : i32
          %dma_wait3A_68 = tpu.memref_slice %arg6[%dma_wait3A_66, %dma_wait3A_67] : memref<163840x256xf32, #tpu.memory_space<hbm>> -> memref<128x256xf32, #tpu.memory_space<hbm>>
          tpu.wait_dma2 semaphore(%arg16 : memref<!tpu.dma_semaphore, #tpu.memory_space<semaphore_mem>>) src(%arg10 : memref<128x256xf32, #tpu.memory_space<vmem>>) dst(%dma_wait3A_68 : memref<128x256xf32, #tpu.memory_space<hbm>>)
          %dma_wait3A_69 = arith.constant 0 : i32
          %dma_wait3A_70 = arith.constant 0 : i32
          %dma_wait3A_71 = tpu.memref_slice %arg7[%dma_wait3A_69, %dma_wait3A_70] : memref<163840x128xf32, #tpu.memory_space<hbm>> -> memref<128x128xf32, #tpu.memory_space<hbm>>
          %dma_wait3A_72 = arith.constant 0 : i32
          %dma_wait3A_73 = arith.constant 0 : i32
          %dma_wait3A_74 = tpu.memref_slice %arg7[%dma_wait3A_72, %dma_wait3A_73] : memref<163840x128xf32, #tpu.memory_space<hbm>> -> memref<128x128xf32, #tpu.memory_space<hbm>>
          tpu.wait_dma2 semaphore(%arg16 : memref<!tpu.dma_semaphore, #tpu.memory_space<semaphore_mem>>) src(%arg11 : memref<128x128xf32, #tpu.memory_space<vmem>>) dst(%dma_wait3A_74 : memref<128x128xf32, #tpu.memory_space<hbm>>)
        } else {
        }
        %eq3A_58 = arith.constant 1 : i32
        %eq3A_59 = arith.cmpi eq, %sub3A_34, %eq3A_58 : i32
        %convert_element_type3A_60 = arith.extui %eq3A_59 : i1 to i32
        %cond3A_61 = arith.constant 0 : i32
        %cond3A_62 = arith.cmpi ne, %convert_element_type3A_60, %cond3A_61 : i32
        scf.if %cond3A_62 {
          %dma_wait3A_63 = arith.constant 0 : i32
          %dma_wait3A_64 = arith.constant 0 : i32
          %dma_wait3A_65 = tpu.memref_slice %arg6[%dma_wait3A_63, %dma_wait3A_64] : memref<163840x256xf32, #tpu.memory_space<hbm>> -> memref<128x256xf32, #tpu.memory_space<hbm>>
          %dma_wait3A_66 = arith.constant 0 : i32
          %dma_wait3A_67 = arith.constant 0 : i32
          %dma_wait3A_68 = tpu.memref_slice %arg6[%dma_wait3A_66, %dma_wait3A_67] : memref<163840x256xf32, #tpu.memory_space<hbm>> -> memref<128x256xf32, #tpu.memory_space<hbm>>
          tpu.wait_dma2 semaphore(%arg17 : memref<!tpu.dma_semaphore, #tpu.memory_space<semaphore_mem>>) src(%arg12 : memref<128x256xf32, #tpu.memory_space<vmem>>) dst(%dma_wait3A_68 : memref<128x256xf32, #tpu.memory_space<hbm>>)
          %dma_wait3A_69 = arith.constant 0 : i32
          %dma_wait3A_70 = arith.constant 0 : i32
          %dma_wait3A_71 = tpu.memref_slice %arg7[%dma_wait3A_69, %dma_wait3A_70] : memref<163840x128xf32, #tpu.memory_space<hbm>> -> memref<128x128xf32, #tpu.memory_space<hbm>>
          %dma_wait3A_72 = arith.constant 0 : i32
          %dma_wait3A_73 = arith.constant 0 : i32
          %dma_wait3A_74 = tpu.memref_slice %arg7[%dma_wait3A_72, %dma_wait3A_73] : memref<163840x128xf32, #tpu.memory_space<hbm>> -> memref<128x128xf32, #tpu.memory_space<hbm>>
          tpu.wait_dma2 semaphore(%arg17 : memref<!tpu.dma_semaphore, #tpu.memory_space<semaphore_mem>>) src(%arg13 : memref<128x128xf32, #tpu.memory_space<vmem>>) dst(%dma_wait3A_74 : memref<128x128xf32, #tpu.memory_space<hbm>>)
        } else {
        }
      } else {
      }
      %add3A_37 = arith.constant 1 : i32
      %add3A_38 = arith.addi %scan3A_31, %add3A_37 : i32
      %lt3A = arith.constant 40 : i32
      %lt3A_39 = arith.cmpi slt, %add3A_38, %lt3A : i32
      %convert_element_type3A_40 = arith.extui %lt3A_39 : i1 to i32
      %cond3A_41 = arith.constant 0 : i32
      %cond3A_42 = arith.cmpi ne, %convert_element_type3A_40, %cond3A_41 : i32
      scf.if %cond3A_42 {
        %eq3A_53 = arith.constant 0 : i32
        %eq3A_54 = arith.cmpi eq, %sub3A_34, %eq3A_53 : i32
        %convert_element_type3A_55 = arith.extui %eq3A_54 : i1 to i32
        %cond3A_56 = arith.constant 0 : i32
        %cond3A_57 = arith.cmpi ne, %convert_element_type3A_55, %cond3A_56 : i32
        scf.if %cond3A_57 {
          %add3A_63 = arith.constant 1 : i32
          %add3A_64 = arith.addi %scan3A_31, %add3A_63 : i32
          %mul3A_65 = arith.constant 128 : i32
          %mul3A_66 = arith.muli %add3A_64, %mul3A_65 : i32
          %dma_start3A_67 = tpu.memref_slice %arg8[%mul3A_66] : memref<5120xi32, #tpu.memory_space<vmem>> -> memref<128xi32, #tpu.memory_space<vmem>>
          %dma_start3A_68 = arith.constant 0 : i32
          %dma_start3A_69 = arith.constant 0 : i32
          %dma_start3A_70 = tpu.memref_slice %arg2[%dma_start3A_68, %dma_start3A_69] : memref<10240x256xf32, #tpu.memory_space<hbm>> -> memref<10240x256xf32, #tpu.memory_space<hbm>>
          tpu.enqueue_indirect_dma source(%dma_start3A_70 : memref<10240x256xf32, #tpu.memory_space<hbm>>) target(%arg10 : memref<128x256xf32, #tpu.memory_space<vmem>>) offsets(%dma_start3A_67 : memref<128xi32, #tpu.memory_space<vmem>>) semaphore(%arg14 : memref<!tpu.dma_semaphore, #tpu.memory_space<semaphore_mem>>)
          %dma_start3A_71 = tpu.memref_slice %arg9[%mul3A_66] : memref<5120xi32, #tpu.memory_space<vmem>> -> memref<128xi32, #tpu.memory_space<vmem>>
          %dma_start3A_72 = arith.constant 0 : i32
          %dma_start3A_73 = arith.constant 0 : i32
          %dma_start3A_74 = tpu.memref_slice %arg3[%dma_start3A_72, %dma_start3A_73] : memref<10240x128xf32, #tpu.memory_space<hbm>> -> memref<10240x128xf32, #tpu.memory_space<hbm>>
          tpu.enqueue_indirect_dma source(%dma_start3A_74 : memref<10240x128xf32, #tpu.memory_space<hbm>>) target(%arg11 : memref<128x128xf32, #tpu.memory_space<vmem>>) offsets(%dma_start3A_71 : memref<128xi32, #tpu.memory_space<vmem>>) semaphore(%arg14 : memref<!tpu.dma_semaphore, #tpu.memory_space<semaphore_mem>>)
        } else {
        }
        %eq3A_58 = arith.constant 1 : i32
        %eq3A_59 = arith.cmpi eq, %sub3A_34, %eq3A_58 : i32
        %convert_element_type3A_60 = arith.extui %eq3A_59 : i1 to i32
        %cond3A_61 = arith.constant 0 : i32
        %cond3A_62 = arith.cmpi ne, %convert_element_type3A_60, %cond3A_61 : i32
        scf.if %cond3A_62 {
          %add3A_63 = arith.constant 1 : i32
          %add3A_64 = arith.addi %scan3A_31, %add3A_63 : i32
          %mul3A_65 = arith.constant 128 : i32
          %mul3A_66 = arith.muli %add3A_64, %mul3A_65 : i32
          %dma_start3A_67 = tpu.memref_slice %arg8[%mul3A_66] : memref<5120xi32, #tpu.memory_space<vmem>> -> memref<128xi32, #tpu.memory_space<vmem>>
          %dma_start3A_68 = arith.constant 0 : i32
          %dma_start3A_69 = arith.constant 0 : i32
          %dma_start3A_70 = tpu.memref_slice %arg2[%dma_start3A_68, %dma_start3A_69] : memref<10240x256xf32, #tpu.memory_space<hbm>> -> memref<10240x256xf32, #tpu.memory_space<hbm>>
          tpu.enqueue_indirect_dma source(%dma_start3A_70 : memref<10240x256xf32, #tpu.memory_space<hbm>>) target(%arg12 : memref<128x256xf32, #tpu.memory_space<vmem>>) offsets(%dma_start3A_67 : memref<128xi32, #tpu.memory_space<vmem>>) semaphore(%arg15 : memref<!tpu.dma_semaphore, #tpu.memory_space<semaphore_mem>>)
          %dma_start3A_71 = tpu.memref_slice %arg9[%mul3A_66] : memref<5120xi32, #tpu.memory_space<vmem>> -> memref<128xi32, #tpu.memory_space<vmem>>
          %dma_start3A_72 = arith.constant 0 : i32
          %dma_start3A_73 = arith.constant 0 : i32
          %dma_start3A_74 = tpu.memref_slice %arg3[%dma_start3A_72, %dma_start3A_73] : memref<10240x128xf32, #tpu.memory_space<hbm>> -> memref<10240x128xf32, #tpu.memory_space<hbm>>
          tpu.enqueue_indirect_dma source(%dma_start3A_74 : memref<10240x128xf32, #tpu.memory_space<hbm>>) target(%arg13 : memref<128x128xf32, #tpu.memory_space<vmem>>) offsets(%dma_start3A_71 : memref<128xi32, #tpu.memory_space<vmem>>) semaphore(%arg15 : memref<!tpu.dma_semaphore, #tpu.memory_space<semaphore_mem>>)
        } else {
        }
      } else {
      }
      %eq3A = arith.constant 0 : i32
      %eq3A_43 = arith.cmpi eq, %rem3A_33, %eq3A : i32
      %convert_element_type3A_44 = arith.extui %eq3A_43 : i1 to i32
      %cond3A_45 = arith.constant 0 : i32
      %cond3A_46 = arith.cmpi ne, %convert_element_type3A_44, %cond3A_45 : i32
      scf.if %cond3A_46 {
        %dma_wait3A_53 = arith.constant 0 : i32
        %dma_wait3A_54 = tpu.memref_slice %arg8[%dma_wait3A_53] : memref<5120xi32, #tpu.memory_space<vmem>> -> memref<128xi32, #tpu.memory_space<vmem>>
        %dma_wait3A_55 = arith.constant 0 : i32
        %dma_wait3A_56 = arith.constant 0 : i32
        %dma_wait3A_57 = tpu.memref_slice %arg2[%dma_wait3A_55, %dma_wait3A_56] : memref<10240x256xf32, #tpu.memory_space<hbm>> -> memref<10240x256xf32, #tpu.memory_space<hbm>>
        tpu.wait_indirect_dma semaphore(%arg14 : memref<!tpu.dma_semaphore, #tpu.memory_space<semaphore_mem>>) src(%dma_wait3A_57 : memref<10240x256xf32, #tpu.memory_space<hbm>>) dst(%arg10 : memref<128x256xf32, #tpu.memory_space<vmem>>)
        %dma_wait3A_58 = arith.constant 0 : i32
        %dma_wait3A_59 = tpu.memref_slice %arg9[%dma_wait3A_58] : memref<5120xi32, #tpu.memory_space<vmem>> -> memref<128xi32, #tpu.memory_space<vmem>>
        %dma_wait3A_60 = arith.constant 0 : i32
        %dma_wait3A_61 = arith.constant 0 : i32
        %dma_wait3A_62 = tpu.memref_slice %arg3[%dma_wait3A_60, %dma_wait3A_61] : memref<10240x128xf32, #tpu.memory_space<hbm>> -> memref<10240x128xf32, #tpu.memory_space<hbm>>
        tpu.wait_indirect_dma semaphore(%arg14 : memref<!tpu.dma_semaphore, #tpu.memory_space<semaphore_mem>>) src(%dma_wait3A_62 : memref<10240x128xf32, #tpu.memory_space<hbm>>) dst(%arg11 : memref<128x128xf32, #tpu.memory_space<vmem>>)
        %mul3A_63 = arith.constant 5120 : i32
        %mul3A_64 = arith.muli %add3A, %mul3A_63 : i32
        %mul3A_65 = arith.constant 128 : i32
        %mul3A_66 = arith.muli %scan3A_31, %mul3A_65 : i32
        %add3A_67 = arith.addi %mul3A_64, %mul3A_66 : i32
        %dma_start3A_68 = arith.constant 0 : i32
        %dma_start3A_69 = tpu.memref_slice %arg6[%add3A_67, %dma_start3A_68] : memref<163840x256xf32, #tpu.memory_space<hbm>> -> memref<128x256xf32, #tpu.memory_space<hbm>>
        %dma_start3A_70 = arith.constant 0 : i32
        %dma_start3A_71 = tpu.memref_slice %arg6[%add3A_67, %dma_start3A_70] : memref<163840x256xf32, #tpu.memory_space<hbm>> -> memref<128x256xf32, #tpu.memory_space<hbm>>
        tpu.enqueue_dma source(%arg10 : memref<128x256xf32, #tpu.memory_space<vmem>>) target(%dma_start3A_71 : memref<128x256xf32, #tpu.memory_space<hbm>>) target_semaphore(%arg16 : memref<!tpu.dma_semaphore, #tpu.memory_space<semaphore_mem>>)
        %dma_start3A_72 = arith.constant 0 : i32
        %dma_start3A_73 = tpu.memref_slice %arg7[%add3A_67, %dma_start3A_72] : memref<163840x128xf32, #tpu.memory_space<hbm>> -> memref<128x128xf32, #tpu.memory_space<hbm>>
        %dma_start3A_74 = arith.constant 0 : i32
        %dma_start3A_75 = tpu.memref_slice %arg7[%add3A_67, %dma_start3A_74] : memref<163840x128xf32, #tpu.memory_space<hbm>> -> memref<128x128xf32, #tpu.memory_space<hbm>>
        tpu.enqueue_dma source(%arg11 : memref<128x128xf32, #tpu.memory_space<vmem>>) target(%dma_start3A_75 : memref<128x128xf32, #tpu.memory_space<hbm>>) target_semaphore(%arg16 : memref<!tpu.dma_semaphore, #tpu.memory_space<semaphore_mem>>)
      } else {
      }
      %eq3A_47 = arith.constant 1 : i32
      %eq3A_48 = arith.cmpi eq, %rem3A_33, %eq3A_47 : i32
      %convert_element_type3A_49 = arith.extui %eq3A_48 : i1 to i32
      %cond3A_50 = arith.constant 0 : i32
      %cond3A_51 = arith.cmpi ne, %convert_element_type3A_49, %cond3A_50 : i32
      scf.if %cond3A_51 {
        %dma_wait3A_53 = arith.constant 0 : i32
        %dma_wait3A_54 = tpu.memref_slice %arg8[%dma_wait3A_53] : memref<5120xi32, #tpu.memory_space<vmem>> -> memref<128xi32, #tpu.memory_space<vmem>>
        %dma_wait3A_55 = arith.constant 0 : i32
        %dma_wait3A_56 = arith.constant 0 : i32
        %dma_wait3A_57 = tpu.memref_slice %arg2[%dma_wait3A_55, %dma_wait3A_56] : memref<10240x256xf32, #tpu.memory_space<hbm>> -> memref<10240x256xf32, #tpu.memory_space<hbm>>
        tpu.wait_indirect_dma semaphore(%arg15 : memref<!tpu.dma_semaphore, #tpu.memory_space<semaphore_mem>>) src(%dma_wait3A_57 : memref<10240x256xf32, #tpu.memory_space<hbm>>) dst(%arg12 : memref<128x256xf32, #tpu.memory_space<vmem>>)
        %dma_wait3A_58 = arith.constant 0 : i32
        %dma_wait3A_59 = tpu.memref_slice %arg9[%dma_wait3A_58] : memref<5120xi32, #tpu.memory_space<vmem>> -> memref<128xi32, #tpu.memory_space<vmem>>
        %dma_wait3A_60 = arith.constant 0 : i32
        %dma_wait3A_61 = arith.constant 0 : i32
        %dma_wait3A_62 = tpu.memref_slice %arg3[%dma_wait3A_60, %dma_wait3A_61] : memref<10240x128xf32, #tpu.memory_space<hbm>> -> memref<10240x128xf32, #tpu.memory_space<hbm>>
        tpu.wait_indirect_dma semaphore(%arg15 : memref<!tpu.dma_semaphore, #tpu.memory_space<semaphore_mem>>) src(%dma_wait3A_62 : memref<10240x128xf32, #tpu.memory_space<hbm>>) dst(%arg13 : memref<128x128xf32, #tpu.memory_space<vmem>>)
        %mul3A_63 = arith.constant 5120 : i32
        %mul3A_64 = arith.muli %add3A, %mul3A_63 : i32
        %mul3A_65 = arith.constant 128 : i32
        %mul3A_66 = arith.muli %scan3A_31, %mul3A_65 : i32
        %add3A_67 = arith.addi %mul3A_64, %mul3A_66 : i32
        %dma_start3A_68 = arith.constant 0 : i32
        %dma_start3A_69 = tpu.memref_slice %arg6[%add3A_67, %dma_start3A_68] : memref<163840x256xf32, #tpu.memory_space<hbm>> -> memref<128x256xf32, #tpu.memory_space<hbm>>
        %dma_start3A_70 = arith.constant 0 : i32
        %dma_start3A_71 = tpu.memref_slice %arg6[%add3A_67, %dma_start3A_70] : memref<163840x256xf32, #tpu.memory_space<hbm>> -> memref<128x256xf32, #tpu.memory_space<hbm>>
        tpu.enqueue_dma source(%arg12 : memref<128x256xf32, #tpu.memory_space<vmem>>) target(%dma_start3A_71 : memref<128x256xf32, #tpu.memory_space<hbm>>) target_semaphore(%arg17 : memref<!tpu.dma_semaphore, #tpu.memory_space<semaphore_mem>>)
        %dma_start3A_72 = arith.constant 0 : i32
        %dma_start3A_73 = tpu.memref_slice %arg7[%add3A_67, %dma_start3A_72] : memref<163840x128xf32, #tpu.memory_space<hbm>> -> memref<128x128xf32, #tpu.memory_space<hbm>>
        %dma_start3A_74 = arith.constant 0 : i32
        %dma_start3A_75 = tpu.memref_slice %arg7[%add3A_67, %dma_start3A_74] : memref<163840x128xf32, #tpu.memory_space<hbm>> -> memref<128x128xf32, #tpu.memory_space<hbm>>
        tpu.enqueue_dma source(%arg13 : memref<128x128xf32, #tpu.memory_space<vmem>>) target(%dma_start3A_75 : memref<128x128xf32, #tpu.memory_space<hbm>>) target_semaphore(%arg17 : memref<!tpu.dma_semaphore, #tpu.memory_space<semaphore_mem>>)
      } else {
      }
      %scan3A_52 = arith.constant 0 : i32
      scf.yield %scan3A_52 : i32
    }
    %scan3A_19 = arith.constant 40 : i32
    %dma_wait3A = arith.constant 0 : i32
    %dma_wait3A_20 = arith.constant 0 : i32
    %dma_wait3A_21 = tpu.memref_slice %arg6[%dma_wait3A, %dma_wait3A_20] : memref<163840x256xf32, #tpu.memory_space<hbm>> -> memref<128x256xf32, #tpu.memory_space<hbm>>
    %dma_wait3A_22 = arith.constant 0 : i32
    %dma_wait3A_23 = arith.constant 0 : i32
    %dma_wait3A_24 = tpu.memref_slice %arg6[%dma_wait3A_22, %dma_wait3A_23] : memref<163840x256xf32, #tpu.memory_space<hbm>> -> memref<128x256xf32, #tpu.memory_space<hbm>>
    tpu.wait_dma2 semaphore(%arg17 : memref<!tpu.dma_semaphore, #tpu.memory_space<semaphore_mem>>) src(%arg12 : memref<128x256xf32, #tpu.memory_space<vmem>>) dst(%dma_wait3A_24 : memref<128x256xf32, #tpu.memory_space<hbm>>)
    %dma_wait3A_25 = arith.constant 0 : i32
    %dma_wait3A_26 = arith.constant 0 : i32
    %dma_wait3A_27 = tpu.memref_slice %arg7[%dma_wait3A_25, %dma_wait3A_26] : memref<163840x128xf32, #tpu.memory_space<hbm>> -> memref<128x128xf32, #tpu.memory_space<hbm>>
    %dma_wait3A_28 = arith.constant 0 : i32
    %dma_wait3A_29 = arith.constant 0 : i32
    %dma_wait3A_30 = tpu.memref_slice %arg7[%dma_wait3A_28, %dma_wait3A_29] : memref<163840x128xf32, #tpu.memory_space<hbm>> -> memref<128x128xf32, #tpu.memory_space<hbm>>
    tpu.wait_dma2 semaphore(%arg17 : memref<!tpu.dma_semaphore, #tpu.memory_space<semaphore_mem>>) src(%arg13 : memref<128x128xf32, #tpu.memory_space<vmem>>) dst(%dma_wait3A_30 : memref<128x128xf32, #tpu.memory_space<hbm>>)
    return
  }
}

#map = affine_map<(d0, d1) -> (0, 0)>
#map1 = affine_map<(d0, d1) -> (0)>
module attributes {stable_mosaic.version = 14 : i64} {
  func.func @_gather_body(%arg0: i32, %arg1: i32, %arg2: memref<10240x256xf32, #tpu.memory_space<hbm>>, %arg3: memref<10240x128xf32, #tpu.memory_space<hbm>>, %arg4: memref<323584xi32, #tpu.memory_space<hbm>>, %arg5: memref<323584xi32, #tpu.memory_space<hbm>>, %arg6: memref<159744x256xf32, #tpu.memory_space<hbm>>, %arg7: memref<159744x128xf32, #tpu.memory_space<hbm>>, %arg8: memref<4992xi32, #tpu.memory_space<vmem>>, %arg9: memref<4992xi32, #tpu.memory_space<vmem>>, %arg10: memref<128x256xf32, #tpu.memory_space<vmem>>, %arg11: memref<128x128xf32, #tpu.memory_space<vmem>>, %arg12: memref<128x256xf32, #tpu.memory_space<vmem>>, %arg13: memref<128x128xf32, #tpu.memory_space<vmem>>, %arg14: memref<!tpu.dma_semaphore, #tpu.memory_space<semaphore_mem>>, %arg15: memref<!tpu.dma_semaphore, #tpu.memory_space<semaphore_mem>>, %arg16: memref<!tpu.dma_semaphore, #tpu.memory_space<semaphore_mem>>, %arg17: memref<!tpu.dma_semaphore, #tpu.memory_space<semaphore_mem>>) attributes {dimension_semantics = [#tpu.dimension_semantics<core_parallel>, #tpu.dimension_semantics<subcore_parallel>], iteration_bounds = array<i64: 2, 16>, scalar_prefetch = 0 : i64, scratch_operands = 10 : i64, tpu.core_type = #tpu.core_type<sc_vector_subcore>, window_params = [{transform_indices = #map}, {transform_indices = #map}, {transform_indices = #map1}, {transform_indices = #map1}, {transform_indices = #map}, {transform_indices = #map}]} {
    %mul3A = arith.constant 2 : i32
    %mul3A_0 = arith.muli %arg1, %mul3A : i32
    %add3A = arith.addi %mul3A_0, %arg0 : i32
    %mul3A_1 = arith.constant 4992 : i32
    %mul3A_2 = arith.muli %add3A, %mul3A_1 : i32
    %add3A_3 = arith.constant 163840 : i32
    %add3A_4 = arith.addi %add3A_3, %mul3A_2 : i32
    "tpu.region"() ({
      %run_scoped3A = tpu.sem_alloc : memref<!tpu.dma_semaphore, #tpu.memory_space<semaphore_mem>>
      %dma_start3A_31 = tpu.memref_slice %arg4[%add3A_4] : memref<323584xi32, #tpu.memory_space<hbm>> -> memref<4992xi32, #tpu.memory_space<hbm>>
      %dma_start3A_32 = tpu.memref_slice %arg4[%add3A_4] : memref<323584xi32, #tpu.memory_space<hbm>> -> memref<4992xi32, #tpu.memory_space<hbm>>
      tpu.enqueue_dma source(%dma_start3A_32 : memref<4992xi32, #tpu.memory_space<hbm>>) target(%arg8 : memref<4992xi32, #tpu.memory_space<vmem>>) target_semaphore(%run_scoped3A : memref<!tpu.dma_semaphore, #tpu.memory_space<semaphore_mem>>)
      %dma_wait3A_33 = tpu.memref_slice %arg4[%add3A_4] : memref<323584xi32, #tpu.memory_space<hbm>> -> memref<4992xi32, #tpu.memory_space<hbm>>
      %dma_wait3A_34 = tpu.memref_slice %arg4[%add3A_4] : memref<323584xi32, #tpu.memory_space<hbm>> -> memref<4992xi32, #tpu.memory_space<hbm>>
      tpu.wait_dma2 semaphore(%run_scoped3A : memref<!tpu.dma_semaphore, #tpu.memory_space<semaphore_mem>>) src(%dma_wait3A_34 : memref<4992xi32, #tpu.memory_space<hbm>>) dst(%arg8 : memref<4992xi32, #tpu.memory_space<vmem>>)
      tpu.yield
    }) : () -> ()
    "tpu.region"() ({
      %run_scoped3A = tpu.sem_alloc : memref<!tpu.dma_semaphore, #tpu.memory_space<semaphore_mem>>
      %dma_start3A_31 = tpu.memref_slice %arg5[%add3A_4] : memref<323584xi32, #tpu.memory_space<hbm>> -> memref<4992xi32, #tpu.memory_space<hbm>>
      %dma_start3A_32 = tpu.memref_slice %arg5[%add3A_4] : memref<323584xi32, #tpu.memory_space<hbm>> -> memref<4992xi32, #tpu.memory_space<hbm>>
      tpu.enqueue_dma source(%dma_start3A_32 : memref<4992xi32, #tpu.memory_space<hbm>>) target(%arg9 : memref<4992xi32, #tpu.memory_space<vmem>>) target_semaphore(%run_scoped3A : memref<!tpu.dma_semaphore, #tpu.memory_space<semaphore_mem>>)
      %dma_wait3A_33 = tpu.memref_slice %arg5[%add3A_4] : memref<323584xi32, #tpu.memory_space<hbm>> -> memref<4992xi32, #tpu.memory_space<hbm>>
      %dma_wait3A_34 = tpu.memref_slice %arg5[%add3A_4] : memref<323584xi32, #tpu.memory_space<hbm>> -> memref<4992xi32, #tpu.memory_space<hbm>>
      tpu.wait_dma2 semaphore(%run_scoped3A : memref<!tpu.dma_semaphore, #tpu.memory_space<semaphore_mem>>) src(%dma_wait3A_34 : memref<4992xi32, #tpu.memory_space<hbm>>) dst(%arg9 : memref<4992xi32, #tpu.memory_space<vmem>>)
      tpu.yield
    }) : () -> ()
    %dma_start3A = arith.constant 0 : i32
    %dma_start3A_5 = tpu.memref_slice %arg8[%dma_start3A] : memref<4992xi32, #tpu.memory_space<vmem>> -> memref<128xi32, #tpu.memory_space<vmem>>
    %dma_start3A_6 = arith.constant 0 : i32
    %dma_start3A_7 = arith.constant 0 : i32
    %dma_start3A_8 = tpu.memref_slice %arg2[%dma_start3A_6, %dma_start3A_7] : memref<10240x256xf32, #tpu.memory_space<hbm>> -> memref<10240x256xf32, #tpu.memory_space<hbm>>
    tpu.enqueue_indirect_dma source(%dma_start3A_8 : memref<10240x256xf32, #tpu.memory_space<hbm>>) target(%arg10 : memref<128x256xf32, #tpu.memory_space<vmem>>) offsets(%dma_start3A_5 : memref<128xi32, #tpu.memory_space<vmem>>) semaphore(%arg14 : memref<!tpu.dma_semaphore, #tpu.memory_space<semaphore_mem>>)
    %dma_start3A_9 = arith.constant 0 : i32
    %dma_start3A_10 = tpu.memref_slice %arg9[%dma_start3A_9] : memref<4992xi32, #tpu.memory_space<vmem>> -> memref<128xi32, #tpu.memory_space<vmem>>
    %dma_start3A_11 = arith.constant 0 : i32
    %dma_start3A_12 = arith.constant 0 : i32
    %dma_start3A_13 = tpu.memref_slice %arg3[%dma_start3A_11, %dma_start3A_12] : memref<10240x128xf32, #tpu.memory_space<hbm>> -> memref<10240x128xf32, #tpu.memory_space<hbm>>
    tpu.enqueue_indirect_dma source(%dma_start3A_13 : memref<10240x128xf32, #tpu.memory_space<hbm>>) target(%arg11 : memref<128x128xf32, #tpu.memory_space<vmem>>) offsets(%dma_start3A_10 : memref<128xi32, #tpu.memory_space<vmem>>) semaphore(%arg14 : memref<!tpu.dma_semaphore, #tpu.memory_space<semaphore_mem>>)
    %scan3A = arith.constant 0 : i32
    %scan3A_14 = arith.constant 0 : i32
    %scan3A_15 = arith.constant 39 : i32
    %scan3A_16 = arith.addi %scan3A_14, %scan3A_15 : i32
    %scan3A_17 = arith.constant 1 : i32
    %scan3A_18 = scf.for %scan3A_31 = %scan3A_14 to %scan3A_16 step %scan3A_17 iter_args(%scan3A_32 = %scan3A) -> (i32)  : i32 {
      %rem3A = arith.constant 2 : i32
      %rem3A_33 = arith.remsi %scan3A_31, %rem3A : i32
      %sub3A = arith.constant 1 : i32
      %sub3A_34 = arith.subi %sub3A, %rem3A_33 : i32
      %ge3A = arith.constant 1 : i32
      %ge3A_35 = arith.cmpi sge, %scan3A_31, %ge3A : i32
      %convert_element_type3A = arith.extui %ge3A_35 : i1 to i32
      %cond3A = arith.constant 0 : i32
      %cond3A_36 = arith.cmpi ne, %convert_element_type3A, %cond3A : i32
      scf.if %cond3A_36 {
        %eq3A_53 = arith.constant 0 : i32
        %eq3A_54 = arith.cmpi eq, %sub3A_34, %eq3A_53 : i32
        %convert_element_type3A_55 = arith.extui %eq3A_54 : i1 to i32
        %cond3A_56 = arith.constant 0 : i32
        %cond3A_57 = arith.cmpi ne, %convert_element_type3A_55, %cond3A_56 : i32
        scf.if %cond3A_57 {
          %dma_wait3A_63 = arith.constant 0 : i32
          %dma_wait3A_64 = arith.constant 0 : i32
          %dma_wait3A_65 = tpu.memref_slice %arg6[%dma_wait3A_63, %dma_wait3A_64] : memref<159744x256xf32, #tpu.memory_space<hbm>> -> memref<128x256xf32, #tpu.memory_space<hbm>>
          %dma_wait3A_66 = arith.constant 0 : i32
          %dma_wait3A_67 = arith.constant 0 : i32
          %dma_wait3A_68 = tpu.memref_slice %arg6[%dma_wait3A_66, %dma_wait3A_67] : memref<159744x256xf32, #tpu.memory_space<hbm>> -> memref<128x256xf32, #tpu.memory_space<hbm>>
          tpu.wait_dma2 semaphore(%arg16 : memref<!tpu.dma_semaphore, #tpu.memory_space<semaphore_mem>>) src(%arg10 : memref<128x256xf32, #tpu.memory_space<vmem>>) dst(%dma_wait3A_68 : memref<128x256xf32, #tpu.memory_space<hbm>>)
          %dma_wait3A_69 = arith.constant 0 : i32
          %dma_wait3A_70 = arith.constant 0 : i32
          %dma_wait3A_71 = tpu.memref_slice %arg7[%dma_wait3A_69, %dma_wait3A_70] : memref<159744x128xf32, #tpu.memory_space<hbm>> -> memref<128x128xf32, #tpu.memory_space<hbm>>
          %dma_wait3A_72 = arith.constant 0 : i32
          %dma_wait3A_73 = arith.constant 0 : i32
          %dma_wait3A_74 = tpu.memref_slice %arg7[%dma_wait3A_72, %dma_wait3A_73] : memref<159744x128xf32, #tpu.memory_space<hbm>> -> memref<128x128xf32, #tpu.memory_space<hbm>>
          tpu.wait_dma2 semaphore(%arg16 : memref<!tpu.dma_semaphore, #tpu.memory_space<semaphore_mem>>) src(%arg11 : memref<128x128xf32, #tpu.memory_space<vmem>>) dst(%dma_wait3A_74 : memref<128x128xf32, #tpu.memory_space<hbm>>)
        } else {
        }
        %eq3A_58 = arith.constant 1 : i32
        %eq3A_59 = arith.cmpi eq, %sub3A_34, %eq3A_58 : i32
        %convert_element_type3A_60 = arith.extui %eq3A_59 : i1 to i32
        %cond3A_61 = arith.constant 0 : i32
        %cond3A_62 = arith.cmpi ne, %convert_element_type3A_60, %cond3A_61 : i32
        scf.if %cond3A_62 {
          %dma_wait3A_63 = arith.constant 0 : i32
          %dma_wait3A_64 = arith.constant 0 : i32
          %dma_wait3A_65 = tpu.memref_slice %arg6[%dma_wait3A_63, %dma_wait3A_64] : memref<159744x256xf32, #tpu.memory_space<hbm>> -> memref<128x256xf32, #tpu.memory_space<hbm>>
          %dma_wait3A_66 = arith.constant 0 : i32
          %dma_wait3A_67 = arith.constant 0 : i32
          %dma_wait3A_68 = tpu.memref_slice %arg6[%dma_wait3A_66, %dma_wait3A_67] : memref<159744x256xf32, #tpu.memory_space<hbm>> -> memref<128x256xf32, #tpu.memory_space<hbm>>
          tpu.wait_dma2 semaphore(%arg17 : memref<!tpu.dma_semaphore, #tpu.memory_space<semaphore_mem>>) src(%arg12 : memref<128x256xf32, #tpu.memory_space<vmem>>) dst(%dma_wait3A_68 : memref<128x256xf32, #tpu.memory_space<hbm>>)
          %dma_wait3A_69 = arith.constant 0 : i32
          %dma_wait3A_70 = arith.constant 0 : i32
          %dma_wait3A_71 = tpu.memref_slice %arg7[%dma_wait3A_69, %dma_wait3A_70] : memref<159744x128xf32, #tpu.memory_space<hbm>> -> memref<128x128xf32, #tpu.memory_space<hbm>>
          %dma_wait3A_72 = arith.constant 0 : i32
          %dma_wait3A_73 = arith.constant 0 : i32
          %dma_wait3A_74 = tpu.memref_slice %arg7[%dma_wait3A_72, %dma_wait3A_73] : memref<159744x128xf32, #tpu.memory_space<hbm>> -> memref<128x128xf32, #tpu.memory_space<hbm>>
          tpu.wait_dma2 semaphore(%arg17 : memref<!tpu.dma_semaphore, #tpu.memory_space<semaphore_mem>>) src(%arg13 : memref<128x128xf32, #tpu.memory_space<vmem>>) dst(%dma_wait3A_74 : memref<128x128xf32, #tpu.memory_space<hbm>>)
        } else {
        }
      } else {
      }
      %add3A_37 = arith.constant 1 : i32
      %add3A_38 = arith.addi %scan3A_31, %add3A_37 : i32
      %lt3A = arith.constant 39 : i32
      %lt3A_39 = arith.cmpi slt, %add3A_38, %lt3A : i32
      %convert_element_type3A_40 = arith.extui %lt3A_39 : i1 to i32
      %cond3A_41 = arith.constant 0 : i32
      %cond3A_42 = arith.cmpi ne, %convert_element_type3A_40, %cond3A_41 : i32
      scf.if %cond3A_42 {
        %eq3A_53 = arith.constant 0 : i32
        %eq3A_54 = arith.cmpi eq, %sub3A_34, %eq3A_53 : i32
        %convert_element_type3A_55 = arith.extui %eq3A_54 : i1 to i32
        %cond3A_56 = arith.constant 0 : i32
        %cond3A_57 = arith.cmpi ne, %convert_element_type3A_55, %cond3A_56 : i32
        scf.if %cond3A_57 {
          %add3A_63 = arith.constant 1 : i32
          %add3A_64 = arith.addi %scan3A_31, %add3A_63 : i32
          %mul3A_65 = arith.constant 128 : i32
          %mul3A_66 = arith.muli %add3A_64, %mul3A_65 : i32
          %dma_start3A_67 = tpu.memref_slice %arg8[%mul3A_66] : memref<4992xi32, #tpu.memory_space<vmem>> -> memref<128xi32, #tpu.memory_space<vmem>>
          %dma_start3A_68 = arith.constant 0 : i32
          %dma_start3A_69 = arith.constant 0 : i32
          %dma_start3A_70 = tpu.memref_slice %arg2[%dma_start3A_68, %dma_start3A_69] : memref<10240x256xf32, #tpu.memory_space<hbm>> -> memref<10240x256xf32, #tpu.memory_space<hbm>>
          tpu.enqueue_indirect_dma source(%dma_start3A_70 : memref<10240x256xf32, #tpu.memory_space<hbm>>) target(%arg10 : memref<128x256xf32, #tpu.memory_space<vmem>>) offsets(%dma_start3A_67 : memref<128xi32, #tpu.memory_space<vmem>>) semaphore(%arg14 : memref<!tpu.dma_semaphore, #tpu.memory_space<semaphore_mem>>)
          %dma_start3A_71 = tpu.memref_slice %arg9[%mul3A_66] : memref<4992xi32, #tpu.memory_space<vmem>> -> memref<128xi32, #tpu.memory_space<vmem>>
          %dma_start3A_72 = arith.constant 0 : i32
          %dma_start3A_73 = arith.constant 0 : i32
          %dma_start3A_74 = tpu.memref_slice %arg3[%dma_start3A_72, %dma_start3A_73] : memref<10240x128xf32, #tpu.memory_space<hbm>> -> memref<10240x128xf32, #tpu.memory_space<hbm>>
          tpu.enqueue_indirect_dma source(%dma_start3A_74 : memref<10240x128xf32, #tpu.memory_space<hbm>>) target(%arg11 : memref<128x128xf32, #tpu.memory_space<vmem>>) offsets(%dma_start3A_71 : memref<128xi32, #tpu.memory_space<vmem>>) semaphore(%arg14 : memref<!tpu.dma_semaphore, #tpu.memory_space<semaphore_mem>>)
        } else {
        }
        %eq3A_58 = arith.constant 1 : i32
        %eq3A_59 = arith.cmpi eq, %sub3A_34, %eq3A_58 : i32
        %convert_element_type3A_60 = arith.extui %eq3A_59 : i1 to i32
        %cond3A_61 = arith.constant 0 : i32
        %cond3A_62 = arith.cmpi ne, %convert_element_type3A_60, %cond3A_61 : i32
        scf.if %cond3A_62 {
          %add3A_63 = arith.constant 1 : i32
          %add3A_64 = arith.addi %scan3A_31, %add3A_63 : i32
          %mul3A_65 = arith.constant 128 : i32
          %mul3A_66 = arith.muli %add3A_64, %mul3A_65 : i32
          %dma_start3A_67 = tpu.memref_slice %arg8[%mul3A_66] : memref<4992xi32, #tpu.memory_space<vmem>> -> memref<128xi32, #tpu.memory_space<vmem>>
          %dma_start3A_68 = arith.constant 0 : i32
          %dma_start3A_69 = arith.constant 0 : i32
          %dma_start3A_70 = tpu.memref_slice %arg2[%dma_start3A_68, %dma_start3A_69] : memref<10240x256xf32, #tpu.memory_space<hbm>> -> memref<10240x256xf32, #tpu.memory_space<hbm>>
          tpu.enqueue_indirect_dma source(%dma_start3A_70 : memref<10240x256xf32, #tpu.memory_space<hbm>>) target(%arg12 : memref<128x256xf32, #tpu.memory_space<vmem>>) offsets(%dma_start3A_67 : memref<128xi32, #tpu.memory_space<vmem>>) semaphore(%arg15 : memref<!tpu.dma_semaphore, #tpu.memory_space<semaphore_mem>>)
          %dma_start3A_71 = tpu.memref_slice %arg9[%mul3A_66] : memref<4992xi32, #tpu.memory_space<vmem>> -> memref<128xi32, #tpu.memory_space<vmem>>
          %dma_start3A_72 = arith.constant 0 : i32
          %dma_start3A_73 = arith.constant 0 : i32
          %dma_start3A_74 = tpu.memref_slice %arg3[%dma_start3A_72, %dma_start3A_73] : memref<10240x128xf32, #tpu.memory_space<hbm>> -> memref<10240x128xf32, #tpu.memory_space<hbm>>
          tpu.enqueue_indirect_dma source(%dma_start3A_74 : memref<10240x128xf32, #tpu.memory_space<hbm>>) target(%arg13 : memref<128x128xf32, #tpu.memory_space<vmem>>) offsets(%dma_start3A_71 : memref<128xi32, #tpu.memory_space<vmem>>) semaphore(%arg15 : memref<!tpu.dma_semaphore, #tpu.memory_space<semaphore_mem>>)
        } else {
        }
      } else {
      }
      %eq3A = arith.constant 0 : i32
      %eq3A_43 = arith.cmpi eq, %rem3A_33, %eq3A : i32
      %convert_element_type3A_44 = arith.extui %eq3A_43 : i1 to i32
      %cond3A_45 = arith.constant 0 : i32
      %cond3A_46 = arith.cmpi ne, %convert_element_type3A_44, %cond3A_45 : i32
      scf.if %cond3A_46 {
        %dma_wait3A_53 = arith.constant 0 : i32
        %dma_wait3A_54 = tpu.memref_slice %arg8[%dma_wait3A_53] : memref<4992xi32, #tpu.memory_space<vmem>> -> memref<128xi32, #tpu.memory_space<vmem>>
        %dma_wait3A_55 = arith.constant 0 : i32
        %dma_wait3A_56 = arith.constant 0 : i32
        %dma_wait3A_57 = tpu.memref_slice %arg2[%dma_wait3A_55, %dma_wait3A_56] : memref<10240x256xf32, #tpu.memory_space<hbm>> -> memref<10240x256xf32, #tpu.memory_space<hbm>>
        tpu.wait_indirect_dma semaphore(%arg14 : memref<!tpu.dma_semaphore, #tpu.memory_space<semaphore_mem>>) src(%dma_wait3A_57 : memref<10240x256xf32, #tpu.memory_space<hbm>>) dst(%arg10 : memref<128x256xf32, #tpu.memory_space<vmem>>)
        %dma_wait3A_58 = arith.constant 0 : i32
        %dma_wait3A_59 = tpu.memref_slice %arg9[%dma_wait3A_58] : memref<4992xi32, #tpu.memory_space<vmem>> -> memref<128xi32, #tpu.memory_space<vmem>>
        %dma_wait3A_60 = arith.constant 0 : i32
        %dma_wait3A_61 = arith.constant 0 : i32
        %dma_wait3A_62 = tpu.memref_slice %arg3[%dma_wait3A_60, %dma_wait3A_61] : memref<10240x128xf32, #tpu.memory_space<hbm>> -> memref<10240x128xf32, #tpu.memory_space<hbm>>
        tpu.wait_indirect_dma semaphore(%arg14 : memref<!tpu.dma_semaphore, #tpu.memory_space<semaphore_mem>>) src(%dma_wait3A_62 : memref<10240x128xf32, #tpu.memory_space<hbm>>) dst(%arg11 : memref<128x128xf32, #tpu.memory_space<vmem>>)
        %mul3A_63 = arith.constant 4992 : i32
        %mul3A_64 = arith.muli %add3A, %mul3A_63 : i32
        %mul3A_65 = arith.constant 128 : i32
        %mul3A_66 = arith.muli %scan3A_31, %mul3A_65 : i32
        %add3A_67 = arith.addi %mul3A_64, %mul3A_66 : i32
        %dma_start3A_68 = arith.constant 0 : i32
        %dma_start3A_69 = tpu.memref_slice %arg6[%add3A_67, %dma_start3A_68] : memref<159744x256xf32, #tpu.memory_space<hbm>> -> memref<128x256xf32, #tpu.memory_space<hbm>>
        %dma_start3A_70 = arith.constant 0 : i32
        %dma_start3A_71 = tpu.memref_slice %arg6[%add3A_67, %dma_start3A_70] : memref<159744x256xf32, #tpu.memory_space<hbm>> -> memref<128x256xf32, #tpu.memory_space<hbm>>
        tpu.enqueue_dma source(%arg10 : memref<128x256xf32, #tpu.memory_space<vmem>>) target(%dma_start3A_71 : memref<128x256xf32, #tpu.memory_space<hbm>>) target_semaphore(%arg16 : memref<!tpu.dma_semaphore, #tpu.memory_space<semaphore_mem>>)
        %dma_start3A_72 = arith.constant 0 : i32
        %dma_start3A_73 = tpu.memref_slice %arg7[%add3A_67, %dma_start3A_72] : memref<159744x128xf32, #tpu.memory_space<hbm>> -> memref<128x128xf32, #tpu.memory_space<hbm>>
        %dma_start3A_74 = arith.constant 0 : i32
        %dma_start3A_75 = tpu.memref_slice %arg7[%add3A_67, %dma_start3A_74] : memref<159744x128xf32, #tpu.memory_space<hbm>> -> memref<128x128xf32, #tpu.memory_space<hbm>>
        tpu.enqueue_dma source(%arg11 : memref<128x128xf32, #tpu.memory_space<vmem>>) target(%dma_start3A_75 : memref<128x128xf32, #tpu.memory_space<hbm>>) target_semaphore(%arg16 : memref<!tpu.dma_semaphore, #tpu.memory_space<semaphore_mem>>)
      } else {
      }
      %eq3A_47 = arith.constant 1 : i32
      %eq3A_48 = arith.cmpi eq, %rem3A_33, %eq3A_47 : i32
      %convert_element_type3A_49 = arith.extui %eq3A_48 : i1 to i32
      %cond3A_50 = arith.constant 0 : i32
      %cond3A_51 = arith.cmpi ne, %convert_element_type3A_49, %cond3A_50 : i32
      scf.if %cond3A_51 {
        %dma_wait3A_53 = arith.constant 0 : i32
        %dma_wait3A_54 = tpu.memref_slice %arg8[%dma_wait3A_53] : memref<4992xi32, #tpu.memory_space<vmem>> -> memref<128xi32, #tpu.memory_space<vmem>>
        %dma_wait3A_55 = arith.constant 0 : i32
        %dma_wait3A_56 = arith.constant 0 : i32
        %dma_wait3A_57 = tpu.memref_slice %arg2[%dma_wait3A_55, %dma_wait3A_56] : memref<10240x256xf32, #tpu.memory_space<hbm>> -> memref<10240x256xf32, #tpu.memory_space<hbm>>
        tpu.wait_indirect_dma semaphore(%arg15 : memref<!tpu.dma_semaphore, #tpu.memory_space<semaphore_mem>>) src(%dma_wait3A_57 : memref<10240x256xf32, #tpu.memory_space<hbm>>) dst(%arg12 : memref<128x256xf32, #tpu.memory_space<vmem>>)
        %dma_wait3A_58 = arith.constant 0 : i32
        %dma_wait3A_59 = tpu.memref_slice %arg9[%dma_wait3A_58] : memref<4992xi32, #tpu.memory_space<vmem>> -> memref<128xi32, #tpu.memory_space<vmem>>
        %dma_wait3A_60 = arith.constant 0 : i32
        %dma_wait3A_61 = arith.constant 0 : i32
        %dma_wait3A_62 = tpu.memref_slice %arg3[%dma_wait3A_60, %dma_wait3A_61] : memref<10240x128xf32, #tpu.memory_space<hbm>> -> memref<10240x128xf32, #tpu.memory_space<hbm>>
        tpu.wait_indirect_dma semaphore(%arg15 : memref<!tpu.dma_semaphore, #tpu.memory_space<semaphore_mem>>) src(%dma_wait3A_62 : memref<10240x128xf32, #tpu.memory_space<hbm>>) dst(%arg13 : memref<128x128xf32, #tpu.memory_space<vmem>>)
        %mul3A_63 = arith.constant 4992 : i32
        %mul3A_64 = arith.muli %add3A, %mul3A_63 : i32
        %mul3A_65 = arith.constant 128 : i32
        %mul3A_66 = arith.muli %scan3A_31, %mul3A_65 : i32
        %add3A_67 = arith.addi %mul3A_64, %mul3A_66 : i32
        %dma_start3A_68 = arith.constant 0 : i32
        %dma_start3A_69 = tpu.memref_slice %arg6[%add3A_67, %dma_start3A_68] : memref<159744x256xf32, #tpu.memory_space<hbm>> -> memref<128x256xf32, #tpu.memory_space<hbm>>
        %dma_start3A_70 = arith.constant 0 : i32
        %dma_start3A_71 = tpu.memref_slice %arg6[%add3A_67, %dma_start3A_70] : memref<159744x256xf32, #tpu.memory_space<hbm>> -> memref<128x256xf32, #tpu.memory_space<hbm>>
        tpu.enqueue_dma source(%arg12 : memref<128x256xf32, #tpu.memory_space<vmem>>) target(%dma_start3A_71 : memref<128x256xf32, #tpu.memory_space<hbm>>) target_semaphore(%arg17 : memref<!tpu.dma_semaphore, #tpu.memory_space<semaphore_mem>>)
        %dma_start3A_72 = arith.constant 0 : i32
        %dma_start3A_73 = tpu.memref_slice %arg7[%add3A_67, %dma_start3A_72] : memref<159744x128xf32, #tpu.memory_space<hbm>> -> memref<128x128xf32, #tpu.memory_space<hbm>>
        %dma_start3A_74 = arith.constant 0 : i32
        %dma_start3A_75 = tpu.memref_slice %arg7[%add3A_67, %dma_start3A_74] : memref<159744x128xf32, #tpu.memory_space<hbm>> -> memref<128x128xf32, #tpu.memory_space<hbm>>
        tpu.enqueue_dma source(%arg13 : memref<128x128xf32, #tpu.memory_space<vmem>>) target(%dma_start3A_75 : memref<128x128xf32, #tpu.memory_space<hbm>>) target_semaphore(%arg17 : memref<!tpu.dma_semaphore, #tpu.memory_space<semaphore_mem>>)
      } else {
      }
      %scan3A_52 = arith.constant 0 : i32
      scf.yield %scan3A_52 : i32
    }
    %scan3A_19 = arith.constant 39 : i32
    %dma_wait3A = arith.constant 0 : i32
    %dma_wait3A_20 = arith.constant 0 : i32
    %dma_wait3A_21 = tpu.memref_slice %arg6[%dma_wait3A, %dma_wait3A_20] : memref<159744x256xf32, #tpu.memory_space<hbm>> -> memref<128x256xf32, #tpu.memory_space<hbm>>
    %dma_wait3A_22 = arith.constant 0 : i32
    %dma_wait3A_23 = arith.constant 0 : i32
    %dma_wait3A_24 = tpu.memref_slice %arg6[%dma_wait3A_22, %dma_wait3A_23] : memref<159744x256xf32, #tpu.memory_space<hbm>> -> memref<128x256xf32, #tpu.memory_space<hbm>>
    tpu.wait_dma2 semaphore(%arg16 : memref<!tpu.dma_semaphore, #tpu.memory_space<semaphore_mem>>) src(%arg10 : memref<128x256xf32, #tpu.memory_space<vmem>>) dst(%dma_wait3A_24 : memref<128x256xf32, #tpu.memory_space<hbm>>)
    %dma_wait3A_25 = arith.constant 0 : i32
    %dma_wait3A_26 = arith.constant 0 : i32
    %dma_wait3A_27 = tpu.memref_slice %arg7[%dma_wait3A_25, %dma_wait3A_26] : memref<159744x128xf32, #tpu.memory_space<hbm>> -> memref<128x128xf32, #tpu.memory_space<hbm>>
    %dma_wait3A_28 = arith.constant 0 : i32
    %dma_wait3A_29 = arith.constant 0 : i32
    %dma_wait3A_30 = tpu.memref_slice %arg7[%dma_wait3A_28, %dma_wait3A_29] : memref<159744x128xf32, #tpu.memory_space<hbm>> -> memref<128x128xf32, #tpu.memory_space<hbm>>
    tpu.wait_dma2 semaphore(%arg16 : memref<!tpu.dma_semaphore, #tpu.memory_space<semaphore_mem>>) src(%arg11 : memref<128x128xf32, #tpu.memory_space<vmem>>) dst(%dma_wait3A_30 : memref<128x128xf32, #tpu.memory_space<hbm>>)
    return
  }
}

#map = affine_map<(d0, d1) -> (0, 0)>
#map1 = affine_map<(d0, d1) -> (0)>
#map2 = affine_map<(d0, d1) -> (0, 0, 0)>
module attributes {stable_mosaic.version = 14 : i64} {
  func.func @_scatter_body(%arg0: i32, %arg1: i32, %arg2: memref<159744x128xf32, #tpu.memory_space<hbm>>, %arg3: memref<159744xf32, #tpu.memory_space<hbm>>, %arg4: memref<323584xi32, #tpu.memory_space<hbm>>, %arg5: memref<2x10240x128xf32, #tpu.memory_space<hbm>>, %arg6: memref<2x10240xf32, #tpu.memory_space<hbm>>, %arg7: memref<64xi32, #tpu.memory_space<vmem>>, %arg8: memref<64x128xf32, #tpu.memory_space<vmem>>, %arg9: memref<64xf32, #tpu.memory_space<vmem>>, %arg10: memref<64xi32, #tpu.memory_space<vmem>>, %arg11: memref<64x128xf32, #tpu.memory_space<vmem>>, %arg12: memref<64xf32, #tpu.memory_space<vmem>>, %arg13: memref<640xf32, #tpu.memory_space<vmem>>, %arg14: memref<640xf32, #tpu.memory_space<vmem>>, %arg15: memref<10240xf32, #tpu.memory_space<vmem>>, %arg16: memref<10240x128xf32, #tpu.memory_space<vmem_shared>>, %arg17: memref<16x10240xf32, #tpu.memory_space<vmem_shared>>, %arg18: memref<!tpu.dma_semaphore, #tpu.memory_space<semaphore_mem>>, %arg19: memref<!tpu.dma_semaphore, #tpu.memory_space<semaphore_mem>>) attributes {dimension_semantics = [#tpu.dimension_semantics<core_parallel>, #tpu.dimension_semantics<subcore_parallel>], iteration_bounds = array<i64: 2, 16>, scalar_prefetch = 0 : i64, scratch_operands = 13 : i64, tpu.core_type = #tpu.core_type<sc_vector_subcore>, window_params = [{transform_indices = #map}, {transform_indices = #map1}, {transform_indices = #map1}, {transform_indices = #map2}, {transform_indices = #map}]} {
    %mul3A = arith.constant 2 : i32
    %mul3A_0 = arith.muli %arg1, %mul3A : i32
    %add3A = arith.addi %mul3A_0, %arg0 : i32
    %scan3A = arith.constant 0 : i32
    %scan3A_1 = arith.constant 0 : i32
    %scan3A_2 = arith.constant 64 : i32
    %scan3A_3 = arith.addi %scan3A_1, %scan3A_2 : i32
    %scan3A_4 = arith.constant 1 : i32
    %scan3A_5 = scf.for %scan3A_60 = %scan3A_1 to %scan3A_3 step %scan3A_4 iter_args(%scan3A_61 = %scan3A) -> (i32)  : i32 {
      %broadcast_in_dim3A = arith.constant 0.000000e+00 : f32
      %broadcast_in_dim3A_62 = vector.broadcast %broadcast_in_dim3A : f32 to vector<16xf32>
      %swap3A = arith.index_cast %scan3A_60 : i32 to index
      %swap3A_63 = arith.constant 0 : index
      %swap3A_64 = tpu.vector_load %arg8[%swap3A, %swap3A_63] {strides = array<i32>} : memref<64x128xf32, #tpu.memory_space<vmem>>, vector<16xf32>,
      tpu.vector_store %arg8[%swap3A, %swap3A_63], %broadcast_in_dim3A_62 {strides = array<i32>} : memref<64x128xf32, #tpu.memory_space<vmem>>, vector<16xf32>,
      %broadcast_in_dim3A_65 = arith.constant 0.000000e+00 : f32
      %broadcast_in_dim3A_66 = vector.broadcast %broadcast_in_dim3A_65 : f32 to vector<16xf32>
      %swap3A_67 = arith.index_cast %scan3A_60 : i32 to index
      %swap3A_68 = arith.constant 16 : index
      %swap3A_69 = tpu.vector_load %arg8[%swap3A_67, %swap3A_68] {strides = array<i32>} : memref<64x128xf32, #tpu.memory_space<vmem>>, vector<16xf32>,
      tpu.vector_store %arg8[%swap3A_67, %swap3A_68], %broadcast_in_dim3A_66 {strides = array<i32>} : memref<64x128xf32, #tpu.memory_space<vmem>>, vector<16xf32>,
      %broadcast_in_dim3A_70 = arith.constant 0.000000e+00 : f32
      %broadcast_in_dim3A_71 = vector.broadcast %broadcast_in_dim3A_70 : f32 to vector<16xf32>
      %swap3A_72 = arith.index_cast %scan3A_60 : i32 to index
      %swap3A_73 = arith.constant 32 : index
      %swap3A_74 = tpu.vector_load %arg8[%swap3A_72, %swap3A_73] {strides = array<i32>} : memref<64x128xf32, #tpu.memory_space<vmem>>, vector<16xf32>,
      tpu.vector_store %arg8[%swap3A_72, %swap3A_73], %broadcast_in_dim3A_71 {strides = array<i32>} : memref<64x128xf32, #tpu.memory_space<vmem>>, vector<16xf32>,
      %broadcast_in_dim3A_75 = arith.constant 0.000000e+00 : f32
      %broadcast_in_dim3A_76 = vector.broadcast %broadcast_in_dim3A_75 : f32 to vector<16xf32>
      %swap3A_77 = arith.index_cast %scan3A_60 : i32 to index
      %swap3A_78 = arith.constant 48 : index
      %swap3A_79 = tpu.vector_load %arg8[%swap3A_77, %swap3A_78] {strides = array<i32>} : memref<64x128xf32, #tpu.memory_space<vmem>>, vector<16xf32>,
      tpu.vector_store %arg8[%swap3A_77, %swap3A_78], %broadcast_in_dim3A_76 {strides = array<i32>} : memref<64x128xf32, #tpu.memory_space<vmem>>, vector<16xf32>,
      %broadcast_in_dim3A_80 = arith.constant 0.000000e+00 : f32
      %broadcast_in_dim3A_81 = vector.broadcast %broadcast_in_dim3A_80 : f32 to vector<16xf32>
      %swap3A_82 = arith.index_cast %scan3A_60 : i32 to index
      %swap3A_83 = arith.constant 64 : index
      %swap3A_84 = tpu.vector_load %arg8[%swap3A_82, %swap3A_83] {strides = array<i32>} : memref<64x128xf32, #tpu.memory_space<vmem>>, vector<16xf32>,
      tpu.vector_store %arg8[%swap3A_82, %swap3A_83], %broadcast_in_dim3A_81 {strides = array<i32>} : memref<64x128xf32, #tpu.memory_space<vmem>>, vector<16xf32>,
      %broadcast_in_dim3A_85 = arith.constant 0.000000e+00 : f32
      %broadcast_in_dim3A_86 = vector.broadcast %broadcast_in_dim3A_85 : f32 to vector<16xf32>
      %swap3A_87 = arith.index_cast %scan3A_60 : i32 to index
      %swap3A_88 = arith.constant 80 : index
      %swap3A_89 = tpu.vector_load %arg8[%swap3A_87, %swap3A_88] {strides = array<i32>} : memref<64x128xf32, #tpu.memory_space<vmem>>, vector<16xf32>,
      tpu.vector_store %arg8[%swap3A_87, %swap3A_88], %broadcast_in_dim3A_86 {strides = array<i32>} : memref<64x128xf32, #tpu.memory_space<vmem>>, vector<16xf32>,
      %broadcast_in_dim3A_90 = arith.constant 0.000000e+00 : f32
      %broadcast_in_dim3A_91 = vector.broadcast %broadcast_in_dim3A_90 : f32 to vector<16xf32>
      %swap3A_92 = arith.index_cast %scan3A_60 : i32 to index
      %swap3A_93 = arith.constant 96 : index
      %swap3A_94 = tpu.vector_load %arg8[%swap3A_92, %swap3A_93] {strides = array<i32>} : memref<64x128xf32, #tpu.memory_space<vmem>>, vector<16xf32>,
      tpu.vector_store %arg8[%swap3A_92, %swap3A_93], %broadcast_in_dim3A_91 {strides = array<i32>} : memref<64x128xf32, #tpu.memory_space<vmem>>, vector<16xf32>,
      %broadcast_in_dim3A_95 = arith.constant 0.000000e+00 : f32
      %broadcast_in_dim3A_96 = vector.broadcast %broadcast_in_dim3A_95 : f32 to vector<16xf32>
      %swap3A_97 = arith.index_cast %scan3A_60 : i32 to index
      %swap3A_98 = arith.constant 112 : index
      %swap3A_99 = tpu.vector_load %arg8[%swap3A_97, %swap3A_98] {strides = array<i32>} : memref<64x128xf32, #tpu.memory_space<vmem>>, vector<16xf32>,
      tpu.vector_store %arg8[%swap3A_97, %swap3A_98], %broadcast_in_dim3A_96 {strides = array<i32>} : memref<64x128xf32, #tpu.memory_space<vmem>>, vector<16xf32>,
      %scan3A_100 = arith.constant 0 : i32
      scf.yield %scan3A_100 : i32
    }
    %scan3A_6 = arith.constant 64 : i32
    %scan3A_7 = arith.constant 0 : i32
    %scan3A_8 = arith.constant 0 : i32
    %scan3A_9 = arith.constant 10 : i32
    %scan3A_10 = arith.addi %scan3A_8, %scan3A_9 : i32
    %scan3A_11 = arith.constant 1 : i32
    %scan3A_12 = scf.for %scan3A_60 = %scan3A_8 to %scan3A_10 step %scan3A_11 iter_args(%scan3A_61 = %scan3A_7) -> (i32)  : i32 {
      %mul3A_62 = arith.constant 640 : i32
      %mul3A_63 = arith.muli %arg1, %mul3A_62 : i32
      %mul3A_64 = arith.constant 64 : i32
      %mul3A_65 = arith.muli %scan3A_60, %mul3A_64 : i32
      %add3A_66 = arith.addi %mul3A_63, %mul3A_65 : i32
      "tpu.region"() ({
        %run_scoped3A = tpu.sem_alloc : memref<!tpu.dma_semaphore, #tpu.memory_space<semaphore_mem>>
        %dma_start3A_68 = arith.constant 0 : i32
        %dma_start3A_69 = tpu.memref_slice %arg16[%add3A_66, %dma_start3A_68] : memref<10240x128xf32, #tpu.memory_space<vmem_shared>> -> memref<64x128xf32, #tpu.memory_space<vmem_shared>>
        %dma_start3A_70 = arith.constant 0 : i32
        %dma_start3A_71 = tpu.memref_slice %arg16[%add3A_66, %dma_start3A_70] : memref<10240x128xf32, #tpu.memory_space<vmem_shared>> -> memref<64x128xf32, #tpu.memory_space<vmem_shared>>
        tpu.enqueue_dma source(%arg8 : memref<64x128xf32, #tpu.memory_space<vmem>>) target(%dma_start3A_71 : memref<64x128xf32, #tpu.memory_space<vmem_shared>>) target_semaphore(%run_scoped3A : memref<!tpu.dma_semaphore, #tpu.memory_space<semaphore_mem>>)
        %dma_wait3A = arith.constant 0 : i32
        %dma_wait3A_72 = tpu.memref_slice %arg16[%add3A_66, %dma_wait3A] : memref<10240x128xf32, #tpu.memory_space<vmem_shared>> -> memref<64x128xf32, #tpu.memory_space<vmem_shared>>
        %dma_wait3A_73 = arith.constant 0 : i32
        %dma_wait3A_74 = tpu.memref_slice %arg16[%add3A_66, %dma_wait3A_73] : memref<10240x128xf32, #tpu.memory_space<vmem_shared>> -> memref<64x128xf32, #tpu.memory_space<vmem_shared>>
        tpu.wait_dma2 semaphore(%run_scoped3A : memref<!tpu.dma_semaphore, #tpu.memory_space<semaphore_mem>>) src(%arg8 : memref<64x128xf32, #tpu.memory_space<vmem>>) dst(%dma_wait3A_74 : memref<64x128xf32, #tpu.memory_space<vmem_shared>>)
        tpu.yield
      }) : () -> ()
      %scan3A_67 = arith.constant 0 : i32
      scf.yield %scan3A_67 : i32
    }
    %scan3A_13 = arith.constant 10 : i32
    %scan3A_14 = arith.constant 0 : i32
    %scan3A_15 = arith.constant 0 : i32
    %scan3A_16 = arith.constant 640 : i32
    %scan3A_17 = arith.addi %scan3A_15, %scan3A_16 : i32
    %scan3A_18 = arith.constant 1 : i32
    %scan3A_19 = scf.for %scan3A_60 = %scan3A_15 to %scan3A_17 step %scan3A_18 iter_args(%scan3A_61 = %scan3A_14) -> (i32)  : i32 {
      %broadcast_in_dim3A = arith.constant 0.000000e+00 : f32
      %broadcast_in_dim3A_62 = vector.broadcast %broadcast_in_dim3A : f32 to vector<16xf32>
      %mul3A_63 = arith.constant 16 : i32
      %mul3A_64 = arith.muli %scan3A_60, %mul3A_63 : i32
      %swap3A = arith.index_cast %mul3A_64 : i32 to index
      %swap3A_65 = tpu.vector_load %arg15[%swap3A] {strides = array<i32>} : memref<10240xf32, #tpu.memory_space<vmem>>, vector<16xf32>,
      tpu.vector_store %arg15[%swap3A], %broadcast_in_dim3A_62 {strides = array<i32>} : memref<10240xf32, #tpu.memory_space<vmem>>, vector<16xf32>,
      %scan3A_66 = arith.constant 0 : i32
      scf.yield %scan3A_66 : i32
    }
    %scan3A_20 = arith.constant 640 : i32
    %barrier3A = arith.constant 0 : index
    tpu.barrier barrier_id(%barrier3A)
    %mul3A_21 = arith.constant 78 : i32
    %mul3A_22 = arith.muli %add3A, %mul3A_21 : i32
    %add3A_23 = arith.constant 0 : i32
    %add3A_24 = arith.addi %mul3A_22, %add3A_23 : i32
    %mul3A_25 = arith.constant 64 : i32
    %mul3A_26 = arith.muli %add3A_24, %mul3A_25 : i32
    %add3A_27 = arith.constant 163840 : i32
    %add3A_28 = arith.addi %add3A_27, %mul3A_26 : i32
    %dma_start3A = tpu.memref_slice %arg4[%add3A_28] : memref<323584xi32, #tpu.memory_space<hbm>> -> memref<64xi32, #tpu.memory_space<hbm>>
    %dma_start3A_29 = tpu.memref_slice %arg4[%add3A_28] : memref<323584xi32, #tpu.memory_space<hbm>> -> memref<64xi32, #tpu.memory_space<hbm>>
    tpu.enqueue_dma source(%dma_start3A_29 : memref<64xi32, #tpu.memory_space<hbm>>) target(%arg7 : memref<64xi32, #tpu.memory_space<vmem>>) target_semaphore(%arg18 : memref<!tpu.dma_semaphore, #tpu.memory_space<semaphore_mem>>)
    %dma_start3A_30 = arith.constant 0 : i32
    %dma_start3A_31 = tpu.memref_slice %arg2[%mul3A_26, %dma_start3A_30] : memref<159744x128xf32, #tpu.memory_space<hbm>> -> memref<64x128xf32, #tpu.memory_space<hbm>>
    %dma_start3A_32 = arith.constant 0 : i32
    %dma_start3A_33 = tpu.memref_slice %arg2[%mul3A_26, %dma_start3A_32] : memref<159744x128xf32, #tpu.memory_space<hbm>> -> memref<64x128xf32, #tpu.memory_space<hbm>>
    tpu.enqueue_dma source(%dma_start3A_33 : memref<64x128xf32, #tpu.memory_space<hbm>>) target(%arg8 : memref<64x128xf32, #tpu.memory_space<vmem>>) target_semaphore(%arg18 : memref<!tpu.dma_semaphore, #tpu.memory_space<semaphore_mem>>)
    %dma_start3A_34 = tpu.memref_slice %arg3[%mul3A_26] : memref<159744xf32, #tpu.memory_space<hbm>> -> memref<64xf32, #tpu.memory_space<hbm>>
    %dma_start3A_35 = tpu.memref_slice %arg3[%mul3A_26] : memref<159744xf32, #tpu.memory_space<hbm>> -> memref<64xf32, #tpu.memory_space<hbm>>
    tpu.enqueue_dma source(%dma_start3A_35 : memref<64xf32, #tpu.memory_space<hbm>>) target(%arg9 : memref<64xf32, #tpu.memory_space<vmem>>) target_semaphore(%arg18 : memref<!tpu.dma_semaphore, #tpu.memory_space<semaphore_mem>>)
    %scan3A_36 = arith.constant 0 : i32
    %scan3A_37 = arith.constant 0 : i32
    %scan3A_38 = arith.constant 78 : i32
    %scan3A_39 = arith.addi %scan3A_37, %scan3A_38 : i32
    %scan3A_40 = arith.constant 1 : i32
    %scan3A_41 = scf.for %scan3A_60 = %scan3A_37 to %scan3A_39 step %scan3A_40 iter_args(%scan3A_61 = %scan3A_36) -> (i32)  : i32 {
      %rem3A = arith.constant 2 : i32
      %rem3A_62 = arith.remsi %scan3A_60, %rem3A : i32
      %sub3A = arith.constant 1 : i32
      %sub3A_63 = arith.subi %sub3A, %rem3A_62 : i32
      %add3A_64 = arith.constant 1 : i32
      %add3A_65 = arith.addi %scan3A_60, %add3A_64 : i32
      %lt3A = arith.constant 78 : i32
      %lt3A_66 = arith.cmpi slt, %add3A_65, %lt3A : i32
      %convert_element_type3A = arith.extui %lt3A_66 : i1 to i32
      %cond3A = arith.constant 0 : i32
      %cond3A_67 = arith.cmpi ne, %convert_element_type3A, %cond3A : i32
      scf.if %cond3A_67 {
        %eq3A_78 = arith.constant 0 : i32
        %eq3A_79 = arith.cmpi eq, %sub3A_63, %eq3A_78 : i32
        %convert_element_type3A_80 = arith.extui %eq3A_79 : i1 to i32
        %cond3A_81 = arith.constant 0 : i32
        %cond3A_82 = arith.cmpi ne, %convert_element_type3A_80, %cond3A_81 : i32
        scf.if %cond3A_82 {
          %add3A_88 = arith.constant 1 : i32
          %add3A_89 = arith.addi %scan3A_60, %add3A_88 : i32
          %mul3A_90 = arith.constant 78 : i32
          %mul3A_91 = arith.muli %add3A, %mul3A_90 : i32
          %add3A_92 = arith.addi %mul3A_91, %add3A_89 : i32
          %mul3A_93 = arith.constant 64 : i32
          %mul3A_94 = arith.muli %add3A_92, %mul3A_93 : i32
          %add3A_95 = arith.constant 163840 : i32
          %add3A_96 = arith.addi %add3A_95, %mul3A_94 : i32
          %dma_start3A_97 = tpu.memref_slice %arg4[%add3A_96] : memref<323584xi32, #tpu.memory_space<hbm>> -> memref<64xi32, #tpu.memory_space<hbm>>
          %dma_start3A_98 = tpu.memref_slice %arg4[%add3A_96] : memref<323584xi32, #tpu.memory_space<hbm>> -> memref<64xi32, #tpu.memory_space<hbm>>
          tpu.enqueue_dma source(%dma_start3A_98 : memref<64xi32, #tpu.memory_space<hbm>>) target(%arg7 : memref<64xi32, #tpu.memory_space<vmem>>) target_semaphore(%arg18 : memref<!tpu.dma_semaphore, #tpu.memory_space<semaphore_mem>>)
          %dma_start3A_99 = arith.constant 0 : i32
          %dma_start3A_100 = tpu.memref_slice %arg2[%mul3A_94, %dma_start3A_99] : memref<159744x128xf32, #tpu.memory_space<hbm>> -> memref<64x128xf32, #tpu.memory_space<hbm>>
          %dma_start3A_101 = arith.constant 0 : i32
          %dma_start3A_102 = tpu.memref_slice %arg2[%mul3A_94, %dma_start3A_101] : memref<159744x128xf32, #tpu.memory_space<hbm>> -> memref<64x128xf32, #tpu.memory_space<hbm>>
          tpu.enqueue_dma source(%dma_start3A_102 : memref<64x128xf32, #tpu.memory_space<hbm>>) target(%arg8 : memref<64x128xf32, #tpu.memory_space<vmem>>) target_semaphore(%arg18 : memref<!tpu.dma_semaphore, #tpu.memory_space<semaphore_mem>>)
          %dma_start3A_103 = tpu.memref_slice %arg3[%mul3A_94] : memref<159744xf32, #tpu.memory_space<hbm>> -> memref<64xf32, #tpu.memory_space<hbm>>
          %dma_start3A_104 = tpu.memref_slice %arg3[%mul3A_94] : memref<159744xf32, #tpu.memory_space<hbm>> -> memref<64xf32, #tpu.memory_space<hbm>>
          tpu.enqueue_dma source(%dma_start3A_104 : memref<64xf32, #tpu.memory_space<hbm>>) target(%arg9 : memref<64xf32, #tpu.memory_space<vmem>>) target_semaphore(%arg18 : memref<!tpu.dma_semaphore, #tpu.memory_space<semaphore_mem>>)
        } else {
        }
        %eq3A_83 = arith.constant 1 : i32
        %eq3A_84 = arith.cmpi eq, %sub3A_63, %eq3A_83 : i32
        %convert_element_type3A_85 = arith.extui %eq3A_84 : i1 to i32
        %cond3A_86 = arith.constant 0 : i32
        %cond3A_87 = arith.cmpi ne, %convert_element_type3A_85, %cond3A_86 : i32
        scf.if %cond3A_87 {
          %add3A_88 = arith.constant 1 : i32
          %add3A_89 = arith.addi %scan3A_60, %add3A_88 : i32
          %mul3A_90 = arith.constant 78 : i32
          %mul3A_91 = arith.muli %add3A, %mul3A_90 : i32
          %add3A_92 = arith.addi %mul3A_91, %add3A_89 : i32
          %mul3A_93 = arith.constant 64 : i32
          %mul3A_94 = arith.muli %add3A_92, %mul3A_93 : i32
          %add3A_95 = arith.constant 163840 : i32
          %add3A_96 = arith.addi %add3A_95, %mul3A_94 : i32
          %dma_start3A_97 = tpu.memref_slice %arg4[%add3A_96] : memref<323584xi32, #tpu.memory_space<hbm>> -> memref<64xi32, #tpu.memory_space<hbm>>
          %dma_start3A_98 = tpu.memref_slice %arg4[%add3A_96] : memref<323584xi32, #tpu.memory_space<hbm>> -> memref<64xi32, #tpu.memory_space<hbm>>
          tpu.enqueue_dma source(%dma_start3A_98 : memref<64xi32, #tpu.memory_space<hbm>>) target(%arg10 : memref<64xi32, #tpu.memory_space<vmem>>) target_semaphore(%arg19 : memref<!tpu.dma_semaphore, #tpu.memory_space<semaphore_mem>>)
          %dma_start3A_99 = arith.constant 0 : i32
          %dma_start3A_100 = tpu.memref_slice %arg2[%mul3A_94, %dma_start3A_99] : memref<159744x128xf32, #tpu.memory_space<hbm>> -> memref<64x128xf32, #tpu.memory_space<hbm>>
          %dma_start3A_101 = arith.constant 0 : i32
          %dma_start3A_102 = tpu.memref_slice %arg2[%mul3A_94, %dma_start3A_101] : memref<159744x128xf32, #tpu.memory_space<hbm>> -> memref<64x128xf32, #tpu.memory_space<hbm>>
          tpu.enqueue_dma source(%dma_start3A_102 : memref<64x128xf32, #tpu.memory_space<hbm>>) target(%arg11 : memref<64x128xf32, #tpu.memory_space<vmem>>) target_semaphore(%arg19 : memref<!tpu.dma_semaphore, #tpu.memory_space<semaphore_mem>>)
          %dma_start3A_103 = tpu.memref_slice %arg3[%mul3A_94] : memref<159744xf32, #tpu.memory_space<hbm>> -> memref<64xf32, #tpu.memory_space<hbm>>
          %dma_start3A_104 = tpu.memref_slice %arg3[%mul3A_94] : memref<159744xf32, #tpu.memory_space<hbm>> -> memref<64xf32, #tpu.memory_space<hbm>>
          tpu.enqueue_dma source(%dma_start3A_104 : memref<64xf32, #tpu.memory_space<hbm>>) target(%arg12 : memref<64xf32, #tpu.memory_space<vmem>>) target_semaphore(%arg19 : memref<!tpu.dma_semaphore, #tpu.memory_space<semaphore_mem>>)
        } else {
        }
      } else {
      }
      %eq3A = arith.constant 0 : i32
      %eq3A_68 = arith.cmpi eq, %rem3A_62, %eq3A : i32
      %convert_element_type3A_69 = arith.extui %eq3A_68 : i1 to i32
      %cond3A_70 = arith.constant 0 : i32
      %cond3A_71 = arith.cmpi ne, %convert_element_type3A_69, %cond3A_70 : i32
      scf.if %cond3A_71 {
        %dma_wait3A = arith.constant 0 : i32
        %dma_wait3A_78 = tpu.memref_slice %arg4[%dma_wait3A] : memref<323584xi32, #tpu.memory_space<hbm>> -> memref<64xi32, #tpu.memory_space<hbm>>
        %dma_wait3A_79 = arith.constant 0 : i32
        %dma_wait3A_80 = tpu.memref_slice %arg4[%dma_wait3A_79] : memref<323584xi32, #tpu.memory_space<hbm>> -> memref<64xi32, #tpu.memory_space<hbm>>
        tpu.wait_dma2 semaphore(%arg18 : memref<!tpu.dma_semaphore, #tpu.memory_space<semaphore_mem>>) src(%dma_wait3A_80 : memref<64xi32, #tpu.memory_space<hbm>>) dst(%arg7 : memref<64xi32, #tpu.memory_space<vmem>>)
        %dma_wait3A_81 = arith.constant 0 : i32
        %dma_wait3A_82 = arith.constant 0 : i32
        %dma_wait3A_83 = tpu.memref_slice %arg2[%dma_wait3A_81, %dma_wait3A_82] : memref<159744x128xf32, #tpu.memory_space<hbm>> -> memref<64x128xf32, #tpu.memory_space<hbm>>
        %dma_wait3A_84 = arith.constant 0 : i32
        %dma_wait3A_85 = arith.constant 0 : i32
        %dma_wait3A_86 = tpu.memref_slice %arg2[%dma_wait3A_84, %dma_wait3A_85] : memref<159744x128xf32, #tpu.memory_space<hbm>> -> memref<64x128xf32, #tpu.memory_space<hbm>>
        tpu.wait_dma2 semaphore(%arg18 : memref<!tpu.dma_semaphore, #tpu.memory_space<semaphore_mem>>) src(%dma_wait3A_86 : memref<64x128xf32, #tpu.memory_space<hbm>>) dst(%arg8 : memref<64x128xf32, #tpu.memory_space<vmem>>)
        %dma_wait3A_87 = arith.constant 0 : i32
        %dma_wait3A_88 = tpu.memref_slice %arg3[%dma_wait3A_87] : memref<159744xf32, #tpu.memory_space<hbm>> -> memref<64xf32, #tpu.memory_space<hbm>>
        %dma_wait3A_89 = arith.constant 0 : i32
        %dma_wait3A_90 = tpu.memref_slice %arg3[%dma_wait3A_89] : memref<159744xf32, #tpu.memory_space<hbm>> -> memref<64xf32, #tpu.memory_space<hbm>>
        tpu.wait_dma2 semaphore(%arg18 : memref<!tpu.dma_semaphore, #tpu.memory_space<semaphore_mem>>) src(%dma_wait3A_90 : memref<64xf32, #tpu.memory_space<hbm>>) dst(%arg9 : memref<64xf32, #tpu.memory_space<vmem>>)
        "tpu.region"() ({
          %run_scoped3A = tpu.sem_alloc : memref<!tpu.dma_semaphore, #tpu.memory_space<semaphore_mem>>
          %dma_start3A_106 = arith.constant 0 : i32
          %dma_start3A_107 = arith.constant 0 : i32
          %dma_start3A_108 = tpu.memref_slice %arg16[%dma_start3A_106, %dma_start3A_107] : memref<10240x128xf32, #tpu.memory_space<vmem_shared>> -> memref<10240x128xf32, #tpu.memory_space<vmem_shared>>
          tpu.enqueue_indirect_dma source(%arg8 : memref<64x128xf32, #tpu.memory_space<vmem>>) target(%dma_start3A_108 : memref<10240x128xf32, #tpu.memory_space<vmem_shared>>) offsets(%arg7 : memref<64xi32, #tpu.memory_space<vmem>>) semaphore(%run_scoped3A : memref<!tpu.dma_semaphore, #tpu.memory_space<semaphore_mem>>) {add = true}
          %dma_wait3A_109 = arith.constant 0 : i32
          %dma_wait3A_110 = arith.constant 0 : i32
          %dma_wait3A_111 = tpu.memref_slice %arg16[%dma_wait3A_109, %dma_wait3A_110] : memref<10240x128xf32, #tpu.memory_space<vmem_shared>> -> memref<10240x128xf32, #tpu.memory_space<vmem_shared>>
          tpu.wait_indirect_dma semaphore(%run_scoped3A : memref<!tpu.dma_semaphore, #tpu.memory_space<semaphore_mem>>) src(%arg8 : memref<64x128xf32, #tpu.memory_space<vmem>>) dst(%dma_wait3A_111 : memref<10240x128xf32, #tpu.memory_space<vmem_shared>>)
          tpu.yield
        }) : () -> ()
        %get3A = arith.constant 0 : index
        %get3A_91 = tpu.vector_load %arg7[%get3A] {strides = array<i32>} : memref<64xi32, #tpu.memory_space<vmem>>, vector<16xi32>,
        %get3A_92 = arith.constant 0 : index
        %get3A_93 = tpu.vector_load %arg9[%get3A_92] {strides = array<i32>} : memref<64xf32, #tpu.memory_space<vmem>>, vector<16xf32>,
        tpu.vector_store_idx %arg15[%get3A_91], %get3A_93 {add = true} : memref<10240xf32, #tpu.memory_space<vmem>>[vector<16xi32>], vector<16xf32>,
        %get3A_94 = arith.constant 16 : index
        %get3A_95 = tpu.vector_load %arg7[%get3A_94] {strides = array<i32>} : memref<64xi32, #tpu.memory_space<vmem>>, vector<16xi32>,
        %get3A_96 = arith.constant 16 : index
        %get3A_97 = tpu.vector_load %arg9[%get3A_96] {strides = array<i32>} : memref<64xf32, #tpu.memory_space<vmem>>, vector<16xf32>,
        tpu.vector_store_idx %arg15[%get3A_95], %get3A_97 {add = true} : memref<10240xf32, #tpu.memory_space<vmem>>[vector<16xi32>], vector<16xf32>,
        %get3A_98 = arith.constant 32 : index
        %get3A_99 = tpu.vector_load %arg7[%get3A_98] {strides = array<i32>} : memref<64xi32, #tpu.memory_space<vmem>>, vector<16xi32>,
        %get3A_100 = arith.constant 32 : index
        %get3A_101 = tpu.vector_load %arg9[%get3A_100] {strides = array<i32>} : memref<64xf32, #tpu.memory_space<vmem>>, vector<16xf32>,
        tpu.vector_store_idx %arg15[%get3A_99], %get3A_101 {add = true} : memref<10240xf32, #tpu.memory_space<vmem>>[vector<16xi32>], vector<16xf32>,
        %get3A_102 = arith.constant 48 : index
        %get3A_103 = tpu.vector_load %arg7[%get3A_102] {strides = array<i32>} : memref<64xi32, #tpu.memory_space<vmem>>, vector<16xi32>,
        %get3A_104 = arith.constant 48 : index
        %get3A_105 = tpu.vector_load %arg9[%get3A_104] {strides = array<i32>} : memref<64xf32, #tpu.memory_space<vmem>>, vector<16xf32>,
        tpu.vector_store_idx %arg15[%get3A_103], %get3A_105 {add = true} : memref<10240xf32, #tpu.memory_space<vmem>>[vector<16xi32>], vector<16xf32>,
      } else {
      }
      %eq3A_72 = arith.constant 1 : i32
      %eq3A_73 = arith.cmpi eq, %rem3A_62, %eq3A_72 : i32
      %convert_element_type3A_74 = arith.extui %eq3A_73 : i1 to i32
      %cond3A_75 = arith.constant 0 : i32
      %cond3A_76 = arith.cmpi ne, %convert_element_type3A_74, %cond3A_75 : i32
      scf.if %cond3A_76 {
        %dma_wait3A = arith.constant 0 : i32
        %dma_wait3A_78 = tpu.memref_slice %arg4[%dma_wait3A] : memref<323584xi32, #tpu.memory_space<hbm>> -> memref<64xi32, #tpu.memory_space<hbm>>
        %dma_wait3A_79 = arith.constant 0 : i32
        %dma_wait3A_80 = tpu.memref_slice %arg4[%dma_wait3A_79] : memref<323584xi32, #tpu.memory_space<hbm>> -> memref<64xi32, #tpu.memory_space<hbm>>
        tpu.wait_dma2 semaphore(%arg19 : memref<!tpu.dma_semaphore, #tpu.memory_space<semaphore_mem>>) src(%dma_wait3A_80 : memref<64xi32, #tpu.memory_space<hbm>>) dst(%arg10 : memref<64xi32, #tpu.memory_space<vmem>>)
        %dma_wait3A_81 = arith.constant 0 : i32
        %dma_wait3A_82 = arith.constant 0 : i32
        %dma_wait3A_83 = tpu.memref_slice %arg2[%dma_wait3A_81, %dma_wait3A_82] : memref<159744x128xf32, #tpu.memory_space<hbm>> -> memref<64x128xf32, #tpu.memory_space<hbm>>
        %dma_wait3A_84 = arith.constant 0 : i32
        %dma_wait3A_85 = arith.constant 0 : i32
        %dma_wait3A_86 = tpu.memref_slice %arg2[%dma_wait3A_84, %dma_wait3A_85] : memref<159744x128xf32, #tpu.memory_space<hbm>> -> memref<64x128xf32, #tpu.memory_space<hbm>>
        tpu.wait_dma2 semaphore(%arg19 : memref<!tpu.dma_semaphore, #tpu.memory_space<semaphore_mem>>) src(%dma_wait3A_86 : memref<64x128xf32, #tpu.memory_space<hbm>>) dst(%arg11 : memref<64x128xf32, #tpu.memory_space<vmem>>)
        %dma_wait3A_87 = arith.constant 0 : i32
        %dma_wait3A_88 = tpu.memref_slice %arg3[%dma_wait3A_87] : memref<159744xf32, #tpu.memory_space<hbm>> -> memref<64xf32, #tpu.memory_space<hbm>>
        %dma_wait3A_89 = arith.constant 0 : i32
        %dma_wait3A_90 = tpu.memref_slice %arg3[%dma_wait3A_89] : memref<159744xf32, #tpu.memory_space<hbm>> -> memref<64xf32, #tpu.memory_space<hbm>>
        tpu.wait_dma2 semaphore(%arg19 : memref<!tpu.dma_semaphore, #tpu.memory_space<semaphore_mem>>) src(%dma_wait3A_90 : memref<64xf32, #tpu.memory_space<hbm>>) dst(%arg12 : memref<64xf32, #tpu.memory_space<vmem>>)
        "tpu.region"() ({
          %run_scoped3A = tpu.sem_alloc : memref<!tpu.dma_semaphore, #tpu.memory_space<semaphore_mem>>
          %dma_start3A_106 = arith.constant 0 : i32
          %dma_start3A_107 = arith.constant 0 : i32
          %dma_start3A_108 = tpu.memref_slice %arg16[%dma_start3A_106, %dma_start3A_107] : memref<10240x128xf32, #tpu.memory_space<vmem_shared>> -> memref<10240x128xf32, #tpu.memory_space<vmem_shared>>
          tpu.enqueue_indirect_dma source(%arg11 : memref<64x128xf32, #tpu.memory_space<vmem>>) target(%dma_start3A_108 : memref<10240x128xf32, #tpu.memory_space<vmem_shared>>) offsets(%arg10 : memref<64xi32, #tpu.memory_space<vmem>>) semaphore(%run_scoped3A : memref<!tpu.dma_semaphore, #tpu.memory_space<semaphore_mem>>) {add = true}
          %dma_wait3A_109 = arith.constant 0 : i32
          %dma_wait3A_110 = arith.constant 0 : i32
          %dma_wait3A_111 = tpu.memref_slice %arg16[%dma_wait3A_109, %dma_wait3A_110] : memref<10240x128xf32, #tpu.memory_space<vmem_shared>> -> memref<10240x128xf32, #tpu.memory_space<vmem_shared>>
          tpu.wait_indirect_dma semaphore(%run_scoped3A : memref<!tpu.dma_semaphore, #tpu.memory_space<semaphore_mem>>) src(%arg11 : memref<64x128xf32, #tpu.memory_space<vmem>>) dst(%dma_wait3A_111 : memref<10240x128xf32, #tpu.memory_space<vmem_shared>>)
          tpu.yield
        }) : () -> ()
        %get3A = arith.constant 0 : index
        %get3A_91 = tpu.vector_load %arg10[%get3A] {strides = array<i32>} : memref<64xi32, #tpu.memory_space<vmem>>, vector<16xi32>,
        %get3A_92 = arith.constant 0 : index
        %get3A_93 = tpu.vector_load %arg12[%get3A_92] {strides = array<i32>} : memref<64xf32, #tpu.memory_space<vmem>>, vector<16xf32>,
        tpu.vector_store_idx %arg15[%get3A_91], %get3A_93 {add = true} : memref<10240xf32, #tpu.memory_space<vmem>>[vector<16xi32>], vector<16xf32>,
        %get3A_94 = arith.constant 16 : index
        %get3A_95 = tpu.vector_load %arg10[%get3A_94] {strides = array<i32>} : memref<64xi32, #tpu.memory_space<vmem>>, vector<16xi32>,
        %get3A_96 = arith.constant 16 : index
        %get3A_97 = tpu.vector_load %arg12[%get3A_96] {strides = array<i32>} : memref<64xf32, #tpu.memory_space<vmem>>, vector<16xf32>,
        tpu.vector_store_idx %arg15[%get3A_95], %get3A_97 {add = true} : memref<10240xf32, #tpu.memory_space<vmem>>[vector<16xi32>], vector<16xf32>,
        %get3A_98 = arith.constant 32 : index
        %get3A_99 = tpu.vector_load %arg10[%get3A_98] {strides = array<i32>} : memref<64xi32, #tpu.memory_space<vmem>>, vector<16xi32>,
        %get3A_100 = arith.constant 32 : index
        %get3A_101 = tpu.vector_load %arg12[%get3A_100] {strides = array<i32>} : memref<64xf32, #tpu.memory_space<vmem>>, vector<16xf32>,
        tpu.vector_store_idx %arg15[%get3A_99], %get3A_101 {add = true} : memref<10240xf32, #tpu.memory_space<vmem>>[vector<16xi32>], vector<16xf32>,
        %get3A_102 = arith.constant 48 : index
        %get3A_103 = tpu.vector_load %arg10[%get3A_102] {strides = array<i32>} : memref<64xi32, #tpu.memory_space<vmem>>, vector<16xi32>,
        %get3A_104 = arith.constant 48 : index
        %get3A_105 = tpu.vector_load %arg12[%get3A_104] {strides = array<i32>} : memref<64xf32, #tpu.memory_space<vmem>>, vector<16xf32>,
        tpu.vector_store_idx %arg15[%get3A_103], %get3A_105 {add = true} : memref<10240xf32, #tpu.memory_space<vmem>>[vector<16xi32>], vector<16xf32>,
      } else {
      }
      %scan3A_77 = arith.constant 0 : i32
      scf.yield %scan3A_77 : i32
    }
    %scan3A_42 = arith.constant 78 : i32
    "tpu.region"() ({
      %run_scoped3A = tpu.sem_alloc : memref<!tpu.dma_semaphore, #tpu.memory_space<semaphore_mem>>
      %dma_start3A_60 = arith.constant 0 : i32
      %dma_start3A_61 = tpu.memref_slice %arg17[%arg1, %dma_start3A_60] : memref<16x10240xf32, #tpu.memory_space<vmem_shared>> -> memref<1x10240xf32, #tpu.memory_space<vmem_shared>>
      %dma_start3A_62 = tpu.memref_squeeze %dma_start3A_61 : memref<1x10240xf32, #tpu.memory_space<vmem_shared>> -> memref<10240xf32, #tpu.memory_space<vmem_shared>>
      %dma_start3A_63 = arith.constant 0 : i32
      %dma_start3A_64 = tpu.memref_slice %arg17[%arg1, %dma_start3A_63] : memref<16x10240xf32, #tpu.memory_space<vmem_shared>> -> memref<1x10240xf32, #tpu.memory_space<vmem_shared>>
      %dma_start3A_65 = tpu.memref_squeeze %dma_start3A_64 : memref<1x10240xf32, #tpu.memory_space<vmem_shared>> -> memref<10240xf32, #tpu.memory_space<vmem_shared>>
      tpu.enqueue_dma source(%arg15 : memref<10240xf32, #tpu.memory_space<vmem>>) target(%dma_start3A_65 : memref<10240xf32, #tpu.memory_space<vmem_shared>>) target_semaphore(%run_scoped3A : memref<!tpu.dma_semaphore, #tpu.memory_space<semaphore_mem>>)
      %dma_wait3A = arith.constant 0 : i32
      %dma_wait3A_66 = tpu.memref_slice %arg17[%arg1, %dma_wait3A] : memref<16x10240xf32, #tpu.memory_space<vmem_shared>> -> memref<1x10240xf32, #tpu.memory_space<vmem_shared>>
      %dma_wait3A_67 = tpu.memref_squeeze %dma_wait3A_66 : memref<1x10240xf32, #tpu.memory_space<vmem_shared>> -> memref<10240xf32, #tpu.memory_space<vmem_shared>>
      %dma_wait3A_68 = arith.constant 0 : i32
      %dma_wait3A_69 = tpu.memref_slice %arg17[%arg1, %dma_wait3A_68] : memref<16x10240xf32, #tpu.memory_space<vmem_shared>> -> memref<1x10240xf32, #tpu.memory_space<vmem_shared>>
      %dma_wait3A_70 = tpu.memref_squeeze %dma_wait3A_69 : memref<1x10240xf32, #tpu.memory_space<vmem_shared>> -> memref<10240xf32, #tpu.memory_space<vmem_shared>>
      tpu.wait_dma2 semaphore(%run_scoped3A : memref<!tpu.dma_semaphore, #tpu.memory_space<semaphore_mem>>) src(%arg15 : memref<10240xf32, #tpu.memory_space<vmem>>) dst(%dma_wait3A_70 : memref<10240xf32, #tpu.memory_space<vmem_shared>>)
      tpu.yield
    }) : () -> ()
    %barrier3A_43 = arith.constant 0 : index
    tpu.barrier barrier_id(%barrier3A_43)
    %scan3A_44 = arith.constant 0 : i32
    %scan3A_45 = arith.constant 0 : i32
    %scan3A_46 = arith.constant 40 : i32
    %scan3A_47 = arith.addi %scan3A_45, %scan3A_46 : i32
    %scan3A_48 = arith.constant 1 : i32
    %scan3A_49 = scf.for %scan3A_60 = %scan3A_45 to %scan3A_47 step %scan3A_48 iter_args(%scan3A_61 = %scan3A_44) -> (i32)  : i32 {
      %broadcast_in_dim3A = arith.constant 0.000000e+00 : f32
      %broadcast_in_dim3A_62 = vector.broadcast %broadcast_in_dim3A : f32 to vector<16xf32>
      %mul3A_63 = arith.constant 16 : i32
      %mul3A_64 = arith.muli %scan3A_60, %mul3A_63 : i32
      %swap3A = arith.index_cast %mul3A_64 : i32 to index
      %swap3A_65 = tpu.vector_load %arg14[%swap3A] {strides = array<i32>} : memref<640xf32, #tpu.memory_space<vmem>>, vector<16xf32>,
      tpu.vector_store %arg14[%swap3A], %broadcast_in_dim3A_62 {strides = array<i32>} : memref<640xf32, #tpu.memory_space<vmem>>, vector<16xf32>,
      %scan3A_66 = arith.constant 0 : i32
      scf.yield %scan3A_66 : i32
    }
    %scan3A_50 = arith.constant 40 : i32
    %scan3A_51 = arith.constant 0 : i32
    %scan3A_52 = arith.constant 0 : i32
    %scan3A_53 = arith.constant 16 : i32
    %scan3A_54 = arith.addi %scan3A_52, %scan3A_53 : i32
    %scan3A_55 = arith.constant 1 : i32
    %scan3A_56 = scf.for %scan3A_60 = %scan3A_52 to %scan3A_54 step %scan3A_55 iter_args(%scan3A_61 = %scan3A_51) -> (i32)  : i32 {
      %mul3A_62 = arith.constant 640 : i32
      %mul3A_63 = arith.muli %arg1, %mul3A_62 : i32
      "tpu.region"() ({
        %run_scoped3A = tpu.sem_alloc : memref<!tpu.dma_semaphore, #tpu.memory_space<semaphore_mem>>
        %dma_start3A_72 = tpu.memref_slice %arg17[%scan3A_60, %mul3A_63] : memref<16x10240xf32, #tpu.memory_space<vmem_shared>> -> memref<1x640xf32, #tpu.memory_space<vmem_shared>>
        %dma_start3A_73 = tpu.memref_squeeze %dma_start3A_72 : memref<1x640xf32, #tpu.memory_space<vmem_shared>> -> memref<640xf32, #tpu.memory_space<vmem_shared>>
        %dma_start3A_74 = tpu.memref_slice %arg17[%scan3A_60, %mul3A_63] : memref<16x10240xf32, #tpu.memory_space<vmem_shared>> -> memref<1x640xf32, #tpu.memory_space<vmem_shared>>
        %dma_start3A_75 = tpu.memref_squeeze %dma_start3A_74 : memref<1x640xf32, #tpu.memory_space<vmem_shared>> -> memref<640xf32, #tpu.memory_space<vmem_shared>>
        tpu.enqueue_dma source(%dma_start3A_75 : memref<640xf32, #tpu.memory_space<vmem_shared>>) target(%arg13 : memref<640xf32, #tpu.memory_space<vmem>>) target_semaphore(%run_scoped3A : memref<!tpu.dma_semaphore, #tpu.memory_space<semaphore_mem>>)
        %dma_wait3A = tpu.memref_slice %arg17[%scan3A_60, %mul3A_63] : memref<16x10240xf32, #tpu.memory_space<vmem_shared>> -> memref<1x640xf32, #tpu.memory_space<vmem_shared>>
        %dma_wait3A_76 = tpu.memref_squeeze %dma_wait3A : memref<1x640xf32, #tpu.memory_space<vmem_shared>> -> memref<640xf32, #tpu.memory_space<vmem_shared>>
        %dma_wait3A_77 = tpu.memref_slice %arg17[%scan3A_60, %mul3A_63] : memref<16x10240xf32, #tpu.memory_space<vmem_shared>> -> memref<1x640xf32, #tpu.memory_space<vmem_shared>>
        %dma_wait3A_78 = tpu.memref_squeeze %dma_wait3A_77 : memref<1x640xf32, #tpu.memory_space<vmem_shared>> -> memref<640xf32, #tpu.memory_space<vmem_shared>>
        tpu.wait_dma2 semaphore(%run_scoped3A : memref<!tpu.dma_semaphore, #tpu.memory_space<semaphore_mem>>) src(%dma_wait3A_78 : memref<640xf32, #tpu.memory_space<vmem_shared>>) dst(%arg13 : memref<640xf32, #tpu.memory_space<vmem>>)
        tpu.yield
      }) : () -> ()
      %scan3A_64 = arith.constant 0 : i32
      %scan3A_65 = arith.constant 0 : i32
      %scan3A_66 = arith.constant 40 : i32
      %scan3A_67 = arith.addi %scan3A_65, %scan3A_66 : i32
      %scan3A_68 = arith.constant 1 : i32
      %scan3A_69 = scf.for %scan3A_72 = %scan3A_65 to %scan3A_67 step %scan3A_68 iter_args(%scan3A_73 = %scan3A_64) -> (i32)  : i32 {
        %mul3A_74 = arith.constant 16 : i32
        %mul3A_75 = arith.muli %scan3A_72, %mul3A_74 : i32
        %get3A = arith.index_cast %mul3A_75 : i32 to index
        %get3A_76 = tpu.vector_load %arg14[%get3A] {strides = array<i32>} : memref<640xf32, #tpu.memory_space<vmem>>, vector<16xf32>,
        %mul3A_77 = arith.constant 16 : i32
        %mul3A_78 = arith.muli %scan3A_72, %mul3A_77 : i32
        %get3A_79 = arith.index_cast %mul3A_78 : i32 to index
        %get3A_80 = tpu.vector_load %arg13[%get3A_79] {strides = array<i32>} : memref<640xf32, #tpu.memory_space<vmem>>, vector<16xf32>,
        %add3A_81 = arith.addf %get3A_76, %get3A_80 : vector<16xf32>
        %mul3A_82 = arith.constant 16 : i32
        %mul3A_83 = arith.muli %scan3A_72, %mul3A_82 : i32
        %swap3A = arith.index_cast %mul3A_83 : i32 to index
        %swap3A_84 = tpu.vector_load %arg14[%swap3A] {strides = array<i32>} : memref<640xf32, #tpu.memory_space<vmem>>, vector<16xf32>,
        tpu.vector_store %arg14[%swap3A], %add3A_81 {strides = array<i32>} : memref<640xf32, #tpu.memory_space<vmem>>, vector<16xf32>,
        %scan3A_85 = arith.constant 0 : i32
        scf.yield %scan3A_85 : i32
      }
      %scan3A_70 = arith.constant 40 : i32
      %scan3A_71 = arith.constant 0 : i32
      scf.yield %scan3A_71 : i32
    }
    %scan3A_57 = arith.constant 16 : i32
    %mul3A_58 = arith.constant 640 : i32
    %mul3A_59 = arith.muli %arg1, %mul3A_58 : i32
    "tpu.region"() ({
      %run_scoped3A = tpu.sem_alloc : memref<!tpu.dma_semaphore, #tpu.memory_space<semaphore_mem>>
      %dma_start3A_60 = arith.constant 0 : i32
      %dma_start3A_61 = tpu.memref_slice %arg5[%arg0, %mul3A_59, %dma_start3A_60] : memref<2x10240x128xf32, #tpu.memory_space<hbm>> -> memref<1x640x128xf32, #tpu.memory_space<hbm>>
      %dma_start3A_62 = tpu.memref_squeeze %dma_start3A_61 : memref<1x640x128xf32, #tpu.memory_space<hbm>> -> memref<640x128xf32, #tpu.memory_space<hbm>>
      %dma_start3A_63 = arith.constant 0 : i32
      %dma_start3A_64 = tpu.memref_slice %arg16[%mul3A_59, %dma_start3A_63] : memref<10240x128xf32, #tpu.memory_space<vmem_shared>> -> memref<640x128xf32, #tpu.memory_space<vmem_shared>>
      tpu.enqueue_dma source(%dma_start3A_64 : memref<640x128xf32, #tpu.memory_space<vmem_shared>>) target(%dma_start3A_62 : memref<640x128xf32, #tpu.memory_space<hbm>>) target_semaphore(%run_scoped3A : memref<!tpu.dma_semaphore, #tpu.memory_space<semaphore_mem>>)
      %dma_wait3A = arith.constant 0 : i32
      %dma_wait3A_65 = tpu.memref_slice %arg5[%arg0, %mul3A_59, %dma_wait3A] : memref<2x10240x128xf32, #tpu.memory_space<hbm>> -> memref<1x640x128xf32, #tpu.memory_space<hbm>>
      %dma_wait3A_66 = tpu.memref_squeeze %dma_wait3A_65 : memref<1x640x128xf32, #tpu.memory_space<hbm>> -> memref<640x128xf32, #tpu.memory_space<hbm>>
      %dma_wait3A_67 = arith.constant 0 : i32
      %dma_wait3A_68 = tpu.memref_slice %arg16[%mul3A_59, %dma_wait3A_67] : memref<10240x128xf32, #tpu.memory_space<vmem_shared>> -> memref<640x128xf32, #tpu.memory_space<vmem_shared>>
      tpu.wait_dma2 semaphore(%run_scoped3A : memref<!tpu.dma_semaphore, #tpu.memory_space<semaphore_mem>>) src(%dma_wait3A_68 : memref<640x128xf32, #tpu.memory_space<vmem_shared>>) dst(%dma_wait3A_66 : memref<640x128xf32, #tpu.memory_space<hbm>>)
      tpu.yield
    }) : () -> ()
    "tpu.region"() ({
      %run_scoped3A = tpu.sem_alloc : memref<!tpu.dma_semaphore, #tpu.memory_space<semaphore_mem>>
      %dma_start3A_60 = tpu.memref_slice %arg6[%arg0, %mul3A_59] : memref<2x10240xf32, #tpu.memory_space<hbm>> -> memref<1x640xf32, #tpu.memory_space<hbm>>
      %dma_start3A_61 = tpu.memref_squeeze %dma_start3A_60 : memref<1x640xf32, #tpu.memory_space<hbm>> -> memref<640xf32, #tpu.memory_space<hbm>>
      %dma_start3A_62 = tpu.memref_slice %arg6[%arg0, %mul3A_59] : memref<2x10240xf32, #tpu.memory_space<hbm>> -> memref<1x640xf32, #tpu.memory_space<hbm>>
      %dma_start3A_63 = tpu.memref_squeeze %dma_start3A_62 : memref<1x640xf32, #tpu.memory_space<hbm>> -> memref<640xf32, #tpu.memory_space<hbm>>
      tpu.enqueue_dma source(%arg14 : memref<640xf32, #tpu.memory_space<vmem>>) target(%dma_start3A_63 : memref<640xf32, #tpu.memory_space<hbm>>) target_semaphore(%run_scoped3A : memref<!tpu.dma_semaphore, #tpu.memory_space<semaphore_mem>>)
      %dma_wait3A = tpu.memref_slice %arg6[%arg0, %mul3A_59] : memref<2x10240xf32, #tpu.memory_space<hbm>> -> memref<1x640xf32, #tpu.memory_space<hbm>>
      %dma_wait3A_64 = tpu.memref_squeeze %dma_wait3A : memref<1x640xf32, #tpu.memory_space<hbm>> -> memref<640xf32, #tpu.memory_space<hbm>>
      %dma_wait3A_65 = tpu.memref_slice %arg6[%arg0, %mul3A_59] : memref<2x10240xf32, #tpu.memory_space<hbm>> -> memref<1x640xf32, #tpu.memory_space<hbm>>
      %dma_wait3A_66 = tpu.memref_squeeze %dma_wait3A_65 : memref<1x640xf32, #tpu.memory_space<hbm>> -> memref<640xf32, #tpu.memory_space<hbm>>
      tpu.wait_dma2 semaphore(%run_scoped3A : memref<!tpu.dma_semaphore, #tpu.memory_space<semaphore_mem>>) src(%arg14 : memref<640xf32, #tpu.memory_space<vmem>>) dst(%dma_wait3A_66 : memref<640xf32, #tpu.memory_space<hbm>>)
      tpu.yield
    }) : () -> ()
    return
  }
}

#map = affine_map<(d0, d1) -> (0, 0)>
#map1 = affine_map<(d0, d1) -> (0)>
#map2 = affine_map<(d0, d1) -> (0, 0, 0)>
module attributes {stable_mosaic.version = 14 : i64} {
  func.func @_scatter_body(%arg0: i32, %arg1: i32, %arg2: memref<163840x128xf32, #tpu.memory_space<hbm>>, %arg3: memref<163840xf32, #tpu.memory_space<hbm>>, %arg4: memref<323584xi32, #tpu.memory_space<hbm>>, %arg5: memref<2x10240x128xf32, #tpu.memory_space<hbm>>, %arg6: memref<2x10240xf32, #tpu.memory_space<hbm>>, %arg7: memref<64xi32, #tpu.memory_space<vmem>>, %arg8: memref<64x128xf32, #tpu.memory_space<vmem>>, %arg9: memref<64xf32, #tpu.memory_space<vmem>>, %arg10: memref<64xi32, #tpu.memory_space<vmem>>, %arg11: memref<64x128xf32, #tpu.memory_space<vmem>>, %arg12: memref<64xf32, #tpu.memory_space<vmem>>, %arg13: memref<640xf32, #tpu.memory_space<vmem>>, %arg14: memref<640xf32, #tpu.memory_space<vmem>>, %arg15: memref<10240xf32, #tpu.memory_space<vmem>>, %arg16: memref<10240x128xf32, #tpu.memory_space<vmem_shared>>, %arg17: memref<16x10240xf32, #tpu.memory_space<vmem_shared>>, %arg18: memref<!tpu.dma_semaphore, #tpu.memory_space<semaphore_mem>>, %arg19: memref<!tpu.dma_semaphore, #tpu.memory_space<semaphore_mem>>) attributes {dimension_semantics = [#tpu.dimension_semantics<core_parallel>, #tpu.dimension_semantics<subcore_parallel>], iteration_bounds = array<i64: 2, 16>, scalar_prefetch = 0 : i64, scratch_operands = 13 : i64, tpu.core_type = #tpu.core_type<sc_vector_subcore>, window_params = [{transform_indices = #map}, {transform_indices = #map1}, {transform_indices = #map1}, {transform_indices = #map2}, {transform_indices = #map}]} {
    %mul3A = arith.constant 2 : i32
    %mul3A_0 = arith.muli %arg1, %mul3A : i32
    %add3A = arith.addi %mul3A_0, %arg0 : i32
    %scan3A = arith.constant 0 : i32
    %scan3A_1 = arith.constant 0 : i32
    %scan3A_2 = arith.constant 64 : i32
    %scan3A_3 = arith.addi %scan3A_1, %scan3A_2 : i32
    %scan3A_4 = arith.constant 1 : i32
    %scan3A_5 = scf.for %scan3A_60 = %scan3A_1 to %scan3A_3 step %scan3A_4 iter_args(%scan3A_61 = %scan3A) -> (i32)  : i32 {
      %broadcast_in_dim3A = arith.constant 0.000000e+00 : f32
      %broadcast_in_dim3A_62 = vector.broadcast %broadcast_in_dim3A : f32 to vector<16xf32>
      %swap3A = arith.index_cast %scan3A_60 : i32 to index
      %swap3A_63 = arith.constant 0 : index
      %swap3A_64 = tpu.vector_load %arg8[%swap3A, %swap3A_63] {strides = array<i32>} : memref<64x128xf32, #tpu.memory_space<vmem>>, vector<16xf32>,
      tpu.vector_store %arg8[%swap3A, %swap3A_63], %broadcast_in_dim3A_62 {strides = array<i32>} : memref<64x128xf32, #tpu.memory_space<vmem>>, vector<16xf32>,
      %broadcast_in_dim3A_65 = arith.constant 0.000000e+00 : f32
      %broadcast_in_dim3A_66 = vector.broadcast %broadcast_in_dim3A_65 : f32 to vector<16xf32>
      %swap3A_67 = arith.index_cast %scan3A_60 : i32 to index
      %swap3A_68 = arith.constant 16 : index
      %swap3A_69 = tpu.vector_load %arg8[%swap3A_67, %swap3A_68] {strides = array<i32>} : memref<64x128xf32, #tpu.memory_space<vmem>>, vector<16xf32>,
      tpu.vector_store %arg8[%swap3A_67, %swap3A_68], %broadcast_in_dim3A_66 {strides = array<i32>} : memref<64x128xf32, #tpu.memory_space<vmem>>, vector<16xf32>,
      %broadcast_in_dim3A_70 = arith.constant 0.000000e+00 : f32
      %broadcast_in_dim3A_71 = vector.broadcast %broadcast_in_dim3A_70 : f32 to vector<16xf32>
      %swap3A_72 = arith.index_cast %scan3A_60 : i32 to index
      %swap3A_73 = arith.constant 32 : index
      %swap3A_74 = tpu.vector_load %arg8[%swap3A_72, %swap3A_73] {strides = array<i32>} : memref<64x128xf32, #tpu.memory_space<vmem>>, vector<16xf32>,
      tpu.vector_store %arg8[%swap3A_72, %swap3A_73], %broadcast_in_dim3A_71 {strides = array<i32>} : memref<64x128xf32, #tpu.memory_space<vmem>>, vector<16xf32>,
      %broadcast_in_dim3A_75 = arith.constant 0.000000e+00 : f32
      %broadcast_in_dim3A_76 = vector.broadcast %broadcast_in_dim3A_75 : f32 to vector<16xf32>
      %swap3A_77 = arith.index_cast %scan3A_60 : i32 to index
      %swap3A_78 = arith.constant 48 : index
      %swap3A_79 = tpu.vector_load %arg8[%swap3A_77, %swap3A_78] {strides = array<i32>} : memref<64x128xf32, #tpu.memory_space<vmem>>, vector<16xf32>,
      tpu.vector_store %arg8[%swap3A_77, %swap3A_78], %broadcast_in_dim3A_76 {strides = array<i32>} : memref<64x128xf32, #tpu.memory_space<vmem>>, vector<16xf32>,
      %broadcast_in_dim3A_80 = arith.constant 0.000000e+00 : f32
      %broadcast_in_dim3A_81 = vector.broadcast %broadcast_in_dim3A_80 : f32 to vector<16xf32>
      %swap3A_82 = arith.index_cast %scan3A_60 : i32 to index
      %swap3A_83 = arith.constant 64 : index
      %swap3A_84 = tpu.vector_load %arg8[%swap3A_82, %swap3A_83] {strides = array<i32>} : memref<64x128xf32, #tpu.memory_space<vmem>>, vector<16xf32>,
      tpu.vector_store %arg8[%swap3A_82, %swap3A_83], %broadcast_in_dim3A_81 {strides = array<i32>} : memref<64x128xf32, #tpu.memory_space<vmem>>, vector<16xf32>,
      %broadcast_in_dim3A_85 = arith.constant 0.000000e+00 : f32
      %broadcast_in_dim3A_86 = vector.broadcast %broadcast_in_dim3A_85 : f32 to vector<16xf32>
      %swap3A_87 = arith.index_cast %scan3A_60 : i32 to index
      %swap3A_88 = arith.constant 80 : index
      %swap3A_89 = tpu.vector_load %arg8[%swap3A_87, %swap3A_88] {strides = array<i32>} : memref<64x128xf32, #tpu.memory_space<vmem>>, vector<16xf32>,
      tpu.vector_store %arg8[%swap3A_87, %swap3A_88], %broadcast_in_dim3A_86 {strides = array<i32>} : memref<64x128xf32, #tpu.memory_space<vmem>>, vector<16xf32>,
      %broadcast_in_dim3A_90 = arith.constant 0.000000e+00 : f32
      %broadcast_in_dim3A_91 = vector.broadcast %broadcast_in_dim3A_90 : f32 to vector<16xf32>
      %swap3A_92 = arith.index_cast %scan3A_60 : i32 to index
      %swap3A_93 = arith.constant 96 : index
      %swap3A_94 = tpu.vector_load %arg8[%swap3A_92, %swap3A_93] {strides = array<i32>} : memref<64x128xf32, #tpu.memory_space<vmem>>, vector<16xf32>,
      tpu.vector_store %arg8[%swap3A_92, %swap3A_93], %broadcast_in_dim3A_91 {strides = array<i32>} : memref<64x128xf32, #tpu.memory_space<vmem>>, vector<16xf32>,
      %broadcast_in_dim3A_95 = arith.constant 0.000000e+00 : f32
      %broadcast_in_dim3A_96 = vector.broadcast %broadcast_in_dim3A_95 : f32 to vector<16xf32>
      %swap3A_97 = arith.index_cast %scan3A_60 : i32 to index
      %swap3A_98 = arith.constant 112 : index
      %swap3A_99 = tpu.vector_load %arg8[%swap3A_97, %swap3A_98] {strides = array<i32>} : memref<64x128xf32, #tpu.memory_space<vmem>>, vector<16xf32>,
      tpu.vector_store %arg8[%swap3A_97, %swap3A_98], %broadcast_in_dim3A_96 {strides = array<i32>} : memref<64x128xf32, #tpu.memory_space<vmem>>, vector<16xf32>,
      %scan3A_100 = arith.constant 0 : i32
      scf.yield %scan3A_100 : i32
    }
    %scan3A_6 = arith.constant 64 : i32
    %scan3A_7 = arith.constant 0 : i32
    %scan3A_8 = arith.constant 0 : i32
    %scan3A_9 = arith.constant 10 : i32
    %scan3A_10 = arith.addi %scan3A_8, %scan3A_9 : i32
    %scan3A_11 = arith.constant 1 : i32
    %scan3A_12 = scf.for %scan3A_60 = %scan3A_8 to %scan3A_10 step %scan3A_11 iter_args(%scan3A_61 = %scan3A_7) -> (i32)  : i32 {
      %mul3A_62 = arith.constant 640 : i32
      %mul3A_63 = arith.muli %arg1, %mul3A_62 : i32
      %mul3A_64 = arith.constant 64 : i32
      %mul3A_65 = arith.muli %scan3A_60, %mul3A_64 : i32
      %add3A_66 = arith.addi %mul3A_63, %mul3A_65 : i32
      "tpu.region"() ({
        %run_scoped3A = tpu.sem_alloc : memref<!tpu.dma_semaphore, #tpu.memory_space<semaphore_mem>>
        %dma_start3A_68 = arith.constant 0 : i32
        %dma_start3A_69 = tpu.memref_slice %arg16[%add3A_66, %dma_start3A_68] : memref<10240x128xf32, #tpu.memory_space<vmem_shared>> -> memref<64x128xf32, #tpu.memory_space<vmem_shared>>
        %dma_start3A_70 = arith.constant 0 : i32
        %dma_start3A_71 = tpu.memref_slice %arg16[%add3A_66, %dma_start3A_70] : memref<10240x128xf32, #tpu.memory_space<vmem_shared>> -> memref<64x128xf32, #tpu.memory_space<vmem_shared>>
        tpu.enqueue_dma source(%arg8 : memref<64x128xf32, #tpu.memory_space<vmem>>) target(%dma_start3A_71 : memref<64x128xf32, #tpu.memory_space<vmem_shared>>) target_semaphore(%run_scoped3A : memref<!tpu.dma_semaphore, #tpu.memory_space<semaphore_mem>>)
        %dma_wait3A = arith.constant 0 : i32
        %dma_wait3A_72 = tpu.memref_slice %arg16[%add3A_66, %dma_wait3A] : memref<10240x128xf32, #tpu.memory_space<vmem_shared>> -> memref<64x128xf32, #tpu.memory_space<vmem_shared>>
        %dma_wait3A_73 = arith.constant 0 : i32
        %dma_wait3A_74 = tpu.memref_slice %arg16[%add3A_66, %dma_wait3A_73] : memref<10240x128xf32, #tpu.memory_space<vmem_shared>> -> memref<64x128xf32, #tpu.memory_space<vmem_shared>>
        tpu.wait_dma2 semaphore(%run_scoped3A : memref<!tpu.dma_semaphore, #tpu.memory_space<semaphore_mem>>) src(%arg8 : memref<64x128xf32, #tpu.memory_space<vmem>>) dst(%dma_wait3A_74 : memref<64x128xf32, #tpu.memory_space<vmem_shared>>)
        tpu.yield
      }) : () -> ()
      %scan3A_67 = arith.constant 0 : i32
      scf.yield %scan3A_67 : i32
    }
    %scan3A_13 = arith.constant 10 : i32
    %scan3A_14 = arith.constant 0 : i32
    %scan3A_15 = arith.constant 0 : i32
    %scan3A_16 = arith.constant 640 : i32
    %scan3A_17 = arith.addi %scan3A_15, %scan3A_16 : i32
    %scan3A_18 = arith.constant 1 : i32
    %scan3A_19 = scf.for %scan3A_60 = %scan3A_15 to %scan3A_17 step %scan3A_18 iter_args(%scan3A_61 = %scan3A_14) -> (i32)  : i32 {
      %broadcast_in_dim3A = arith.constant 0.000000e+00 : f32
      %broadcast_in_dim3A_62 = vector.broadcast %broadcast_in_dim3A : f32 to vector<16xf32>
      %mul3A_63 = arith.constant 16 : i32
      %mul3A_64 = arith.muli %scan3A_60, %mul3A_63 : i32
      %swap3A = arith.index_cast %mul3A_64 : i32 to index
      %swap3A_65 = tpu.vector_load %arg15[%swap3A] {strides = array<i32>} : memref<10240xf32, #tpu.memory_space<vmem>>, vector<16xf32>,
      tpu.vector_store %arg15[%swap3A], %broadcast_in_dim3A_62 {strides = array<i32>} : memref<10240xf32, #tpu.memory_space<vmem>>, vector<16xf32>,
      %scan3A_66 = arith.constant 0 : i32
      scf.yield %scan3A_66 : i32
    }
    %scan3A_20 = arith.constant 640 : i32
    %barrier3A = arith.constant 0 : index
    tpu.barrier barrier_id(%barrier3A)
    %mul3A_21 = arith.constant 80 : i32
    %mul3A_22 = arith.muli %add3A, %mul3A_21 : i32
    %add3A_23 = arith.constant 0 : i32
    %add3A_24 = arith.addi %mul3A_22, %add3A_23 : i32
    %mul3A_25 = arith.constant 64 : i32
    %mul3A_26 = arith.muli %add3A_24, %mul3A_25 : i32
    %add3A_27 = arith.constant 0 : i32
    %add3A_28 = arith.addi %add3A_27, %mul3A_26 : i32
    %dma_start3A = tpu.memref_slice %arg4[%add3A_28] : memref<323584xi32, #tpu.memory_space<hbm>> -> memref<64xi32, #tpu.memory_space<hbm>>
    %dma_start3A_29 = tpu.memref_slice %arg4[%add3A_28] : memref<323584xi32, #tpu.memory_space<hbm>> -> memref<64xi32, #tpu.memory_space<hbm>>
    tpu.enqueue_dma source(%dma_start3A_29 : memref<64xi32, #tpu.memory_space<hbm>>) target(%arg7 : memref<64xi32, #tpu.memory_space<vmem>>) target_semaphore(%arg18 : memref<!tpu.dma_semaphore, #tpu.memory_space<semaphore_mem>>)
    %dma_start3A_30 = arith.constant 0 : i32
    %dma_start3A_31 = tpu.memref_slice %arg2[%mul3A_26, %dma_start3A_30] : memref<163840x128xf32, #tpu.memory_space<hbm>> -> memref<64x128xf32, #tpu.memory_space<hbm>>
    %dma_start3A_32 = arith.constant 0 : i32
    %dma_start3A_33 = tpu.memref_slice %arg2[%mul3A_26, %dma_start3A_32] : memref<163840x128xf32, #tpu.memory_space<hbm>> -> memref<64x128xf32, #tpu.memory_space<hbm>>
    tpu.enqueue_dma source(%dma_start3A_33 : memref<64x128xf32, #tpu.memory_space<hbm>>) target(%arg8 : memref<64x128xf32, #tpu.memory_space<vmem>>) target_semaphore(%arg18 : memref<!tpu.dma_semaphore, #tpu.memory_space<semaphore_mem>>)
    %dma_start3A_34 = tpu.memref_slice %arg3[%mul3A_26] : memref<163840xf32, #tpu.memory_space<hbm>> -> memref<64xf32, #tpu.memory_space<hbm>>
    %dma_start3A_35 = tpu.memref_slice %arg3[%mul3A_26] : memref<163840xf32, #tpu.memory_space<hbm>> -> memref<64xf32, #tpu.memory_space<hbm>>
    tpu.enqueue_dma source(%dma_start3A_35 : memref<64xf32, #tpu.memory_space<hbm>>) target(%arg9 : memref<64xf32, #tpu.memory_space<vmem>>) target_semaphore(%arg18 : memref<!tpu.dma_semaphore, #tpu.memory_space<semaphore_mem>>)
    %scan3A_36 = arith.constant 0 : i32
    %scan3A_37 = arith.constant 0 : i32
    %scan3A_38 = arith.constant 80 : i32
    %scan3A_39 = arith.addi %scan3A_37, %scan3A_38 : i32
    %scan3A_40 = arith.constant 1 : i32
    %scan3A_41 = scf.for %scan3A_60 = %scan3A_37 to %scan3A_39 step %scan3A_40 iter_args(%scan3A_61 = %scan3A_36) -> (i32)  : i32 {
      %rem3A = arith.constant 2 : i32
      %rem3A_62 = arith.remsi %scan3A_60, %rem3A : i32
      %sub3A = arith.constant 1 : i32
      %sub3A_63 = arith.subi %sub3A, %rem3A_62 : i32
      %add3A_64 = arith.constant 1 : i32
      %add3A_65 = arith.addi %scan3A_60, %add3A_64 : i32
      %lt3A = arith.constant 80 : i32
      %lt3A_66 = arith.cmpi slt, %add3A_65, %lt3A : i32
      %convert_element_type3A = arith.extui %lt3A_66 : i1 to i32
      %cond3A = arith.constant 0 : i32
      %cond3A_67 = arith.cmpi ne, %convert_element_type3A, %cond3A : i32
      scf.if %cond3A_67 {
        %eq3A_78 = arith.constant 0 : i32
        %eq3A_79 = arith.cmpi eq, %sub3A_63, %eq3A_78 : i32
        %convert_element_type3A_80 = arith.extui %eq3A_79 : i1 to i32
        %cond3A_81 = arith.constant 0 : i32
        %cond3A_82 = arith.cmpi ne, %convert_element_type3A_80, %cond3A_81 : i32
        scf.if %cond3A_82 {
          %add3A_88 = arith.constant 1 : i32
          %add3A_89 = arith.addi %scan3A_60, %add3A_88 : i32
          %mul3A_90 = arith.constant 80 : i32
          %mul3A_91 = arith.muli %add3A, %mul3A_90 : i32
          %add3A_92 = arith.addi %mul3A_91, %add3A_89 : i32
          %mul3A_93 = arith.constant 64 : i32
          %mul3A_94 = arith.muli %add3A_92, %mul3A_93 : i32
          %add3A_95 = arith.constant 0 : i32
          %add3A_96 = arith.addi %add3A_95, %mul3A_94 : i32
          %dma_start3A_97 = tpu.memref_slice %arg4[%add3A_96] : memref<323584xi32, #tpu.memory_space<hbm>> -> memref<64xi32, #tpu.memory_space<hbm>>
          %dma_start3A_98 = tpu.memref_slice %arg4[%add3A_96] : memref<323584xi32, #tpu.memory_space<hbm>> -> memref<64xi32, #tpu.memory_space<hbm>>
          tpu.enqueue_dma source(%dma_start3A_98 : memref<64xi32, #tpu.memory_space<hbm>>) target(%arg7 : memref<64xi32, #tpu.memory_space<vmem>>) target_semaphore(%arg18 : memref<!tpu.dma_semaphore, #tpu.memory_space<semaphore_mem>>)
          %dma_start3A_99 = arith.constant 0 : i32
          %dma_start3A_100 = tpu.memref_slice %arg2[%mul3A_94, %dma_start3A_99] : memref<163840x128xf32, #tpu.memory_space<hbm>> -> memref<64x128xf32, #tpu.memory_space<hbm>>
          %dma_start3A_101 = arith.constant 0 : i32
          %dma_start3A_102 = tpu.memref_slice %arg2[%mul3A_94, %dma_start3A_101] : memref<163840x128xf32, #tpu.memory_space<hbm>> -> memref<64x128xf32, #tpu.memory_space<hbm>>
          tpu.enqueue_dma source(%dma_start3A_102 : memref<64x128xf32, #tpu.memory_space<hbm>>) target(%arg8 : memref<64x128xf32, #tpu.memory_space<vmem>>) target_semaphore(%arg18 : memref<!tpu.dma_semaphore, #tpu.memory_space<semaphore_mem>>)
          %dma_start3A_103 = tpu.memref_slice %arg3[%mul3A_94] : memref<163840xf32, #tpu.memory_space<hbm>> -> memref<64xf32, #tpu.memory_space<hbm>>
          %dma_start3A_104 = tpu.memref_slice %arg3[%mul3A_94] : memref<163840xf32, #tpu.memory_space<hbm>> -> memref<64xf32, #tpu.memory_space<hbm>>
          tpu.enqueue_dma source(%dma_start3A_104 : memref<64xf32, #tpu.memory_space<hbm>>) target(%arg9 : memref<64xf32, #tpu.memory_space<vmem>>) target_semaphore(%arg18 : memref<!tpu.dma_semaphore, #tpu.memory_space<semaphore_mem>>)
        } else {
        }
        %eq3A_83 = arith.constant 1 : i32
        %eq3A_84 = arith.cmpi eq, %sub3A_63, %eq3A_83 : i32
        %convert_element_type3A_85 = arith.extui %eq3A_84 : i1 to i32
        %cond3A_86 = arith.constant 0 : i32
        %cond3A_87 = arith.cmpi ne, %convert_element_type3A_85, %cond3A_86 : i32
        scf.if %cond3A_87 {
          %add3A_88 = arith.constant 1 : i32
          %add3A_89 = arith.addi %scan3A_60, %add3A_88 : i32
          %mul3A_90 = arith.constant 80 : i32
          %mul3A_91 = arith.muli %add3A, %mul3A_90 : i32
          %add3A_92 = arith.addi %mul3A_91, %add3A_89 : i32
          %mul3A_93 = arith.constant 64 : i32
          %mul3A_94 = arith.muli %add3A_92, %mul3A_93 : i32
          %add3A_95 = arith.constant 0 : i32
          %add3A_96 = arith.addi %add3A_95, %mul3A_94 : i32
          %dma_start3A_97 = tpu.memref_slice %arg4[%add3A_96] : memref<323584xi32, #tpu.memory_space<hbm>> -> memref<64xi32, #tpu.memory_space<hbm>>
          %dma_start3A_98 = tpu.memref_slice %arg4[%add3A_96] : memref<323584xi32, #tpu.memory_space<hbm>> -> memref<64xi32, #tpu.memory_space<hbm>>
          tpu.enqueue_dma source(%dma_start3A_98 : memref<64xi32, #tpu.memory_space<hbm>>) target(%arg10 : memref<64xi32, #tpu.memory_space<vmem>>) target_semaphore(%arg19 : memref<!tpu.dma_semaphore, #tpu.memory_space<semaphore_mem>>)
          %dma_start3A_99 = arith.constant 0 : i32
          %dma_start3A_100 = tpu.memref_slice %arg2[%mul3A_94, %dma_start3A_99] : memref<163840x128xf32, #tpu.memory_space<hbm>> -> memref<64x128xf32, #tpu.memory_space<hbm>>
          %dma_start3A_101 = arith.constant 0 : i32
          %dma_start3A_102 = tpu.memref_slice %arg2[%mul3A_94, %dma_start3A_101] : memref<163840x128xf32, #tpu.memory_space<hbm>> -> memref<64x128xf32, #tpu.memory_space<hbm>>
          tpu.enqueue_dma source(%dma_start3A_102 : memref<64x128xf32, #tpu.memory_space<hbm>>) target(%arg11 : memref<64x128xf32, #tpu.memory_space<vmem>>) target_semaphore(%arg19 : memref<!tpu.dma_semaphore, #tpu.memory_space<semaphore_mem>>)
          %dma_start3A_103 = tpu.memref_slice %arg3[%mul3A_94] : memref<163840xf32, #tpu.memory_space<hbm>> -> memref<64xf32, #tpu.memory_space<hbm>>
          %dma_start3A_104 = tpu.memref_slice %arg3[%mul3A_94] : memref<163840xf32, #tpu.memory_space<hbm>> -> memref<64xf32, #tpu.memory_space<hbm>>
          tpu.enqueue_dma source(%dma_start3A_104 : memref<64xf32, #tpu.memory_space<hbm>>) target(%arg12 : memref<64xf32, #tpu.memory_space<vmem>>) target_semaphore(%arg19 : memref<!tpu.dma_semaphore, #tpu.memory_space<semaphore_mem>>)
        } else {
        }
      } else {
      }
      %eq3A = arith.constant 0 : i32
      %eq3A_68 = arith.cmpi eq, %rem3A_62, %eq3A : i32
      %convert_element_type3A_69 = arith.extui %eq3A_68 : i1 to i32
      %cond3A_70 = arith.constant 0 : i32
      %cond3A_71 = arith.cmpi ne, %convert_element_type3A_69, %cond3A_70 : i32
      scf.if %cond3A_71 {
        %dma_wait3A = arith.constant 0 : i32
        %dma_wait3A_78 = tpu.memref_slice %arg4[%dma_wait3A] : memref<323584xi32, #tpu.memory_space<hbm>> -> memref<64xi32, #tpu.memory_space<hbm>>
        %dma_wait3A_79 = arith.constant 0 : i32
        %dma_wait3A_80 = tpu.memref_slice %arg4[%dma_wait3A_79] : memref<323584xi32, #tpu.memory_space<hbm>> -> memref<64xi32, #tpu.memory_space<hbm>>
        tpu.wait_dma2 semaphore(%arg18 : memref<!tpu.dma_semaphore, #tpu.memory_space<semaphore_mem>>) src(%dma_wait3A_80 : memref<64xi32, #tpu.memory_space<hbm>>) dst(%arg7 : memref<64xi32, #tpu.memory_space<vmem>>)
        %dma_wait3A_81 = arith.constant 0 : i32
        %dma_wait3A_82 = arith.constant 0 : i32
        %dma_wait3A_83 = tpu.memref_slice %arg2[%dma_wait3A_81, %dma_wait3A_82] : memref<163840x128xf32, #tpu.memory_space<hbm>> -> memref<64x128xf32, #tpu.memory_space<hbm>>
        %dma_wait3A_84 = arith.constant 0 : i32
        %dma_wait3A_85 = arith.constant 0 : i32
        %dma_wait3A_86 = tpu.memref_slice %arg2[%dma_wait3A_84, %dma_wait3A_85] : memref<163840x128xf32, #tpu.memory_space<hbm>> -> memref<64x128xf32, #tpu.memory_space<hbm>>
        tpu.wait_dma2 semaphore(%arg18 : memref<!tpu.dma_semaphore, #tpu.memory_space<semaphore_mem>>) src(%dma_wait3A_86 : memref<64x128xf32, #tpu.memory_space<hbm>>) dst(%arg8 : memref<64x128xf32, #tpu.memory_space<vmem>>)
        %dma_wait3A_87 = arith.constant 0 : i32
        %dma_wait3A_88 = tpu.memref_slice %arg3[%dma_wait3A_87] : memref<163840xf32, #tpu.memory_space<hbm>> -> memref<64xf32, #tpu.memory_space<hbm>>
        %dma_wait3A_89 = arith.constant 0 : i32
        %dma_wait3A_90 = tpu.memref_slice %arg3[%dma_wait3A_89] : memref<163840xf32, #tpu.memory_space<hbm>> -> memref<64xf32, #tpu.memory_space<hbm>>
        tpu.wait_dma2 semaphore(%arg18 : memref<!tpu.dma_semaphore, #tpu.memory_space<semaphore_mem>>) src(%dma_wait3A_90 : memref<64xf32, #tpu.memory_space<hbm>>) dst(%arg9 : memref<64xf32, #tpu.memory_space<vmem>>)
        "tpu.region"() ({
          %run_scoped3A = tpu.sem_alloc : memref<!tpu.dma_semaphore, #tpu.memory_space<semaphore_mem>>
          %dma_start3A_106 = arith.constant 0 : i32
          %dma_start3A_107 = arith.constant 0 : i32
          %dma_start3A_108 = tpu.memref_slice %arg16[%dma_start3A_106, %dma_start3A_107] : memref<10240x128xf32, #tpu.memory_space<vmem_shared>> -> memref<10240x128xf32, #tpu.memory_space<vmem_shared>>
          tpu.enqueue_indirect_dma source(%arg8 : memref<64x128xf32, #tpu.memory_space<vmem>>) target(%dma_start3A_108 : memref<10240x128xf32, #tpu.memory_space<vmem_shared>>) offsets(%arg7 : memref<64xi32, #tpu.memory_space<vmem>>) semaphore(%run_scoped3A : memref<!tpu.dma_semaphore, #tpu.memory_space<semaphore_mem>>) {add = true}
          %dma_wait3A_109 = arith.constant 0 : i32
          %dma_wait3A_110 = arith.constant 0 : i32
          %dma_wait3A_111 = tpu.memref_slice %arg16[%dma_wait3A_109, %dma_wait3A_110] : memref<10240x128xf32, #tpu.memory_space<vmem_shared>> -> memref<10240x128xf32, #tpu.memory_space<vmem_shared>>
          tpu.wait_indirect_dma semaphore(%run_scoped3A : memref<!tpu.dma_semaphore, #tpu.memory_space<semaphore_mem>>) src(%arg8 : memref<64x128xf32, #tpu.memory_space<vmem>>) dst(%dma_wait3A_111 : memref<10240x128xf32, #tpu.memory_space<vmem_shared>>)
          tpu.yield
        }) : () -> ()
        %get3A = arith.constant 0 : index
        %get3A_91 = tpu.vector_load %arg7[%get3A] {strides = array<i32>} : memref<64xi32, #tpu.memory_space<vmem>>, vector<16xi32>,
        %get3A_92 = arith.constant 0 : index
        %get3A_93 = tpu.vector_load %arg9[%get3A_92] {strides = array<i32>} : memref<64xf32, #tpu.memory_space<vmem>>, vector<16xf32>,
        tpu.vector_store_idx %arg15[%get3A_91], %get3A_93 {add = true} : memref<10240xf32, #tpu.memory_space<vmem>>[vector<16xi32>], vector<16xf32>,
        %get3A_94 = arith.constant 16 : index
        %get3A_95 = tpu.vector_load %arg7[%get3A_94] {strides = array<i32>} : memref<64xi32, #tpu.memory_space<vmem>>, vector<16xi32>,
        %get3A_96 = arith.constant 16 : index
        %get3A_97 = tpu.vector_load %arg9[%get3A_96] {strides = array<i32>} : memref<64xf32, #tpu.memory_space<vmem>>, vector<16xf32>,
        tpu.vector_store_idx %arg15[%get3A_95], %get3A_97 {add = true} : memref<10240xf32, #tpu.memory_space<vmem>>[vector<16xi32>], vector<16xf32>,
        %get3A_98 = arith.constant 32 : index
        %get3A_99 = tpu.vector_load %arg7[%get3A_98] {strides = array<i32>} : memref<64xi32, #tpu.memory_space<vmem>>, vector<16xi32>,
        %get3A_100 = arith.constant 32 : index
        %get3A_101 = tpu.vector_load %arg9[%get3A_100] {strides = array<i32>} : memref<64xf32, #tpu.memory_space<vmem>>, vector<16xf32>,
        tpu.vector_store_idx %arg15[%get3A_99], %get3A_101 {add = true} : memref<10240xf32, #tpu.memory_space<vmem>>[vector<16xi32>], vector<16xf32>,
        %get3A_102 = arith.constant 48 : index
        %get3A_103 = tpu.vector_load %arg7[%get3A_102] {strides = array<i32>} : memref<64xi32, #tpu.memory_space<vmem>>, vector<16xi32>,
        %get3A_104 = arith.constant 48 : index
        %get3A_105 = tpu.vector_load %arg9[%get3A_104] {strides = array<i32>} : memref<64xf32, #tpu.memory_space<vmem>>, vector<16xf32>,
        tpu.vector_store_idx %arg15[%get3A_103], %get3A_105 {add = true} : memref<10240xf32, #tpu.memory_space<vmem>>[vector<16xi32>], vector<16xf32>,
      } else {
      }
      %eq3A_72 = arith.constant 1 : i32
      %eq3A_73 = arith.cmpi eq, %rem3A_62, %eq3A_72 : i32
      %convert_element_type3A_74 = arith.extui %eq3A_73 : i1 to i32
      %cond3A_75 = arith.constant 0 : i32
      %cond3A_76 = arith.cmpi ne, %convert_element_type3A_74, %cond3A_75 : i32
      scf.if %cond3A_76 {
        %dma_wait3A = arith.constant 0 : i32
        %dma_wait3A_78 = tpu.memref_slice %arg4[%dma_wait3A] : memref<323584xi32, #tpu.memory_space<hbm>> -> memref<64xi32, #tpu.memory_space<hbm>>
        %dma_wait3A_79 = arith.constant 0 : i32
        %dma_wait3A_80 = tpu.memref_slice %arg4[%dma_wait3A_79] : memref<323584xi32, #tpu.memory_space<hbm>> -> memref<64xi32, #tpu.memory_space<hbm>>
        tpu.wait_dma2 semaphore(%arg19 : memref<!tpu.dma_semaphore, #tpu.memory_space<semaphore_mem>>) src(%dma_wait3A_80 : memref<64xi32, #tpu.memory_space<hbm>>) dst(%arg10 : memref<64xi32, #tpu.memory_space<vmem>>)
        %dma_wait3A_81 = arith.constant 0 : i32
        %dma_wait3A_82 = arith.constant 0 : i32
        %dma_wait3A_83 = tpu.memref_slice %arg2[%dma_wait3A_81, %dma_wait3A_82] : memref<163840x128xf32, #tpu.memory_space<hbm>> -> memref<64x128xf32, #tpu.memory_space<hbm>>
        %dma_wait3A_84 = arith.constant 0 : i32
        %dma_wait3A_85 = arith.constant 0 : i32
        %dma_wait3A_86 = tpu.memref_slice %arg2[%dma_wait3A_84, %dma_wait3A_85] : memref<163840x128xf32, #tpu.memory_space<hbm>> -> memref<64x128xf32, #tpu.memory_space<hbm>>
        tpu.wait_dma2 semaphore(%arg19 : memref<!tpu.dma_semaphore, #tpu.memory_space<semaphore_mem>>) src(%dma_wait3A_86 : memref<64x128xf32, #tpu.memory_space<hbm>>) dst(%arg11 : memref<64x128xf32, #tpu.memory_space<vmem>>)
        %dma_wait3A_87 = arith.constant 0 : i32
        %dma_wait3A_88 = tpu.memref_slice %arg3[%dma_wait3A_87] : memref<163840xf32, #tpu.memory_space<hbm>> -> memref<64xf32, #tpu.memory_space<hbm>>
        %dma_wait3A_89 = arith.constant 0 : i32
        %dma_wait3A_90 = tpu.memref_slice %arg3[%dma_wait3A_89] : memref<163840xf32, #tpu.memory_space<hbm>> -> memref<64xf32, #tpu.memory_space<hbm>>
        tpu.wait_dma2 semaphore(%arg19 : memref<!tpu.dma_semaphore, #tpu.memory_space<semaphore_mem>>) src(%dma_wait3A_90 : memref<64xf32, #tpu.memory_space<hbm>>) dst(%arg12 : memref<64xf32, #tpu.memory_space<vmem>>)
        "tpu.region"() ({
          %run_scoped3A = tpu.sem_alloc : memref<!tpu.dma_semaphore, #tpu.memory_space<semaphore_mem>>
          %dma_start3A_106 = arith.constant 0 : i32
          %dma_start3A_107 = arith.constant 0 : i32
          %dma_start3A_108 = tpu.memref_slice %arg16[%dma_start3A_106, %dma_start3A_107] : memref<10240x128xf32, #tpu.memory_space<vmem_shared>> -> memref<10240x128xf32, #tpu.memory_space<vmem_shared>>
          tpu.enqueue_indirect_dma source(%arg11 : memref<64x128xf32, #tpu.memory_space<vmem>>) target(%dma_start3A_108 : memref<10240x128xf32, #tpu.memory_space<vmem_shared>>) offsets(%arg10 : memref<64xi32, #tpu.memory_space<vmem>>) semaphore(%run_scoped3A : memref<!tpu.dma_semaphore, #tpu.memory_space<semaphore_mem>>) {add = true}
          %dma_wait3A_109 = arith.constant 0 : i32
          %dma_wait3A_110 = arith.constant 0 : i32
          %dma_wait3A_111 = tpu.memref_slice %arg16[%dma_wait3A_109, %dma_wait3A_110] : memref<10240x128xf32, #tpu.memory_space<vmem_shared>> -> memref<10240x128xf32, #tpu.memory_space<vmem_shared>>
          tpu.wait_indirect_dma semaphore(%run_scoped3A : memref<!tpu.dma_semaphore, #tpu.memory_space<semaphore_mem>>) src(%arg11 : memref<64x128xf32, #tpu.memory_space<vmem>>) dst(%dma_wait3A_111 : memref<10240x128xf32, #tpu.memory_space<vmem_shared>>)
          tpu.yield
        }) : () -> ()
        %get3A = arith.constant 0 : index
        %get3A_91 = tpu.vector_load %arg10[%get3A] {strides = array<i32>} : memref<64xi32, #tpu.memory_space<vmem>>, vector<16xi32>,
        %get3A_92 = arith.constant 0 : index
        %get3A_93 = tpu.vector_load %arg12[%get3A_92] {strides = array<i32>} : memref<64xf32, #tpu.memory_space<vmem>>, vector<16xf32>,
        tpu.vector_store_idx %arg15[%get3A_91], %get3A_93 {add = true} : memref<10240xf32, #tpu.memory_space<vmem>>[vector<16xi32>], vector<16xf32>,
        %get3A_94 = arith.constant 16 : index
        %get3A_95 = tpu.vector_load %arg10[%get3A_94] {strides = array<i32>} : memref<64xi32, #tpu.memory_space<vmem>>, vector<16xi32>,
        %get3A_96 = arith.constant 16 : index
        %get3A_97 = tpu.vector_load %arg12[%get3A_96] {strides = array<i32>} : memref<64xf32, #tpu.memory_space<vmem>>, vector<16xf32>,
        tpu.vector_store_idx %arg15[%get3A_95], %get3A_97 {add = true} : memref<10240xf32, #tpu.memory_space<vmem>>[vector<16xi32>], vector<16xf32>,
        %get3A_98 = arith.constant 32 : index
        %get3A_99 = tpu.vector_load %arg10[%get3A_98] {strides = array<i32>} : memref<64xi32, #tpu.memory_space<vmem>>, vector<16xi32>,
        %get3A_100 = arith.constant 32 : index
        %get3A_101 = tpu.vector_load %arg12[%get3A_100] {strides = array<i32>} : memref<64xf32, #tpu.memory_space<vmem>>, vector<16xf32>,
        tpu.vector_store_idx %arg15[%get3A_99], %get3A_101 {add = true} : memref<10240xf32, #tpu.memory_space<vmem>>[vector<16xi32>], vector<16xf32>,
        %get3A_102 = arith.constant 48 : index
        %get3A_103 = tpu.vector_load %arg10[%get3A_102] {strides = array<i32>} : memref<64xi32, #tpu.memory_space<vmem>>, vector<16xi32>,
        %get3A_104 = arith.constant 48 : index
        %get3A_105 = tpu.vector_load %arg12[%get3A_104] {strides = array<i32>} : memref<64xf32, #tpu.memory_space<vmem>>, vector<16xf32>,
        tpu.vector_store_idx %arg15[%get3A_103], %get3A_105 {add = true} : memref<10240xf32, #tpu.memory_space<vmem>>[vector<16xi32>], vector<16xf32>,
      } else {
      }
      %scan3A_77 = arith.constant 0 : i32
      scf.yield %scan3A_77 : i32
    }
    %scan3A_42 = arith.constant 80 : i32
    "tpu.region"() ({
      %run_scoped3A = tpu.sem_alloc : memref<!tpu.dma_semaphore, #tpu.memory_space<semaphore_mem>>
      %dma_start3A_60 = arith.constant 0 : i32
      %dma_start3A_61 = tpu.memref_slice %arg17[%arg1, %dma_start3A_60] : memref<16x10240xf32, #tpu.memory_space<vmem_shared>> -> memref<1x10240xf32, #tpu.memory_space<vmem_shared>>
      %dma_start3A_62 = tpu.memref_squeeze %dma_start3A_61 : memref<1x10240xf32, #tpu.memory_space<vmem_shared>> -> memref<10240xf32, #tpu.memory_space<vmem_shared>>
      %dma_start3A_63 = arith.constant 0 : i32
      %dma_start3A_64 = tpu.memref_slice %arg17[%arg1, %dma_start3A_63] : memref<16x10240xf32, #tpu.memory_space<vmem_shared>> -> memref<1x10240xf32, #tpu.memory_space<vmem_shared>>
      %dma_start3A_65 = tpu.memref_squeeze %dma_start3A_64 : memref<1x10240xf32, #tpu.memory_space<vmem_shared>> -> memref<10240xf32, #tpu.memory_space<vmem_shared>>
      tpu.enqueue_dma source(%arg15 : memref<10240xf32, #tpu.memory_space<vmem>>) target(%dma_start3A_65 : memref<10240xf32, #tpu.memory_space<vmem_shared>>) target_semaphore(%run_scoped3A : memref<!tpu.dma_semaphore, #tpu.memory_space<semaphore_mem>>)
      %dma_wait3A = arith.constant 0 : i32
      %dma_wait3A_66 = tpu.memref_slice %arg17[%arg1, %dma_wait3A] : memref<16x10240xf32, #tpu.memory_space<vmem_shared>> -> memref<1x10240xf32, #tpu.memory_space<vmem_shared>>
      %dma_wait3A_67 = tpu.memref_squeeze %dma_wait3A_66 : memref<1x10240xf32, #tpu.memory_space<vmem_shared>> -> memref<10240xf32, #tpu.memory_space<vmem_shared>>
      %dma_wait3A_68 = arith.constant 0 : i32
      %dma_wait3A_69 = tpu.memref_slice %arg17[%arg1, %dma_wait3A_68] : memref<16x10240xf32, #tpu.memory_space<vmem_shared>> -> memref<1x10240xf32, #tpu.memory_space<vmem_shared>>
      %dma_wait3A_70 = tpu.memref_squeeze %dma_wait3A_69 : memref<1x10240xf32, #tpu.memory_space<vmem_shared>> -> memref<10240xf32, #tpu.memory_space<vmem_shared>>
      tpu.wait_dma2 semaphore(%run_scoped3A : memref<!tpu.dma_semaphore, #tpu.memory_space<semaphore_mem>>) src(%arg15 : memref<10240xf32, #tpu.memory_space<vmem>>) dst(%dma_wait3A_70 : memref<10240xf32, #tpu.memory_space<vmem_shared>>)
      tpu.yield
    }) : () -> ()
    %barrier3A_43 = arith.constant 0 : index
    tpu.barrier barrier_id(%barrier3A_43)
    %scan3A_44 = arith.constant 0 : i32
    %scan3A_45 = arith.constant 0 : i32
    %scan3A_46 = arith.constant 40 : i32
    %scan3A_47 = arith.addi %scan3A_45, %scan3A_46 : i32
    %scan3A_48 = arith.constant 1 : i32
    %scan3A_49 = scf.for %scan3A_60 = %scan3A_45 to %scan3A_47 step %scan3A_48 iter_args(%scan3A_61 = %scan3A_44) -> (i32)  : i32 {
      %broadcast_in_dim3A = arith.constant 0.000000e+00 : f32
      %broadcast_in_dim3A_62 = vector.broadcast %broadcast_in_dim3A : f32 to vector<16xf32>
      %mul3A_63 = arith.constant 16 : i32
      %mul3A_64 = arith.muli %scan3A_60, %mul3A_63 : i32
      %swap3A = arith.index_cast %mul3A_64 : i32 to index
      %swap3A_65 = tpu.vector_load %arg14[%swap3A] {strides = array<i32>} : memref<640xf32, #tpu.memory_space<vmem>>, vector<16xf32>,
      tpu.vector_store %arg14[%swap3A], %broadcast_in_dim3A_62 {strides = array<i32>} : memref<640xf32, #tpu.memory_space<vmem>>, vector<16xf32>,
      %scan3A_66 = arith.constant 0 : i32
      scf.yield %scan3A_66 : i32
    }
    %scan3A_50 = arith.constant 40 : i32
    %scan3A_51 = arith.constant 0 : i32
    %scan3A_52 = arith.constant 0 : i32
    %scan3A_53 = arith.constant 16 : i32
    %scan3A_54 = arith.addi %scan3A_52, %scan3A_53 : i32
    %scan3A_55 = arith.constant 1 : i32
    %scan3A_56 = scf.for %scan3A_60 = %scan3A_52 to %scan3A_54 step %scan3A_55 iter_args(%scan3A_61 = %scan3A_51) -> (i32)  : i32 {
      %mul3A_62 = arith.constant 640 : i32
      %mul3A_63 = arith.muli %arg1, %mul3A_62 : i32
      "tpu.region"() ({
        %run_scoped3A = tpu.sem_alloc : memref<!tpu.dma_semaphore, #tpu.memory_space<semaphore_mem>>
        %dma_start3A_72 = tpu.memref_slice %arg17[%scan3A_60, %mul3A_63] : memref<16x10240xf32, #tpu.memory_space<vmem_shared>> -> memref<1x640xf32, #tpu.memory_space<vmem_shared>>
        %dma_start3A_73 = tpu.memref_squeeze %dma_start3A_72 : memref<1x640xf32, #tpu.memory_space<vmem_shared>> -> memref<640xf32, #tpu.memory_space<vmem_shared>>
        %dma_start3A_74 = tpu.memref_slice %arg17[%scan3A_60, %mul3A_63] : memref<16x10240xf32, #tpu.memory_space<vmem_shared>> -> memref<1x640xf32, #tpu.memory_space<vmem_shared>>
        %dma_start3A_75 = tpu.memref_squeeze %dma_start3A_74 : memref<1x640xf32, #tpu.memory_space<vmem_shared>> -> memref<640xf32, #tpu.memory_space<vmem_shared>>
        tpu.enqueue_dma source(%dma_start3A_75 : memref<640xf32, #tpu.memory_space<vmem_shared>>) target(%arg13 : memref<640xf32, #tpu.memory_space<vmem>>) target_semaphore(%run_scoped3A : memref<!tpu.dma_semaphore, #tpu.memory_space<semaphore_mem>>)
        %dma_wait3A = tpu.memref_slice %arg17[%scan3A_60, %mul3A_63] : memref<16x10240xf32, #tpu.memory_space<vmem_shared>> -> memref<1x640xf32, #tpu.memory_space<vmem_shared>>
        %dma_wait3A_76 = tpu.memref_squeeze %dma_wait3A : memref<1x640xf32, #tpu.memory_space<vmem_shared>> -> memref<640xf32, #tpu.memory_space<vmem_shared>>
        %dma_wait3A_77 = tpu.memref_slice %arg17[%scan3A_60, %mul3A_63] : memref<16x10240xf32, #tpu.memory_space<vmem_shared>> -> memref<1x640xf32, #tpu.memory_space<vmem_shared>>
        %dma_wait3A_78 = tpu.memref_squeeze %dma_wait3A_77 : memref<1x640xf32, #tpu.memory_space<vmem_shared>> -> memref<640xf32, #tpu.memory_space<vmem_shared>>
        tpu.wait_dma2 semaphore(%run_scoped3A : memref<!tpu.dma_semaphore, #tpu.memory_space<semaphore_mem>>) src(%dma_wait3A_78 : memref<640xf32, #tpu.memory_space<vmem_shared>>) dst(%arg13 : memref<640xf32, #tpu.memory_space<vmem>>)
        tpu.yield
      }) : () -> ()
      %scan3A_64 = arith.constant 0 : i32
      %scan3A_65 = arith.constant 0 : i32
      %scan3A_66 = arith.constant 40 : i32
      %scan3A_67 = arith.addi %scan3A_65, %scan3A_66 : i32
      %scan3A_68 = arith.constant 1 : i32
      %scan3A_69 = scf.for %scan3A_72 = %scan3A_65 to %scan3A_67 step %scan3A_68 iter_args(%scan3A_73 = %scan3A_64) -> (i32)  : i32 {
        %mul3A_74 = arith.constant 16 : i32
        %mul3A_75 = arith.muli %scan3A_72, %mul3A_74 : i32
        %get3A = arith.index_cast %mul3A_75 : i32 to index
        %get3A_76 = tpu.vector_load %arg14[%get3A] {strides = array<i32>} : memref<640xf32, #tpu.memory_space<vmem>>, vector<16xf32>,
        %mul3A_77 = arith.constant 16 : i32
        %mul3A_78 = arith.muli %scan3A_72, %mul3A_77 : i32
        %get3A_79 = arith.index_cast %mul3A_78 : i32 to index
        %get3A_80 = tpu.vector_load %arg13[%get3A_79] {strides = array<i32>} : memref<640xf32, #tpu.memory_space<vmem>>, vector<16xf32>,
        %add3A_81 = arith.addf %get3A_76, %get3A_80 : vector<16xf32>
        %mul3A_82 = arith.constant 16 : i32
        %mul3A_83 = arith.muli %scan3A_72, %mul3A_82 : i32
        %swap3A = arith.index_cast %mul3A_83 : i32 to index
        %swap3A_84 = tpu.vector_load %arg14[%swap3A] {strides = array<i32>} : memref<640xf32, #tpu.memory_space<vmem>>, vector<16xf32>,
        tpu.vector_store %arg14[%swap3A], %add3A_81 {strides = array<i32>} : memref<640xf32, #tpu.memory_space<vmem>>, vector<16xf32>,
        %scan3A_85 = arith.constant 0 : i32
        scf.yield %scan3A_85 : i32
      }
      %scan3A_70 = arith.constant 40 : i32
      %scan3A_71 = arith.constant 0 : i32
      scf.yield %scan3A_71 : i32
    }
    %scan3A_57 = arith.constant 16 : i32
    %mul3A_58 = arith.constant 640 : i32
    %mul3A_59 = arith.muli %arg1, %mul3A_58 : i32
    "tpu.region"() ({
      %run_scoped3A = tpu.sem_alloc : memref<!tpu.dma_semaphore, #tpu.memory_space<semaphore_mem>>
      %dma_start3A_60 = arith.constant 0 : i32
      %dma_start3A_61 = tpu.memref_slice %arg5[%arg0, %mul3A_59, %dma_start3A_60] : memref<2x10240x128xf32, #tpu.memory_space<hbm>> -> memref<1x640x128xf32, #tpu.memory_space<hbm>>
      %dma_start3A_62 = tpu.memref_squeeze %dma_start3A_61 : memref<1x640x128xf32, #tpu.memory_space<hbm>> -> memref<640x128xf32, #tpu.memory_space<hbm>>
      %dma_start3A_63 = arith.constant 0 : i32
      %dma_start3A_64 = tpu.memref_slice %arg16[%mul3A_59, %dma_start3A_63] : memref<10240x128xf32, #tpu.memory_space<vmem_shared>> -> memref<640x128xf32, #tpu.memory_space<vmem_shared>>
      tpu.enqueue_dma source(%dma_start3A_64 : memref<640x128xf32, #tpu.memory_space<vmem_shared>>) target(%dma_start3A_62 : memref<640x128xf32, #tpu.memory_space<hbm>>) target_semaphore(%run_scoped3A : memref<!tpu.dma_semaphore, #tpu.memory_space<semaphore_mem>>)
      %dma_wait3A = arith.constant 0 : i32
      %dma_wait3A_65 = tpu.memref_slice %arg5[%arg0, %mul3A_59, %dma_wait3A] : memref<2x10240x128xf32, #tpu.memory_space<hbm>> -> memref<1x640x128xf32, #tpu.memory_space<hbm>>
      %dma_wait3A_66 = tpu.memref_squeeze %dma_wait3A_65 : memref<1x640x128xf32, #tpu.memory_space<hbm>> -> memref<640x128xf32, #tpu.memory_space<hbm>>
      %dma_wait3A_67 = arith.constant 0 : i32
      %dma_wait3A_68 = tpu.memref_slice %arg16[%mul3A_59, %dma_wait3A_67] : memref<10240x128xf32, #tpu.memory_space<vmem_shared>> -> memref<640x128xf32, #tpu.memory_space<vmem_shared>>
      tpu.wait_dma2 semaphore(%run_scoped3A : memref<!tpu.dma_semaphore, #tpu.memory_space<semaphore_mem>>) src(%dma_wait3A_68 : memref<640x128xf32, #tpu.memory_space<vmem_shared>>) dst(%dma_wait3A_66 : memref<640x128xf32, #tpu.memory_space<hbm>>)
      tpu.yield
    }) : () -> ()
    "tpu.region"() ({
      %run_scoped3A = tpu.sem_alloc : memref<!tpu.dma_semaphore, #tpu.memory_space<semaphore_mem>>
      %dma_start3A_60 = tpu.memref_slice %arg6[%arg0, %mul3A_59] : memref<2x10240xf32, #tpu.memory_space<hbm>> -> memref<1x640xf32, #tpu.memory_space<hbm>>
      %dma_start3A_61 = tpu.memref_squeeze %dma_start3A_60 : memref<1x640xf32, #tpu.memory_space<hbm>> -> memref<640xf32, #tpu.memory_space<hbm>>
      %dma_start3A_62 = tpu.memref_slice %arg6[%arg0, %mul3A_59] : memref<2x10240xf32, #tpu.memory_space<hbm>> -> memref<1x640xf32, #tpu.memory_space<hbm>>
      %dma_start3A_63 = tpu.memref_squeeze %dma_start3A_62 : memref<1x640xf32, #tpu.memory_space<hbm>> -> memref<640xf32, #tpu.memory_space<hbm>>
      tpu.enqueue_dma source(%arg14 : memref<640xf32, #tpu.memory_space<vmem>>) target(%dma_start3A_63 : memref<640xf32, #tpu.memory_space<hbm>>) target_semaphore(%run_scoped3A : memref<!tpu.dma_semaphore, #tpu.memory_space<semaphore_mem>>)
      %dma_wait3A = tpu.memref_slice %arg6[%arg0, %mul3A_59] : memref<2x10240xf32, #tpu.memory_space<hbm>> -> memref<1x640xf32, #tpu.memory_space<hbm>>
      %dma_wait3A_64 = tpu.memref_squeeze %dma_wait3A : memref<1x640xf32, #tpu.memory_space<hbm>> -> memref<640xf32, #tpu.memory_space<hbm>>
      %dma_wait3A_65 = tpu.memref_slice %arg6[%arg0, %mul3A_59] : memref<2x10240xf32, #tpu.memory_space<hbm>> -> memref<1x640xf32, #tpu.memory_space<hbm>>
      %dma_wait3A_66 = tpu.memref_squeeze %dma_wait3A_65 : memref<1x640xf32, #tpu.memory_space<hbm>> -> memref<640xf32, #tpu.memory_space<hbm>>
      tpu.wait_dma2 semaphore(%run_scoped3A : memref<!tpu.dma_semaphore, #tpu.memory_space<semaphore_mem>>) src(%arg14 : memref<640xf32, #tpu.memory_space<vmem>>) dst(%dma_wait3A_66 : memref<640xf32, #tpu.memory_space<hbm>>)
      tpu.yield
    }) : () -> ()
    return
  }
}

module attributes {stable_mosaic.version = 14 : i64} {
  func.func @_node_kernel(%arg0: i32, %arg1: memref<512x128xf32, #tpu.memory_space<vmem>>, %arg2: memref<512x42xf32, #tpu.memory_space<vmem>>, %arg3: memref<42x128xf32, #tpu.memory_space<vmem>>, %arg4: memref<128x128xf32, #tpu.memory_space<vmem>>, %arg5: memref<128x128xf32, #tpu.memory_space<vmem>>, %arg6: memref<1x128xf32, #tpu.memory_space<vmem>>, %arg7: memref<128x128xf32, #tpu.memory_space<vmem>>, %arg8: memref<1x128xf32, #tpu.memory_space<vmem>>, %arg9: memref<128x128xf32, #tpu.memory_space<vmem>>, %arg10: memref<1x128xf32, #tpu.memory_space<vmem>>, %arg11: memref<128x128xf32, #tpu.memory_space<vmem>>, %arg12: memref<1x128xf32, #tpu.memory_space<vmem>>, %arg13: memref<512x256xf32, #tpu.memory_space<vmem>>, %arg14: memref<512x128xf32, #tpu.memory_space<vmem>>, %arg15: memref<512x128xf32, #tpu.memory_space<vmem>>) attributes {dimension_semantics = [#tpu.dimension_semantics<arbitrary>], iteration_bounds = array<i64: 20>, scalar_prefetch = 0 : i64, scratch_operands = 0 : i64, tpu.core_type = #tpu.core_type<tc>, window_params = [{transform_indices = @transform_0, window_bounds = array<i64: 512, 128>}, {transform_indices = @transform_1, window_bounds = array<i64: 512, 42>}, {pipeline_mode = #tpu.pipeline_mode<synchronous>, transform_indices = @transform_2, window_bounds = array<i64: 42, 128>}, {pipeline_mode = #tpu.pipeline_mode<synchronous>, transform_indices = @transform_3, window_bounds = array<i64: 128, 128>}, {pipeline_mode = #tpu.pipeline_mode<synchronous>, transform_indices = @transform_4, window_bounds = array<i64: 128, 128>}, {pipeline_mode = #tpu.pipeline_mode<synchronous>, transform_indices = @transform_5, window_bounds = array<i64: 1, 128>}, {pipeline_mode = #tpu.pipeline_mode<synchronous>, transform_indices = @transform_6, window_bounds = array<i64: 128, 128>}, {pipeline_mode = #tpu.pipeline_mode<synchronous>, transform_indices = @transform_7, window_bounds = array<i64: 1, 128>}, {pipeline_mode = #tpu.pipeline_mode<synchronous>, transform_indices = @transform_8, window_bounds = array<i64: 128, 128>}, {pipeline_mode = #tpu.pipeline_mode<synchronous>, transform_indices = @transform_9, window_bounds = array<i64: 1, 128>}, {pipeline_mode = #tpu.pipeline_mode<synchronous>, transform_indices = @transform_10, window_bounds = array<i64: 128, 128>}, {pipeline_mode = #tpu.pipeline_mode<synchronous>, transform_indices = @transform_11, window_bounds = array<i64: 1, 128>}, {transform_indices = @transform_12, window_bounds = array<i64: 512, 256>}, {transform_indices = @transform_13, window_bounds = array<i64: 512, 128>}, {transform_indices = @transform_14, window_bounds = array<i64: 512, 128>}]} {
    %get3A = arith.constant 0 : index
    %get3A_0 = arith.constant 0 : index
    %get3A_1 = vector.load %arg1[%get3A, %get3A_0] : memref<512x128xf32, #tpu.memory_space<vmem>>, vector<512x128xf32>
    %get3A_2 = arith.constant 0 : index
    %get3A_3 = arith.constant 0 : index
    %get3A_4 = vector.load %arg2[%get3A_2, %get3A_3] : memref<512x42xf32, #tpu.memory_space<vmem>>, vector<512x42xf32>
    %get3A_5 = arith.constant 0 : index
    %get3A_6 = arith.constant 0 : index
    %get3A_7 = vector.load %arg3[%get3A_5, %get3A_6] : memref<42x128xf32, #tpu.memory_space<vmem>>, vector<42x128xf32>
    %dot_general3A = arith.constant dense<0.000000e+00> : vector<512x128xf32>
    %dot_general3A_8 = tpu.matmul %get3A_4, %get3A_7, %dot_general3A {dimension_numbers = #tpu.dot_dimension_numbers<[1], [0], [0], [1], [0, 0, 1, 1], [], []>, transpose_lhs_hint = false} : vector<512x42xf32>, vector<42x128xf32>, vector<512x128xf32> -> vector<512x128xf32>
    %get3A_9 = arith.constant 0 : index
    %get3A_10 = arith.constant 0 : index
    %get3A_11 = vector.load %arg4[%get3A_9, %get3A_10] : memref<128x128xf32, #tpu.memory_space<vmem>>, vector<128x128xf32>
    %dot_general3A_12 = arith.constant dense<0.000000e+00> : vector<512x128xf32>
    %dot_general3A_13 = tpu.matmul %dot_general3A_8, %get3A_11, %dot_general3A_12 {dimension_numbers = #tpu.dot_dimension_numbers<[1], [0], [0], [1], [0, 0, 1, 1], [], []>, transpose_lhs_hint = false} : vector<512x128xf32>, vector<128x128xf32>, vector<512x128xf32> -> vector<512x128xf32>
    %mul3A = arith.mulf %dot_general3A_13, %get3A_1 : vector<512x128xf32>
    %get3A_14 = arith.constant 0 : index
    %get3A_15 = arith.constant 0 : index
    %get3A_16 = vector.load %arg5[%get3A_14, %get3A_15] : memref<128x128xf32, #tpu.memory_space<vmem>>, vector<128x128xf32>
    %dot_general3A_17 = arith.constant dense<0.000000e+00> : vector<512x128xf32>
    %dot_general3A_18 = tpu.matmul %mul3A, %get3A_16, %dot_general3A_17 {dimension_numbers = #tpu.dot_dimension_numbers<[1], [0], [0], [1], [0, 0, 1, 1], [], []>, transpose_lhs_hint = false} : vector<512x128xf32>, vector<128x128xf32>, vector<512x128xf32> -> vector<512x128xf32>
    %get3A_19 = arith.constant 0 : index
    %get3A_20 = arith.constant 0 : index
    %get3A_21 = vector.load %arg6[%get3A_19, %get3A_20] : memref<1x128xf32, #tpu.memory_space<vmem>>, vector<1x128xf32>
    %add3A = vector.broadcast %get3A_21 : vector<1x128xf32> to vector<512x128xf32>
    %add3A_22 = arith.addf %dot_general3A_18, %add3A : vector<512x128xf32>
    %swap3A = arith.constant 0 : index
    %swap3A_23 = arith.constant 0 : index
    %swap3A_24 = vector.load %arg13[%swap3A, %swap3A_23] : memref<512x256xf32, #tpu.memory_space<vmem>>, vector<512x128xf32>
    tpu.vector_store %arg13[%swap3A, %swap3A_23], %add3A_22 {strides = array<i32>} : memref<512x256xf32, #tpu.memory_space<vmem>>, vector<512x128xf32>,
    %get3A_25 = arith.constant 0 : index
    %get3A_26 = arith.constant 0 : index
    %get3A_27 = vector.load %arg9[%get3A_25, %get3A_26] : memref<128x128xf32, #tpu.memory_space<vmem>>, vector<128x128xf32>
    %dot_general3A_28 = arith.constant dense<0.000000e+00> : vector<512x128xf32>
    %dot_general3A_29 = tpu.matmul %mul3A, %get3A_27, %dot_general3A_28 {dimension_numbers = #tpu.dot_dimension_numbers<[1], [0], [0], [1], [0, 0, 1, 1], [], []>, transpose_lhs_hint = false} : vector<512x128xf32>, vector<128x128xf32>, vector<512x128xf32> -> vector<512x128xf32>
    %get3A_30 = arith.constant 0 : index
    %get3A_31 = arith.constant 0 : index
    %get3A_32 = vector.load %arg10[%get3A_30, %get3A_31] : memref<1x128xf32, #tpu.memory_space<vmem>>, vector<1x128xf32>
    %add3A_33 = vector.broadcast %get3A_32 : vector<1x128xf32> to vector<512x128xf32>
    %add3A_34 = arith.addf %dot_general3A_29, %add3A_33 : vector<512x128xf32>
    %swap3A_35 = arith.constant 0 : index
    %swap3A_36 = arith.constant 128 : index
    %swap3A_37 = vector.load %arg13[%swap3A_35, %swap3A_36] : memref<512x256xf32, #tpu.memory_space<vmem>>, vector<512x128xf32>
    tpu.vector_store %arg13[%swap3A_35, %swap3A_36], %add3A_34 {strides = array<i32>} : memref<512x256xf32, #tpu.memory_space<vmem>>, vector<512x128xf32>,
    %get3A_38 = arith.constant 0 : index
    %get3A_39 = arith.constant 0 : index
    %get3A_40 = vector.load %arg7[%get3A_38, %get3A_39] : memref<128x128xf32, #tpu.memory_space<vmem>>, vector<128x128xf32>
    %dot_general3A_41 = arith.constant dense<0.000000e+00> : vector<512x128xf32>
    %dot_general3A_42 = tpu.matmul %get3A_1, %get3A_40, %dot_general3A_41 {dimension_numbers = #tpu.dot_dimension_numbers<[1], [0], [0], [1], [0, 0, 1, 1], [], []>, transpose_lhs_hint = false} : vector<512x128xf32>, vector<128x128xf32>, vector<512x128xf32> -> vector<512x128xf32>
    %get3A_43 = arith.constant 0 : index
    %get3A_44 = arith.constant 0 : index
    %get3A_45 = vector.load %arg8[%get3A_43, %get3A_44] : memref<1x128xf32, #tpu.memory_space<vmem>>, vector<1x128xf32>
    %add3A_46 = vector.broadcast %get3A_45 : vector<1x128xf32> to vector<512x128xf32>
    %add3A_47 = arith.addf %dot_general3A_42, %add3A_46 : vector<512x128xf32>
    %swap3A_48 = arith.constant 0 : index
    %swap3A_49 = arith.constant 0 : index
    %swap3A_50 = vector.load %arg14[%swap3A_48, %swap3A_49] : memref<512x128xf32, #tpu.memory_space<vmem>>, vector<512x128xf32>
    tpu.vector_store %arg14[%swap3A_48, %swap3A_49], %add3A_47 {strides = array<i32>} : memref<512x128xf32, #tpu.memory_space<vmem>>, vector<512x128xf32>,
    %get3A_51 = arith.constant 0 : index
    %get3A_52 = arith.constant 0 : index
    %get3A_53 = vector.load %arg11[%get3A_51, %get3A_52] : memref<128x128xf32, #tpu.memory_space<vmem>>, vector<128x128xf32>
    %dot_general3A_54 = arith.constant dense<0.000000e+00> : vector<512x128xf32>
    %dot_general3A_55 = tpu.matmul %get3A_1, %get3A_53, %dot_general3A_54 {dimension_numbers = #tpu.dot_dimension_numbers<[1], [0], [0], [1], [0, 0, 1, 1], [], []>, transpose_lhs_hint = false} : vector<512x128xf32>, vector<128x128xf32>, vector<512x128xf32> -> vector<512x128xf32>
    %get3A_56 = arith.constant 0 : index
    %get3A_57 = arith.constant 0 : index
    %get3A_58 = vector.load %arg12[%get3A_56, %get3A_57] : memref<1x128xf32, #tpu.memory_space<vmem>>, vector<1x128xf32>
    %add3A_59 = vector.broadcast %get3A_58 : vector<1x128xf32> to vector<512x128xf32>
    %add3A_60 = arith.addf %dot_general3A_55, %add3A_59 : vector<512x128xf32>
    %swap3A_61 = arith.constant 0 : index
    %swap3A_62 = arith.constant 0 : index
    %swap3A_63 = vector.load %arg15[%swap3A_61, %swap3A_62] : memref<512x128xf32, #tpu.memory_space<vmem>>, vector<512x128xf32>
    tpu.vector_store %arg15[%swap3A_61, %swap3A_62], %add3A_60 {strides = array<i32>} : memref<512x128xf32, #tpu.memory_space<vmem>>, vector<512x128xf32>,
    return
  }
  func.func @transform_0(%arg0: i32) -> (i32, i32) {
    %c0_i32 = arith.constant 0 : i32
    %c0_i32_0 = arith.constant 0 : i32
    return %arg0, %c0_i32 : i32, i32
  }
  func.func @transform_1(%arg0: i32) -> (i32, i32) {
    %c0_i32 = arith.constant 0 : i32
    %c0_i32_0 = arith.constant 0 : i32
    return %arg0, %c0_i32 : i32, i32
  }
  func.func @transform_2(%arg0: i32) -> (i32, i32) {
    %c0_i32 = arith.constant 0 : i32
    %c0_i32_0 = arith.constant 0 : i32
    %c0_i32_1 = arith.constant 0 : i32
    return %c0_i32, %c0_i32_0 : i32, i32
  }
  func.func @transform_3(%arg0: i32) -> (i32, i32) {
    %c0_i32 = arith.constant 0 : i32
    %c0_i32_0 = arith.constant 0 : i32
    %c0_i32_1 = arith.constant 0 : i32
    return %c0_i32, %c0_i32_0 : i32, i32
  }
  func.func @transform_4(%arg0: i32) -> (i32, i32) {
    %c0_i32 = arith.constant 0 : i32
    %c0_i32_0 = arith.constant 0 : i32
    %c0_i32_1 = arith.constant 0 : i32
    return %c0_i32, %c0_i32_0 : i32, i32
  }
  func.func @transform_5(%arg0: i32) -> (i32, i32) {
    %c0_i32 = arith.constant 0 : i32
    %c0_i32_0 = arith.constant 0 : i32
    %c0_i32_1 = arith.constant 0 : i32
    return %c0_i32, %c0_i32_0 : i32, i32
  }
  func.func @transform_6(%arg0: i32) -> (i32, i32) {
    %c0_i32 = arith.constant 0 : i32
    %c0_i32_0 = arith.constant 0 : i32
    %c0_i32_1 = arith.constant 0 : i32
    return %c0_i32, %c0_i32_0 : i32, i32
  }
  func.func @transform_7(%arg0: i32) -> (i32, i32) {
    %c0_i32 = arith.constant 0 : i32
    %c0_i32_0 = arith.constant 0 : i32
    %c0_i32_1 = arith.constant 0 : i32
    return %c0_i32, %c0_i32_0 : i32, i32
  }
  func.func @transform_8(%arg0: i32) -> (i32, i32) {
    %c0_i32 = arith.constant 0 : i32
    %c0_i32_0 = arith.constant 0 : i32
    %c0_i32_1 = arith.constant 0 : i32
    return %c0_i32, %c0_i32_0 : i32, i32
  }
  func.func @transform_9(%arg0: i32) -> (i32, i32) {
    %c0_i32 = arith.constant 0 : i32
    %c0_i32_0 = arith.constant 0 : i32
    %c0_i32_1 = arith.constant 0 : i32
    return %c0_i32, %c0_i32_0 : i32, i32
  }
  func.func @transform_10(%arg0: i32) -> (i32, i32) {
    %c0_i32 = arith.constant 0 : i32
    %c0_i32_0 = arith.constant 0 : i32
    %c0_i32_1 = arith.constant 0 : i32
    return %c0_i32, %c0_i32_0 : i32, i32
  }
  func.func @transform_11(%arg0: i32) -> (i32, i32) {
    %c0_i32 = arith.constant 0 : i32
    %c0_i32_0 = arith.constant 0 : i32
    %c0_i32_1 = arith.constant 0 : i32
    return %c0_i32, %c0_i32_0 : i32, i32
  }
  func.func @transform_12(%arg0: i32) -> (i32, i32) {
    %c0_i32 = arith.constant 0 : i32
    %c0_i32_0 = arith.constant 0 : i32
    return %arg0, %c0_i32 : i32, i32
  }
  func.func @transform_13(%arg0: i32) -> (i32, i32) {
    %c0_i32 = arith.constant 0 : i32
    %c0_i32_0 = arith.constant 0 : i32
    return %arg0, %c0_i32 : i32, i32
  }
  func.func @transform_14(%arg0: i32) -> (i32, i32) {
    %c0_i32 = arith.constant 0 : i32
    %c0_i32_0 = arith.constant 0 : i32
    return %arg0, %c0_i32 : i32, i32
  }
}

module attributes {stable_mosaic.version = 14 : i64} {
  func.func @_edge_kernel(%arg0: i32, %arg1: memref<512x256xf32, #tpu.memory_space<vmem>>, %arg2: memref<512x128xf32, #tpu.memory_space<vmem>>, %arg3: memref<512x16xf32, #tpu.memory_space<vmem>>, %arg4: memref<512x16xf32, #tpu.memory_space<vmem>>, %arg5: memref<128x16xf32, #tpu.memory_space<vmem>>, %arg6: memref<16x128xf32, #tpu.memory_space<vmem>>, %arg7: memref<16x128xf32, #tpu.memory_space<vmem>>, %arg8: memref<128x128xf32, #tpu.memory_space<vmem>>, %arg9: memref<512x128xf32, #tpu.memory_space<vmem>>, %arg10: memref<512x1xf32, #tpu.memory_space<vmem>>) attributes {dimension_semantics = [#tpu.dimension_semantics<arbitrary>], iteration_bounds = array<i64: 312>, scalar_prefetch = 0 : i64, scratch_operands = 0 : i64, tpu.core_type = #tpu.core_type<tc>, window_params = [{transform_indices = @transform_0, window_bounds = array<i64: 512, 256>}, {transform_indices = @transform_1, window_bounds = array<i64: 512, 128>}, {transform_indices = @transform_2, window_bounds = array<i64: 512, 16>}, {transform_indices = @transform_3, window_bounds = array<i64: 512, 16>}, {pipeline_mode = #tpu.pipeline_mode<synchronous>, transform_indices = @transform_4, window_bounds = array<i64: 128, 16>}, {pipeline_mode = #tpu.pipeline_mode<synchronous>, transform_indices = @transform_5, window_bounds = array<i64: 16, 128>}, {pipeline_mode = #tpu.pipeline_mode<synchronous>, transform_indices = @transform_6, window_bounds = array<i64: 16, 128>}, {pipeline_mode = #tpu.pipeline_mode<synchronous>, transform_indices = @transform_7, window_bounds = array<i64: 128, 128>}, {transform_indices = @transform_8, window_bounds = array<i64: 512, 128>}, {transform_indices = @transform_9, window_bounds = array<i64: 512, 1>}]} {
    %get3A = arith.constant 0 : index
    %get3A_0 = arith.constant 0 : index
    %get3A_1 = vector.load %arg1[%get3A, %get3A_0] : memref<512x256xf32, #tpu.memory_space<vmem>>, vector<512x128xf32>
    %get3A_2 = arith.constant 0 : index
    %get3A_3 = arith.constant 128 : index
    %get3A_4 = vector.load %arg1[%get3A_2, %get3A_3] : memref<512x256xf32, #tpu.memory_space<vmem>>, vector<512x128xf32>
    %get3A_5 = arith.constant 0 : index
    %get3A_6 = arith.constant 0 : index
    %get3A_7 = vector.load %arg2[%get3A_5, %get3A_6] : memref<512x128xf32, #tpu.memory_space<vmem>>, vector<512x128xf32>
    %get3A_8 = arith.constant 0 : index
    %get3A_9 = arith.constant 0 : index
    %get3A_10 = vector.load %arg3[%get3A_8, %get3A_9] : memref<512x16xf32, #tpu.memory_space<vmem>>, vector<512x16xf32>
    %get3A_11 = arith.constant 0 : index
    %get3A_12 = arith.constant 0 : index
    %get3A_13 = vector.load %arg5[%get3A_11, %get3A_12] : memref<128x16xf32, #tpu.memory_space<vmem>>, vector<128x16xf32>
    %dot_general3A = arith.constant dense<0.000000e+00> : vector<512x16xf32>
    %dot_general3A_14 = tpu.matmul %get3A_7, %get3A_13, %dot_general3A {dimension_numbers = #tpu.dot_dimension_numbers<[1], [0], [0], [1], [0, 0, 1, 1], [], []>, transpose_lhs_hint = false} : vector<512x128xf32>, vector<128x16xf32>, vector<512x16xf32> -> vector<512x16xf32>
    %mul3A = arith.mulf %get3A_1, %get3A_7 : vector<512x128xf32>
    %reduce_sum3A = arith.constant dense<0.000000e+00> : vector<512xf32>
    %reduce_sum3A_15 = vector.multi_reduction <add>, %mul3A, %reduce_sum3A [1] : vector<512x128xf32> to vector<512xf32>
    %broadcast_in_dim3A = vector.shape_cast %reduce_sum3A_15 : vector<512xf32> to vector<512x1xf32>
    %mul3A_16 = arith.mulf %dot_general3A_14, %get3A_10 : vector<512x16xf32>
    %reduce_sum3A_17 = arith.constant dense<0.000000e+00> : vector<512xf32>
    %reduce_sum3A_18 = vector.multi_reduction <add>, %mul3A_16, %reduce_sum3A_17 [1] : vector<512x16xf32> to vector<512xf32>
    %broadcast_in_dim3A_19 = vector.shape_cast %reduce_sum3A_18 : vector<512xf32> to vector<512x1xf32>
    %add3A = arith.addf %broadcast_in_dim3A, %broadcast_in_dim3A_19 : vector<512x1xf32>
    %mul3A_20 = arith.constant 0.0883883461 : f32
    %mul3A_21 = vector.broadcast %mul3A_20 : f32 to vector<512x1xf32>
    %mul3A_22 = arith.mulf %add3A, %mul3A_21 : vector<512x1xf32>
    %exp3A = math.exp %mul3A_22 : vector<512x1xf32>
    %get3A_23 = arith.constant 0 : index
    %get3A_24 = arith.constant 0 : index
    %get3A_25 = vector.load %arg6[%get3A_23, %get3A_24] : memref<16x128xf32, #tpu.memory_space<vmem>>, vector<16x128xf32>
    %dot_general3A_26 = arith.constant dense<0.000000e+00> : vector<512x128xf32>
    %dot_general3A_27 = tpu.matmul %get3A_10, %get3A_25, %dot_general3A_26 {dimension_numbers = #tpu.dot_dimension_numbers<[1], [0], [0], [1], [0, 0, 1, 1], [], []>, transpose_lhs_hint = false} : vector<512x16xf32>, vector<16x128xf32>, vector<512x128xf32> -> vector<512x128xf32>
    %get3A_28 = arith.constant 0 : index
    %get3A_29 = arith.constant 0 : index
    %get3A_30 = vector.load %arg4[%get3A_28, %get3A_29] : memref<512x16xf32, #tpu.memory_space<vmem>>, vector<512x16xf32>
    %get3A_31 = arith.constant 0 : index
    %get3A_32 = arith.constant 0 : index
    %get3A_33 = vector.load %arg7[%get3A_31, %get3A_32] : memref<16x128xf32, #tpu.memory_space<vmem>>, vector<16x128xf32>
    %dot_general3A_34 = arith.constant dense<0.000000e+00> : vector<512x128xf32>
    %dot_general3A_35 = tpu.matmul %get3A_30, %get3A_33, %dot_general3A_34 {dimension_numbers = #tpu.dot_dimension_numbers<[1], [0], [0], [1], [0, 0, 1, 1], [], []>, transpose_lhs_hint = false} : vector<512x16xf32>, vector<16x128xf32>, vector<512x128xf32> -> vector<512x128xf32>
    %get3A_36 = arith.constant 0 : index
    %get3A_37 = arith.constant 0 : index
    %get3A_38 = vector.load %arg8[%get3A_36, %get3A_37] : memref<128x128xf32, #tpu.memory_space<vmem>>, vector<128x128xf32>
    %dot_general3A_39 = arith.constant dense<0.000000e+00> : vector<512x128xf32>
    %dot_general3A_40 = tpu.matmul %dot_general3A_35, %get3A_38, %dot_general3A_39 {dimension_numbers = #tpu.dot_dimension_numbers<[1], [0], [0], [1], [0, 0, 1, 1], [], []>, transpose_lhs_hint = false} : vector<512x128xf32>, vector<128x128xf32>, vector<512x128xf32> -> vector<512x128xf32>
    %add3A_41 = arith.addf %get3A_4, %dot_general3A_27 : vector<512x128xf32>
    %mul3A_42 = arith.mulf %add3A_41, %dot_general3A_40 : vector<512x128xf32>
    %mul3A_43 = vector.broadcast %exp3A : vector<512x1xf32> to vector<512x128xf32>
    %mul3A_44 = arith.mulf %mul3A_42, %mul3A_43 : vector<512x128xf32>
    %swap3A = arith.constant 0 : index
    %swap3A_45 = arith.constant 0 : index
    %swap3A_46 = vector.load %arg9[%swap3A, %swap3A_45] : memref<512x128xf32, #tpu.memory_space<vmem>>, vector<512x128xf32>
    tpu.vector_store %arg9[%swap3A, %swap3A_45], %mul3A_44 {strides = array<i32>} : memref<512x128xf32, #tpu.memory_space<vmem>>, vector<512x128xf32>,
    %swap3A_47 = arith.constant 0 : index
    %swap3A_48 = arith.constant 0 : index
    %swap3A_49 = vector.load %arg10[%swap3A_47, %swap3A_48] : memref<512x1xf32, #tpu.memory_space<vmem>>, vector<512x1xf32>
    tpu.vector_store %arg10[%swap3A_47, %swap3A_48], %exp3A {strides = array<i32>} : memref<512x1xf32, #tpu.memory_space<vmem>>, vector<512x1xf32>,
    return
  }
  func.func @transform_0(%arg0: i32) -> (i32, i32) {
    %c0_i32 = arith.constant 0 : i32
    %c0_i32_0 = arith.constant 0 : i32
    return %arg0, %c0_i32 : i32, i32
  }
  func.func @transform_1(%arg0: i32) -> (i32, i32) {
    %c0_i32 = arith.constant 0 : i32
    %c0_i32_0 = arith.constant 0 : i32
    return %arg0, %c0_i32 : i32, i32
  }
  func.func @transform_2(%arg0: i32) -> (i32, i32) {
    %add3A = arith.constant 320 : i32
    %add3A_0 = arith.addi %arg0, %add3A : i32
    %c0_i32 = arith.constant 0 : i32
    %c0_i32_1 = arith.constant 0 : i32
    return %add3A_0, %c0_i32 : i32, i32
  }
  func.func @transform_3(%arg0: i32) -> (i32, i32) {
    %add3A = arith.constant 320 : i32
    %add3A_0 = arith.addi %arg0, %add3A : i32
    %c0_i32 = arith.constant 0 : i32
    %c0_i32_1 = arith.constant 0 : i32
    return %add3A_0, %c0_i32 : i32, i32
  }
  func.func @transform_4(%arg0: i32) -> (i32, i32) {
    %c0_i32 = arith.constant 0 : i32
    %c0_i32_0 = arith.constant 0 : i32
    %c0_i32_1 = arith.constant 0 : i32
    return %c0_i32, %c0_i32_0 : i32, i32
  }
  func.func @transform_5(%arg0: i32) -> (i32, i32) {
    %c0_i32 = arith.constant 0 : i32
    %c0_i32_0 = arith.constant 0 : i32
    %c0_i32_1 = arith.constant 0 : i32
    return %c0_i32, %c0_i32_0 : i32, i32
  }
  func.func @transform_6(%arg0: i32) -> (i32, i32) {
    %c0_i32 = arith.constant 0 : i32
    %c0_i32_0 = arith.constant 0 : i32
    %c0_i32_1 = arith.constant 0 : i32
    return %c0_i32, %c0_i32_0 : i32, i32
  }
  func.func @transform_7(%arg0: i32) -> (i32, i32) {
    %c0_i32 = arith.constant 0 : i32
    %c0_i32_0 = arith.constant 0 : i32
    %c0_i32_1 = arith.constant 0 : i32
    return %c0_i32, %c0_i32_0 : i32, i32
  }
  func.func @transform_8(%arg0: i32) -> (i32, i32) {
    %c0_i32 = arith.constant 0 : i32
    %c0_i32_0 = arith.constant 0 : i32
    return %arg0, %c0_i32 : i32, i32
  }
  func.func @transform_9(%arg0: i32) -> (i32, i32) {
    %c0_i32 = arith.constant 0 : i32
    %c0_i32_0 = arith.constant 0 : i32
    return %arg0, %c0_i32 : i32, i32
  }
}

module attributes {stable_mosaic.version = 14 : i64} {
  func.func @_edge_kernel(%arg0: i32, %arg1: memref<512x256xf32, #tpu.memory_space<vmem>>, %arg2: memref<512x128xf32, #tpu.memory_space<vmem>>, %arg3: memref<512x16xf32, #tpu.memory_space<vmem>>, %arg4: memref<512x16xf32, #tpu.memory_space<vmem>>, %arg5: memref<128x16xf32, #tpu.memory_space<vmem>>, %arg6: memref<16x128xf32, #tpu.memory_space<vmem>>, %arg7: memref<16x128xf32, #tpu.memory_space<vmem>>, %arg8: memref<128x128xf32, #tpu.memory_space<vmem>>, %arg9: memref<512x128xf32, #tpu.memory_space<vmem>>, %arg10: memref<512x1xf32, #tpu.memory_space<vmem>>) attributes {dimension_semantics = [#tpu.dimension_semantics<arbitrary>], iteration_bounds = array<i64: 320>, scalar_prefetch = 0 : i64, scratch_operands = 0 : i64, tpu.core_type = #tpu.core_type<tc>, window_params = [{transform_indices = @transform_0, window_bounds = array<i64: 512, 256>}, {transform_indices = @transform_1, window_bounds = array<i64: 512, 128>}, {transform_indices = @transform_2, window_bounds = array<i64: 512, 16>}, {transform_indices = @transform_3, window_bounds = array<i64: 512, 16>}, {pipeline_mode = #tpu.pipeline_mode<synchronous>, transform_indices = @transform_4, window_bounds = array<i64: 128, 16>}, {pipeline_mode = #tpu.pipeline_mode<synchronous>, transform_indices = @transform_5, window_bounds = array<i64: 16, 128>}, {pipeline_mode = #tpu.pipeline_mode<synchronous>, transform_indices = @transform_6, window_bounds = array<i64: 16, 128>}, {pipeline_mode = #tpu.pipeline_mode<synchronous>, transform_indices = @transform_7, window_bounds = array<i64: 128, 128>}, {transform_indices = @transform_8, window_bounds = array<i64: 512, 128>}, {transform_indices = @transform_9, window_bounds = array<i64: 512, 1>}]} {
    %get3A = arith.constant 0 : index
    %get3A_0 = arith.constant 0 : index
    %get3A_1 = vector.load %arg1[%get3A, %get3A_0] : memref<512x256xf32, #tpu.memory_space<vmem>>, vector<512x128xf32>
    %get3A_2 = arith.constant 0 : index
    %get3A_3 = arith.constant 128 : index
    %get3A_4 = vector.load %arg1[%get3A_2, %get3A_3] : memref<512x256xf32, #tpu.memory_space<vmem>>, vector<512x128xf32>
    %get3A_5 = arith.constant 0 : index
    %get3A_6 = arith.constant 0 : index
    %get3A_7 = vector.load %arg2[%get3A_5, %get3A_6] : memref<512x128xf32, #tpu.memory_space<vmem>>, vector<512x128xf32>
    %get3A_8 = arith.constant 0 : index
    %get3A_9 = arith.constant 0 : index
    %get3A_10 = vector.load %arg3[%get3A_8, %get3A_9] : memref<512x16xf32, #tpu.memory_space<vmem>>, vector<512x16xf32>
    %get3A_11 = arith.constant 0 : index
    %get3A_12 = arith.constant 0 : index
    %get3A_13 = vector.load %arg5[%get3A_11, %get3A_12] : memref<128x16xf32, #tpu.memory_space<vmem>>, vector<128x16xf32>
    %dot_general3A = arith.constant dense<0.000000e+00> : vector<512x16xf32>
    %dot_general3A_14 = tpu.matmul %get3A_7, %get3A_13, %dot_general3A {dimension_numbers = #tpu.dot_dimension_numbers<[1], [0], [0], [1], [0, 0, 1, 1], [], []>, transpose_lhs_hint = false} : vector<512x128xf32>, vector<128x16xf32>, vector<512x16xf32> -> vector<512x16xf32>
    %mul3A = arith.mulf %get3A_1, %get3A_7 : vector<512x128xf32>
    %reduce_sum3A = arith.constant dense<0.000000e+00> : vector<512xf32>
    %reduce_sum3A_15 = vector.multi_reduction <add>, %mul3A, %reduce_sum3A [1] : vector<512x128xf32> to vector<512xf32>
    %broadcast_in_dim3A = vector.shape_cast %reduce_sum3A_15 : vector<512xf32> to vector<512x1xf32>
    %mul3A_16 = arith.mulf %dot_general3A_14, %get3A_10 : vector<512x16xf32>
    %reduce_sum3A_17 = arith.constant dense<0.000000e+00> : vector<512xf32>
    %reduce_sum3A_18 = vector.multi_reduction <add>, %mul3A_16, %reduce_sum3A_17 [1] : vector<512x16xf32> to vector<512xf32>
    %broadcast_in_dim3A_19 = vector.shape_cast %reduce_sum3A_18 : vector<512xf32> to vector<512x1xf32>
    %add3A = arith.addf %broadcast_in_dim3A, %broadcast_in_dim3A_19 : vector<512x1xf32>
    %mul3A_20 = arith.constant 0.0883883461 : f32
    %mul3A_21 = vector.broadcast %mul3A_20 : f32 to vector<512x1xf32>
    %mul3A_22 = arith.mulf %add3A, %mul3A_21 : vector<512x1xf32>
    %exp3A = math.exp %mul3A_22 : vector<512x1xf32>
    %get3A_23 = arith.constant 0 : index
    %get3A_24 = arith.constant 0 : index
    %get3A_25 = vector.load %arg6[%get3A_23, %get3A_24] : memref<16x128xf32, #tpu.memory_space<vmem>>, vector<16x128xf32>
    %dot_general3A_26 = arith.constant dense<0.000000e+00> : vector<512x128xf32>
    %dot_general3A_27 = tpu.matmul %get3A_10, %get3A_25, %dot_general3A_26 {dimension_numbers = #tpu.dot_dimension_numbers<[1], [0], [0], [1], [0, 0, 1, 1], [], []>, transpose_lhs_hint = false} : vector<512x16xf32>, vector<16x128xf32>, vector<512x128xf32> -> vector<512x128xf32>
    %get3A_28 = arith.constant 0 : index
    %get3A_29 = arith.constant 0 : index
    %get3A_30 = vector.load %arg4[%get3A_28, %get3A_29] : memref<512x16xf32, #tpu.memory_space<vmem>>, vector<512x16xf32>
    %get3A_31 = arith.constant 0 : index
    %get3A_32 = arith.constant 0 : index
    %get3A_33 = vector.load %arg7[%get3A_31, %get3A_32] : memref<16x128xf32, #tpu.memory_space<vmem>>, vector<16x128xf32>
    %dot_general3A_34 = arith.constant dense<0.000000e+00> : vector<512x128xf32>
    %dot_general3A_35 = tpu.matmul %get3A_30, %get3A_33, %dot_general3A_34 {dimension_numbers = #tpu.dot_dimension_numbers<[1], [0], [0], [1], [0, 0, 1, 1], [], []>, transpose_lhs_hint = false} : vector<512x16xf32>, vector<16x128xf32>, vector<512x128xf32> -> vector<512x128xf32>
    %get3A_36 = arith.constant 0 : index
    %get3A_37 = arith.constant 0 : index
    %get3A_38 = vector.load %arg8[%get3A_36, %get3A_37] : memref<128x128xf32, #tpu.memory_space<vmem>>, vector<128x128xf32>
    %dot_general3A_39 = arith.constant dense<0.000000e+00> : vector<512x128xf32>
    %dot_general3A_40 = tpu.matmul %dot_general3A_35, %get3A_38, %dot_general3A_39 {dimension_numbers = #tpu.dot_dimension_numbers<[1], [0], [0], [1], [0, 0, 1, 1], [], []>, transpose_lhs_hint = false} : vector<512x128xf32>, vector<128x128xf32>, vector<512x128xf32> -> vector<512x128xf32>
    %add3A_41 = arith.addf %get3A_4, %dot_general3A_27 : vector<512x128xf32>
    %mul3A_42 = arith.mulf %add3A_41, %dot_general3A_40 : vector<512x128xf32>
    %mul3A_43 = vector.broadcast %exp3A : vector<512x1xf32> to vector<512x128xf32>
    %mul3A_44 = arith.mulf %mul3A_42, %mul3A_43 : vector<512x128xf32>
    %swap3A = arith.constant 0 : index
    %swap3A_45 = arith.constant 0 : index
    %swap3A_46 = vector.load %arg9[%swap3A, %swap3A_45] : memref<512x128xf32, #tpu.memory_space<vmem>>, vector<512x128xf32>
    tpu.vector_store %arg9[%swap3A, %swap3A_45], %mul3A_44 {strides = array<i32>} : memref<512x128xf32, #tpu.memory_space<vmem>>, vector<512x128xf32>,
    %swap3A_47 = arith.constant 0 : index
    %swap3A_48 = arith.constant 0 : index
    %swap3A_49 = vector.load %arg10[%swap3A_47, %swap3A_48] : memref<512x1xf32, #tpu.memory_space<vmem>>, vector<512x1xf32>
    tpu.vector_store %arg10[%swap3A_47, %swap3A_48], %exp3A {strides = array<i32>} : memref<512x1xf32, #tpu.memory_space<vmem>>, vector<512x1xf32>,
    return
  }
  func.func @transform_0(%arg0: i32) -> (i32, i32) {
    %c0_i32 = arith.constant 0 : i32
    %c0_i32_0 = arith.constant 0 : i32
    return %arg0, %c0_i32 : i32, i32
  }
  func.func @transform_1(%arg0: i32) -> (i32, i32) {
    %c0_i32 = arith.constant 0 : i32
    %c0_i32_0 = arith.constant 0 : i32
    return %arg0, %c0_i32 : i32, i32
  }
  func.func @transform_2(%arg0: i32) -> (i32, i32) {
    %add3A = arith.constant 0 : i32
    %add3A_0 = arith.addi %arg0, %add3A : i32
    %c0_i32 = arith.constant 0 : i32
    %c0_i32_1 = arith.constant 0 : i32
    return %add3A_0, %c0_i32 : i32, i32
  }
  func.func @transform_3(%arg0: i32) -> (i32, i32) {
    %add3A = arith.constant 0 : i32
    %add3A_0 = arith.addi %arg0, %add3A : i32
    %c0_i32 = arith.constant 0 : i32
    %c0_i32_1 = arith.constant 0 : i32
    return %add3A_0, %c0_i32 : i32, i32
  }
  func.func @transform_4(%arg0: i32) -> (i32, i32) {
    %c0_i32 = arith.constant 0 : i32
    %c0_i32_0 = arith.constant 0 : i32
    %c0_i32_1 = arith.constant 0 : i32
    return %c0_i32, %c0_i32_0 : i32, i32
  }
  func.func @transform_5(%arg0: i32) -> (i32, i32) {
    %c0_i32 = arith.constant 0 : i32
    %c0_i32_0 = arith.constant 0 : i32
    %c0_i32_1 = arith.constant 0 : i32
    return %c0_i32, %c0_i32_0 : i32, i32
  }
  func.func @transform_6(%arg0: i32) -> (i32, i32) {
    %c0_i32 = arith.constant 0 : i32
    %c0_i32_0 = arith.constant 0 : i32
    %c0_i32_1 = arith.constant 0 : i32
    return %c0_i32, %c0_i32_0 : i32, i32
  }
  func.func @transform_7(%arg0: i32) -> (i32, i32) {
    %c0_i32 = arith.constant 0 : i32
    %c0_i32_0 = arith.constant 0 : i32
    %c0_i32_1 = arith.constant 0 : i32
    return %c0_i32, %c0_i32_0 : i32, i32
  }
  func.func @transform_8(%arg0: i32) -> (i32, i32) {
    %c0_i32 = arith.constant 0 : i32
    %c0_i32_0 = arith.constant 0 : i32
    return %arg0, %c0_i32 : i32, i32
  }
  func.func @transform_9(%arg0: i32) -> (i32, i32) {
    %c0_i32 = arith.constant 0 : i32
    %c0_i32_0 = arith.constant 0 : i32
    return %arg0, %c0_i32 : i32, i32
  }
}

module attributes {stable_mosaic.version = 14 : i64} {
  func.func @_final_kernel(%arg0: i32, %arg1: memref<1x512x128xf32, #tpu.memory_space<vmem>>, %arg2: memref<1x512x128xf32, #tpu.memory_space<vmem>>, %arg3: memref<1x512x128xf32, #tpu.memory_space<vmem>>, %arg4: memref<1x512x128xf32, #tpu.memory_space<vmem>>, %arg5: memref<1x512x1xf32, #tpu.memory_space<vmem>>, %arg6: memref<1x512x1xf32, #tpu.memory_space<vmem>>, %arg7: memref<1x512x1xf32, #tpu.memory_space<vmem>>, %arg8: memref<1x512x1xf32, #tpu.memory_space<vmem>>, %arg9: memref<512x128xf32, #tpu.memory_space<vmem>>, %arg10: memref<512x128xf32, #tpu.memory_space<vmem>>) attributes {dimension_semantics = [#tpu.dimension_semantics<arbitrary>], iteration_bounds = array<i64: 20>, scalar_prefetch = 0 : i64, scratch_operands = 0 : i64, tpu.core_type = #tpu.core_type<tc>, window_params = [{transform_indices = @transform_0, window_bounds = array<i64: 1, 512, 128>}, {transform_indices = @transform_1, window_bounds = array<i64: 1, 512, 128>}, {transform_indices = @transform_2, window_bounds = array<i64: 1, 512, 128>}, {transform_indices = @transform_3, window_bounds = array<i64: 1, 512, 128>}, {transform_indices = @transform_4, window_bounds = array<i64: 1, 512, 1>}, {transform_indices = @transform_5, window_bounds = array<i64: 1, 512, 1>}, {transform_indices = @transform_6, window_bounds = array<i64: 1, 512, 1>}, {transform_indices = @transform_7, window_bounds = array<i64: 1, 512, 1>}, {transform_indices = @transform_8, window_bounds = array<i64: 512, 128>}, {transform_indices = @transform_9, window_bounds = array<i64: 512, 128>}]} {
    %get3A = arith.constant 0 : index
    %get3A_0 = arith.constant 0 : index
    %get3A_1 = arith.constant 0 : index
    %get3A_2 = vector.load %arg1[%get3A, %get3A_0, %get3A_1] : memref<1x512x128xf32, #tpu.memory_space<vmem>>, vector<1x512x128xf32>
    %get3A_3 = vector.shape_cast %get3A_2 : vector<1x512x128xf32> to vector<512x128xf32>
    %get3A_4 = arith.constant 0 : index
    %get3A_5 = arith.constant 0 : index
    %get3A_6 = arith.constant 0 : index
    %get3A_7 = vector.load %arg2[%get3A_4, %get3A_5, %get3A_6] : memref<1x512x128xf32, #tpu.memory_space<vmem>>, vector<1x512x128xf32>
    %get3A_8 = vector.shape_cast %get3A_7 : vector<1x512x128xf32> to vector<512x128xf32>
    %add3A = arith.addf %get3A_3, %get3A_8 : vector<512x128xf32>
    %get3A_9 = arith.constant 0 : index
    %get3A_10 = arith.constant 0 : index
    %get3A_11 = arith.constant 0 : index
    %get3A_12 = vector.load %arg3[%get3A_9, %get3A_10, %get3A_11] : memref<1x512x128xf32, #tpu.memory_space<vmem>>, vector<1x512x128xf32>
    %get3A_13 = vector.shape_cast %get3A_12 : vector<1x512x128xf32> to vector<512x128xf32>
    %get3A_14 = arith.constant 0 : index
    %get3A_15 = arith.constant 0 : index
    %get3A_16 = arith.constant 0 : index
    %get3A_17 = vector.load %arg4[%get3A_14, %get3A_15, %get3A_16] : memref<1x512x128xf32, #tpu.memory_space<vmem>>, vector<1x512x128xf32>
    %get3A_18 = vector.shape_cast %get3A_17 : vector<1x512x128xf32> to vector<512x128xf32>
    %add3A_19 = arith.addf %get3A_13, %get3A_18 : vector<512x128xf32>
    %add3A_20 = arith.addf %add3A, %add3A_19 : vector<512x128xf32>
    %get3A_21 = arith.constant 0 : index
    %get3A_22 = arith.constant 0 : index
    %get3A_23 = arith.constant 0 : index
    %get3A_24 = vector.load %arg5[%get3A_21, %get3A_22, %get3A_23] : memref<1x512x1xf32, #tpu.memory_space<vmem>>, vector<1x512x1xf32>
    %get3A_25 = vector.shape_cast %get3A_24 : vector<1x512x1xf32> to vector<512x1xf32>
    %get3A_26 = arith.constant 0 : index
    %get3A_27 = arith.constant 0 : index
    %get3A_28 = arith.constant 0 : index
    %get3A_29 = vector.load %arg6[%get3A_26, %get3A_27, %get3A_28] : memref<1x512x1xf32, #tpu.memory_space<vmem>>, vector<1x512x1xf32>
    %get3A_30 = vector.shape_cast %get3A_29 : vector<1x512x1xf32> to vector<512x1xf32>
    %add3A_31 = arith.addf %get3A_25, %get3A_30 : vector<512x1xf32>
    %get3A_32 = arith.constant 0 : index
    %get3A_33 = arith.constant 0 : index
    %get3A_34 = arith.constant 0 : index
    %get3A_35 = vector.load %arg7[%get3A_32, %get3A_33, %get3A_34] : memref<1x512x1xf32, #tpu.memory_space<vmem>>, vector<1x512x1xf32>
    %get3A_36 = vector.shape_cast %get3A_35 : vector<1x512x1xf32> to vector<512x1xf32>
    %get3A_37 = arith.constant 0 : index
    %get3A_38 = arith.constant 0 : index
    %get3A_39 = arith.constant 0 : index
    %get3A_40 = vector.load %arg8[%get3A_37, %get3A_38, %get3A_39] : memref<1x512x1xf32, #tpu.memory_space<vmem>>, vector<1x512x1xf32>
    %get3A_41 = vector.shape_cast %get3A_40 : vector<1x512x1xf32> to vector<512x1xf32>
    %add3A_42 = arith.addf %get3A_36, %get3A_41 : vector<512x1xf32>
    %add3A_43 = arith.addf %add3A_31, %add3A_42 : vector<512x1xf32>
    %add3A_44 = arith.constant 1.000000e-16 : f32
    %add3A_45 = vector.broadcast %add3A_44 : f32 to vector<512x1xf32>
    %add3A_46 = arith.addf %add3A_43, %add3A_45 : vector<512x1xf32>
    %div3A = vector.broadcast %add3A_46 : vector<512x1xf32> to vector<512x128xf32>
    %div3A_47 = arith.divf %add3A_20, %div3A : vector<512x128xf32>
    %get3A_48 = arith.constant 0 : index
    %get3A_49 = arith.constant 0 : index
    %get3A_50 = vector.load %arg9[%get3A_48, %get3A_49] : memref<512x128xf32, #tpu.memory_space<vmem>>, vector<512x128xf32>
    %add3A_51 = arith.addf %div3A_47, %get3A_50 : vector<512x128xf32>
    %swap3A = arith.constant 0 : index
    %swap3A_52 = arith.constant 0 : index
    %swap3A_53 = vector.load %arg10[%swap3A, %swap3A_52] : memref<512x128xf32, #tpu.memory_space<vmem>>, vector<512x128xf32>
    tpu.vector_store %arg10[%swap3A, %swap3A_52], %add3A_51 {strides = array<i32>} : memref<512x128xf32, #tpu.memory_space<vmem>>, vector<512x128xf32>,
    return
  }
  func.func @transform_0(%arg0: i32) -> (i32, i32, i32) {
    %c0_i32 = arith.constant 0 : i32
    %c0_i32_0 = arith.constant 0 : i32
    %c0_i32_1 = arith.constant 0 : i32
    return %c0_i32, %arg0, %c0_i32_0 : i32, i32, i32
  }
  func.func @transform_1(%arg0: i32) -> (i32, i32, i32) {
    %c1_i32 = arith.constant 1 : i32
    %c0_i32 = arith.constant 0 : i32
    %c0_i32_0 = arith.constant 0 : i32
    return %c1_i32, %arg0, %c0_i32 : i32, i32, i32
  }
  func.func @transform_2(%arg0: i32) -> (i32, i32, i32) {
    %c0_i32 = arith.constant 0 : i32
    %c0_i32_0 = arith.constant 0 : i32
    %c0_i32_1 = arith.constant 0 : i32
    return %c0_i32, %arg0, %c0_i32_0 : i32, i32, i32
  }
  func.func @transform_3(%arg0: i32) -> (i32, i32, i32) {
    %c1_i32 = arith.constant 1 : i32
    %c0_i32 = arith.constant 0 : i32
    %c0_i32_0 = arith.constant 0 : i32
    return %c1_i32, %arg0, %c0_i32 : i32, i32, i32
  }
  func.func @transform_4(%arg0: i32) -> (i32, i32, i32) {
    %c0_i32 = arith.constant 0 : i32
    %c0_i32_0 = arith.constant 0 : i32
    %c0_i32_1 = arith.constant 0 : i32
    return %c0_i32, %arg0, %c0_i32_0 : i32, i32, i32
  }
  func.func @transform_5(%arg0: i32) -> (i32, i32, i32) {
    %c1_i32 = arith.constant 1 : i32
    %c0_i32 = arith.constant 0 : i32
    %c0_i32_0 = arith.constant 0 : i32
    return %c1_i32, %arg0, %c0_i32 : i32, i32, i32
  }
  func.func @transform_6(%arg0: i32) -> (i32, i32, i32) {
    %c0_i32 = arith.constant 0 : i32
    %c0_i32_0 = arith.constant 0 : i32
    %c0_i32_1 = arith.constant 0 : i32
    return %c0_i32, %arg0, %c0_i32_0 : i32, i32, i32
  }
  func.func @transform_7(%arg0: i32) -> (i32, i32, i32) {
    %c1_i32 = arith.constant 1 : i32
    %c0_i32 = arith.constant 0 : i32
    %c0_i32_0 = arith.constant 0 : i32
    return %c1_i32, %arg0, %c0_i32 : i32, i32, i32
  }
  func.func @transform_8(%arg0: i32) -> (i32, i32) {
    %c0_i32 = arith.constant 0 : i32
    %c0_i32_0 = arith.constant 0 : i32
    return %arg0, %c0_i32 : i32, i32
  }
  func.func @transform_9(%arg0: i32) -> (i32, i32) {
    %c0_i32 = arith.constant 0 : i32
    %c0_i32_0 = arith.constant 0 : i32
    return %arg0, %c0_i32 : i32, i32
  }
}

</mosaic_0001>

<sc_bundles>
// kernel: kernel.10.cloned.1.call-start
scs
__scs_entry_jumppad:
0x0: {  	(pc) =	sbr.rel $0x88, $3  }
0x1: {  	(tag) =	ssettag $0x0;
	lr =	simm.s32 $0x1  }
0x2: {  	[smem:$0x3F8E] =	sst lr;
	_ =	strace $0xD0000000  }
0x3: {  	_ = 	snop  }
0x4: {  	_ = 	snop  }
0x5: {  	_ = 	snop  }
0x6: {  	_ = 	snop  }
0x7: {  	_ = 	snop  }
__scs_overlays_trampoline_lowered:
0x8: {  	[smem:$0x3F9D] =	sst s0  }
0x9: {  	[smem:$0x3F9E] =	sst s1  }
0xa: {  	[smem:$0x3F9F] =	sst s2  }
0xb: {  	[smem:$0x3FA0] =	sst s3  }
0xc: {  	[smem:$0x3FA1] =	sst s4  }
0xd: {  	[smem:$0x3FA2] =	sst s5  }
0xe: {  	[smem:$0x3FA3] =	sst s6  }
0xf: {  	[smem:$0x3FA4] =	sst s7  }
0x10: {  	[smem:$0x3FA5] =	sst s8  }
0x11: {  	[smem:$0x3FA6] =	sst s9;
	s0 =	simm.s32 @!p0 $0x0  }
0x12: {  	s1 =	sld [smem:$0x3F8C];
	s0 =	simm.s32 @p0 $0x1  }
0x13: {  	[smem:$0x3FA7] =	sst s0;
	s0 =	simm.s32 @!p1 $0x0  }
0x14: {  	s2 =	sld [smem:$0x3F8B];
	s0 =	simm.s32 @p1 $0x1  }
0x15: {  	[smem:$0x3FA8] =	sst s0;
	s0 =	simm.s32 @!p2 $0x0  }
0x16: {  	s3 =	sld [smem:$0x3FDB];
	s0 =	simm.s32 @p2 $0x1  }
0x17: {  	s4 =	simm.s32 $0x1BF5;
	[smem:$0x3FAA] =	sst s0  }
0x18: {  	s0 =	sld [smem:$0x3F8D];
	_ =	swait.ge [sflag:s4], $0x0  }
0x19: {  	s7 =	sld [smem:$0x3F8E]  }
0x1a: {  	s8 =	sadd.s32 $0xFFFFE003, lr  }
0x1b: {  	s9 =	sadd.s32 $0xFFFFFEF7, lr;
	s5 =	simm.s32 $0xFFFFFFFF;
	p2 =	slt.u32 s8, $0xFFFFF086  }
0x1c: {  	p1 =	slt.u32 s9, $0xF7A;
	s5 =	simm.s32 @!p2 $0x0  }
0x1d: {  	s5 =	simm.s32 @p1 $0x1;
	p0 =	seq.s32 s7, s2  }
0x1e: {  	s7 =	smul.u32 @!p0 $0xF7A, s2;
	p2 =	seq.s32 @!p0 s5, $0x0  }
0x1f: {  	s9 =	smul.u32 $0xF7A, s1;
	s8 =	simm.s32 @!p0 $0x1BF5;
	p2 =	por !p2, p0  }
0x20: {  	[sflag:s8] =	ssyncset.s32 @!p0 $0xFFFFF086;
	s6 =	sadd.s32 @!p0 s3, s7;
	s7 =	simm.s32 @!p0 $0x108  }
0x21: {  	s3 =	sadd.s32 s3, s9;
	s6 =	sadd.s32 @!p0 $0x88, s6;
	s7 =	simm.s32 @p2 $0x1082  }
0x22: {  	[simem:s7], [sflag:s8] =	dma.local @!p0 [hbm:s6], $0xF7A  }
0x23: {  	s9 =	sor.u32 $0xD0000000, s2;
	s6 =	simm.s32 $0x108;
	_ =	swait.ge @!p0 [sflag:s8], $0x0  }
0x24: {  	s3 =	sadd.s32 $0x88, s3;
	s6 =	simm.s32 @!p1 $0x1082;
	[sflag:s4] =	ssyncset.s32 $0xFFFFF086  }
0x25: {  	[simem:s6], [sflag:s4] =	dma.local [hbm:s3], $0xF7A  }
0x26: {  	[smem:$0x3F8E] =	sst s1;
	(tag) =	ssettag s2;
	_ =	strace s9  }
0x27: {  	s1 =	sld [smem:$0x3F9E]  }
0x28: {  	s2 =	sld [smem:$0x3F9F]  }
0x29: {  	s4 =	sld [smem:$0x3FA1]  }
0x2a: {  	p0 =	seq.s32 s5, $0x0;
	s5 =	sld [smem:$0x3FA2]  }
0x2b: {  	s6 =	sld [smem:$0x3FA3]  }
0x2c: {  	s7 =	sld [smem:$0x3FA4]  }
0x2d: {  	s3 =	simm.s32 $0x108;
	s8 =	sld [smem:$0x3FA5]  }
0x2e: {  	s3 =	simm.s32 @!p0 $0x1082;
	s9 =	sld [smem:$0x3FA6]  }
0x2f: {  	lr =	sadd.s32 s0, s3;
	s0 =	sld [smem:$0x3F9D]  }
0x30: {  	s3 =	sld [smem:$0x3FA0]  }
0x31: {  	[smem:$0x3FA9] =	sst s10  }
0x32: {  	s10 =	sld [smem:$0x3FA7];
	_ =	sdelay $0x3  }
0x33: {  	p0 =	seq.s32 s10, $0x1;
	s10 =	sld [smem:$0x3FA9];
	_ =	sdelay $0x3  }
0x34: {  	[smem:$0x3FA9] =	sst s10  }
0x35: {  	s10 =	sld [smem:$0x3FA8];
	_ =	sdelay $0x3  }
0x36: {  	p1 =	seq.s32 s10, $0x1;
	s10 =	sld [smem:$0x3FA9];
	_ =	sdelay $0x3  }
0x37: {  	[smem:$0x3FA9] =	sst s10  }
0x38: {  	s10 =	sld [smem:$0x3FAA]  }
0x39: {  	_ = 	snop;
	(pc) =	sbr.ind lr, $3  }
0x3a: {  	_ = 	snop  }
0x3b: {  	_ = 	snop  }
0x3c: {  	p2 =	seq.s32 s10, $0x1;
	s10 =	sld [smem:$0x3FA9]  }
0x3d: {  	_ =	shalt  }
0x3e: {  	_ =	shalt  }
0x3f: {  	_ =	shalt  }
0x40: {  	_ =	shalt  }
0x41: {  	_ =	shalt  }
0x42: {  	_ =	shalt  }
0x43: {  	_ =	shalt  }
0x44: {  	_ =	shalt  }
0x45: {  	_ =	shalt  }
0x46: {  	_ =	shalt  }
0x47: {  	_ =	shalt  }
0x48: {  	_ =	shalt  }
0x49: {  	_ =	shalt  }
0x4a: {  	_ =	shalt  }
0x4b: {  	_ =	shalt  }
0x4c: {  	_ =	shalt  }
0x4d: {  	_ =	shalt  }
0x4e: {  	_ =	shalt  }
0x4f: {  	_ =	shalt  }
0x50: {  	_ =	shalt  }
0x51: {  	_ =	shalt  }
0x52: {  	_ =	shalt  }
0x53: {  	_ =	shalt  }
0x54: {  	_ =	shalt  }
0x55: {  	_ =	shalt  }
0x56: {  	_ =	shalt  }
0x57: {  	_ =	shalt  }
0x58: {  	_ =	shalt  }
0x59: {  	_ =	shalt  }
0x5a: {  	_ =	shalt  }
0x5b: {  	_ =	shalt  }
0x5c: {  	_ =	shalt  }
0x5d: {  	_ =	shalt  }
0x5e: {  	_ =	shalt  }
0x5f: {  	_ =	shalt  }
0x60: {  	_ =	shalt  }
0x61: {  	_ =	shalt  }
0x62: {  	_ =	shalt  }
0x63: {  	_ =	shalt  }
0x64: {  	_ =	shalt  }
0x65: {  	_ =	shalt  }
0x66: {  	_ =	shalt  }
0x67: {  	_ =	shalt  }
0x68: {  	_ =	shalt  }
0x69: {  	_ =	shalt  }
0x6a: {  	_ =	shalt  }
0x6b: {  	_ =	shalt  }
0x6c: {  	_ =	shalt  }
0x6d: {  	_ =	shalt  }
0x6e: {  	_ =	shalt  }
0x6f: {  	_ =	shalt  }
0x70: {  	_ =	shalt  }
0x71: {  	_ =	shalt  }
0x72: {  	_ =	shalt  }
0x73: {  	_ =	shalt  }
0x74: {  	_ =	shalt  }
0x75: {  	_ =	shalt  }
0x76: {  	_ =	shalt  }
0x77: {  	_ =	shalt  }
0x78: {  	_ =	shalt  }
0x79: {  	_ =	shalt  }
0x7a: {  	_ =	shalt  }
0x7b: {  	_ =	shalt  }
0x7c: {  	_ =	shalt  }
0x7d: {  	_ =	shalt  }
0x7e: {  	_ =	shalt  }
0x7f: {  	_ =	shalt  }
0x80: {  	_ =	shalt  }
0x81: {  	_ =	shalt  }
0x82: {  	_ =	shalt  }
0x83: {  	_ =	shalt  }
0x84: {  	_ =	shalt  }
0x85: {  	_ =	shalt  }
0x86: {  	_ =	shalt  }
0x87: {  	_ =	shalt  }
.Lfunc_end0:
.L_simem_size_0:
called_computation_lowered:
.L_overlay_start_0:
0x88: {  	s2 =	sld [smem:$0x3FD9]  }
0x89: {  	s3 =	sld [smem:$0x3FFE];
	_ =	sdelay $0x1  }
0x8a: {  	s1 =	srdreg.scid  }
0x8b: {  	s0 =	sand.u32 $0x1, s1  }
0x8c: {  	s17 =	sshll.u32 s0, $0xA;
	s2 =	sadd.s32 s3, s2  }
0x8d: {  	s2 =	sadd.s32 s2, s17  }
0x8e: {  	[smem:$0x3FB5] =	sst s2  }
0x8f: {  	_ = 	snop  }
0x90: {  	s2 =	sld [smem:$0x3FD0];
	(tm) =	ssettm $0x1  }
0x91: {  	s18 =	sld [smem:$0x3FFB];
	_ =	sdelay $0x3  }
0x92: {  	_ =	strace s18  }
0x93: {  	s3 =	sld [smem:$0x3FFC];
	_ =	sdelay $0x3  }
0x94: {  	_ =	strace s3  }
0x95: {  	s3 =	sld [smem:$0x3FFD];
	_ =	sdelay $0x3  }
0x96: {  	_ =	strace s3  }
0x97: {  	_ =	strace $0x8FFFFFFF  }
0x98: {  	s19 =	sld [smem:$0x3FDB];
	_ =	sdelay $0x1  }
0x99: {  	s4 =	simm.s32 $_scs_section_size  }
0x9a: {  	s5 =	simm.s32 $_size__tile_overlayer_lowered;
	s6 =	simm.s32 $_tile_overlayer_lowered  }
0x9b: {  	s22 =	simm.s32 $0x1BFF;
	s21 =	sshll.u32 s6, $0x1;
	s3 =	sadd.s32 s4, s19  }
0x9c: {  	s7 =	simm.s32 $0x0;
	s20 =	sshll.u32 s5, $0x1;
	s5 =	sadd.s32 s21, s3  }
0x9d: {  	[timem:s7], [sflag:s22] =	dma.local [hbm:s5], s20  }
0x9e: {  	_ =	swait.ge [sflag:s22], s20  }
0x9f: {  	s4 =	ssub.s32 $0x0, s20;
	[sflag:s22] =	ssyncset.done $0x0  }
0xa0: {  	[sflag:s22] =	ssyncadd.s32 s4;
	_ =	sdelay $0x1  }
0xa1: {  	s23 =	simm.s32 $0x1B8B  }
0xa2: {  	_ =	swait.ge [sflag:s23], $0x1  }
0xa3: {  	[sflag:s23] =	ssyncset.done $0x0  }
0xa4: {  	s25 =	simm.s32 $0x1B8E;
	s24 =	sld [smem:$0x3FFE];
	[sflag:s23] =	ssyncadd.s32 $0xFFFFFFFF  }
0xa5: {  	s26 =	simm.s32 $execute0_lowered;
	[smem:$0x3FD2] =	sst s25  }
0xa6: {  	s5 =	sshll.u32 s26, $0x1;
	_ =	strace $0x80000046;
	[dreg:$0x1] =	wrdreg $0xFFFFFFFF  }
0xa7: {  	s28 =	simm.s32 $_size_execute0_lowered;
	s3 =	sadd.s32 s3, s5;
	[dreg:$0x0] =	wrdreg $0x0  }
0xa8: {  	s5 =	sshll.u32 s28, $0x1;
	[dreg:$0x2] =	wrdreg s3  }
0xa9: {  	[dreg:$0x3] =	wrdreg s5  }
0xaa: {  	[dreg:$0x4] =	wrdreg $0xC0  }
0xab: {  	_ =	task [dreg:s7], $0x5FFFF  }
0xac: {  	[dreg:$0x1] =	wrdreg $0xFFFFFFFF  }
0xad: {  	[dreg:$0x0] =	wrdreg $0x60  }
0xae: {  	[dreg:$0x2] =	wrdreg s24  }
0xaf: {  	[dreg:$0x3] =	wrdreg s2  }
0xb0: {  	[dreg:$0x4] =	wrdreg $0xA  }
0xb1: {  	_ =	task.clear_ibuf [dreg:s7], $0x5FFFF;
	_ =	strace $0x90000046  }
0xb2: {  	s29 =	simm.s32 $0xA;
	_ =	strace $0x80000048  }
0xb3: {  	_ =	swait.ge [sflag:s29], $0x1  }
0xb4: {  	[sflag:s29] =	ssyncadd.s32 $0xFFFFFFFF  }
0xb5: {  	_ =	strace $0x90000048  }
0xb6: {  	_ =	sfence  }
0xb7: {  	s30 =	sld [smem:$0x0];
	_ =	sdelay $0x2  }
0xb8: {  	s31 =	sshll.u32 s1, $0xD;
	s1 =	sshrl.u32 s1, $0x2  }
0xb9: {  	s3 =	sand.u32 $0x4000, s31;
	s1 =	sadd.s32 s1, s30  }
0xba: {  	s0 =	sor.u32 s3, s0;
	s1 =	sshll.u32 s1, $0x11  }
0xbb: {  	s0 =	sor.u32 s1, s0  }
0xbc: {  	s0 =	sadd.s32 $0x8F2B, s0  }
0xbd: {  	[sflag:s0] =	ssyncadd.remote.s32 $0x1  }
0xbe: {  	_ =	sfence.sel $0xFFFF  }
0xbf: {  	[dreg:$0x0] =	wrdreg $0xFFFFFFFF;
	(pc) =	sbr.abs _section_cstart, $3  }
0xc0: {  	[dreg:$0x1] =	wrdreg $0xFFFFFFFF  }
0xc1: {  	_ =	task.clear_ibuf [dreg:s7], $0x2FFFF;
	_ =	strace $0x9FFFFFFF  }
0xc2: {  	(tm) =	ssettm $0x7FFFFFFF  }
0xc3: {  	_ =	shalt  }
tec
execute0_lowered:
.L_overlay_start_1:
0x0: {  	(tag) =	ssettag $0x1  }
0x1: {  	s0 =	srdreg.scid;
	s1 =	rddreg [dreg:$0x0]  }
0x2: {  	s2 =	stileid.u32;
	s8 =	rddreg [dreg:$0x1]  }
0x3: {  	s13 =	simm.s32 $0x2800;
	s30 =	simm.s32 $0x80;
	s31 =	simm.s32 $0xA800  }
0x4: {  	s12 =	simm.s32 $0xF800;
	s11 =	simm.s32 $0x11800;
	s14 =	simm.s32 $0x12000  }
0x5: {  	s15 =	simm.s32 $0x12800;
	s16 =	simm.s32 $0x13000;
	s17 =	simm.s32 $0x13800  }
0x6: {  	s18 =	simm.s32 $0x14000;
	s19 =	simm.s32 $0x14800;
	s20 =	simm.s32 $0x15000  }
0x7: {  	s21 =	simm.s32 $0x15800;
	s22 =	simm.s32 $0x16000;
	s23 =	simm.s32 $0x16800  }
0x8: {  	s24 =	simm.s32 $0x1;
	s28 =	simm.s32 $0x0;
	s0 =	sand.u32 $0x1, s0  }
0x9: {  	s2 =	sshll.u32 s2, $0x1;
	s4 =	sadd.s32 $0x10000, s1;
	s5 =	sadd.s32 $0x60000, s1  }
0xa: {  	s6 =	sadd.s32 $0xB0000, s1;
	s3 =	sor.u32 s0, s2;
	s2 =	simm.s32 $0x0  }
0xb: {  	s0 =	ssub.s32 $0x2, s0;
	s3 =	smul.u32 $0x1400, s3;
	[smem:$0x7FF] =	sst s2  }
0xc: {  	s7 =	sadd.s32 $0x5B0000, s1;
	s25 =	sshrl.u32 s0, $0x1;
	_ =	strace $0x80000047  }
.Ltmp0:
0xd: {  	s0 =	ssub.s32 s0, s25;
	s9 =	sshrl.u32 s3, $0x3;
	(pc) =	sbr.rel .LBB2_1-.Ltmp0, $4  }
0xe: {  	s0 =	smax.u32 s0, $0x1;
	s10 =	sadd.s32 s9, s1;
	s26 =	sadd.s32 s8, s9  }
0xf: {  	v2 =	vlaneseq.u32;
	[dreg:$0x5] =	wrdreg s0;
	s1 =	simm.s32 $0xE800;
	s8 =	simm.s32 $0x10000  }
0x10: {  	vm0 =	vmmov $0xffff;
	v1 =	vshrl.u32 v2, $0x3;
	s9 =	simm.s32 $0x10800;
	[dreg:$0x3] =	wrdreg s26;
	s29 =	sadd.s32 $0x6200, s10  }
0x11: {  	v0 =	vand.u32 $0x7, v2;
	v2 =	vor.u32 $0x8, v2;
	v1 =	vmul.u32 $0x8, v1;
	s10 =	simm.s32 $0x11000;
	s26 =	simm.s32 $0x2;
	[dreg:$0x4] =	wrdreg s29  }
.LBB2_10:
0x12: {  	s0 =	simm.s32 $0x4  }
0x13: {  	_ =	swait.ge [sflag:s0], $0x8000  }
0x14: {  	[sflag:s0] =	ssyncset.done $0x0  }
0x15: {  	[sflag:s0] =	ssyncadd.s32 $0xFFFF8000  }
0x16: {  	_ =	swait.ge [sflag:s0], $0x4000  }
0x17: {  	s28 =	rddreg [dreg:$0x6]  }
0x18: {  	s25 =	rddreg [dreg:$0x5];
	s28 =	sadd.s32 $0x1, s28  }
0x19: {  	p0 =	sne.s32 s28, s25  }
.Ltmp1:
0x1a: {  	_ = 	snop;
	(pc) =	sbr.rel @!p0 .LBB2_11-.Ltmp1, $3  }
0x1b: {  	_ =	sdelay $0x1  }
0x1c: {  	[sflag:s0] =	ssyncset.done $0x0  }
0x1d: {  	[sflag:s0] =	ssyncadd.s32 $0xFFFFC000  }
.LBB2_1:
0x1e: {  	[dreg:$0x6] =	wrdreg s28  }
0x1f: {  	s25 =	rddreg [dreg:$0x3];
	s28 =	simm.s32 $0x5  }
0x20: {  	[tilespmem:s2], [sflag:$0x5] =	stream.linear.gather [hbm4b:s25+s2], $0x1400, $0x38;
	[tilespmem:$0x1A800] =	vst v63  }
0x21: {  	_ =	swait.ge [sflag:s28], $0x1400  }
0x22: {  	[sflag:s28] =	ssyncset.done $0x0  }
0x23: {  	s29 =	simm.s32 $0x1400;
	s0 =	rddreg [dreg:$0x4];
	[sflag:s28] =	ssyncadd.s32 $0xFFFFEC00  }
0x24: {  	[tilespmem:s29], [sflag:$0x5] =	stream.linear.gather [hbm4b:s0+s2], $0x1400, $0x38;
	[tilespmem:$0x1A800] =	vst v63  }
0x25: {  	_ =	swait.ge [sflag:s28], $0x1400  }
0x26: {  	[sflag:s28] =	ssyncset.done $0x0  }
0x27: {  	[sflag:s28] =	ssyncadd.s32 $0xFFFFEC00  }
0x28: {  	v3 =	vld [tilespmem:$0x0];
	_ =	sdelay $0x4  }
0x29: {  	v4 =	vshll.u32 v3, $0x1  }
0x2a: {  	v3 =	vand.u32 $0x7, v3;
	v4 =	vand.u32 $0xFFFFFFF0, v4  }
0x2b: {  	v3 =	vor.u32 v3, v4  }
0x2c: {  	v4 =	vperm.xlane v3, v0;
	_ =	sdelay $0x1  }
0x2d: {  	v3 =	vperm.xlane v3, v2;
	v4 =	vadd.s32 v1, v4;
	_ =	sdelay $0x1  }
0x2e: {  	v3 =	vadd.s32 v1, v3;
	_ =	sdelay $0x2  }
0x2f: {  	[tilespmem:s13], [sflag:$0x1] =	stream.indirect_vreg.gather [hbm4b:s4+s2], $0x80, v4, vm0, $0xb8;
	[tilespmem:$0x1A800] =	vst v63  }
0x30: {  	s0 =	simm.s32 $0x3000  }
0x31: {  	[tilespmem:s0], [sflag:$0x1] =	stream.indirect_vreg.gather [hbm4b:s4+s2], $0x80, v3, vm0, $0xb8;
	[tilespmem:$0x1A800] =	vst v63  }
0x32: {  	v3 =	vld [tilespmem:$0x10];
	_ =	sdelay $0x4  }
0x33: {  	v57 =	vshll.u32 v3, $0x1  }
0x34: {  	v3 =	vand.u32 $0x7, v3;
	v4 =	vand.u32 $0xFFFFFFF0, v57  }
0x35: {  	v3 =	vor.u32 v3, v4  }
0x36: {  	v4 =	vperm.xlane v3, v0;
	_ =	sdelay $0x1  }
0x37: {  	v3 =	vperm.xlane v3, v2;
	v4 =	vadd.s32 v1, v4;
	_ =	sdelay $0x1  }
0x38: {  	v3 =	vadd.s32 v1, v3;
	_ =	sdelay $0x1  }
0x39: {  	s0 =	simm.s32 $0x3800  }
0x3a: {  	[tilespmem:s0], [sflag:$0x1] =	stream.indirect_vreg.gather [hbm4b:s4+s2], $0x80, v4, vm0, $0xb8;
	[tilespmem:$0x1A800] =	vst v63  }
0x3b: {  	s28 =	simm.s32 $0x4000  }
0x3c: {  	[tilespmem:s28], [sflag:$0x1] =	stream.indirect_vreg.gather [hbm4b:s4+s2], $0x80, v3, vm0, $0xb8;
	[tilespmem:$0x1A800] =	vst v63  }
0x3d: {  	v3 =	vld [tilespmem:$0x20];
	_ =	sdelay $0x4  }
0x3e: {  	v58 =	vshll.u32 v3, $0x1  }
0x3f: {  	v3 =	vand.u32 $0x7, v3;
	v4 =	vand.u32 $0xFFFFFFF0, v58  }
0x40: {  	v3 =	vor.u32 v3, v4  }
0x41: {  	v4 =	vperm.xlane v3, v0;
	_ =	sdelay $0x1  }
0x42: {  	v3 =	vperm.xlane v3, v2;
	v4 =	vadd.s32 v1, v4;
	_ =	sdelay $0x1  }
0x43: {  	v3 =	vadd.s32 v1, v3;
	_ =	sdelay $0x1  }
0x44: {  	s25 =	simm.s32 $0x4800  }
0x45: {  	[tilespmem:s25], [sflag:$0x1] =	stream.indirect_vreg.gather [hbm4b:s4+s2], $0x80, v4, vm0, $0xb8;
	[tilespmem:$0x1A800] =	vst v63  }
0x46: {  	s28 =	simm.s32 $0x5000  }
0x47: {  	[tilespmem:s28], [sflag:$0x1] =	stream.indirect_vreg.gather [hbm4b:s4+s2], $0x80, v3, vm0, $0xb8;
	[tilespmem:$0x1A800] =	vst v63  }
0x48: {  	v3 =	vld [tilespmem:$0x30];
	_ =	sdelay $0x4  }
0x49: {  	v59 =	vshll.u32 v3, $0x1  }
0x4a: {  	v3 =	vand.u32 $0x7, v3;
	v4 =	vand.u32 $0xFFFFFFF0, v59  }
0x4b: {  	v3 =	vor.u32 v3, v4  }
0x4c: {  	v4 =	vperm.xlane v3, v0;
	_ =	sdelay $0x1  }
0x4d: {  	v3 =	vperm.xlane v3, v2;
	v4 =	vadd.s32 v1, v4;
	_ =	sdelay $0x1  }
0x4e: {  	v3 =	vadd.s32 v1, v3;
	_ =	sdelay $0x1  }
0x4f: {  	s25 =	simm.s32 $0x5800  }
0x50: {  	[tilespmem:s25], [sflag:$0x1] =	stream.indirect_vreg.gather [hbm4b:s4+s2], $0x80, v4, vm0, $0xb8;
	[tilespmem:$0x1A800] =	vst v63  }
0x51: {  	s28 =	simm.s32 $0x6000  }
0x52: {  	[tilespmem:s28], [sflag:$0x1] =	stream.indirect_vreg.gather [hbm4b:s4+s2], $0x80, v3, vm0, $0xb8;
	[tilespmem:$0x1A800] =	vst v63  }
0x53: {  	v3 =	vld [tilespmem:$0x40];
	_ =	sdelay $0x4  }
0x54: {  	v60 =	vshll.u32 v3, $0x1  }
0x55: {  	v3 =	vand.u32 $0x7, v3;
	v4 =	vand.u32 $0xFFFFFFF0, v60  }
0x56: {  	v3 =	vor.u32 v3, v4  }
0x57: {  	v4 =	vperm.xlane v3, v0;
	_ =	sdelay $0x1  }
0x58: {  	v3 =	vperm.xlane v3, v2;
	v4 =	vadd.s32 v1, v4;
	_ =	sdelay $0x1  }
0x59: {  	v3 =	vadd.s32 v1, v3;
	_ =	sdelay $0x1  }
0x5a: {  	s25 =	simm.s32 $0x6800  }
0x5b: {  	[tilespmem:s25], [sflag:$0x1] =	stream.indirect_vreg.gather [hbm4b:s4+s2], $0x80, v4, vm0, $0xb8;
	[tilespmem:$0x1A800] =	vst v63  }
0x5c: {  	s28 =	simm.s32 $0x7000  }
0x5d: {  	[tilespmem:s28], [sflag:$0x1] =	stream.indirect_vreg.gather [hbm4b:s4+s2], $0x80, v3, vm0, $0xb8;
	[tilespmem:$0x1A800] =	vst v63  }
0x5e: {  	v3 =	vld [tilespmem:$0x50];
	_ =	sdelay $0x4  }
0x5f: {  	v61 =	vshll.u32 v3, $0x1  }
0x60: {  	v3 =	vand.u32 $0x7, v3;
	v4 =	vand.u32 $0xFFFFFFF0, v61  }
0x61: {  	v3 =	vor.u32 v3, v4  }
0x62: {  	v4 =	vperm.xlane v3, v0;
	_ =	sdelay $0x1  }
0x63: {  	v3 =	vperm.xlane v3, v2;
	v4 =	vadd.s32 v1, v4;
	_ =	sdelay $0x1  }
0x64: {  	v3 =	vadd.s32 v1, v3;
	_ =	sdelay $0x1  }
0x65: {  	s25 =	simm.s32 $0x7800  }
0x66: {  	[tilespmem:s25], [sflag:$0x1] =	stream.indirect_vreg.gather [hbm4b:s4+s2], $0x80, v4, vm0, $0xb8;
	[tilespmem:$0x1A800] =	vst v63  }
0x67: {  	s28 =	simm.s32 $0x8000  }
0x68: {  	[tilespmem:s28], [sflag:$0x1] =	stream.indirect_vreg.gather [hbm4b:s4+s2], $0x80, v3, vm0, $0xb8;
	[tilespmem:$0x1A800] =	vst v63  }
0x69: {  	v3 =	vld [tilespmem:$0x60];
	_ =	sdelay $0x4  }
0x6a: {  	v62 =	vshll.u32 v3, $0x1  }
0x6b: {  	v3 =	vand.u32 $0x7, v3;
	v4 =	vand.u32 $0xFFFFFFF0, v62  }
0x6c: {  	v3 =	vor.u32 v3, v4  }
0x6d: {  	v4 =	vperm.xlane v3, v0;
	_ =	sdelay $0x1  }
0x6e: {  	v3 =	vperm.xlane v3, v2;
	v4 =	vadd.s32 v1, v4;
	_ =	sdelay $0x1  }
0x6f: {  	v3 =	vadd.s32 v1, v3;
	_ =	sdelay $0x1  }
0x70: {  	s25 =	simm.s32 $0x8800  }
0x71: {  	[tilespmem:s25], [sflag:$0x1] =	stream.indirect_vreg.gather [hbm4b:s4+s2], $0x80, v4, vm0, $0xb8;
	[tilespmem:$0x1A800] =	vst v63  }
0x72: {  	s28 =	simm.s32 $0x9000  }
0x73: {  	[tilespmem:s28], [sflag:$0x1] =	stream.indirect_vreg.gather [hbm4b:s4+s2], $0x80, v3, vm0, $0xb8;
	[tilespmem:$0x1A800] =	vst v63  }
0x74: {  	v3 =	vld [tilespmem:$0x70];
	_ =	sdelay $0x4  }
0x75: {  	v63 =	vshll.u32 v3, $0x1  }
0x76: {  	v3 =	vand.u32 $0x7, v3;
	v4 =	vand.u32 $0xFFFFFFF0, v63  }
0x77: {  	v3 =	vor.u32 v3, v4  }
0x78: {  	v4 =	vperm.xlane v3, v0;
	_ =	sdelay $0x1  }
0x79: {  	v3 =	vperm.xlane v3, v2;
	v4 =	vadd.s32 v1, v4;
	_ =	sdelay $0x1  }
0x7a: {  	v3 =	vadd.s32 v1, v3;
	_ =	sdelay $0x1  }
0x7b: {  	s25 =	simm.s32 $0x9800  }
0x7c: {  	[tilespmem:s25], [sflag:$0x1] =	stream.indirect_vreg.gather [hbm4b:s4+s2], $0x80, v4, vm0, $0xb8;
	[tilespmem:$0x1A800] =	vst v63  }
.Ltmp2:
0x7d: {  	s28 =	simm.s32 $0xA000;
	(pc) =	sbr.rel .LBB2_2-.Ltmp2, $4  }
0x7e: {  	[tilespmem:s28], [sflag:$0x1] =	stream.indirect_vreg.gather [hbm4b:s4+s2], $0x80, v3, vm0, $0xb8;
	[tilespmem:$0x1A800] =	vst v63  }
0x7f: {  	_ = 	snop  }
0x80: {  	[tilespmem:s31], [sflag:$0x1] =	stream.indirect.gather [hbm4b:s5+s30], $0x80, s29, s30, $0xb8;
	[tilespmem:$0x1A800] =	vst v63  }
0x81: {  	s0 =	simm.s32 $0xF000;
	s29 =	simm.s32 $0x0  }
.LBB2_7:
0x82: {  	s28 =	sshll.u32 s25, $0x7  }
0x83: {  	v3 =	vld [tilespmem:s28+$0x0];
	_ =	sdelay $0x4  }
0x84: {  	v4 =	vshll.u32 v3, $0x1  }
0x85: {  	v3 =	vand.u32 $0x7, v3;
	v4 =	vand.u32 $0xFFFFFFF0, v4  }
0x86: {  	v3 =	vor.u32 v3, v4  }
0x87: {  	v4 =	vperm.xlane v3, v0;
	_ =	sdelay $0x1  }
0x88: {  	v3 =	vperm.xlane v3, v2;
	v4 =	vadd.s32 v1, v4;
	_ =	sdelay $0x1  }
0x89: {  	v3 =	vadd.s32 v1, v3;
	_ =	sdelay $0x2  }
0x8a: {  	[tilespmem:s13], [sflag:$0x1] =	stream.indirect_vreg.gather [hbm4b:s4+s2], $0x80, v4, vm0, $0xb8;
	[tilespmem:$0x1A800] =	vst v63  }
0x8b: {  	s0 =	simm.s32 $0x3000  }
0x8c: {  	[tilespmem:s0], [sflag:$0x1] =	stream.indirect_vreg.gather [hbm4b:s4+s2], $0x80, v3, vm0, $0xb8;
	[tilespmem:$0x1A800] =	vst v63  }
0x8d: {  	v3 =	vld [tilespmem:s28+$0x10];
	_ =	sdelay $0x4  }
0x8e: {  	v57 =	vshll.u32 v3, $0x1  }
0x8f: {  	v3 =	vand.u32 $0x7, v3;
	v4 =	vand.u32 $0xFFFFFFF0, v57  }
0x90: {  	v3 =	vor.u32 v3, v4  }
0x91: {  	v4 =	vperm.xlane v3, v0;
	_ =	sdelay $0x1  }
0x92: {  	v3 =	vperm.xlane v3, v2;
	v4 =	vadd.s32 v1, v4;
	_ =	sdelay $0x1  }
0x93: {  	v3 =	vadd.s32 v1, v3;
	_ =	sdelay $0x1  }
0x94: {  	s0 =	simm.s32 $0x3800  }
0x95: {  	[tilespmem:s0], [sflag:$0x1] =	stream.indirect_vreg.gather [hbm4b:s4+s2], $0x80, v4, vm0, $0xb8;
	[tilespmem:$0x1A800] =	vst v63  }
0x96: {  	s0 =	simm.s32 $0x4000  }
0x97: {  	[tilespmem:s0], [sflag:$0x1] =	stream.indirect_vreg.gather [hbm4b:s4+s2], $0x80, v3, vm0, $0xb8;
	[tilespmem:$0x1A800] =	vst v63  }
0x98: {  	v3 =	vld [tilespmem:s28+$0x20];
	_ =	sdelay $0x4  }
0x99: {  	v58 =	vshll.u32 v3, $0x1  }
0x9a: {  	v3 =	vand.u32 $0x7, v3;
	v4 =	vand.u32 $0xFFFFFFF0, v58  }
0x9b: {  	v3 =	vor.u32 v3, v4  }
0x9c: {  	v4 =	vperm.xlane v3, v0;
	_ =	sdelay $0x1  }
0x9d: {  	v3 =	vperm.xlane v3, v2;
	v4 =	vadd.s32 v1, v4;
	_ =	sdelay $0x1  }
0x9e: {  	v3 =	vadd.s32 v1, v3;
	_ =	sdelay $0x1  }
0x9f: {  	s0 =	simm.s32 $0x4800  }
0xa0: {  	[tilespmem:s0], [sflag:$0x1] =	stream.indirect_vreg.gather [hbm4b:s4+s2], $0x80, v4, vm0, $0xb8;
	[tilespmem:$0x1A800] =	vst v63  }
0xa1: {  	s0 =	simm.s32 $0x5000  }
0xa2: {  	[tilespmem:s0], [sflag:$0x1] =	stream.indirect_vreg.gather [hbm4b:s4+s2], $0x80, v3, vm0, $0xb8;
	[tilespmem:$0x1A800] =	vst v63  }
0xa3: {  	v3 =	vld [tilespmem:s28+$0x30];
	_ =	sdelay $0x4  }
0xa4: {  	v59 =	vshll.u32 v3, $0x1  }
0xa5: {  	v3 =	vand.u32 $0x7, v3;
	v4 =	vand.u32 $0xFFFFFFF0, v59  }
0xa6: {  	v3 =	vor.u32 v3, v4  }
0xa7: {  	v4 =	vperm.xlane v3, v0;
	_ =	sdelay $0x1  }
0xa8: {  	v3 =	vperm.xlane v3, v2;
	v4 =	vadd.s32 v1, v4;
	_ =	sdelay $0x1  }
0xa9: {  	v3 =	vadd.s32 v1, v3;
	_ =	sdelay $0x1  }
0xaa: {  	s0 =	simm.s32 $0x5800  }
0xab: {  	[tilespmem:s0], [sflag:$0x1] =	stream.indirect_vreg.gather [hbm4b:s4+s2], $0x80, v4, vm0, $0xb8;
	[tilespmem:$0x1A800] =	vst v63  }
0xac: {  	s0 =	simm.s32 $0x6000  }
0xad: {  	[tilespmem:s0], [sflag:$0x1] =	stream.indirect_vreg.gather [hbm4b:s4+s2], $0x80, v3, vm0, $0xb8;
	[tilespmem:$0x1A800] =	vst v63  }
0xae: {  	v3 =	vld [tilespmem:s28+$0x40];
	_ =	sdelay $0x4  }
0xaf: {  	v60 =	vshll.u32 v3, $0x1  }
0xb0: {  	v3 =	vand.u32 $0x7, v3;
	v4 =	vand.u32 $0xFFFFFFF0, v60  }
0xb1: {  	v3 =	vor.u32 v3, v4  }
0xb2: {  	v4 =	vperm.xlane v3, v0;
	_ =	sdelay $0x1  }
0xb3: {  	v3 =	vperm.xlane v3, v2;
	v4 =	vadd.s32 v1, v4;
	_ =	sdelay $0x1  }
0xb4: {  	v3 =	vadd.s32 v1, v3;
	_ =	sdelay $0x1  }
0xb5: {  	s0 =	simm.s32 $0x6800  }
0xb6: {  	[tilespmem:s0], [sflag:$0x1] =	stream.indirect_vreg.gather [hbm4b:s4+s2], $0x80, v4, vm0, $0xb8;
	[tilespmem:$0x1A800] =	vst v63  }
0xb7: {  	s0 =	simm.s32 $0x7000  }
0xb8: {  	[tilespmem:s0], [sflag:$0x1] =	stream.indirect_vreg.gather [hbm4b:s4+s2], $0x80, v3, vm0, $0xb8;
	[tilespmem:$0x1A800] =	vst v63  }
0xb9: {  	v3 =	vld [tilespmem:s28+$0x50];
	_ =	sdelay $0x4  }
0xba: {  	v61 =	vshll.u32 v3, $0x1  }
0xbb: {  	v3 =	vand.u32 $0x7, v3;
	v4 =	vand.u32 $0xFFFFFFF0, v61  }
0xbc: {  	v3 =	vor.u32 v3, v4  }
0xbd: {  	v4 =	vperm.xlane v3, v0;
	_ =	sdelay $0x1  }
0xbe: {  	v3 =	vperm.xlane v3, v2;
	v4 =	vadd.s32 v1, v4;
	_ =	sdelay $0x1  }
0xbf: {  	v3 =	vadd.s32 v1, v3;
	_ =	sdelay $0x1  }
0xc0: {  	s0 =	simm.s32 $0x7800  }
0xc1: {  	[tilespmem:s0], [sflag:$0x1] =	stream.indirect_vreg.gather [hbm4b:s4+s2], $0x80, v4, vm0, $0xb8;
	[tilespmem:$0x1A800] =	vst v63  }
0xc2: {  	s0 =	simm.s32 $0x8000  }
0xc3: {  	[tilespmem:s0], [sflag:$0x1] =	stream.indirect_vreg.gather [hbm4b:s4+s2], $0x80, v3, vm0, $0xb8;
	[tilespmem:$0x1A800] =	vst v63  }
0xc4: {  	v3 =	vld [tilespmem:s28+$0x60];
	_ =	sdelay $0x4  }
0xc5: {  	v62 =	vshll.u32 v3, $0x1  }
0xc6: {  	v3 =	vand.u32 $0x7, v3;
	v4 =	vand.u32 $0xFFFFFFF0, v62  }
0xc7: {  	v3 =	vor.u32 v3, v4  }
0xc8: {  	v4 =	vperm.xlane v3, v0;
	_ =	sdelay $0x1  }
0xc9: {  	v3 =	vperm.xlane v3, v2;
	v4 =	vadd.s32 v1, v4;
	_ =	sdelay $0x1  }
0xca: {  	v3 =	vadd.s32 v1, v3;
	_ =	sdelay $0x1  }
0xcb: {  	s0 =	simm.s32 $0x8800  }
0xcc: {  	[tilespmem:s0], [sflag:$0x1] =	stream.indirect_vreg.gather [hbm4b:s4+s2], $0x80, v4, vm0, $0xb8;
	[tilespmem:$0x1A800] =	vst v63  }
0xcd: {  	s0 =	simm.s32 $0x9000  }
0xce: {  	[tilespmem:s0], [sflag:$0x1] =	stream.indirect_vreg.gather [hbm4b:s4+s2], $0x80, v3, vm0, $0xb8;
	[tilespmem:$0x1A800] =	vst v63  }
0xcf: {  	v3 =	vld [tilespmem:s28+$0x70];
	_ =	sdelay $0x4  }
0xd0: {  	v63 =	vshll.u32 v3, $0x1  }
0xd1: {  	v3 =	vand.u32 $0x7, v3;
	v4 =	vand.u32 $0xFFFFFFF0, v63  }
0xd2: {  	v3 =	vor.u32 v3, v4  }
0xd3: {  	v4 =	vperm.xlane v3, v0;
	_ =	sdelay $0x1  }
0xd4: {  	v3 =	vperm.xlane v3, v2;
	v4 =	vadd.s32 v1, v4;
	_ =	sdelay $0x1  }
0xd5: {  	v3 =	vadd.s32 v1, v3;
	_ =	sdelay $0x1  }
0xd6: {  	s0 =	simm.s32 $0x9800  }
0xd7: {  	[tilespmem:s0], [sflag:$0x1] =	stream.indirect_vreg.gather [hbm4b:s4+s2], $0x80, v4, vm0, $0xb8;
	[tilespmem:$0x1A800] =	vst v63  }
0xd8: {  	s0 =	simm.s32 $0xA000  }
0xd9: {  	[tilespmem:s0], [sflag:$0x1] =	stream.indirect_vreg.gather [hbm4b:s4+s2], $0x80, v3, vm0, $0xb8;
	[tilespmem:$0x1A800] =	vst v63  }
0xda: {  	s28 =	sadd.s32 $0x1400, s28;
	s0 =	simm.s32 $0xF000  }
0xdb: {  	[tilespmem:s31], [sflag:$0x1] =	stream.indirect.gather [hbm4b:s5+s30], $0x80, s28, s30, $0xb8;
	[tilespmem:$0x1A800] =	vst v63  }
.LBB2_8:
0xdc: {  	_ =	swait.ge [sflag:s26], $0x8000  }
0xdd: {  	[sflag:s26] =	ssyncset.done $0x0  }
0xde: {  	s28 =	sshll.u32 s29, $0x7;
	[sflag:s26] =	ssyncadd.s32 $0xFFFF8000  }
0xdf: {  	s28 =	sadd.s32 s3, s28;
	_ =	swait.ge [sflag:s26], $0x4000  }
0xe0: {  	s29 =	sshll.u32 s28, $0x5;
	[sflag:s26] =	ssyncset.done $0x0  }
0xe1: {  	s28 =	sshll.u32 s28, $0x4;
	s29 =	sadd.s32 s6, s29;
	[sflag:s26] =	ssyncadd.s32 $0xFFFFC000  }
0xe2: {  	[hbm4b:s29+s2] =	stream.linear.scatter [tilespmem:s1], [sflag:$0x4], $0x8000, $0x38;
	[tilespmem:$0x1A800] =	vst v63  }
0xe3: {  	s28 =	sadd.s32 s7, s28;
	s29 =	smov.u32 s25  }
0xe4: {  	[hbm4b:s28+s2] =	stream.linear.scatter [tilespmem:s23], [sflag:$0x4], $0x4000, $0x38;
	[tilespmem:$0x1A800] =	vst v63  }
.LBB2_9:
0xe5: {  	p0 =	slt.u32 s29, $0x28  }
.Ltmp3:
0xe6: {  	_ = 	snop;
	(pc) =	sbr.rel @!p0 .LBB2_10-.Ltmp3, $1  }
0xe7: {  	_ =	sdelay $0x3  }
.LBB2_2:
0xe8: {  	p0 =	seq.s32 s29, $0x0  }
.Ltmp4:
0xe9: {  	_ = 	snop;
	(pc) =	sbr.rel @p0 .LBB2_3-.Ltmp4, $1  }
0xea: {  	_ =	sdelay $0x3  }
0xeb: {  	s28 =	sand.u32 $0x1, s29  }
0xec: {  	s25 =	simm.s32 $0x3;
	p0 =	seq.s32 s28, $0x1  }
0xed: {  	s25 =	simm.s32 @!p0 $0x4  }
0xee: {  	p0 =	seq.s32 s29, $0x27;
	_ =	swait.ge [sflag:s25], $0x8000  }
.Ltmp5:
0xef: {  	[sflag:s25] =	ssyncset.done $0x0;
	(pc) =	sbr.rel @p0 .LBB2_8-.Ltmp5, $4  }
0xf0: {  	[sflag:s25] =	ssyncadd.s32 $0xFFFF8000  }
0xf1: {  	_ =	swait.ge [sflag:s25], $0x4000  }
0xf2: {  	[sflag:s25] =	ssyncset.done $0x0  }
0xf3: {  	[sflag:s25] =	ssyncadd.s32 $0xFFFFC000;
	s25 =	simm.s32 $0x28  }
0xf4: {  	p0 =	seq.s32 s28, $0x0  }
.Ltmp6:
0xf5: {  	_ = 	snop;
	(pc) =	sbr.rel @p0 .LBB2_4-.Ltmp6, $4  }
.Ltmp7:
0xf6: {  	_ = 	snop;
	(pc) =	sbr.rel @!p0 .LBB2_7-.Ltmp7, $4  }
0xf7: {  	_ = 	snop  }
0xf8: {  	_ = 	snop  }
0xf9: {  	s25 =	sadd.s32 $0x1, s29  }
0xfa: {  	_ = 	snop  }
.LBB2_3:
0xfb: {  	s25 =	simm.s32 $0x1  }
.LBB2_4:
0xfc: {  	s28 =	sshll.u32 s25, $0x7  }
0xfd: {  	v3 =	vld [tilespmem:s28+$0x0];
	_ =	sdelay $0x4  }
0xfe: {  	v4 =	vshll.u32 v3, $0x1  }
0xff: {  	v3 =	vand.u32 $0x7, v3;
	v4 =	vand.u32 $0xFFFFFFF0, v4  }
0x100: {  	v3 =	vor.u32 v3, v4  }
0x101: {  	v4 =	vperm.xlane v3, v0;
	_ =	sdelay $0x1  }
0x102: {  	v3 =	vperm.xlane v3, v2;
	v4 =	vadd.s32 v1, v4;
	_ =	sdelay $0x1  }
0x103: {  	v3 =	vadd.s32 v1, v3;
	_ =	sdelay $0x2  }
0x104: {  	[tilespmem:s1], [sflag:$0x2] =	stream.indirect_vreg.gather [hbm4b:s4+s2], $0x80, v4, vm0, $0xb8;
	[tilespmem:$0x1A800] =	vst v63  }
0x105: {  	_ = 	snop  }
0x106: {  	[tilespmem:s0], [sflag:$0x2] =	stream.indirect_vreg.gather [hbm4b:s4+s2], $0x80, v3, vm0, $0xb8;
	[tilespmem:$0x1A800] =	vst v63  }
0x107: {  	v3 =	vld [tilespmem:s28+$0x10];
	_ =	sdelay $0x4  }
0x108: {  	v57 =	vshll.u32 v3, $0x1  }
0x109: {  	v3 =	vand.u32 $0x7, v3;
	v4 =	vand.u32 $0xFFFFFFF0, v57  }
0x10a: {  	v3 =	vor.u32 v3, v4  }
0x10b: {  	v4 =	vperm.xlane v3, v0;
	_ =	sdelay $0x1  }
0x10c: {  	v3 =	vperm.xlane v3, v2;
	v4 =	vadd.s32 v1, v4;
	_ =	sdelay $0x1  }
0x10d: {  	v3 =	vadd.s32 v1, v3;
	_ =	sdelay $0x2  }
0x10e: {  	[tilespmem:s12], [sflag:$0x2] =	stream.indirect_vreg.gather [hbm4b:s4+s2], $0x80, v4, vm0, $0xb8;
	[tilespmem:$0x1A800] =	vst v63  }
0x10f: {  	_ = 	snop  }
0x110: {  	[tilespmem:s8], [sflag:$0x2] =	stream.indirect_vreg.gather [hbm4b:s4+s2], $0x80, v3, vm0, $0xb8;
	[tilespmem:$0x1A800] =	vst v63  }
0x111: {  	v3 =	vld [tilespmem:s28+$0x20];
	_ =	sdelay $0x4  }
0x112: {  	v58 =	vshll.u32 v3, $0x1  }
0x113: {  	v3 =	vand.u32 $0x7, v3;
	v4 =	vand.u32 $0xFFFFFFF0, v58  }
0x114: {  	v3 =	vor.u32 v3, v4  }
0x115: {  	v4 =	vperm.xlane v3, v0;
	_ =	sdelay $0x1  }
0x116: {  	v3 =	vperm.xlane v3, v2;
	v4 =	vadd.s32 v1, v4;
	_ =	sdelay $0x1  }
0x117: {  	v3 =	vadd.s32 v1, v3;
	_ =	sdelay $0x2  }
0x118: {  	[tilespmem:s9], [sflag:$0x2] =	stream.indirect_vreg.gather [hbm4b:s4+s2], $0x80, v4, vm0, $0xb8;
	[tilespmem:$0x1A800] =	vst v63  }
0x119: {  	_ = 	snop  }
0x11a: {  	[tilespmem:s10], [sflag:$0x2] =	stream.indirect_vreg.gather [hbm4b:s4+s2], $0x80, v3, vm0, $0xb8;
	[tilespmem:$0x1A800] =	vst v63  }
0x11b: {  	v3 =	vld [tilespmem:s28+$0x30];
	_ =	sdelay $0x4  }
0x11c: {  	v59 =	vshll.u32 v3, $0x1  }
0x11d: {  	v3 =	vand.u32 $0x7, v3;
	v4 =	vand.u32 $0xFFFFFFF0, v59  }
0x11e: {  	v3 =	vor.u32 v3, v4  }
0x11f: {  	v4 =	vperm.xlane v3, v0;
	_ =	sdelay $0x1  }
0x120: {  	v3 =	vperm.xlane v3, v2;
	v4 =	vadd.s32 v1, v4;
	_ =	sdelay $0x1  }
0x121: {  	v3 =	vadd.s32 v1, v3;
	_ =	sdelay $0x2  }
0x122: {  	[tilespmem:s11], [sflag:$0x2] =	stream.indirect_vreg.gather [hbm4b:s4+s2], $0x80, v4, vm0, $0xb8;
	[tilespmem:$0x1A800] =	vst v63  }
0x123: {  	_ = 	snop  }
0x124: {  	[tilespmem:s14], [sflag:$0x2] =	stream.indirect_vreg.gather [hbm4b:s4+s2], $0x80, v3, vm0, $0xb8;
	[tilespmem:$0x1A800] =	vst v63  }
0x125: {  	v3 =	vld [tilespmem:s28+$0x40];
	_ =	sdelay $0x4  }
0x126: {  	v60 =	vshll.u32 v3, $0x1  }
0x127: {  	v3 =	vand.u32 $0x7, v3;
	v4 =	vand.u32 $0xFFFFFFF0, v60  }
0x128: {  	v3 =	vor.u32 v3, v4  }
0x129: {  	v4 =	vperm.xlane v3, v0;
	_ =	sdelay $0x1  }
0x12a: {  	v3 =	vperm.xlane v3, v2;
	v4 =	vadd.s32 v1, v4;
	_ =	sdelay $0x1  }
0x12b: {  	v3 =	vadd.s32 v1, v3;
	_ =	sdelay $0x2  }
0x12c: {  	[tilespmem:s15], [sflag:$0x2] =	stream.indirect_vreg.gather [hbm4b:s4+s2], $0x80, v4, vm0, $0xb8;
	[tilespmem:$0x1A800] =	vst v63  }
0x12d: {  	_ = 	snop  }
0x12e: {  	[tilespmem:s16], [sflag:$0x2] =	stream.indirect_vreg.gather [hbm4b:s4+s2], $0x80, v3, vm0, $0xb8;
	[tilespmem:$0x1A800] =	vst v63  }
0x12f: {  	v3 =	vld [tilespmem:s28+$0x50];
	_ =	sdelay $0x4  }
0x130: {  	v61 =	vshll.u32 v3, $0x1  }
0x131: {  	v3 =	vand.u32 $0x7, v3;
	v4 =	vand.u32 $0xFFFFFFF0, v61  }
0x132: {  	v3 =	vor.u32 v3, v4  }
0x133: {  	v4 =	vperm.xlane v3, v0;
	_ =	sdelay $0x1  }
0x134: {  	v3 =	vperm.xlane v3, v2;
	v4 =	vadd.s32 v1, v4;
	_ =	sdelay $0x1  }
0x135: {  	v3 =	vadd.s32 v1, v3;
	_ =	sdelay $0x2  }
0x136: {  	[tilespmem:s17], [sflag:$0x2] =	stream.indirect_vreg.gather [hbm4b:s4+s2], $0x80, v4, vm0, $0xb8;
	[tilespmem:$0x1A800] =	vst v63  }
0x137: {  	_ = 	snop  }
0x138: {  	[tilespmem:s18], [sflag:$0x2] =	stream.indirect_vreg.gather [hbm4b:s4+s2], $0x80, v3, vm0, $0xb8;
	[tilespmem:$0x1A800] =	vst v63  }
0x139: {  	v3 =	vld [tilespmem:s28+$0x60];
	_ =	sdelay $0x4  }
0x13a: {  	v62 =	vshll.u32 v3, $0x1  }
0x13b: {  	v3 =	vand.u32 $0x7, v3;
	v4 =	vand.u32 $0xFFFFFFF0, v62  }
0x13c: {  	v3 =	vor.u32 v3, v4  }
0x13d: {  	v4 =	vperm.xlane v3, v0;
	_ =	sdelay $0x1  }
0x13e: {  	v3 =	vperm.xlane v3, v2;
	v4 =	vadd.s32 v1, v4;
	_ =	sdelay $0x1  }
0x13f: {  	v3 =	vadd.s32 v1, v3;
	_ =	sdelay $0x2  }
0x140: {  	[tilespmem:s19], [sflag:$0x2] =	stream.indirect_vreg.gather [hbm4b:s4+s2], $0x80, v4, vm0, $0xb8;
	[tilespmem:$0x1A800] =	vst v63  }
0x141: {  	_ = 	snop  }
0x142: {  	[tilespmem:s20], [sflag:$0x2] =	stream.indirect_vreg.gather [hbm4b:s4+s2], $0x80, v3, vm0, $0xb8;
	[tilespmem:$0x1A800] =	vst v63  }
0x143: {  	v3 =	vld [tilespmem:s28+$0x70];
	_ =	sdelay $0x4  }
0x144: {  	v63 =	vshll.u32 v3, $0x1  }
0x145: {  	v3 =	vand.u32 $0x7, v3;
	v4 =	vand.u32 $0xFFFFFFF0, v63  }
0x146: {  	v3 =	vor.u32 v3, v4  }
0x147: {  	v4 =	vperm.xlane v3, v0;
	_ =	sdelay $0x1  }
0x148: {  	v3 =	vperm.xlane v3, v2;
	v4 =	vadd.s32 v1, v4;
	_ =	sdelay $0x1  }
0x149: {  	v3 =	vadd.s32 v1, v3;
	_ =	sdelay $0x2  }
0x14a: {  	[tilespmem:s21], [sflag:$0x2] =	stream.indirect_vreg.gather [hbm4b:s4+s2], $0x80, v4, vm0, $0xb8;
	[tilespmem:$0x1A800] =	vst v63  }
0x14b: {  	_ = 	snop  }
0x14c: {  	[tilespmem:s22], [sflag:$0x2] =	stream.indirect_vreg.gather [hbm4b:s4+s2], $0x80, v3, vm0, $0xb8;
	[tilespmem:$0x1A800] =	vst v63  }
0x14d: {  	s28 =	sadd.s32 $0x1400, s28  }
0x14e: {  	[tilespmem:s23], [sflag:$0x2] =	stream.indirect.gather [hbm4b:s5+s30], $0x80, s28, s30, $0xb8;
	[tilespmem:$0x1A800] =	vst v63  }
0x14f: {  	_ =	swait.ge [sflag:s24], $0x8000  }
0x150: {  	[sflag:s24] =	ssyncset.done $0x0  }
0x151: {  	s28 =	sshll.u32 s29, $0x7;
	[sflag:s24] =	ssyncadd.s32 $0xFFFF8000  }
0x152: {  	s28 =	sadd.s32 s3, s28;
	_ =	swait.ge [sflag:s24], $0x4000  }
.Ltmp8:
0x153: {  	s29 =	sshll.u32 s28, $0x5;
	[sflag:s24] =	ssyncset.done $0x0;
	(pc) =	sbr.rel .LBB2_9-.Ltmp8, $4  }
0x154: {  	s28 =	sshll.u32 s28, $0x4;
	s29 =	sadd.s32 s6, s29;
	[sflag:s24] =	ssyncadd.s32 $0xFFFFC000  }
0x155: {  	[hbm4b:s29+s2] =	stream.linear.scatter [tilespmem:s13], [sflag:$0x3], $0x8000, $0x38;
	[tilespmem:$0x1A800] =	vst v63  }
0x156: {  	s28 =	sadd.s32 s7, s28;
	s29 =	smov.u32 s25  }
0x157: {  	[hbm4b:s28+s2] =	stream.linear.scatter [tilespmem:s31], [sflag:$0x3], $0x4000, $0x38;
	[tilespmem:$0x1A800] =	vst v63  }
.LBB2_11:
0x158: {  	_ =	sfence.sel $0x180000  }
0x159: {  	[bflag:$0x0] =	sbarrier.arrive $0xFFFF  }
0x15a: {  	_ =	strace $0x90000047  }
0x15b: {  	s0 =	stileid.u32;
	[bflag:$0x2] =	sbarrier.arrive $0xFFFF  }
0x15c: {  	p0 =	sne.s32 s0, $0x0;
	s0 =	rddreg [dreg:$0x2]  }
0x15d: {  	s0 =	sadd.s32 @!p0 $0x100000, s0  }
0x15e: {  	[sflag:s0] =	ssyncadd.tile.s32 @!p0 $0x1;
	_ =	shalt  }
.Lfunc_end2:
_tile_overlayer_lowered:
.L_overlay_start_2:
0x15f: {  	(tag) =	ssettag $0x2  }
0x160: {  	s0 =	rddreg [dreg:$0x0];
	s2 =	stileid.u32  }
0x161: {  	s1 =	rddreg [dreg:$0x1];
	p0 =	sne.s32 s2, $0x0  }
0x162: {  	s3 =	rddreg [dreg:$0x2];
	[bflag:$0x3] =	sbarrier.arrive $0xFFFF;
	s2 =	simm.s32 @!p0 $0x1C05  }
0x163: {  	[timem:s3], [sflag:s2] =	dma.local @!p0 [hbm:s0], s1  }
0x164: {  	s0 =	simm.s32 @!p0 $0x5  }
0x165: {  	_ =	swait.ge @!p0 [sflag:s0], s1  }
0x166: {  	s1 =	ssub.s32 @!p0 $0x0, s1;
	[sflag:s0] =	ssyncset.done @!p0 $0x0  }
0x167: {  	[sflag:s0] =	ssyncadd.s32 @!p0 s1  }
0x168: {  	[bflag:$0x3] =	sbarrier.arrive $0xFFFF  }
0x169: {  	_ =	shalt  }

// kernel: kernel.13.cloned.1.call-start
scs
__scs_entry_jumppad:
0x0: {  	(pc) =	sbr.rel $0x88, $3  }
0x1: {  	(tag) =	ssettag $0x0;
	lr =	simm.s32 $0x1  }
0x2: {  	[smem:$0x3F8E] =	sst lr;
	_ =	strace $0xD0000000  }
0x3: {  	_ = 	snop  }
0x4: {  	_ = 	snop  }
0x5: {  	_ = 	snop  }
0x6: {  	_ = 	snop  }
0x7: {  	_ = 	snop  }
__scs_overlays_trampoline_lowered:
0x8: {  	[smem:$0x3F9D] =	sst s0  }
0x9: {  	[smem:$0x3F9E] =	sst s1  }
0xa: {  	[smem:$0x3F9F] =	sst s2  }
0xb: {  	[smem:$0x3FA0] =	sst s3  }
0xc: {  	[smem:$0x3FA1] =	sst s4  }
0xd: {  	[smem:$0x3FA2] =	sst s5  }
0xe: {  	[smem:$0x3FA3] =	sst s6  }
0xf: {  	[smem:$0x3FA4] =	sst s7  }
0x10: {  	[smem:$0x3FA5] =	sst s8  }
0x11: {  	[smem:$0x3FA6] =	sst s9;
	s0 =	simm.s32 @!p0 $0x0  }
0x12: {  	s1 =	sld [smem:$0x3F8C];
	s0 =	simm.s32 @p0 $0x1  }
0x13: {  	[smem:$0x3FA7] =	sst s0;
	s0 =	simm.s32 @!p1 $0x0  }
0x14: {  	s2 =	sld [smem:$0x3F8B];
	s0 =	simm.s32 @p1 $0x1  }
0x15: {  	[smem:$0x3FA8] =	sst s0;
	s0 =	simm.s32 @!p2 $0x0  }
0x16: {  	s3 =	sld [smem:$0x3FDB];
	s0 =	simm.s32 @p2 $0x1  }
0x17: {  	s4 =	simm.s32 $0x1BF5;
	[smem:$0x3FAA] =	sst s0  }
0x18: {  	s0 =	sld [smem:$0x3F8D];
	_ =	swait.ge [sflag:s4], $0x0  }
0x19: {  	s7 =	sld [smem:$0x3F8E]  }
0x1a: {  	s8 =	sadd.s32 $0xFFFFE003, lr  }
0x1b: {  	s9 =	sadd.s32 $0xFFFFFEF7, lr;
	s5 =	simm.s32 $0xFFFFFFFF;
	p2 =	slt.u32 s8, $0xFFFFF086  }
0x1c: {  	p1 =	slt.u32 s9, $0xF7A;
	s5 =	simm.s32 @!p2 $0x0  }
0x1d: {  	s5 =	simm.s32 @p1 $0x1;
	p0 =	seq.s32 s7, s2  }
0x1e: {  	s7 =	smul.u32 @!p0 $0xF7A, s2;
	p2 =	seq.s32 @!p0 s5, $0x0  }
0x1f: {  	s9 =	smul.u32 $0xF7A, s1;
	s8 =	simm.s32 @!p0 $0x1BF5;
	p2 =	por !p2, p0  }
0x20: {  	[sflag:s8] =	ssyncset.s32 @!p0 $0xFFFFF086;
	s6 =	sadd.s32 @!p0 s3, s7;
	s7 =	simm.s32 @!p0 $0x108  }
0x21: {  	s3 =	sadd.s32 s3, s9;
	s6 =	sadd.s32 @!p0 $0x88, s6;
	s7 =	simm.s32 @p2 $0x1082  }
0x22: {  	[simem:s7], [sflag:s8] =	dma.local @!p0 [hbm:s6], $0xF7A  }
0x23: {  	s9 =	sor.u32 $0xD0000000, s2;
	s6 =	simm.s32 $0x108;
	_ =	swait.ge @!p0 [sflag:s8], $0x0  }
0x24: {  	s3 =	sadd.s32 $0x88, s3;
	s6 =	simm.s32 @!p1 $0x1082;
	[sflag:s4] =	ssyncset.s32 $0xFFFFF086  }
0x25: {  	[simem:s6], [sflag:s4] =	dma.local [hbm:s3], $0xF7A  }
0x26: {  	[smem:$0x3F8E] =	sst s1;
	(tag) =	ssettag s2;
	_ =	strace s9  }
0x27: {  	s1 =	sld [smem:$0x3F9E]  }
0x28: {  	s2 =	sld [smem:$0x3F9F]  }
0x29: {  	s4 =	sld [smem:$0x3FA1]  }
0x2a: {  	p0 =	seq.s32 s5, $0x0;
	s5 =	sld [smem:$0x3FA2]  }
0x2b: {  	s6 =	sld [smem:$0x3FA3]  }
0x2c: {  	s7 =	sld [smem:$0x3FA4]  }
0x2d: {  	s3 =	simm.s32 $0x108;
	s8 =	sld [smem:$0x3FA5]  }
0x2e: {  	s3 =	simm.s32 @!p0 $0x1082;
	s9 =	sld [smem:$0x3FA6]  }
0x2f: {  	lr =	sadd.s32 s0, s3;
	s0 =	sld [smem:$0x3F9D]  }
0x30: {  	s3 =	sld [smem:$0x3FA0]  }
0x31: {  	[smem:$0x3FA9] =	sst s10  }
0x32: {  	s10 =	sld [smem:$0x3FA7];
	_ =	sdelay $0x3  }
0x33: {  	p0 =	seq.s32 s10, $0x1;
	s10 =	sld [smem:$0x3FA9];
	_ =	sdelay $0x3  }
0x34: {  	[smem:$0x3FA9] =	sst s10  }
0x35: {  	s10 =	sld [smem:$0x3FA8];
	_ =	sdelay $0x3  }
0x36: {  	p1 =	seq.s32 s10, $0x1;
	s10 =	sld [smem:$0x3FA9];
	_ =	sdelay $0x3  }
0x37: {  	[smem:$0x3FA9] =	sst s10  }
0x38: {  	s10 =	sld [smem:$0x3FAA]  }
0x39: {  	_ = 	snop;
	(pc) =	sbr.ind lr, $3  }
0x3a: {  	_ = 	snop  }
0x3b: {  	_ = 	snop  }
0x3c: {  	p2 =	seq.s32 s10, $0x1;
	s10 =	sld [smem:$0x3FA9]  }
0x3d: {  	_ =	shalt  }
0x3e: {  	_ =	shalt  }
0x3f: {  	_ =	shalt  }
0x40: {  	_ =	shalt  }
0x41: {  	_ =	shalt  }
0x42: {  	_ =	shalt  }
0x43: {  	_ =	shalt  }
0x44: {  	_ =	shalt  }
0x45: {  	_ =	shalt  }
0x46: {  	_ =	shalt  }
0x47: {  	_ =	shalt  }
0x48: {  	_ =	shalt  }
0x49: {  	_ =	shalt  }
0x4a: {  	_ =	shalt  }
0x4b: {  	_ =	shalt  }
0x4c: {  	_ =	shalt  }
0x4d: {  	_ =	shalt  }
0x4e: {  	_ =	shalt  }
0x4f: {  	_ =	shalt  }
0x50: {  	_ =	shalt  }
0x51: {  	_ =	shalt  }
0x52: {  	_ =	shalt  }
0x53: {  	_ =	shalt  }
0x54: {  	_ =	shalt  }
0x55: {  	_ =	shalt  }
0x56: {  	_ =	shalt  }
0x57: {  	_ =	shalt  }
0x58: {  	_ =	shalt  }
0x59: {  	_ =	shalt  }
0x5a: {  	_ =	shalt  }
0x5b: {  	_ =	shalt  }
0x5c: {  	_ =	shalt  }
0x5d: {  	_ =	shalt  }
0x5e: {  	_ =	shalt  }
0x5f: {  	_ =	shalt  }
0x60: {  	_ =	shalt  }
0x61: {  	_ =	shalt  }
0x62: {  	_ =	shalt  }
0x63: {  	_ =	shalt  }
0x64: {  	_ =	shalt  }
0x65: {  	_ =	shalt  }
0x66: {  	_ =	shalt  }
0x67: {  	_ =	shalt  }
0x68: {  	_ =	shalt  }
0x69: {  	_ =	shalt  }
0x6a: {  	_ =	shalt  }
0x6b: {  	_ =	shalt  }
0x6c: {  	_ =	shalt  }
0x6d: {  	_ =	shalt  }
0x6e: {  	_ =	shalt  }
0x6f: {  	_ =	shalt  }
0x70: {  	_ =	shalt  }
0x71: {  	_ =	shalt  }
0x72: {  	_ =	shalt  }
0x73: {  	_ =	shalt  }
0x74: {  	_ =	shalt  }
0x75: {  	_ =	shalt  }
0x76: {  	_ =	shalt  }
0x77: {  	_ =	shalt  }
0x78: {  	_ =	shalt  }
0x79: {  	_ =	shalt  }
0x7a: {  	_ =	shalt  }
0x7b: {  	_ =	shalt  }
0x7c: {  	_ =	shalt  }
0x7d: {  	_ =	shalt  }
0x7e: {  	_ =	shalt  }
0x7f: {  	_ =	shalt  }
0x80: {  	_ =	shalt  }
0x81: {  	_ =	shalt  }
0x82: {  	_ =	shalt  }
0x83: {  	_ =	shalt  }
0x84: {  	_ =	shalt  }
0x85: {  	_ =	shalt  }
0x86: {  	_ =	shalt  }
0x87: {  	_ =	shalt  }
.Lfunc_end0:
.L_simem_size_0:
called_computation.1_lowered:
.L_overlay_start_0:
0x88: {  	s2 =	sld [smem:$0x3FD9]  }
0x89: {  	s3 =	sld [smem:$0x3FFE];
	_ =	sdelay $0x1  }
0x8a: {  	s1 =	srdreg.scid  }
0x8b: {  	s0 =	sand.u32 $0x1, s1  }
0x8c: {  	s17 =	sshll.u32 s0, $0xA;
	s2 =	sadd.s32 s3, s2  }
0x8d: {  	s2 =	sadd.s32 s2, s17  }
0x8e: {  	[smem:$0x3FB5] =	sst s2  }
0x8f: {  	_ = 	snop  }
0x90: {  	s18 =	sld [smem:$0x3FD0];
	(tm) =	ssettm $0x1  }
0x91: {  	s19 =	sld [smem:$0x3FFB];
	_ =	sdelay $0x3  }
0x92: {  	_ =	strace s19  }
0x93: {  	s2 =	sld [smem:$0x3FFC];
	_ =	sdelay $0x3  }
0x94: {  	_ =	strace s2  }
0x95: {  	s2 =	sld [smem:$0x3FFD];
	_ =	sdelay $0x3  }
0x96: {  	_ =	strace s2  }
0x97: {  	_ =	strace $0x8FFFFFFF  }
0x98: {  	s20 =	sld [smem:$0x3FDB];
	_ =	sdelay $0x1  }
0x99: {  	s4 =	simm.s32 $_scs_section_size  }
0x9a: {  	s5 =	simm.s32 $_size__tile_overlayer_lowered;
	s6 =	simm.s32 $_tile_overlayer_lowered  }
0x9b: {  	s7 =	simm.s32 $0x1BFF;
	s21 =	sshll.u32 s6, $0x1;
	s4 =	sadd.s32 s4, s20  }
0x9c: {  	s22 =	simm.s32 $0x0;
	s5 =	sshll.u32 s5, $0x1;
	s6 =	sadd.s32 s21, s4  }
0x9d: {  	[timem:s22], [sflag:s7] =	dma.local [hbm:s6], s5  }
0x9e: {  	_ =	swait.ge [sflag:s7], s5  }
0x9f: {  	s5 =	ssub.s32 $0x0, s5;
	[sflag:s7] =	ssyncset.done $0x0  }
0xa0: {  	[sflag:s7] =	ssyncadd.s32 s5;
	_ =	sdelay $0x1  }
0xa1: {  	s23 =	simm.s32 $0x1B8B  }
0xa2: {  	_ =	swait.ge [sflag:s23], $0x1  }
0xa3: {  	[sflag:s23] =	ssyncset.done $0x0  }
0xa4: {  	[sflag:s23] =	ssyncadd.s32 $0xFFFFFFFF  }
0xa5: {  	s5 =	sld [smem:$0x0]  }
0xa6: {  	s6 =	sand.u32 $0xFFFFFFFE, s1  }
0xa7: {  	p0 =	sne.s32 s1, s6  }
0xa8: {  	s6 =	sshll.u32 @p0 s6, $0xE  }
0xa9: {  	s6 =	sadd.s32 @p0 $0x11B8D, s6;
	s7 =	sshll.u32 @p0 s5, $0x11  }
0xaa: {  	s6 =	sor.u32 @p0 s7, s6  }
0xab: {  	[sflag:s6] =	ssyncadd.remote.s32 @p0 $0x1;
	_ =	sdelay $0x1  }
0xac: {  	s6 =	simm.s32 @p0 $0x1B8D  }
0xad: {  	_ =	swait.eq @p0 [sflag:s6], $0x1  }
0xae: {  	[sflag:s6] =	ssyncadd.s32 @p0 $0xFFFFFFFF  }
0xaf: {  	s7 =	sshll.u32 @!p0 s1, $0xE  }
0xb0: {  	s7 =	sor.u32 @!p0 $0x4000, s7;
	s6 =	simm.s32 @!p0 $0x1B8D  }
0xb1: {  	s5 =	sshll.u32 @!p0 s5, $0x11;
	s7 =	sadd.s32 @!p0 $0x11B8D, s7;
	_ =	swait.eq @!p0 [sflag:s6], $0x1  }
0xb2: {  	s5 =	sor.u32 @!p0 s5, s7;
	[sflag:s6] =	ssyncadd.s32 @!p0 $0xFFFFFFFF  }
0xb3: {  	s25 =	simm.s32 $0x1B8E;
	s24 =	sld [smem:$0x3FFE];
	[sflag:s5] =	ssyncadd.remote.s32 @!p0 $0x1  }
0xb4: {  	s26 =	simm.s32 $execute0_lowered;
	[smem:$0x3FD2] =	sst s25  }
0xb5: {  	s6 =	sshll.u32 s26, $0x1;
	_ =	strace $0x80000049;
	[dreg:$0x1] =	wrdreg $0xFFFFFFFF  }
0xb6: {  	s28 =	simm.s32 $_size_execute0_lowered;
	s4 =	sadd.s32 s4, s6;
	[dreg:$0x0] =	wrdreg $0x0  }
0xb7: {  	s6 =	sshll.u32 s28, $0x1;
	[dreg:$0x2] =	wrdreg s4  }
0xb8: {  	[dreg:$0x3] =	wrdreg s6  }
0xb9: {  	[dreg:$0x4] =	wrdreg $0xC0  }
0xba: {  	_ =	task [dreg:s22], $0x5FFFF  }
0xbb: {  	[dreg:$0x1] =	wrdreg $0xFFFFFFFF  }
0xbc: {  	[dreg:$0x0] =	wrdreg $0x60  }
0xbd: {  	[dreg:$0x2] =	wrdreg s24  }
0xbe: {  	[dreg:$0x3] =	wrdreg s18  }
0xbf: {  	[dreg:$0x4] =	wrdreg $0x9  }
0xc0: {  	_ =	task.clear_ibuf [dreg:s22], $0x5FFFF;
	_ =	strace $0x90000049  }
0xc1: {  	s29 =	simm.s32 $0x9;
	_ =	strace $0x8000004B  }
0xc2: {  	_ =	swait.ge [sflag:s29], $0x1  }
0xc3: {  	[sflag:s29] =	ssyncadd.s32 $0xFFFFFFFF  }
0xc4: {  	_ =	strace $0x9000004B  }
0xc5: {  	_ =	sfence  }
0xc6: {  	s30 =	sld [smem:$0x0];
	_ =	sdelay $0x2  }
0xc7: {  	s31 =	sshll.u32 s1, $0xD;
	s1 =	sshrl.u32 s1, $0x2  }
0xc8: {  	s4 =	sand.u32 $0x4000, s31;
	s1 =	sadd.s32 s1, s30  }
0xc9: {  	s0 =	sor.u32 s4, s0;
	s1 =	sshll.u32 s1, $0x11  }
0xca: {  	s0 =	sor.u32 s1, s0  }
0xcb: {  	s0 =	sadd.s32 $0x8F2B, s0  }
0xcc: {  	[sflag:s0] =	ssyncadd.remote.s32 $0x1  }
0xcd: {  	_ =	sfence.sel $0xFFFF  }
0xce: {  	[dreg:$0x0] =	wrdreg $0xFFFFFFFF;
	(pc) =	sbr.abs _section_cstart, $3  }
0xcf: {  	[dreg:$0x1] =	wrdreg $0xFFFFFFFF  }
0xd0: {  	_ =	task.clear_ibuf [dreg:s22], $0x2FFFF;
	_ =	strace $0x9FFFFFFF  }
0xd1: {  	(tm) =	ssettm $0x7FFFFFFF  }
tec
execute0_lowered:
.L_overlay_start_1:
0x0: {  	(tag) =	ssettag $0x1  }
0x1: {  	s0 =	srdreg.scid;
	s7 =	rddreg [dreg:$0x0]  }
0x2: {  	s1 =	stileid.u32;
	s8 =	rddreg [dreg:$0x1];
	s3 =	simm.s32 $0x0  }
0x3: {  	s13 =	simm.s32 $0x2700;
	s30 =	simm.s32 $0x80;
	s31 =	simm.s32 $0xA700  }
0x4: {  	s12 =	simm.s32 $0xF700;
	s11 =	simm.s32 $0x11700;
	s14 =	simm.s32 $0x11F00  }
0x5: {  	s15 =	simm.s32 $0x12700;
	s16 =	simm.s32 $0x12F00;
	s17 =	simm.s32 $0x13700  }
0x6: {  	s18 =	simm.s32 $0x13F00;
	s19 =	simm.s32 $0x14700;
	s20 =	simm.s32 $0x14F00  }
0x7: {  	s21 =	simm.s32 $0x15700;
	s22 =	simm.s32 $0x15F00;
	s23 =	simm.s32 $0x16700  }
0x8: {  	s24 =	simm.s32 $0x1;
	s26 =	simm.s32 $0x2;
	s28 =	simm.s32 $0x0  }
0x9: {  	s0 =	sand.u32 $0x1, s0;
	s1 =	sshll.u32 s1, $0x1;
	[smem:$0x7FF] =	sst s3  }
0xa: {  	s4 =	sadd.s32 $0x10000, s7;
	s1 =	sor.u32 s0, s1;
	s0 =	ssub.s32 $0x2, s0  }
0xb: {  	s5 =	sadd.s32 $0x60000, s7;
	s2 =	smul.u32 $0x1380, s1;
	s10 =	sshrl.u32 s0, $0x1  }
0xc: {  	s6 =	sadd.s32 $0x830000, s7;
	_ =	strace $0x8000004A;
	s0 =	ssub.s32 s0, s10  }
.Ltmp0:
0xd: {  	s1 =	sshrl.u32 s2, $0x3;
	s0 =	smax.u32 s0, $0x1;
	(pc) =	sbr.rel .LBB2_1-.Ltmp0, $4  }
0xe: {  	s10 =	simm.s32 $0x10F00;
	s1 =	sadd.s32 $0x5000, s1;
	[dreg:$0x5] =	wrdreg s0  }
0xf: {  	v2 =	vlaneseq.u32;
	s9 =	sadd.s32 s1, s7;
	s7 =	sadd.s32 $0xD10000, s7;
	s1 =	sadd.s32 s8, s1  }
0x10: {  	vm0 =	vmmov $0xffff;
	v1 =	vshrl.u32 v2, $0x3;
	s8 =	simm.s32 $0xFF00;
	[dreg:$0x3] =	wrdreg s1;
	s29 =	sadd.s32 $0x6200, s9  }
0x11: {  	v0 =	vand.u32 $0x7, v2;
	v2 =	vor.u32 $0x8, v2;
	v1 =	vmul.u32 $0x8, v1;
	s1 =	simm.s32 $0xE700;
	s9 =	simm.s32 $0x10700;
	[dreg:$0x4] =	wrdreg s29  }
.LBB2_10:
0x12: {  	s0 =	simm.s32 $0x3  }
0x13: {  	_ =	swait.ge [sflag:s0], $0x8000  }
0x14: {  	[sflag:s0] =	ssyncset.done $0x0  }
0x15: {  	[sflag:s0] =	ssyncadd.s32 $0xFFFF8000  }
0x16: {  	_ =	swait.ge [sflag:s0], $0x4000  }
0x17: {  	s28 =	rddreg [dreg:$0x6]  }
0x18: {  	s25 =	rddreg [dreg:$0x5];
	s28 =	sadd.s32 $0x1, s28  }
0x19: {  	p0 =	sne.s32 s28, s25  }
.Ltmp1:
0x1a: {  	_ = 	snop;
	(pc) =	sbr.rel @!p0 .LBB2_11-.Ltmp1, $3  }
0x1b: {  	_ =	sdelay $0x1  }
0x1c: {  	[sflag:s0] =	ssyncset.done $0x0  }
0x1d: {  	[sflag:s0] =	ssyncadd.s32 $0xFFFFC000  }
.LBB2_1:
0x1e: {  	[dreg:$0x6] =	wrdreg s28  }
0x1f: {  	s25 =	rddreg [dreg:$0x3];
	s28 =	simm.s32 $0x5  }
0x20: {  	[tilespmem:s3], [sflag:$0x5] =	stream.linear.gather [hbm4b:s25+s3], $0x1380, $0x38;
	[tilespmem:$0x1A700] =	vst v63  }
0x21: {  	_ =	swait.ge [sflag:s28], $0x1380  }
0x22: {  	[sflag:s28] =	ssyncset.done $0x0  }
0x23: {  	s29 =	simm.s32 $0x1380;
	s0 =	rddreg [dreg:$0x4];
	[sflag:s28] =	ssyncadd.s32 $0xFFFFEC80  }
0x24: {  	[tilespmem:s29], [sflag:$0x5] =	stream.linear.gather [hbm4b:s0+s3], $0x1380, $0x38;
	[tilespmem:$0x1A700] =	vst v63  }
0x25: {  	_ =	swait.ge [sflag:s28], $0x1380  }
0x26: {  	[sflag:s28] =	ssyncset.done $0x0  }
0x27: {  	[sflag:s28] =	ssyncadd.s32 $0xFFFFEC80  }
0x28: {  	v3 =	vld [tilespmem:$0x0];
	_ =	sdelay $0x4  }
0x29: {  	v4 =	vshll.u32 v3, $0x1  }
0x2a: {  	v3 =	vand.u32 $0x7, v3;
	v4 =	vand.u32 $0xFFFFFFF0, v4  }
0x2b: {  	v3 =	vor.u32 v3, v4  }
0x2c: {  	v4 =	vperm.xlane v3, v0;
	_ =	sdelay $0x1  }
0x2d: {  	v3 =	vperm.xlane v3, v2;
	v4 =	vadd.s32 v1, v4;
	_ =	sdelay $0x1  }
0x2e: {  	v3 =	vadd.s32 v1, v3;
	_ =	sdelay $0x2  }
0x2f: {  	[tilespmem:s13], [sflag:$0x1] =	stream.indirect_vreg.gather [hbm4b:s4+s3], $0x80, v4, vm0, $0xb8;
	[tilespmem:$0x1A700] =	vst v63  }
0x30: {  	s0 =	simm.s32 $0x2F00  }
0x31: {  	[tilespmem:s0], [sflag:$0x1] =	stream.indirect_vreg.gather [hbm4b:s4+s3], $0x80, v3, vm0, $0xb8;
	[tilespmem:$0x1A700] =	vst v63  }
0x32: {  	v3 =	vld [tilespmem:$0x10];
	_ =	sdelay $0x4  }
0x33: {  	v57 =	vshll.u32 v3, $0x1  }
0x34: {  	v3 =	vand.u32 $0x7, v3;
	v4 =	vand.u32 $0xFFFFFFF0, v57  }
0x35: {  	v3 =	vor.u32 v3, v4  }
0x36: {  	v4 =	vperm.xlane v3, v0;
	_ =	sdelay $0x1  }
0x37: {  	v3 =	vperm.xlane v3, v2;
	v4 =	vadd.s32 v1, v4;
	_ =	sdelay $0x1  }
0x38: {  	v3 =	vadd.s32 v1, v3;
	_ =	sdelay $0x1  }
0x39: {  	s0 =	simm.s32 $0x3700  }
0x3a: {  	[tilespmem:s0], [sflag:$0x1] =	stream.indirect_vreg.gather [hbm4b:s4+s3], $0x80, v4, vm0, $0xb8;
	[tilespmem:$0x1A700] =	vst v63  }
0x3b: {  	s28 =	simm.s32 $0x3F00  }
0x3c: {  	[tilespmem:s28], [sflag:$0x1] =	stream.indirect_vreg.gather [hbm4b:s4+s3], $0x80, v3, vm0, $0xb8;
	[tilespmem:$0x1A700] =	vst v63  }
0x3d: {  	v3 =	vld [tilespmem:$0x20];
	_ =	sdelay $0x4  }
0x3e: {  	v58 =	vshll.u32 v3, $0x1  }
0x3f: {  	v3 =	vand.u32 $0x7, v3;
	v4 =	vand.u32 $0xFFFFFFF0, v58  }
0x40: {  	v3 =	vor.u32 v3, v4  }
0x41: {  	v4 =	vperm.xlane v3, v0;
	_ =	sdelay $0x1  }
0x42: {  	v3 =	vperm.xlane v3, v2;
	v4 =	vadd.s32 v1, v4;
	_ =	sdelay $0x1  }
0x43: {  	v3 =	vadd.s32 v1, v3;
	_ =	sdelay $0x1  }
0x44: {  	s25 =	simm.s32 $0x4700  }
0x45: {  	[tilespmem:s25], [sflag:$0x1] =	stream.indirect_vreg.gather [hbm4b:s4+s3], $0x80, v4, vm0, $0xb8;
	[tilespmem:$0x1A700] =	vst v63  }
0x46: {  	s28 =	simm.s32 $0x4F00  }
0x47: {  	[tilespmem:s28], [sflag:$0x1] =	stream.indirect_vreg.gather [hbm4b:s4+s3], $0x80, v3, vm0, $0xb8;
	[tilespmem:$0x1A700] =	vst v63  }
0x48: {  	v3 =	vld [tilespmem:$0x30];
	_ =	sdelay $0x4  }
0x49: {  	v59 =	vshll.u32 v3, $0x1  }
0x4a: {  	v3 =	vand.u32 $0x7, v3;
	v4 =	vand.u32 $0xFFFFFFF0, v59  }
0x4b: {  	v3 =	vor.u32 v3, v4  }
0x4c: {  	v4 =	vperm.xlane v3, v0;
	_ =	sdelay $0x1  }
0x4d: {  	v3 =	vperm.xlane v3, v2;
	v4 =	vadd.s32 v1, v4;
	_ =	sdelay $0x1  }
0x4e: {  	v3 =	vadd.s32 v1, v3;
	_ =	sdelay $0x1  }
0x4f: {  	s25 =	simm.s32 $0x5700  }
0x50: {  	[tilespmem:s25], [sflag:$0x1] =	stream.indirect_vreg.gather [hbm4b:s4+s3], $0x80, v4, vm0, $0xb8;
	[tilespmem:$0x1A700] =	vst v63  }
0x51: {  	s28 =	simm.s32 $0x5F00  }
0x52: {  	[tilespmem:s28], [sflag:$0x1] =	stream.indirect_vreg.gather [hbm4b:s4+s3], $0x80, v3, vm0, $0xb8;
	[tilespmem:$0x1A700] =	vst v63  }
0x53: {  	v3 =	vld [tilespmem:$0x40];
	_ =	sdelay $0x4  }
0x54: {  	v60 =	vshll.u32 v3, $0x1  }
0x55: {  	v3 =	vand.u32 $0x7, v3;
	v4 =	vand.u32 $0xFFFFFFF0, v60  }
0x56: {  	v3 =	vor.u32 v3, v4  }
0x57: {  	v4 =	vperm.xlane v3, v0;
	_ =	sdelay $0x1  }
0x58: {  	v3 =	vperm.xlane v3, v2;
	v4 =	vadd.s32 v1, v4;
	_ =	sdelay $0x1  }
0x59: {  	v3 =	vadd.s32 v1, v3;
	_ =	sdelay $0x1  }
0x5a: {  	s25 =	simm.s32 $0x6700  }
0x5b: {  	[tilespmem:s25], [sflag:$0x1] =	stream.indirect_vreg.gather [hbm4b:s4+s3], $0x80, v4, vm0, $0xb8;
	[tilespmem:$0x1A700] =	vst v63  }
0x5c: {  	s28 =	simm.s32 $0x6F00  }
0x5d: {  	[tilespmem:s28], [sflag:$0x1] =	stream.indirect_vreg.gather [hbm4b:s4+s3], $0x80, v3, vm0, $0xb8;
	[tilespmem:$0x1A700] =	vst v63  }
0x5e: {  	v3 =	vld [tilespmem:$0x50];
	_ =	sdelay $0x4  }
0x5f: {  	v61 =	vshll.u32 v3, $0x1  }
0x60: {  	v3 =	vand.u32 $0x7, v3;
	v4 =	vand.u32 $0xFFFFFFF0, v61  }
0x61: {  	v3 =	vor.u32 v3, v4  }
0x62: {  	v4 =	vperm.xlane v3, v0;
	_ =	sdelay $0x1  }
0x63: {  	v3 =	vperm.xlane v3, v2;
	v4 =	vadd.s32 v1, v4;
	_ =	sdelay $0x1  }
0x64: {  	v3 =	vadd.s32 v1, v3;
	_ =	sdelay $0x1  }
0x65: {  	s25 =	simm.s32 $0x7700  }
0x66: {  	[tilespmem:s25], [sflag:$0x1] =	stream.indirect_vreg.gather [hbm4b:s4+s3], $0x80, v4, vm0, $0xb8;
	[tilespmem:$0x1A700] =	vst v63  }
0x67: {  	s28 =	simm.s32 $0x7F00  }
0x68: {  	[tilespmem:s28], [sflag:$0x1] =	stream.indirect_vreg.gather [hbm4b:s4+s3], $0x80, v3, vm0, $0xb8;
	[tilespmem:$0x1A700] =	vst v63  }
0x69: {  	v3 =	vld [tilespmem:$0x60];
	_ =	sdelay $0x4  }
0x6a: {  	v62 =	vshll.u32 v3, $0x1  }
0x6b: {  	v3 =	vand.u32 $0x7, v3;
	v4 =	vand.u32 $0xFFFFFFF0, v62  }
0x6c: {  	v3 =	vor.u32 v3, v4  }
0x6d: {  	v4 =	vperm.xlane v3, v0;
	_ =	sdelay $0x1  }
0x6e: {  	v3 =	vperm.xlane v3, v2;
	v4 =	vadd.s32 v1, v4;
	_ =	sdelay $0x1  }
0x6f: {  	v3 =	vadd.s32 v1, v3;
	_ =	sdelay $0x1  }
0x70: {  	s25 =	simm.s32 $0x8700  }
0x71: {  	[tilespmem:s25], [sflag:$0x1] =	stream.indirect_vreg.gather [hbm4b:s4+s3], $0x80, v4, vm0, $0xb8;
	[tilespmem:$0x1A700] =	vst v63  }
0x72: {  	s28 =	simm.s32 $0x8F00  }
0x73: {  	[tilespmem:s28], [sflag:$0x1] =	stream.indirect_vreg.gather [hbm4b:s4+s3], $0x80, v3, vm0, $0xb8;
	[tilespmem:$0x1A700] =	vst v63  }
0x74: {  	v3 =	vld [tilespmem:$0x70];
	_ =	sdelay $0x4  }
0x75: {  	v63 =	vshll.u32 v3, $0x1  }
0x76: {  	v3 =	vand.u32 $0x7, v3;
	v4 =	vand.u32 $0xFFFFFFF0, v63  }
0x77: {  	v3 =	vor.u32 v3, v4  }
0x78: {  	v4 =	vperm.xlane v3, v0;
	_ =	sdelay $0x1  }
0x79: {  	v3 =	vperm.xlane v3, v2;
	v4 =	vadd.s32 v1, v4;
	_ =	sdelay $0x1  }
0x7a: {  	v3 =	vadd.s32 v1, v3;
	_ =	sdelay $0x1  }
0x7b: {  	s25 =	simm.s32 $0x9700  }
0x7c: {  	[tilespmem:s25], [sflag:$0x1] =	stream.indirect_vreg.gather [hbm4b:s4+s3], $0x80, v4, vm0, $0xb8;
	[tilespmem:$0x1A700] =	vst v63  }
.Ltmp2:
0x7d: {  	s28 =	simm.s32 $0x9F00;
	(pc) =	sbr.rel .LBB2_2-.Ltmp2, $4  }
0x7e: {  	[tilespmem:s28], [sflag:$0x1] =	stream.indirect_vreg.gather [hbm4b:s4+s3], $0x80, v3, vm0, $0xb8;
	[tilespmem:$0x1A700] =	vst v63  }
0x7f: {  	_ = 	snop  }
0x80: {  	[tilespmem:s31], [sflag:$0x1] =	stream.indirect.gather [hbm4b:s5+s30], $0x80, s29, s30, $0xb8;
	[tilespmem:$0x1A700] =	vst v63  }
0x81: {  	s0 =	simm.s32 $0xEF00;
	s29 =	simm.s32 $0x0  }
.LBB2_3:
0x82: {  	s25 =	simm.s32 $0x1  }
.LBB2_6:
0x83: {  	s28 =	sshll.u32 s25, $0x7  }
0x84: {  	v3 =	vld [tilespmem:s28+$0x0];
	_ =	sdelay $0x4  }
0x85: {  	v4 =	vshll.u32 v3, $0x1  }
0x86: {  	v3 =	vand.u32 $0x7, v3;
	v4 =	vand.u32 $0xFFFFFFF0, v4  }
0x87: {  	v3 =	vor.u32 v3, v4  }
0x88: {  	v4 =	vperm.xlane v3, v0;
	_ =	sdelay $0x1  }
0x89: {  	v3 =	vperm.xlane v3, v2;
	v4 =	vadd.s32 v1, v4;
	_ =	sdelay $0x1  }
0x8a: {  	v3 =	vadd.s32 v1, v3;
	_ =	sdelay $0x2  }
0x8b: {  	[tilespmem:s1], [sflag:$0x2] =	stream.indirect_vreg.gather [hbm4b:s4+s3], $0x80, v4, vm0, $0xb8;
	[tilespmem:$0x1A700] =	vst v63  }
0x8c: {  	_ = 	snop  }
0x8d: {  	[tilespmem:s0], [sflag:$0x2] =	stream.indirect_vreg.gather [hbm4b:s4+s3], $0x80, v3, vm0, $0xb8;
	[tilespmem:$0x1A700] =	vst v63  }
0x8e: {  	v3 =	vld [tilespmem:s28+$0x10];
	_ =	sdelay $0x4  }
0x8f: {  	v57 =	vshll.u32 v3, $0x1  }
0x90: {  	v3 =	vand.u32 $0x7, v3;
	v4 =	vand.u32 $0xFFFFFFF0, v57  }
0x91: {  	v3 =	vor.u32 v3, v4  }
0x92: {  	v4 =	vperm.xlane v3, v0;
	_ =	sdelay $0x1  }
0x93: {  	v3 =	vperm.xlane v3, v2;
	v4 =	vadd.s32 v1, v4;
	_ =	sdelay $0x1  }
0x94: {  	v3 =	vadd.s32 v1, v3;
	_ =	sdelay $0x2  }
0x95: {  	[tilespmem:s12], [sflag:$0x2] =	stream.indirect_vreg.gather [hbm4b:s4+s3], $0x80, v4, vm0, $0xb8;
	[tilespmem:$0x1A700] =	vst v63  }
0x96: {  	_ = 	snop  }
0x97: {  	[tilespmem:s8], [sflag:$0x2] =	stream.indirect_vreg.gather [hbm4b:s4+s3], $0x80, v3, vm0, $0xb8;
	[tilespmem:$0x1A700] =	vst v63  }
0x98: {  	v3 =	vld [tilespmem:s28+$0x20];
	_ =	sdelay $0x4  }
0x99: {  	v58 =	vshll.u32 v3, $0x1  }
0x9a: {  	v3 =	vand.u32 $0x7, v3;
	v4 =	vand.u32 $0xFFFFFFF0, v58  }
0x9b: {  	v3 =	vor.u32 v3, v4  }
0x9c: {  	v4 =	vperm.xlane v3, v0;
	_ =	sdelay $0x1  }
0x9d: {  	v3 =	vperm.xlane v3, v2;
	v4 =	vadd.s32 v1, v4;
	_ =	sdelay $0x1  }
0x9e: {  	v3 =	vadd.s32 v1, v3;
	_ =	sdelay $0x2  }
0x9f: {  	[tilespmem:s9], [sflag:$0x2] =	stream.indirect_vreg.gather [hbm4b:s4+s3], $0x80, v4, vm0, $0xb8;
	[tilespmem:$0x1A700] =	vst v63  }
0xa0: {  	_ = 	snop  }
0xa1: {  	[tilespmem:s10], [sflag:$0x2] =	stream.indirect_vreg.gather [hbm4b:s4+s3], $0x80, v3, vm0, $0xb8;
	[tilespmem:$0x1A700] =	vst v63  }
0xa2: {  	v3 =	vld [tilespmem:s28+$0x30];
	_ =	sdelay $0x4  }
0xa3: {  	v59 =	vshll.u32 v3, $0x1  }
0xa4: {  	v3 =	vand.u32 $0x7, v3;
	v4 =	vand.u32 $0xFFFFFFF0, v59  }
0xa5: {  	v3 =	vor.u32 v3, v4  }
0xa6: {  	v4 =	vperm.xlane v3, v0;
	_ =	sdelay $0x1  }
0xa7: {  	v3 =	vperm.xlane v3, v2;
	v4 =	vadd.s32 v1, v4;
	_ =	sdelay $0x1  }
0xa8: {  	v3 =	vadd.s32 v1, v3;
	_ =	sdelay $0x2  }
0xa9: {  	[tilespmem:s11], [sflag:$0x2] =	stream.indirect_vreg.gather [hbm4b:s4+s3], $0x80, v4, vm0, $0xb8;
	[tilespmem:$0x1A700] =	vst v63  }
0xaa: {  	_ = 	snop  }
0xab: {  	[tilespmem:s14], [sflag:$0x2] =	stream.indirect_vreg.gather [hbm4b:s4+s3], $0x80, v3, vm0, $0xb8;
	[tilespmem:$0x1A700] =	vst v63  }
0xac: {  	v3 =	vld [tilespmem:s28+$0x40];
	_ =	sdelay $0x4  }
0xad: {  	v60 =	vshll.u32 v3, $0x1  }
0xae: {  	v3 =	vand.u32 $0x7, v3;
	v4 =	vand.u32 $0xFFFFFFF0, v60  }
0xaf: {  	v3 =	vor.u32 v3, v4  }
0xb0: {  	v4 =	vperm.xlane v3, v0;
	_ =	sdelay $0x1  }
0xb1: {  	v3 =	vperm.xlane v3, v2;
	v4 =	vadd.s32 v1, v4;
	_ =	sdelay $0x1  }
0xb2: {  	v3 =	vadd.s32 v1, v3;
	_ =	sdelay $0x2  }
0xb3: {  	[tilespmem:s15], [sflag:$0x2] =	stream.indirect_vreg.gather [hbm4b:s4+s3], $0x80, v4, vm0, $0xb8;
	[tilespmem:$0x1A700] =	vst v63  }
0xb4: {  	_ = 	snop  }
0xb5: {  	[tilespmem:s16], [sflag:$0x2] =	stream.indirect_vreg.gather [hbm4b:s4+s3], $0x80, v3, vm0, $0xb8;
	[tilespmem:$0x1A700] =	vst v63  }
0xb6: {  	v3 =	vld [tilespmem:s28+$0x50];
	_ =	sdelay $0x4  }
0xb7: {  	v61 =	vshll.u32 v3, $0x1  }
0xb8: {  	v3 =	vand.u32 $0x7, v3;
	v4 =	vand.u32 $0xFFFFFFF0, v61  }
0xb9: {  	v3 =	vor.u32 v3, v4  }
0xba: {  	v4 =	vperm.xlane v3, v0;
	_ =	sdelay $0x1  }
0xbb: {  	v3 =	vperm.xlane v3, v2;
	v4 =	vadd.s32 v1, v4;
	_ =	sdelay $0x1  }
0xbc: {  	v3 =	vadd.s32 v1, v3;
	_ =	sdelay $0x2  }
0xbd: {  	[tilespmem:s17], [sflag:$0x2] =	stream.indirect_vreg.gather [hbm4b:s4+s3], $0x80, v4, vm0, $0xb8;
	[tilespmem:$0x1A700] =	vst v63  }
0xbe: {  	_ = 	snop  }
0xbf: {  	[tilespmem:s18], [sflag:$0x2] =	stream.indirect_vreg.gather [hbm4b:s4+s3], $0x80, v3, vm0, $0xb8;
	[tilespmem:$0x1A700] =	vst v63  }
0xc0: {  	v3 =	vld [tilespmem:s28+$0x60];
	_ =	sdelay $0x4  }
0xc1: {  	v62 =	vshll.u32 v3, $0x1  }
0xc2: {  	v3 =	vand.u32 $0x7, v3;
	v4 =	vand.u32 $0xFFFFFFF0, v62  }
0xc3: {  	v3 =	vor.u32 v3, v4  }
0xc4: {  	v4 =	vperm.xlane v3, v0;
	_ =	sdelay $0x1  }
0xc5: {  	v3 =	vperm.xlane v3, v2;
	v4 =	vadd.s32 v1, v4;
	_ =	sdelay $0x1  }
0xc6: {  	v3 =	vadd.s32 v1, v3;
	_ =	sdelay $0x2  }
0xc7: {  	[tilespmem:s19], [sflag:$0x2] =	stream.indirect_vreg.gather [hbm4b:s4+s3], $0x80, v4, vm0, $0xb8;
	[tilespmem:$0x1A700] =	vst v63  }
0xc8: {  	_ = 	snop  }
0xc9: {  	[tilespmem:s20], [sflag:$0x2] =	stream.indirect_vreg.gather [hbm4b:s4+s3], $0x80, v3, vm0, $0xb8;
	[tilespmem:$0x1A700] =	vst v63  }
0xca: {  	v3 =	vld [tilespmem:s28+$0x70];
	_ =	sdelay $0x4  }
0xcb: {  	v63 =	vshll.u32 v3, $0x1  }
0xcc: {  	v3 =	vand.u32 $0x7, v3;
	v4 =	vand.u32 $0xFFFFFFF0, v63  }
0xcd: {  	v3 =	vor.u32 v3, v4  }
0xce: {  	v4 =	vperm.xlane v3, v0;
	_ =	sdelay $0x1  }
0xcf: {  	v3 =	vperm.xlane v3, v2;
	v4 =	vadd.s32 v1, v4;
	_ =	sdelay $0x1  }
0xd0: {  	v3 =	vadd.s32 v1, v3;
	_ =	sdelay $0x2  }
0xd1: {  	[tilespmem:s21], [sflag:$0x2] =	stream.indirect_vreg.gather [hbm4b:s4+s3], $0x80, v4, vm0, $0xb8;
	[tilespmem:$0x1A700] =	vst v63  }
0xd2: {  	_ = 	snop  }
0xd3: {  	[tilespmem:s22], [sflag:$0x2] =	stream.indirect_vreg.gather [hbm4b:s4+s3], $0x80, v3, vm0, $0xb8;
	[tilespmem:$0x1A700] =	vst v63  }
0xd4: {  	s28 =	sadd.s32 $0x1380, s28  }
0xd5: {  	[tilespmem:s23], [sflag:$0x2] =	stream.indirect.gather [hbm4b:s5+s30], $0x80, s28, s30, $0xb8;
	[tilespmem:$0x1A700] =	vst v63  }
.LBB2_7:
0xd6: {  	_ =	swait.ge [sflag:s24], $0x8000  }
0xd7: {  	[sflag:s24] =	ssyncset.done $0x0  }
0xd8: {  	s28 =	sshll.u32 s29, $0x7;
	[sflag:s24] =	ssyncadd.s32 $0xFFFF8000  }
0xd9: {  	s28 =	sadd.s32 s2, s28;
	_ =	swait.ge [sflag:s24], $0x4000  }
0xda: {  	s29 =	sshll.u32 s28, $0x5;
	[sflag:s24] =	ssyncset.done $0x0  }
0xdb: {  	s28 =	sshll.u32 s28, $0x4;
	s29 =	sadd.s32 s6, s29;
	[sflag:s24] =	ssyncadd.s32 $0xFFFFC000  }
0xdc: {  	[hbm4b:s29+s3] =	stream.linear.scatter [tilespmem:s13], [sflag:$0x3], $0x8000, $0x38;
	[tilespmem:$0x1A700] =	vst v63  }
0xdd: {  	s28 =	sadd.s32 s7, s28  }
0xde: {  	[hbm4b:s28+s3] =	stream.linear.scatter [tilespmem:s31], [sflag:$0x3], $0x4000, $0x38;
	[tilespmem:$0x1A700] =	vst v63  }
.LBB2_9:
0xdf: {  	p0 =	slt.u32 s25, $0x27  }
.Ltmp3:
0xe0: {  	_ = 	snop;
	(pc) =	sbr.rel @!p0 .LBB2_10-.Ltmp3, $2  }
0xe1: {  	_ =	sdelay $0x2  }
0xe2: {  	s29 =	smov.u32 s25  }
.LBB2_2:
0xe3: {  	p0 =	seq.s32 s29, $0x0  }
.Ltmp4:
0xe4: {  	_ = 	snop;
	(pc) =	sbr.rel @p0 .LBB2_3-.Ltmp4, $1  }
0xe5: {  	_ =	sdelay $0x3  }
0xe6: {  	s25 =	sand.u32 $0x1, s29  }
0xe7: {  	p0 =	seq.s32 s25, $0x1;
	s25 =	simm.s32 $0x3  }
0xe8: {  	s25 =	simm.s32 @!p0 $0x4  }
0xe9: {  	p1 =	seq.s32 s29, $0x26;
	_ =	swait.ge [sflag:s25], $0x8000  }
.Ltmp5:
0xea: {  	[sflag:s25] =	ssyncset.done $0x0;
	(pc) =	sbr.rel @p1 .LBB2_7-.Ltmp5, $4  }
0xeb: {  	[sflag:s25] =	ssyncadd.s32 $0xFFFF8000  }
0xec: {  	_ =	swait.ge [sflag:s25], $0x4000  }
0xed: {  	[sflag:s25] =	ssyncset.done $0x0  }
0xee: {  	[sflag:s25] =	ssyncadd.s32 $0xFFFFC000;
	s25 =	simm.s32 $0x27  }
.Ltmp6:
0xef: {  	(pc) =	sbr.rel @!p0 .LBB2_6-.Ltmp6, $2  }
0xf0: {  	_ =	sdelay $0x2  }
0xf1: {  	s25 =	sadd.s32 $0x1, s29  }
0xf2: {  	s28 =	sshll.u32 s25, $0x7  }
0xf3: {  	v3 =	vld [tilespmem:s28+$0x0];
	_ =	sdelay $0x4  }
0xf4: {  	v4 =	vshll.u32 v3, $0x1  }
0xf5: {  	v3 =	vand.u32 $0x7, v3;
	v4 =	vand.u32 $0xFFFFFFF0, v4  }
0xf6: {  	v3 =	vor.u32 v3, v4  }
0xf7: {  	v4 =	vperm.xlane v3, v0;
	_ =	sdelay $0x1  }
0xf8: {  	v3 =	vperm.xlane v3, v2;
	v4 =	vadd.s32 v1, v4;
	_ =	sdelay $0x1  }
0xf9: {  	v3 =	vadd.s32 v1, v3;
	_ =	sdelay $0x2  }
0xfa: {  	[tilespmem:s13], [sflag:$0x1] =	stream.indirect_vreg.gather [hbm4b:s4+s3], $0x80, v4, vm0, $0xb8;
	[tilespmem:$0x1A700] =	vst v63  }
0xfb: {  	s0 =	simm.s32 $0x2F00  }
0xfc: {  	[tilespmem:s0], [sflag:$0x1] =	stream.indirect_vreg.gather [hbm4b:s4+s3], $0x80, v3, vm0, $0xb8;
	[tilespmem:$0x1A700] =	vst v63  }
0xfd: {  	v3 =	vld [tilespmem:s28+$0x10];
	_ =	sdelay $0x4  }
0xfe: {  	v57 =	vshll.u32 v3, $0x1  }
0xff: {  	v3 =	vand.u32 $0x7, v3;
	v4 =	vand.u32 $0xFFFFFFF0, v57  }
0x100: {  	v3 =	vor.u32 v3, v4  }
0x101: {  	v4 =	vperm.xlane v3, v0;
	_ =	sdelay $0x1  }
0x102: {  	v3 =	vperm.xlane v3, v2;
	v4 =	vadd.s32 v1, v4;
	_ =	sdelay $0x1  }
0x103: {  	v3 =	vadd.s32 v1, v3;
	_ =	sdelay $0x1  }
0x104: {  	s0 =	simm.s32 $0x3700  }
0x105: {  	[tilespmem:s0], [sflag:$0x1] =	stream.indirect_vreg.gather [hbm4b:s4+s3], $0x80, v4, vm0, $0xb8;
	[tilespmem:$0x1A700] =	vst v63  }
0x106: {  	s0 =	simm.s32 $0x3F00  }
0x107: {  	[tilespmem:s0], [sflag:$0x1] =	stream.indirect_vreg.gather [hbm4b:s4+s3], $0x80, v3, vm0, $0xb8;
	[tilespmem:$0x1A700] =	vst v63  }
0x108: {  	v3 =	vld [tilespmem:s28+$0x20];
	_ =	sdelay $0x4  }
0x109: {  	v58 =	vshll.u32 v3, $0x1  }
0x10a: {  	v3 =	vand.u32 $0x7, v3;
	v4 =	vand.u32 $0xFFFFFFF0, v58  }
0x10b: {  	v3 =	vor.u32 v3, v4  }
0x10c: {  	v4 =	vperm.xlane v3, v0;
	_ =	sdelay $0x1  }
0x10d: {  	v3 =	vperm.xlane v3, v2;
	v4 =	vadd.s32 v1, v4;
	_ =	sdelay $0x1  }
0x10e: {  	v3 =	vadd.s32 v1, v3;
	_ =	sdelay $0x1  }
0x10f: {  	s0 =	simm.s32 $0x4700  }
0x110: {  	[tilespmem:s0], [sflag:$0x1] =	stream.indirect_vreg.gather [hbm4b:s4+s3], $0x80, v4, vm0, $0xb8;
	[tilespmem:$0x1A700] =	vst v63  }
0x111: {  	s0 =	simm.s32 $0x4F00  }
0x112: {  	[tilespmem:s0], [sflag:$0x1] =	stream.indirect_vreg.gather [hbm4b:s4+s3], $0x80, v3, vm0, $0xb8;
	[tilespmem:$0x1A700] =	vst v63  }
0x113: {  	v3 =	vld [tilespmem:s28+$0x30];
	_ =	sdelay $0x4  }
0x114: {  	v59 =	vshll.u32 v3, $0x1  }
0x115: {  	v3 =	vand.u32 $0x7, v3;
	v4 =	vand.u32 $0xFFFFFFF0, v59  }
0x116: {  	v3 =	vor.u32 v3, v4  }
0x117: {  	v4 =	vperm.xlane v3, v0;
	_ =	sdelay $0x1  }
0x118: {  	v3 =	vperm.xlane v3, v2;
	v4 =	vadd.s32 v1, v4;
	_ =	sdelay $0x1  }
0x119: {  	v3 =	vadd.s32 v1, v3;
	_ =	sdelay $0x1  }
0x11a: {  	s0 =	simm.s32 $0x5700  }
0x11b: {  	[tilespmem:s0], [sflag:$0x1] =	stream.indirect_vreg.gather [hbm4b:s4+s3], $0x80, v4, vm0, $0xb8;
	[tilespmem:$0x1A700] =	vst v63  }
0x11c: {  	s0 =	simm.s32 $0x5F00  }
0x11d: {  	[tilespmem:s0], [sflag:$0x1] =	stream.indirect_vreg.gather [hbm4b:s4+s3], $0x80, v3, vm0, $0xb8;
	[tilespmem:$0x1A700] =	vst v63  }
0x11e: {  	v3 =	vld [tilespmem:s28+$0x40];
	_ =	sdelay $0x4  }
0x11f: {  	v60 =	vshll.u32 v3, $0x1  }
0x120: {  	v3 =	vand.u32 $0x7, v3;
	v4 =	vand.u32 $0xFFFFFFF0, v60  }
0x121: {  	v3 =	vor.u32 v3, v4  }
0x122: {  	v4 =	vperm.xlane v3, v0;
	_ =	sdelay $0x1  }
0x123: {  	v3 =	vperm.xlane v3, v2;
	v4 =	vadd.s32 v1, v4;
	_ =	sdelay $0x1  }
0x124: {  	v3 =	vadd.s32 v1, v3;
	_ =	sdelay $0x1  }
0x125: {  	s0 =	simm.s32 $0x6700  }
0x126: {  	[tilespmem:s0], [sflag:$0x1] =	stream.indirect_vreg.gather [hbm4b:s4+s3], $0x80, v4, vm0, $0xb8;
	[tilespmem:$0x1A700] =	vst v63  }
0x127: {  	s0 =	simm.s32 $0x6F00  }
0x128: {  	[tilespmem:s0], [sflag:$0x1] =	stream.indirect_vreg.gather [hbm4b:s4+s3], $0x80, v3, vm0, $0xb8;
	[tilespmem:$0x1A700] =	vst v63  }
0x129: {  	v3 =	vld [tilespmem:s28+$0x50];
	_ =	sdelay $0x4  }
0x12a: {  	v61 =	vshll.u32 v3, $0x1  }
0x12b: {  	v3 =	vand.u32 $0x7, v3;
	v4 =	vand.u32 $0xFFFFFFF0, v61  }
0x12c: {  	v3 =	vor.u32 v3, v4  }
0x12d: {  	v4 =	vperm.xlane v3, v0;
	_ =	sdelay $0x1  }
0x12e: {  	v3 =	vperm.xlane v3, v2;
	v4 =	vadd.s32 v1, v4;
	_ =	sdelay $0x1  }
0x12f: {  	v3 =	vadd.s32 v1, v3;
	_ =	sdelay $0x1  }
0x130: {  	s0 =	simm.s32 $0x7700  }
0x131: {  	[tilespmem:s0], [sflag:$0x1] =	stream.indirect_vreg.gather [hbm4b:s4+s3], $0x80, v4, vm0, $0xb8;
	[tilespmem:$0x1A700] =	vst v63  }
0x132: {  	s0 =	simm.s32 $0x7F00  }
0x133: {  	[tilespmem:s0], [sflag:$0x1] =	stream.indirect_vreg.gather [hbm4b:s4+s3], $0x80, v3, vm0, $0xb8;
	[tilespmem:$0x1A700] =	vst v63  }
0x134: {  	v3 =	vld [tilespmem:s28+$0x60];
	_ =	sdelay $0x4  }
0x135: {  	v62 =	vshll.u32 v3, $0x1  }
0x136: {  	v3 =	vand.u32 $0x7, v3;
	v4 =	vand.u32 $0xFFFFFFF0, v62  }
0x137: {  	v3 =	vor.u32 v3, v4  }
0x138: {  	v4 =	vperm.xlane v3, v0;
	_ =	sdelay $0x1  }
0x139: {  	v3 =	vperm.xlane v3, v2;
	v4 =	vadd.s32 v1, v4;
	_ =	sdelay $0x1  }
0x13a: {  	v3 =	vadd.s32 v1, v3;
	_ =	sdelay $0x1  }
0x13b: {  	s0 =	simm.s32 $0x8700  }
0x13c: {  	[tilespmem:s0], [sflag:$0x1] =	stream.indirect_vreg.gather [hbm4b:s4+s3], $0x80, v4, vm0, $0xb8;
	[tilespmem:$0x1A700] =	vst v63  }
0x13d: {  	s0 =	simm.s32 $0x8F00  }
0x13e: {  	[tilespmem:s0], [sflag:$0x1] =	stream.indirect_vreg.gather [hbm4b:s4+s3], $0x80, v3, vm0, $0xb8;
	[tilespmem:$0x1A700] =	vst v63  }
0x13f: {  	v3 =	vld [tilespmem:s28+$0x70];
	_ =	sdelay $0x4  }
0x140: {  	v63 =	vshll.u32 v3, $0x1  }
0x141: {  	v3 =	vand.u32 $0x7, v3;
	v4 =	vand.u32 $0xFFFFFFF0, v63  }
0x142: {  	v3 =	vor.u32 v3, v4  }
0x143: {  	v4 =	vperm.xlane v3, v0;
	_ =	sdelay $0x1  }
0x144: {  	v3 =	vperm.xlane v3, v2;
	v4 =	vadd.s32 v1, v4;
	_ =	sdelay $0x1  }
0x145: {  	v3 =	vadd.s32 v1, v3;
	_ =	sdelay $0x1  }
0x146: {  	s0 =	simm.s32 $0x9700  }
0x147: {  	[tilespmem:s0], [sflag:$0x1] =	stream.indirect_vreg.gather [hbm4b:s4+s3], $0x80, v4, vm0, $0xb8;
	[tilespmem:$0x1A700] =	vst v63  }
0x148: {  	s0 =	simm.s32 $0x9F00  }
0x149: {  	[tilespmem:s0], [sflag:$0x1] =	stream.indirect_vreg.gather [hbm4b:s4+s3], $0x80, v3, vm0, $0xb8;
	[tilespmem:$0x1A700] =	vst v63  }
0x14a: {  	s28 =	sadd.s32 $0x1380, s28  }
0x14b: {  	[tilespmem:s31], [sflag:$0x1] =	stream.indirect.gather [hbm4b:s5+s30], $0x80, s28, s30, $0xb8;
	[tilespmem:$0x1A700] =	vst v63  }
0x14c: {  	_ =	swait.ge [sflag:s26], $0x8000  }
0x14d: {  	[sflag:s26] =	ssyncset.done $0x0  }
0x14e: {  	s29 =	sshll.u32 s29, $0x7;
	[sflag:s26] =	ssyncadd.s32 $0xFFFF8000  }
0x14f: {  	s28 =	sadd.s32 s2, s29;
	_ =	swait.ge [sflag:s26], $0x4000  }
.Ltmp7:
0x150: {  	s29 =	sshll.u32 s28, $0x5;
	[sflag:s26] =	ssyncset.done $0x0;
	(pc) =	sbr.rel .LBB2_9-.Ltmp7, $4  }
0x151: {  	s28 =	sshll.u32 s28, $0x4;
	s29 =	sadd.s32 s6, s29;
	[sflag:s26] =	ssyncadd.s32 $0xFFFFC000  }
0x152: {  	[hbm4b:s29+s3] =	stream.linear.scatter [tilespmem:s1], [sflag:$0x4], $0x8000, $0x38;
	[tilespmem:$0x1A700] =	vst v63  }
0x153: {  	s0 =	simm.s32 $0xEF00;
	s28 =	sadd.s32 s7, s28  }
0x154: {  	[hbm4b:s28+s3] =	stream.linear.scatter [tilespmem:s23], [sflag:$0x4], $0x4000, $0x38;
	[tilespmem:$0x1A700] =	vst v63  }
.LBB2_11:
0x155: {  	_ =	sfence.sel $0x180000  }
0x156: {  	[bflag:$0x0] =	sbarrier.arrive $0xFFFF  }
0x157: {  	_ =	strace $0x9000004A  }
0x158: {  	s0 =	stileid.u32;
	[bflag:$0x2] =	sbarrier.arrive $0xFFFF  }
0x159: {  	p0 =	sne.s32 s0, $0x0;
	s0 =	rddreg [dreg:$0x2]  }
0x15a: {  	s0 =	sadd.s32 @!p0 $0x100000, s0  }
0x15b: {  	[sflag:s0] =	ssyncadd.tile.s32 @!p0 $0x1;
	_ =	shalt  }
.Lfunc_end2:
_tile_overlayer_lowered:
.L_overlay_start_2:
0x15c: {  	(tag) =	ssettag $0x2  }
0x15d: {  	s0 =	rddreg [dreg:$0x0];
	s2 =	stileid.u32  }
0x15e: {  	s1 =	rddreg [dreg:$0x1];
	p0 =	sne.s32 s2, $0x0  }
0x15f: {  	s3 =	rddreg [dreg:$0x2];
	[bflag:$0x3] =	sbarrier.arrive $0xFFFF;
	s2 =	simm.s32 @!p0 $0x1C05  }
0x160: {  	[timem:s3], [sflag:s2] =	dma.local @!p0 [hbm:s0], s1  }
0x161: {  	s0 =	simm.s32 @!p0 $0x5  }
0x162: {  	_ =	swait.ge @!p0 [sflag:s0], s1  }
0x163: {  	s1 =	ssub.s32 @!p0 $0x0, s1;
	[sflag:s0] =	ssyncset.done @!p0 $0x0  }
0x164: {  	[sflag:s0] =	ssyncadd.s32 @!p0 s1  }
0x165: {  	[bflag:$0x3] =	sbarrier.arrive $0xFFFF  }
0x166: {  	_ =	shalt  }

// kernel: kernel.16.cloned.1.call-start
scs
__scs_entry_jumppad:
0x0: {  	(pc) =	sbr.rel $0x88, $3  }
0x1: {  	(tag) =	ssettag $0x0;
	lr =	simm.s32 $0x1  }
0x2: {  	[smem:$0x3F8E] =	sst lr;
	_ =	strace $0xD0000000  }
0x3: {  	_ = 	snop  }
0x4: {  	_ = 	snop  }
0x5: {  	_ = 	snop  }
0x6: {  	_ = 	snop  }
0x7: {  	_ = 	snop  }
__scs_overlays_trampoline_lowered:
0x8: {  	[smem:$0x3F9D] =	sst s0  }
0x9: {  	[smem:$0x3F9E] =	sst s1  }
0xa: {  	[smem:$0x3F9F] =	sst s2  }
0xb: {  	[smem:$0x3FA0] =	sst s3  }
0xc: {  	[smem:$0x3FA1] =	sst s4  }
0xd: {  	[smem:$0x3FA2] =	sst s5  }
0xe: {  	[smem:$0x3FA3] =	sst s6  }
0xf: {  	[smem:$0x3FA4] =	sst s7  }
0x10: {  	[smem:$0x3FA5] =	sst s8  }
0x11: {  	[smem:$0x3FA6] =	sst s9;
	s0 =	simm.s32 @!p0 $0x0  }
0x12: {  	s1 =	sld [smem:$0x3F8C];
	s0 =	simm.s32 @p0 $0x1  }
0x13: {  	[smem:$0x3FA7] =	sst s0;
	s0 =	simm.s32 @!p1 $0x0  }
0x14: {  	s2 =	sld [smem:$0x3F8B];
	s0 =	simm.s32 @p1 $0x1  }
0x15: {  	[smem:$0x3FA8] =	sst s0;
	s0 =	simm.s32 @!p2 $0x0  }
0x16: {  	s3 =	sld [smem:$0x3FDB];
	s0 =	simm.s32 @p2 $0x1  }
0x17: {  	s4 =	simm.s32 $0x1BF5;
	[smem:$0x3FAA] =	sst s0  }
0x18: {  	s0 =	sld [smem:$0x3F8D];
	_ =	swait.ge [sflag:s4], $0x0  }
0x19: {  	s7 =	sld [smem:$0x3F8E]  }
0x1a: {  	s8 =	sadd.s32 $0xFFFFE003, lr  }
0x1b: {  	s9 =	sadd.s32 $0xFFFFFEF7, lr;
	s5 =	simm.s32 $0xFFFFFFFF;
	p2 =	slt.u32 s8, $0xFFFFF086  }
0x1c: {  	p1 =	slt.u32 s9, $0xF7A;
	s5 =	simm.s32 @!p2 $0x0  }
0x1d: {  	s5 =	simm.s32 @p1 $0x1;
	p0 =	seq.s32 s7, s2  }
0x1e: {  	s7 =	smul.u32 @!p0 $0xF7A, s2;
	p2 =	seq.s32 @!p0 s5, $0x0  }
0x1f: {  	s9 =	smul.u32 $0xF7A, s1;
	s8 =	simm.s32 @!p0 $0x1BF5;
	p2 =	por !p2, p0  }
0x20: {  	[sflag:s8] =	ssyncset.s32 @!p0 $0xFFFFF086;
	s6 =	sadd.s32 @!p0 s3, s7;
	s7 =	simm.s32 @!p0 $0x108  }
0x21: {  	s3 =	sadd.s32 s3, s9;
	s6 =	sadd.s32 @!p0 $0x88, s6;
	s7 =	simm.s32 @p2 $0x1082  }
0x22: {  	[simem:s7], [sflag:s8] =	dma.local @!p0 [hbm:s6], $0xF7A  }
0x23: {  	s9 =	sor.u32 $0xD0000000, s2;
	s6 =	simm.s32 $0x108;
	_ =	swait.ge @!p0 [sflag:s8], $0x0  }
0x24: {  	s3 =	sadd.s32 $0x88, s3;
	s6 =	simm.s32 @!p1 $0x1082;
	[sflag:s4] =	ssyncset.s32 $0xFFFFF086  }
0x25: {  	[simem:s6], [sflag:s4] =	dma.local [hbm:s3], $0xF7A  }
0x26: {  	[smem:$0x3F8E] =	sst s1;
	(tag) =	ssettag s2;
	_ =	strace s9  }
0x27: {  	s1 =	sld [smem:$0x3F9E]  }
0x28: {  	s2 =	sld [smem:$0x3F9F]  }
0x29: {  	s4 =	sld [smem:$0x3FA1]  }
0x2a: {  	p0 =	seq.s32 s5, $0x0;
	s5 =	sld [smem:$0x3FA2]  }
0x2b: {  	s6 =	sld [smem:$0x3FA3]  }
0x2c: {  	s7 =	sld [smem:$0x3FA4]  }
0x2d: {  	s3 =	simm.s32 $0x108;
	s8 =	sld [smem:$0x3FA5]  }
0x2e: {  	s3 =	simm.s32 @!p0 $0x1082;
	s9 =	sld [smem:$0x3FA6]  }
0x2f: {  	lr =	sadd.s32 s0, s3;
	s0 =	sld [smem:$0x3F9D]  }
0x30: {  	s3 =	sld [smem:$0x3FA0]  }
0x31: {  	[smem:$0x3FA9] =	sst s10  }
0x32: {  	s10 =	sld [smem:$0x3FA7];
	_ =	sdelay $0x3  }
0x33: {  	p0 =	seq.s32 s10, $0x1;
	s10 =	sld [smem:$0x3FA9];
	_ =	sdelay $0x3  }
0x34: {  	[smem:$0x3FA9] =	sst s10  }
0x35: {  	s10 =	sld [smem:$0x3FA8];
	_ =	sdelay $0x3  }
0x36: {  	p1 =	seq.s32 s10, $0x1;
	s10 =	sld [smem:$0x3FA9];
	_ =	sdelay $0x3  }
0x37: {  	[smem:$0x3FA9] =	sst s10  }
0x38: {  	s10 =	sld [smem:$0x3FAA]  }
0x39: {  	_ = 	snop;
	(pc) =	sbr.ind lr, $3  }
0x3a: {  	_ = 	snop  }
0x3b: {  	_ = 	snop  }
0x3c: {  	p2 =	seq.s32 s10, $0x1;
	s10 =	sld [smem:$0x3FA9]  }
0x3d: {  	_ =	shalt  }
0x3e: {  	_ =	shalt  }
0x3f: {  	_ =	shalt  }
0x40: {  	_ =	shalt  }
0x41: {  	_ =	shalt  }
0x42: {  	_ =	shalt  }
0x43: {  	_ =	shalt  }
0x44: {  	_ =	shalt  }
0x45: {  	_ =	shalt  }
0x46: {  	_ =	shalt  }
0x47: {  	_ =	shalt  }
0x48: {  	_ =	shalt  }
0x49: {  	_ =	shalt  }
0x4a: {  	_ =	shalt  }
0x4b: {  	_ =	shalt  }
0x4c: {  	_ =	shalt  }
0x4d: {  	_ =	shalt  }
0x4e: {  	_ =	shalt  }
0x4f: {  	_ =	shalt  }
0x50: {  	_ =	shalt  }
0x51: {  	_ =	shalt  }
0x52: {  	_ =	shalt  }
0x53: {  	_ =	shalt  }
0x54: {  	_ =	shalt  }
0x55: {  	_ =	shalt  }
0x56: {  	_ =	shalt  }
0x57: {  	_ =	shalt  }
0x58: {  	_ =	shalt  }
0x59: {  	_ =	shalt  }
0x5a: {  	_ =	shalt  }
0x5b: {  	_ =	shalt  }
0x5c: {  	_ =	shalt  }
0x5d: {  	_ =	shalt  }
0x5e: {  	_ =	shalt  }
0x5f: {  	_ =	shalt  }
0x60: {  	_ =	shalt  }
0x61: {  	_ =	shalt  }
0x62: {  	_ =	shalt  }
0x63: {  	_ =	shalt  }
0x64: {  	_ =	shalt  }
0x65: {  	_ =	shalt  }
0x66: {  	_ =	shalt  }
0x67: {  	_ =	shalt  }
0x68: {  	_ =	shalt  }
0x69: {  	_ =	shalt  }
0x6a: {  	_ =	shalt  }
0x6b: {  	_ =	shalt  }
0x6c: {  	_ =	shalt  }
0x6d: {  	_ =	shalt  }
0x6e: {  	_ =	shalt  }
0x6f: {  	_ =	shalt  }
0x70: {  	_ =	shalt  }
0x71: {  	_ =	shalt  }
0x72: {  	_ =	shalt  }
0x73: {  	_ =	shalt  }
0x74: {  	_ =	shalt  }
0x75: {  	_ =	shalt  }
0x76: {  	_ =	shalt  }
0x77: {  	_ =	shalt  }
0x78: {  	_ =	shalt  }
0x79: {  	_ =	shalt  }
0x7a: {  	_ =	shalt  }
0x7b: {  	_ =	shalt  }
0x7c: {  	_ =	shalt  }
0x7d: {  	_ =	shalt  }
0x7e: {  	_ =	shalt  }
0x7f: {  	_ =	shalt  }
0x80: {  	_ =	shalt  }
0x81: {  	_ =	shalt  }
0x82: {  	_ =	shalt  }
0x83: {  	_ =	shalt  }
0x84: {  	_ =	shalt  }
0x85: {  	_ =	shalt  }
0x86: {  	_ =	shalt  }
0x87: {  	_ =	shalt  }
.Lfunc_end0:
.L_simem_size_0:
called_computation.2_lowered:
.L_overlay_start_0:
0x88: {  	s2 =	sld [smem:$0x3FD9]  }
0x89: {  	s3 =	sld [smem:$0x3FFE];
	_ =	sdelay $0x1  }
0x8a: {  	s1 =	srdreg.scid  }
0x8b: {  	s0 =	sand.u32 $0x1, s1  }
0x8c: {  	s17 =	sshll.u32 s0, $0xA;
	s2 =	sadd.s32 s3, s2  }
0x8d: {  	s2 =	sadd.s32 s2, s17  }
0x8e: {  	[smem:$0x3FB5] =	sst s2  }
0x8f: {  	_ = 	snop  }
0x90: {  	(tm) =	ssettm $0x1  }
0x91: {  	s18 =	sld [smem:$0x3FFB];
	_ =	sdelay $0x3  }
0x92: {  	_ =	strace s18  }
0x93: {  	s2 =	sld [smem:$0x3FFC];
	_ =	sdelay $0x3  }
0x94: {  	_ =	strace s2  }
0x95: {  	s2 =	sld [smem:$0x3FFD];
	_ =	sdelay $0x3  }
0x96: {  	_ =	strace s2  }
0x97: {  	_ =	strace $0x8FFFFFFF  }
0x98: {  	s19 =	sld [smem:$0x3FDB];
	_ =	sdelay $0x1  }
0x99: {  	s20 =	simm.s32 $_scs_section_size  }
0x9a: {  	s4 =	simm.s32 $_size__tile_overlayer_lowered;
	s5 =	simm.s32 $_tile_overlayer_lowered  }
0x9b: {  	s6 =	simm.s32 $0x1BFF;
	s21 =	sshll.u32 s5, $0x1;
	s3 =	sadd.s32 s20, s19  }
0x9c: {  	s22 =	simm.s32 $0x0;
	s4 =	sshll.u32 s4, $0x1;
	s5 =	sadd.s32 s21, s3  }
0x9d: {  	[timem:s22], [sflag:s6] =	dma.local [hbm:s5], s4  }
0x9e: {  	_ =	swait.ge [sflag:s6], s4  }
0x9f: {  	s4 =	ssub.s32 $0x0, s4;
	[sflag:s6] =	ssyncset.done $0x0  }
0xa0: {  	[sflag:s6] =	ssyncadd.s32 s4;
	_ =	sdelay $0x1  }
0xa1: {  	s23 =	simm.s32 $0x1B8B  }
0xa2: {  	_ =	swait.ge [sflag:s23], $0x1  }
0xa3: {  	[sflag:s23] =	ssyncset.done $0x0  }
0xa4: {  	[sflag:s23] =	ssyncadd.s32 $0xFFFFFFFF  }
0xa5: {  	s4 =	sld [smem:$0x0]  }
0xa6: {  	s5 =	sand.u32 $0xFFFFFFFE, s1  }
0xa7: {  	p0 =	sne.s32 s1, s5  }
0xa8: {  	s5 =	sshll.u32 @p0 s5, $0xE  }
0xa9: {  	s5 =	sadd.s32 @p0 $0x11B8D, s5;
	s6 =	sshll.u32 @p0 s4, $0x11  }
0xaa: {  	s5 =	sor.u32 @p0 s6, s5  }
0xab: {  	[sflag:s5] =	ssyncadd.remote.s32 @p0 $0x1;
	_ =	sdelay $0x1  }
0xac: {  	s5 =	simm.s32 @p0 $0x1B8D  }
0xad: {  	_ =	swait.eq @p0 [sflag:s5], $0x1  }
0xae: {  	[sflag:s5] =	ssyncadd.s32 @p0 $0xFFFFFFFF  }
0xaf: {  	s6 =	sshll.u32 @!p0 s1, $0xE  }
0xb0: {  	s6 =	sor.u32 @!p0 $0x4000, s6;
	s5 =	simm.s32 @!p0 $0x1B8D  }
0xb1: {  	s4 =	sshll.u32 @!p0 s4, $0x11;
	s6 =	sadd.s32 @!p0 $0x11B8D, s6;
	_ =	swait.eq @!p0 [sflag:s5], $0x1  }
0xb2: {  	s4 =	sor.u32 @!p0 s4, s6;
	[sflag:s5] =	ssyncadd.s32 @!p0 $0xFFFFFFFF  }
0xb3: {  	s25 =	simm.s32 $0x1B8E;
	s24 =	sld [smem:$0x3FFE];
	[sflag:s4] =	ssyncadd.remote.s32 @!p0 $0x1  }
0xb4: {  	s26 =	simm.s32 $execute0_lowered;
	[smem:$0x3FD2] =	sst s25  }
0xb5: {  	s5 =	sshll.u32 s26, $0x1;
	_ =	strace $0x8000004C;
	[dreg:$0x1] =	wrdreg $0xFFFFFFFF  }
0xb6: {  	s28 =	simm.s32 $_size_execute0_lowered;
	s3 =	sadd.s32 s3, s5;
	[dreg:$0x0] =	wrdreg $0x0  }
0xb7: {  	s5 =	sshll.u32 s28, $0x1;
	[dreg:$0x2] =	wrdreg s3  }
0xb8: {  	[dreg:$0x3] =	wrdreg s5  }
0xb9: {  	[dreg:$0x4] =	wrdreg $0xC0  }
0xba: {  	_ =	task [dreg:s22], $0x5FFFF  }
0xbb: {  	[dreg:$0x1] =	wrdreg $0xFFFFFFFF  }
0xbc: {  	[dreg:$0x0] =	wrdreg $0x60  }
0xbd: {  	[dreg:$0x2] =	wrdreg s24  }
0xbe: {  	[dreg:$0x3] =	wrdreg $0x6F000  }
0xbf: {  	[dreg:$0x4] =	wrdreg $0x1AF000  }
0xc0: {  	[dreg:$0x5] =	wrdreg $0xA  }
0xc1: {  	_ =	task.clear_ibuf [dreg:s22], $0x6FFFF;
	_ =	strace $0x9000004C  }
0xc2: {  	s29 =	simm.s32 $0xA;
	_ =	strace $0x8000004E  }
0xc3: {  	_ =	swait.ge [sflag:s29], $0x1  }
0xc4: {  	[sflag:s29] =	ssyncadd.s32 $0xFFFFFFFF  }
0xc5: {  	_ =	strace $0x9000004E  }
0xc6: {  	_ =	sfence  }
0xc7: {  	s30 =	sld [smem:$0x0];
	_ =	sdelay $0x2  }
0xc8: {  	s31 =	sshll.u32 s1, $0xD;
	s1 =	sshrl.u32 s1, $0x2  }
0xc9: {  	s4 =	sand.u32 $0x4000, s31;
	s1 =	sadd.s32 s1, s30  }
0xca: {  	s0 =	sor.u32 s4, s0;
	s1 =	sshll.u32 s1, $0x11  }
0xcb: {  	s0 =	sor.u32 s1, s0  }
0xcc: {  	s0 =	sadd.s32 $0x8F2B, s0  }
0xcd: {  	[sflag:s0] =	ssyncadd.remote.s32 $0x1  }
0xce: {  	_ =	sfence.sel $0xFFFF  }
0xcf: {  	[dreg:$0x0] =	wrdreg $0xFFFFFFFF;
	(pc) =	sbr.abs _section_cstart, $3  }
0xd0: {  	[dreg:$0x1] =	wrdreg $0xFFFFFFFF  }
0xd1: {  	_ =	task.clear_ibuf [dreg:s22], $0x2FFFF;
	_ =	strace $0x9FFFFFFF  }
0xd2: {  	(tm) =	ssettm $0x7FFFFFFF  }
0xd3: {  	_ =	shalt  }
tec
execute0_lowered:
.L_overlay_start_1:
0x0: {  	(tag) =	ssettag $0x1  }
0x1: {  	s0 =	rddreg [dreg:$0x0]  }
0x2: {  	s1 =	rddreg [dreg:$0x1];
	s16 =	stileid.u32  }
0x3: {  	s2 =	rddreg [dreg:$0x2];
	s7 =	smul.u32 $0x14000, s16  }
0x4: {  	s3 =	srdreg.scid;
	s31 =	simm.s32 $0x80;
	s9 =	smul.u32 $0x500, s16  }
0x5: {  	s8 =	sand.u32 $0x1, s3;
	s3 =	simm.s32 $0x0;
	s12 =	smul.u32 $0x50000, s16  }
0x6: {  	s4 =	sadd.s32 $0x1BC4000, s0;
	s5 =	sadd.s32 $0xB0000, s0;
	s25 =	smul.u32 $0x5000, s16  }
0x7: {  	s19 =	sshll.u32 s16, $0x1;
	s15 =	sshrl.u32 s16, $0x3;
	s28 =	smul.u32 $0xA0, s16  }
0x8: {  	s24 =	sshll.u32 s16, $0x7;
	s6 =	smul.u32 $0x140000, s8;
	[smem:$0x7FF] =	sst s3  }
0x9: {  	s10 =	sshll.u32 s8, $0x7;
	s20 =	ssub.s32 $0x2, s8;
	s22 =	smul.u32 $0x50000, s15  }
0xa: {  	s15 =	smul.u32 $0x50, s8;
	_ =	strace $0x8000004D;
	s18 =	sor.u32 s10, s9  }
0xb: {  	s10 =	sor.u32 s8, s19;
	s14 =	sshrl.u32 s20, $0x1;
	s8 =	smul.u32 $0x280, s8  }
0xc: {  	s21 =	sshrl.u32 s12, $0x2;
	s26 =	sshrl.u32 s25, $0x2;
	s13 =	smul.u32 $0x280, s10  }
0xd: {  	s7 =	sadd.s32 s7, s6;
	s6 =	sadd.s32 $0x6200, s0;
	s10 =	smul.u32 $0x14000, s10  }
0xe: {  	s14 =	ssub.s32 s20, s14;
	s12 =	sshrl.u32 s22, $0x2;
	s20 =	sadd.s32 s15, s28  }
0xf: {  	s15 =	simm.s32 $0x4200;
	s7 =	sshrl.u32 s7, $0x3;
	s12 =	sadd.s32 s12, s2  }
0x10: {  	s16 =	smax.u32 s14, $0x1;
	s22 =	sshll.u32 s20, $0xA;
	s8 =	sadd.s32 s8, s9  }
0x11: {  	s9 =	simm.s32 $0x40;
	s23 =	sadd.s32 s6, s13;
	[dreg:$0xa] =	wrdreg s16  }
0x12: {  	s11 =	sadd.s32 s7, s0;
	s10 =	sadd.s32 s4, s10;
	[dreg:$0x4] =	wrdreg s23  }
0x13: {  	s7 =	sshrl.u32 s18, $0x3;
	s13 =	sadd.s32 s5, s13;
	[dreg:$0x5] =	wrdreg s10  }
0x14: {  	[dreg:$0x6] =	wrdreg s13;
	s10 =	sand.u32 $0x380, s24;
	s11 =	sadd.s32 $0x1944A00, s11  }
0x15: {  	s0 =	sadd.s32 s7, s0;
	s10 =	sadd.s32 s10, s12;
	[dreg:$0x8] =	wrdreg s11  }
0x16: {  	s7 =	sadd.s32 s21, s1;
	s0 =	sadd.s32 $0x1944000, s0;
	[dreg:$0x7] =	wrdreg s10  }
0x17: {  	s14 =	simm.s32 $0x400;
	s17 =	sadd.s32 $0x2000, s7;
	[dreg:$0x9] =	wrdreg s0  }
0x18: {  	s16 =	simm.s32 $0x4180;
	s18 =	sadd.s32 $0x4000, s7;
	[dreg:$0xb] =	wrdreg s17  }
0x19: {  	s24 =	sadd.s32 s22, s4;
	s19 =	sadd.s32 $0x6000, s7;
	[dreg:$0xc] =	wrdreg s18  }
0x1a: {  	s13 =	simm.s32 $0x4700;
	s21 =	sadd.s32 $0x8000, s7;
	[dreg:$0xd] =	wrdreg s19  }
0x1b: {  	s12 =	sadd.s32 s26, s2;
	s23 =	sadd.s32 $0xA000, s7;
	[dreg:$0xe] =	wrdreg s21  }
0x1c: {  	s2 =	sor.u32 $0x400, s22;
	s26 =	sadd.s32 $0xC000, s7;
	[dreg:$0xf] =	wrdreg s23  }
0x1d: {  	s28 =	sadd.s32 $0xE000, s7;
	s29 =	sadd.s32 $0x10000, s7;
	[dreg:$0x11] =	wrdreg s2  }
0x1e: {  	s30 =	sadd.s32 $0x12000, s7;
	s11 =	simm.s32 $0x2180;
	[dreg:$0x12] =	wrdreg s26  }
0x1f: {  	s0 =	sshll.u32 s20, $0x3;
	s10 =	sadd.s32 $0x400, s24;
	[dreg:$0x13] =	wrdreg s28  }
0x20: {  	s2 =	simm.s32 $0x2080;
	s17 =	simm.s32 $0x1;
	s18 =	simm.s32 $0x0  }
0x21: {  	[dreg:$0x10] =	wrdreg s10;
	s25 =	sadd.s32 s0, s6;
	s0 =	sadd.s32 s0, s5  }
0x22: {  	s10 =	simm.s32 $0x2100;
	s23 =	sadd.s32 $0x8, s25;
	s24 =	sadd.s32 $0x8, s0  }
0x23: {  	v0 =	vimm.f32 $0.0e+00;
	s25 =	sor.u32 $0x8, s8;
	s0 =	simm.s32 $0x3;
	s8 =	simm.s32 $0x2  }
.LBB2_1:
0x24: {  	s19 =	simm.s32 $0x0;
	s20 =	simm.s32 $0x200  }
.LBB2_2:
0x25: {  	p0 =	sne.s32 s20, $0x7E00;
	[tilespmem:s19+$0xF0] =	vst v0  }
0x26: {  	[tilespmem:s19+$0x80] =	vst v0  }
0x27: {  	[tilespmem:s19+$0x90] =	vst v0  }
.Ltmp0:
0x28: {  	[tilespmem:s19+$0xA0] =	vst v0;
	(pc) =	sbr.rel @p0 .LBB2_2-.Ltmp0, $4  }
0x29: {  	[tilespmem:s19+$0xB0] =	vst v0  }
0x2a: {  	[tilespmem:s19+$0xC0] =	vst v0  }
0x2b: {  	[tilespmem:s19+$0xD0] =	vst v0  }
0x2c: {  	[tilespmem:s19+$0xE0] =	vst v0;
	s19 =	sshra.s32 s20, $0x2;
	s20 =	sadd.s32 $0x200, s20  }
0x2d: {  	[tilespmem:s19+$0xF0] =	vst v0  }
0x2e: {  	[tilespmem:s19+$0x80] =	vst v0  }
0x2f: {  	[tilespmem:s19+$0x90] =	vst v0  }
0x30: {  	[tilespmem:s19+$0xA0] =	vst v0  }
0x31: {  	[tilespmem:s19+$0xB0] =	vst v0  }
0x32: {  	[tilespmem:s19+$0xC0] =	vst v0  }
0x33: {  	[tilespmem:s19+$0xD0] =	vst v0  }
0x34: {  	[tilespmem:s19+$0xE0] =	vst v0  }
0x35: {  	[spmem:s7] =	stream.linear.scatter [tilespmem:s31], [sflag:$0x3], $0x2000, $0x38;
	[tilespmem:$0x1D700] =	vst v63  }
0x36: {  	_ =	swait.ge [sflag:s0], $0x2000  }
0x37: {  	[sflag:s0] =	ssyncset.done $0x0  }
0x38: {  	s26 =	rddreg [dreg:$0xb];
	[sflag:s0] =	ssyncadd.s32 $0xFFFFE000  }
0x39: {  	[spmem:s26] =	stream.linear.scatter [tilespmem:s31], [sflag:$0x3], $0x2000, $0x38;
	[tilespmem:$0x1D700] =	vst v63  }
0x3a: {  	_ =	swait.ge [sflag:s0], $0x2000  }
0x3b: {  	[sflag:s0] =	ssyncset.done $0x0  }
0x3c: {  	s28 =	rddreg [dreg:$0xc];
	[sflag:s0] =	ssyncadd.s32 $0xFFFFE000  }
0x3d: {  	[spmem:s28] =	stream.linear.scatter [tilespmem:s31], [sflag:$0x3], $0x2000, $0x38;
	[tilespmem:$0x1D700] =	vst v63  }
0x3e: {  	_ =	swait.ge [sflag:s0], $0x2000  }
0x3f: {  	[sflag:s0] =	ssyncset.done $0x0  }
0x40: {  	s20 =	rddreg [dreg:$0xd];
	[sflag:s0] =	ssyncadd.s32 $0xFFFFE000  }
0x41: {  	[spmem:s20] =	stream.linear.scatter [tilespmem:s31], [sflag:$0x3], $0x2000, $0x38;
	[tilespmem:$0x1D700] =	vst v63  }
0x42: {  	_ =	swait.ge [sflag:s0], $0x2000  }
0x43: {  	[sflag:s0] =	ssyncset.done $0x0  }
0x44: {  	s21 =	rddreg [dreg:$0xe];
	[sflag:s0] =	ssyncadd.s32 $0xFFFFE000  }
0x45: {  	[spmem:s21] =	stream.linear.scatter [tilespmem:s31], [sflag:$0x3], $0x2000, $0x38;
	[tilespmem:$0x1D700] =	vst v63  }
0x46: {  	_ =	swait.ge [sflag:s0], $0x2000  }
0x47: {  	[sflag:s0] =	ssyncset.done $0x0  }
0x48: {  	s22 =	rddreg [dreg:$0xf];
	[sflag:s0] =	ssyncadd.s32 $0xFFFFE000  }
0x49: {  	[spmem:s22] =	stream.linear.scatter [tilespmem:s31], [sflag:$0x3], $0x2000, $0x38;
	[tilespmem:$0x1D700] =	vst v63  }
0x4a: {  	_ =	swait.ge [sflag:s0], $0x2000  }
0x4b: {  	[sflag:s0] =	ssyncset.done $0x0  }
0x4c: {  	s26 =	rddreg [dreg:$0x12];
	[sflag:s0] =	ssyncadd.s32 $0xFFFFE000  }
0x4d: {  	[spmem:s26] =	stream.linear.scatter [tilespmem:s31], [sflag:$0x3], $0x2000, $0x38;
	[tilespmem:$0x1D700] =	vst v63  }
0x4e: {  	_ =	swait.ge [sflag:s0], $0x2000  }
0x4f: {  	[sflag:s0] =	ssyncset.done $0x0  }
0x50: {  	s28 =	rddreg [dreg:$0x13];
	[sflag:s0] =	ssyncadd.s32 $0xFFFFE000  }
0x51: {  	[spmem:s28] =	stream.linear.scatter [tilespmem:s31], [sflag:$0x3], $0x2000, $0x38;
	[tilespmem:$0x1D700] =	vst v63  }
0x52: {  	_ =	swait.ge [sflag:s0], $0x2000  }
0x53: {  	[sflag:s0] =	ssyncset.done $0x0  }
0x54: {  	[sflag:s0] =	ssyncadd.s32 $0xFFFFE000  }
0x55: {  	[spmem:s29] =	stream.linear.scatter [tilespmem:s31], [sflag:$0x3], $0x2000, $0x38;
	[tilespmem:$0x1D700] =	vst v63  }
0x56: {  	_ =	swait.ge [sflag:s0], $0x2000  }
0x57: {  	[sflag:s0] =	ssyncset.done $0x0  }
0x58: {  	[sflag:s0] =	ssyncadd.s32 $0xFFFFE000  }
0x59: {  	[spmem:s30] =	stream.linear.scatter [tilespmem:s31], [sflag:$0x3], $0x2000, $0x38;
	[tilespmem:$0x1D700] =	vst v63  }
0x5a: {  	_ =	swait.ge [sflag:s0], $0x2000  }
0x5b: {  	[sflag:s0] =	ssyncset.done $0x0  }
0x5c: {  	s19 =	simm.s32 $0x40;
	s20 =	simm.s32 $0x0;
	[sflag:s0] =	ssyncadd.s32 $0xFFFFE000  }
.LBB2_4:
0x5d: {  	p0 =	sne.s32 s19, $0x9FC0;
	[tilespmem:s20+$0x4700] =	vst v0;
	s20 =	smov.u32 s19;
	s19 =	sadd.s32 $0x40, s19  }
.Ltmp1:
0x5e: {  	(pc) =	sbr.rel @p0 .LBB2_4-.Ltmp1, $2  }
0x5f: {  	_ =	sdelay $0x2  }
0x60: {  	s20 =	sshra.s32 s20, $0x2  }
0x61: {  	[tilespmem:s20+$0x4700] =	vst v0  }
0x62: {  	[bflag:$0x0] =	sbarrier.arrive $0xFFFF  }
0x63: {  	s22 =	rddreg [dreg:$0x4]  }
0x64: {  	s19 =	simm.s32 $0x0;
	s26 =	rddreg [dreg:$0x5]  }
0x65: {  	[tilespmem:s19], [sflag:$0x1] =	stream.linear.gather [hbm4b:s22+s19], $0x40, $0x38;
	[tilespmem:$0x1D700] =	vst v63  }
.Ltmp2:
0x66: {  	s28 =	rddreg [dreg:$0x6];
	(pc) =	sbr.rel .LBB2_6-.Ltmp2, $4  }
0x67: {  	s21 =	rddreg [dreg:$0x10]  }
0x68: {  	[tilespmem:s31], [sflag:$0x1] =	stream.linear.gather [hbm4b:s26+s19], $0x2000, $0x38;
	[tilespmem:$0x1D700] =	vst v63  }
0x69: {  	s20 =	simm.s32 $0x0;
	s22 =	rddreg [dreg:$0x11]  }
0x6a: {  	[tilespmem:s2], [sflag:$0x1] =	stream.linear.gather [hbm4b:s28+s19], $0x40, $0x38;
	[tilespmem:$0x1D700] =	vst v63  }
.LBB2_8:
0x6b: {  	s26 =	sadd.s32 s19, s25  }
0x6c: {  	s26 =	sand.u32 $0x1FFFFFF0, s26  }
0x6d: {  	s28 =	sadd.s32 s6, s26  }
0x6e: {  	[tilespmem:s3], [sflag:$0x1] =	stream.linear.gather [hbm4b:s28+s3], $0x40, $0x38;
	[tilespmem:$0x1D700] =	vst v63  }
0x6f: {  	s28 =	sand.u32 $0x1FFFF800, s22  }
0x70: {  	s28 =	sadd.s32 s4, s28  }
0x71: {  	[tilespmem:s31], [sflag:$0x1] =	stream.linear.gather [hbm4b:s28+s3], $0x2000, $0x38;
	[tilespmem:$0x1D700] =	vst v63  }
0x72: {  	s26 =	sadd.s32 s5, s26  }
0x73: {  	[tilespmem:s2], [sflag:$0x1] =	stream.linear.gather [hbm4b:s26+s3], $0x40, $0x38;
	[tilespmem:$0x1D700] =	vst v63  }
.LBB2_9:
0x74: {  	_ =	swait.ge [sflag:s8], $0x40  }
0x75: {  	[sflag:s8] =	ssyncset.done $0x0  }
0x76: {  	[sflag:s8] =	ssyncadd.s32 $0xFFFFFFC0  }
0x77: {  	_ =	swait.ge [sflag:s8], $0x2000  }
0x78: {  	[sflag:s8] =	ssyncset.done $0x0  }
0x79: {  	[sflag:s8] =	ssyncadd.s32 $0xFFFFE000  }
0x7a: {  	_ =	swait.ge [sflag:s8], $0x40  }
0x7b: {  	[sflag:s8] =	ssyncset.done $0x0  }
0x7c: {  	[sflag:s8] =	ssyncadd.s32 $0xFFFFFFC0  }
0x7d: {  	[spmem:s1] =	stream.indirect.scatter.add.f32 [tilespmem:s11], [sflag:$0x3], $0x80, s10, s9, $0xb8;
	[tilespmem:$0x1D700] =	vst v63  }
0x7e: {  	_ =	swait.ge [sflag:s0], $0x2000  }
0x7f: {  	[sflag:s0] =	ssyncset.done $0x0  }
0x80: {  	[sflag:s0] =	ssyncadd.s32 $0xFFFFE000  }
0x81: {  	v1 =	vld [tilespmem:$0x2100];
	_ =	sdelay $0x2  }
0x82: {  	v2 =	vld [tilespmem:$0x4180];
	_ =	sdelay $0x4  }
0x83: {  	[tilespmem:v1+s13+$0x0] =	vst.idx.add.f32.msk $0xffff, v2  }
0x84: {  	v1 =	vld [tilespmem:$0x2110];
	_ =	sdelay $0x2  }
0x85: {  	v2 =	vld [tilespmem:$0x4190];
	_ =	sdelay $0x4  }
0x86: {  	[tilespmem:v1+s13+$0x0] =	vst.idx.add.f32.msk $0xffff, v2  }
0x87: {  	v1 =	vld [tilespmem:$0x2120];
	_ =	sdelay $0x2  }
0x88: {  	v2 =	vld [tilespmem:$0x41A0];
	_ =	sdelay $0x4  }
0x89: {  	[tilespmem:v1+s13+$0x0] =	vst.idx.add.f32.msk $0xffff, v2  }
0x8a: {  	v1 =	vld [tilespmem:$0x2130];
	_ =	sdelay $0x2  }
0x8b: {  	v2 =	vld [tilespmem:$0x41B0];
	_ =	sdelay $0x4  }
0x8c: {  	[tilespmem:v1+s13+$0x0] =	vst.idx.add.f32.msk $0xffff, v2  }
.LBB2_10:
0x8d: {  	s19 =	sadd.s32 $0x8, s19  }
0x8e: {  	p0 =	sne.s32 s19, $0x280  }
.Ltmp3:
0x8f: {  	_ = 	snop;
	(pc) =	sbr.rel @!p0 .LBB2_11-.Ltmp3, $2  }
0x90: {  	_ =	sdelay $0x2  }
0x91: {  	s21 =	sadd.s32 $0x400, s21;
	s22 =	sadd.s32 $0x400, s22;
	s20 =	sadd.s32 $0x1, s20  }
.LBB2_6:
0x92: {  	p0 =	seq.s32 s19, $0x278  }
.Ltmp4:
0x93: {  	_ = 	snop;
	(pc) =	sbr.rel @p0 .LBB2_9-.Ltmp4, $1  }
0x94: {  	_ =	sdelay $0x3  }
0x95: {  	s26 =	sand.u32 $0x1, s20  }
0x96: {  	p0 =	seq.s32 s26, $0x0  }
.Ltmp5:
0x97: {  	_ = 	snop;
	(pc) =	sbr.rel @!p0 .LBB2_8-.Ltmp5, $1  }
0x98: {  	_ =	sdelay $0x3  }
0x99: {  	s26 =	sadd.s32 s19, s23  }
0x9a: {  	[tilespmem:s10], [sflag:$0x2] =	stream.linear.gather [hbm4b:s26+s3], $0x40, $0x38;
	[tilespmem:$0x1D700] =	vst v63  }
0x9b: {  	_ = 	snop  }
0x9c: {  	[tilespmem:s11], [sflag:$0x2] =	stream.linear.gather [hbm4b:s21+s3], $0x2000, $0x38;
	[tilespmem:$0x1D700] =	vst v63  }
0x9d: {  	s28 =	sadd.s32 s19, s24  }
0x9e: {  	[tilespmem:s16], [sflag:$0x2] =	stream.linear.gather [hbm4b:s28+s3], $0x40, $0x38;
	[tilespmem:$0x1D700] =	vst v63  }
0x9f: {  	_ =	swait.ge [sflag:s17], $0x40  }
0xa0: {  	[sflag:s17] =	ssyncset.done $0x0  }
0xa1: {  	[sflag:s17] =	ssyncadd.s32 $0xFFFFFFC0  }
0xa2: {  	_ =	swait.ge [sflag:s17], $0x2000  }
0xa3: {  	[sflag:s17] =	ssyncset.done $0x0  }
0xa4: {  	[sflag:s17] =	ssyncadd.s32 $0xFFFFE000  }
0xa5: {  	_ =	swait.ge [sflag:s17], $0x40  }
0xa6: {  	[sflag:s17] =	ssyncset.done $0x0  }
0xa7: {  	[sflag:s17] =	ssyncadd.s32 $0xFFFFFFC0  }
0xa8: {  	[spmem:s1] =	stream.indirect.scatter.add.f32 [tilespmem:s31], [sflag:$0x3], $0x80, s3, s9, $0xb8;
	[tilespmem:$0x1D700] =	vst v63  }
0xa9: {  	_ =	swait.ge [sflag:s0], $0x2000  }
0xaa: {  	[sflag:s0] =	ssyncset.done $0x0  }
0xab: {  	[sflag:s0] =	ssyncadd.s32 $0xFFFFE000  }
0xac: {  	v1 =	vld [tilespmem:$0x0];
	_ =	sdelay $0x2  }
0xad: {  	v2 =	vld [tilespmem:$0x2080];
	_ =	sdelay $0x4  }
0xae: {  	[tilespmem:v1+s13+$0x0] =	vst.idx.add.f32.msk $0xffff, v2  }
0xaf: {  	v1 =	vld [tilespmem:$0x10];
	_ =	sdelay $0x2  }
0xb0: {  	v2 =	vld [tilespmem:$0x2090];
	_ =	sdelay $0x4  }
0xb1: {  	[tilespmem:v1+s13+$0x0] =	vst.idx.add.f32.msk $0xffff, v2  }
0xb2: {  	v1 =	vld [tilespmem:$0x20];
	_ =	sdelay $0x2  }
0xb3: {  	v2 =	vld [tilespmem:$0x20A0];
	_ =	sdelay $0x4  }
0xb4: {  	[tilespmem:v1+s13+$0x0] =	vst.idx.add.f32.msk $0xffff, v2  }
0xb5: {  	v1 =	vld [tilespmem:$0x30];
	_ =	sdelay $0x2  }
0xb6: {  	v2 =	vld [tilespmem:$0x20B0]  }
.Ltmp6:
0xb7: {  	_ = 	snop;
	(pc) =	sbr.rel .LBB2_10-.Ltmp6, $2  }
0xb8: {  	_ =	sdelay $0x2  }
0xb9: {  	[tilespmem:v1+s13+$0x0] =	vst.idx.add.f32.msk $0xffff, v2  }
.LBB2_11:
0xba: {  	s19 =	rddreg [dreg:$0x7]  }
0xbb: {  	[spmem:s19] =	stream.strided.scatter [tilespmem:s13], [sflag:$0x3], $0x2800, s14, s31, $0x38;
	[tilespmem:$0x1D700] =	vst v63  }
0xbc: {  	_ =	swait.ge [sflag:s0], $0x2800  }
0xbd: {  	[sflag:s0] =	ssyncset.done $0x0  }
0xbe: {  	[sflag:s0] =	ssyncadd.s32 $0xFFFFD800  }
0xbf: {  	[bflag:$0x0] =	sbarrier.arrive $0xFFFF  }
0xc0: {  	[tilespmem:$0x4480] =	vst v0  }
0xc1: {  	[tilespmem:$0x4490] =	vst v0  }
0xc2: {  	[tilespmem:$0x44A0] =	vst v0  }
0xc3: {  	[tilespmem:$0x44B0] =	vst v0  }
0xc4: {  	[tilespmem:$0x44C0] =	vst v0  }
0xc5: {  	[tilespmem:$0x44D0] =	vst v0  }
0xc6: {  	[tilespmem:$0x44E0] =	vst v0  }
0xc7: {  	[tilespmem:$0x44F0] =	vst v0  }
0xc8: {  	[tilespmem:$0x4500] =	vst v0  }
0xc9: {  	[tilespmem:$0x4510] =	vst v0  }
0xca: {  	[tilespmem:$0x4520] =	vst v0  }
0xcb: {  	[tilespmem:$0x4530] =	vst v0  }
0xcc: {  	[tilespmem:$0x4540] =	vst v0  }
0xcd: {  	[tilespmem:$0x4550] =	vst v0  }
0xce: {  	[tilespmem:$0x4560] =	vst v0  }
0xcf: {  	[tilespmem:$0x4570] =	vst v0  }
0xd0: {  	[tilespmem:$0x4580] =	vst v0  }
0xd1: {  	[tilespmem:$0x4590] =	vst v0  }
0xd2: {  	[tilespmem:$0x45A0] =	vst v0  }
0xd3: {  	[tilespmem:$0x45B0] =	vst v0  }
0xd4: {  	[tilespmem:$0x45C0] =	vst v0  }
0xd5: {  	[tilespmem:$0x45D0] =	vst v0  }
0xd6: {  	[tilespmem:$0x45E0] =	vst v0  }
0xd7: {  	[tilespmem:$0x45F0] =	vst v0  }
0xd8: {  	[tilespmem:$0x4600] =	vst v0  }
0xd9: {  	[tilespmem:$0x4610] =	vst v0  }
0xda: {  	[tilespmem:$0x4620] =	vst v0  }
0xdb: {  	[tilespmem:$0x4630] =	vst v0  }
0xdc: {  	[tilespmem:$0x4640] =	vst v0  }
0xdd: {  	[tilespmem:$0x4650] =	vst v0  }
0xde: {  	[tilespmem:$0x4660] =	vst v0  }
0xdf: {  	[tilespmem:$0x4670] =	vst v0  }
0xe0: {  	[tilespmem:$0x4680] =	vst v0  }
0xe1: {  	[tilespmem:$0x4690] =	vst v0  }
0xe2: {  	[tilespmem:$0x46A0] =	vst v0  }
0xe3: {  	[tilespmem:$0x46B0] =	vst v0  }
0xe4: {  	[tilespmem:$0x46C0] =	vst v0  }
0xe5: {  	[tilespmem:$0x46D0] =	vst v0  }
0xe6: {  	[tilespmem:$0x46E0] =	vst v0  }
0xe7: {  	s19 =	simm.s32 $0x0;
	[tilespmem:$0x46F0] =	vst v0  }
.LBB2_12:
0xe8: {  	s20 =	sshrl.u32 s19, $0x3  }
0xe9: {  	s20 =	smul.u32 $0x50000, s20;
	_ =	sdelay $0x1  }
0xea: {  	s21 =	sshll.u32 s19, $0x7;
	s20 =	sshra.s32 s20, $0x2  }
0xeb: {  	s21 =	sand.u32 $0x380, s21;
	s20 =	sadd.s32 s20, s12  }
0xec: {  	s20 =	sadd.s32 s21, s20  }
0xed: {  	[tilespmem:s15], [sflag:$0x3] =	stream.strided.gather [spmem:s20], $0x280, s14, s31, $0x38;
	[tilespmem:$0x1D700] =	vst v63  }
0xee: {  	_ =	swait.ge [sflag:s0], $0x280  }
0xef: {  	[sflag:s0] =	ssyncset.done $0x0  }
0xf0: {  	s20 =	simm.s32 $0x0;
	[sflag:s0] =	ssyncadd.s32 $0xFFFFFD80  }
0xf1: {  	s21 =	simm.s32 $0x40;
	v1 =	vld [tilespmem:s20+$0x4200]  }
.LBB2_13:
0xf2: {  	p0 =	sne.s32 s21, $0x9C0;
	v2 =	vld [tilespmem:s20+$0x4480];
	_ =	sdelay $0x2  }
.Ltmp7:
0xf3: {  	(pc) =	sbr.rel @p0 .LBB2_13-.Ltmp7, $4  }
0xf4: {  	_ = 	snop  }
0xf5: {  	v2 =	vadd.f32 v1, v2  }
0xf6: {  	s22 =	sshra.s32 s21, $0x2  }
0xf7: {  	s21 =	sadd.s32 $0x40, s21;
	v1 =	vld [tilespmem:s22+$0x4200];
	[tilespmem:s20+$0x4480] =	vst v2;
	s20 =	smov.u32 s22  }
0xf8: {  	v2 =	vld [tilespmem:s20+$0x4480]  }
0xf9: {  	s19 =	sadd.s32 $0x1, s19  }
0xfa: {  	p0 =	sne.s32 s19, $0x10  }
.Ltmp8:
0xfb: {  	_ = 	snop;
	(pc) =	sbr.rel @p0 .LBB2_12-.Ltmp8, $3  }
0xfc: {  	_ = 	snop  }
0xfd: {  	v1 =	vadd.f32 v1, v2;
	_ =	sdelay $0x1  }
0xfe: {  	[tilespmem:s20+$0x4480] =	vst v1  }
0xff: {  	s19 =	stileid.u32  }
0x100: {  	s19 =	sshll.u32 s19, $0x6  }
0x101: {  	s20 =	sshrl.u32 s7, $0x3;
	s21 =	rddreg [dreg:$0x8];
	s19 =	sor.u32 $0x1C03, s19  }
0x102: {  	[hbm:s21], [sflag:s19] =	dma.local [spmem:s20], $0x2800  }
0x103: {  	_ =	swait.ge [sflag:s0], $0x2800  }
0x104: {  	s22 =	simm.s32 $0x100;
	[sflag:s0] =	ssyncset.done $0x0  }
0x105: {  	s26 =	simm.s32 $0x4480;
	s21 =	rddreg [dreg:$0x9];
	[sflag:s0] =	ssyncadd.s32 $0xFFFFD800  }
0x106: {  	[hbm4b:s21+s31] =	stream.strided.scatter [tilespmem:s26], [sflag:$0x3], $0x280, s22, s31, $0x38;
	[tilespmem:$0x1D700] =	vst v63  }
0x107: {  	_ =	swait.ge [sflag:s0], $0x280  }
0x108: {  	s18 =	sadd.s32 $0x1, s18;
	s28 =	rddreg [dreg:$0xa]  }
0x109: {  	p0 =	sne.s32 s18, s28  }
.Ltmp9:
0x10a: {  	_ = 	snop;
	(pc) =	sbr.rel @p0 .LBB2_1-.Ltmp9, $3  }
0x10b: {  	_ =	sdelay $0x1  }
0x10c: {  	[sflag:s0] =	ssyncset.done $0x0  }
0x10d: {  	[sflag:s0] =	ssyncadd.s32 $0xFFFFFD80  }
0x10e: {  	_ =	sfence.sel $0x180000  }
0x10f: {  	[bflag:$0x0] =	sbarrier.arrive $0xFFFF  }
0x110: {  	_ =	strace $0x9000004D  }
0x111: {  	s0 =	stileid.u32;
	[bflag:$0x2] =	sbarrier.arrive $0xFFFF  }
0x112: {  	p0 =	sne.s32 s0, $0x0;
	s0 =	rddreg [dreg:$0x3]  }
0x113: {  	s0 =	sadd.s32 @!p0 $0x100000, s0  }
0x114: {  	[sflag:s0] =	ssyncadd.tile.s32 @!p0 $0x1;
	_ =	shalt  }
.Lfunc_end2:
_tile_overlayer_lowered:
.L_overlay_start_2:
0x115: {  	(tag) =	ssettag $0x2  }
0x116: {  	s0 =	rddreg [dreg:$0x0];
	s2 =	stileid.u32  }
0x117: {  	s1 =	rddreg [dreg:$0x1];
	p0 =	sne.s32 s2, $0x0  }
0x118: {  	s3 =	rddreg [dreg:$0x2];
	[bflag:$0x3] =	sbarrier.arrive $0xFFFF;
	s2 =	simm.s32 @!p0 $0x1C03  }
0x119: {  	[timem:s3], [sflag:s2] =	dma.local @!p0 [hbm:s0], s1  }
0x11a: {  	s0 =	simm.s32 @!p0 $0x3  }
0x11b: {  	_ =	swait.ge @!p0 [sflag:s0], s1  }
0x11c: {  	s1 =	ssub.s32 @!p0 $0x0, s1;
	[sflag:s0] =	ssyncset.done @!p0 $0x0  }
0x11d: {  	[sflag:s0] =	ssyncadd.s32 @!p0 s1  }
0x11e: {  	[bflag:$0x3] =	sbarrier.arrive $0xFFFF  }
0x11f: {  	_ =	shalt  }

// kernel: kernel.19.cloned.1.call-start
scs
__scs_entry_jumppad:
0x0: {  	(pc) =	sbr.rel $0x88, $3  }
0x1: {  	(tag) =	ssettag $0x0;
	lr =	simm.s32 $0x1  }
0x2: {  	[smem:$0x3F8E] =	sst lr;
	_ =	strace $0xD0000000  }
0x3: {  	_ = 	snop  }
0x4: {  	_ = 	snop  }
0x5: {  	_ = 	snop  }
0x6: {  	_ = 	snop  }
0x7: {  	_ = 	snop  }
__scs_overlays_trampoline_lowered:
0x8: {  	[smem:$0x3F9D] =	sst s0  }
0x9: {  	[smem:$0x3F9E] =	sst s1  }
0xa: {  	[smem:$0x3F9F] =	sst s2  }
0xb: {  	[smem:$0x3FA0] =	sst s3  }
0xc: {  	[smem:$0x3FA1] =	sst s4  }
0xd: {  	[smem:$0x3FA2] =	sst s5  }
0xe: {  	[smem:$0x3FA3] =	sst s6  }
0xf: {  	[smem:$0x3FA4] =	sst s7  }
0x10: {  	[smem:$0x3FA5] =	sst s8  }
0x11: {  	[smem:$0x3FA6] =	sst s9;
	s0 =	simm.s32 @!p0 $0x0  }
0x12: {  	s1 =	sld [smem:$0x3F8C];
	s0 =	simm.s32 @p0 $0x1  }
0x13: {  	[smem:$0x3FA7] =	sst s0;
	s0 =	simm.s32 @!p1 $0x0  }
0x14: {  	s2 =	sld [smem:$0x3F8B];
	s0 =	simm.s32 @p1 $0x1  }
0x15: {  	[smem:$0x3FA8] =	sst s0;
	s0 =	simm.s32 @!p2 $0x0  }
0x16: {  	s3 =	sld [smem:$0x3FDB];
	s0 =	simm.s32 @p2 $0x1  }
0x17: {  	s4 =	simm.s32 $0x1BF5;
	[smem:$0x3FAA] =	sst s0  }
0x18: {  	s0 =	sld [smem:$0x3F8D];
	_ =	swait.ge [sflag:s4], $0x0  }
0x19: {  	s7 =	sld [smem:$0x3F8E]  }
0x1a: {  	s8 =	sadd.s32 $0xFFFFE003, lr  }
0x1b: {  	s9 =	sadd.s32 $0xFFFFFEF7, lr;
	s5 =	simm.s32 $0xFFFFFFFF;
	p2 =	slt.u32 s8, $0xFFFFF086  }
0x1c: {  	p1 =	slt.u32 s9, $0xF7A;
	s5 =	simm.s32 @!p2 $0x0  }
0x1d: {  	s5 =	simm.s32 @p1 $0x1;
	p0 =	seq.s32 s7, s2  }
0x1e: {  	s7 =	smul.u32 @!p0 $0xF7A, s2;
	p2 =	seq.s32 @!p0 s5, $0x0  }
0x1f: {  	s9 =	smul.u32 $0xF7A, s1;
	s8 =	simm.s32 @!p0 $0x1BF5;
	p2 =	por !p2, p0  }
0x20: {  	[sflag:s8] =	ssyncset.s32 @!p0 $0xFFFFF086;
	s6 =	sadd.s32 @!p0 s3, s7;
	s7 =	simm.s32 @!p0 $0x108  }
0x21: {  	s3 =	sadd.s32 s3, s9;
	s6 =	sadd.s32 @!p0 $0x88, s6;
	s7 =	simm.s32 @p2 $0x1082  }
0x22: {  	[simem:s7], [sflag:s8] =	dma.local @!p0 [hbm:s6], $0xF7A  }
0x23: {  	s9 =	sor.u32 $0xD0000000, s2;
	s6 =	simm.s32 $0x108;
	_ =	swait.ge @!p0 [sflag:s8], $0x0  }
0x24: {  	s3 =	sadd.s32 $0x88, s3;
	s6 =	simm.s32 @!p1 $0x1082;
	[sflag:s4] =	ssyncset.s32 $0xFFFFF086  }
0x25: {  	[simem:s6], [sflag:s4] =	dma.local [hbm:s3], $0xF7A  }
0x26: {  	[smem:$0x3F8E] =	sst s1;
	(tag) =	ssettag s2;
	_ =	strace s9  }
0x27: {  	s1 =	sld [smem:$0x3F9E]  }
0x28: {  	s2 =	sld [smem:$0x3F9F]  }
0x29: {  	s4 =	sld [smem:$0x3FA1]  }
0x2a: {  	p0 =	seq.s32 s5, $0x0;
	s5 =	sld [smem:$0x3FA2]  }
0x2b: {  	s6 =	sld [smem:$0x3FA3]  }
0x2c: {  	s7 =	sld [smem:$0x3FA4]  }
0x2d: {  	s3 =	simm.s32 $0x108;
	s8 =	sld [smem:$0x3FA5]  }
0x2e: {  	s3 =	simm.s32 @!p0 $0x1082;
	s9 =	sld [smem:$0x3FA6]  }
0x2f: {  	lr =	sadd.s32 s0, s3;
	s0 =	sld [smem:$0x3F9D]  }
0x30: {  	s3 =	sld [smem:$0x3FA0]  }
0x31: {  	[smem:$0x3FA9] =	sst s10  }
0x32: {  	s10 =	sld [smem:$0x3FA7];
	_ =	sdelay $0x3  }
0x33: {  	p0 =	seq.s32 s10, $0x1;
	s10 =	sld [smem:$0x3FA9];
	_ =	sdelay $0x3  }
0x34: {  	[smem:$0x3FA9] =	sst s10  }
0x35: {  	s10 =	sld [smem:$0x3FA8];
	_ =	sdelay $0x3  }
0x36: {  	p1 =	seq.s32 s10, $0x1;
	s10 =	sld [smem:$0x3FA9];
	_ =	sdelay $0x3  }
0x37: {  	[smem:$0x3FA9] =	sst s10  }
0x38: {  	s10 =	sld [smem:$0x3FAA]  }
0x39: {  	_ = 	snop;
	(pc) =	sbr.ind lr, $3  }
0x3a: {  	_ = 	snop  }
0x3b: {  	_ = 	snop  }
0x3c: {  	p2 =	seq.s32 s10, $0x1;
	s10 =	sld [smem:$0x3FA9]  }
0x3d: {  	_ =	shalt  }
0x3e: {  	_ =	shalt  }
0x3f: {  	_ =	shalt  }
0x40: {  	_ =	shalt  }
0x41: {  	_ =	shalt  }
0x42: {  	_ =	shalt  }
0x43: {  	_ =	shalt  }
0x44: {  	_ =	shalt  }
0x45: {  	_ =	shalt  }
0x46: {  	_ =	shalt  }
0x47: {  	_ =	shalt  }
0x48: {  	_ =	shalt  }
0x49: {  	_ =	shalt  }
0x4a: {  	_ =	shalt  }
0x4b: {  	_ =	shalt  }
0x4c: {  	_ =	shalt  }
0x4d: {  	_ =	shalt  }
0x4e: {  	_ =	shalt  }
0x4f: {  	_ =	shalt  }
0x50: {  	_ =	shalt  }
0x51: {  	_ =	shalt  }
0x52: {  	_ =	shalt  }
0x53: {  	_ =	shalt  }
0x54: {  	_ =	shalt  }
0x55: {  	_ =	shalt  }
0x56: {  	_ =	shalt  }
0x57: {  	_ =	shalt  }
0x58: {  	_ =	shalt  }
0x59: {  	_ =	shalt  }
0x5a: {  	_ =	shalt  }
0x5b: {  	_ =	shalt  }
0x5c: {  	_ =	shalt  }
0x5d: {  	_ =	shalt  }
0x5e: {  	_ =	shalt  }
0x5f: {  	_ =	shalt  }
0x60: {  	_ =	shalt  }
0x61: {  	_ =	shalt  }
0x62: {  	_ =	shalt  }
0x63: {  	_ =	shalt  }
0x64: {  	_ =	shalt  }
0x65: {  	_ =	shalt  }
0x66: {  	_ =	shalt  }
0x67: {  	_ =	shalt  }
0x68: {  	_ =	shalt  }
0x69: {  	_ =	shalt  }
0x6a: {  	_ =	shalt  }
0x6b: {  	_ =	shalt  }
0x6c: {  	_ =	shalt  }
0x6d: {  	_ =	shalt  }
0x6e: {  	_ =	shalt  }
0x6f: {  	_ =	shalt  }
0x70: {  	_ =	shalt  }
0x71: {  	_ =	shalt  }
0x72: {  	_ =	shalt  }
0x73: {  	_ =	shalt  }
0x74: {  	_ =	shalt  }
0x75: {  	_ =	shalt  }
0x76: {  	_ =	shalt  }
0x77: {  	_ =	shalt  }
0x78: {  	_ =	shalt  }
0x79: {  	_ =	shalt  }
0x7a: {  	_ =	shalt  }
0x7b: {  	_ =	shalt  }
0x7c: {  	_ =	shalt  }
0x7d: {  	_ =	shalt  }
0x7e: {  	_ =	shalt  }
0x7f: {  	_ =	shalt  }
0x80: {  	_ =	shalt  }
0x81: {  	_ =	shalt  }
0x82: {  	_ =	shalt  }
0x83: {  	_ =	shalt  }
0x84: {  	_ =	shalt  }
0x85: {  	_ =	shalt  }
0x86: {  	_ =	shalt  }
0x87: {  	_ =	shalt  }
.Lfunc_end0:
.L_simem_size_0:
called_computation.3_lowered:
.L_overlay_start_0:
0x88: {  	s2 =	sld [smem:$0x3FD9]  }
0x89: {  	s3 =	sld [smem:$0x3FFE];
	_ =	sdelay $0x1  }
0x8a: {  	s1 =	srdreg.scid  }
0x8b: {  	s0 =	sand.u32 $0x1, s1  }
0x8c: {  	s17 =	sshll.u32 s0, $0xA;
	s2 =	sadd.s32 s3, s2  }
0x8d: {  	s2 =	sadd.s32 s2, s17  }
0x8e: {  	[smem:$0x3FB5] =	sst s2  }
0x8f: {  	_ = 	snop  }
0x90: {  	s18 =	sld [smem:$0x3FD0];
	(tm) =	ssettm $0x1  }
0x91: {  	s19 =	sld [smem:$0x3FFB];
	_ =	sdelay $0x3  }
0x92: {  	_ =	strace s19  }
0x93: {  	s2 =	sld [smem:$0x3FFC];
	_ =	sdelay $0x3  }
0x94: {  	_ =	strace s2  }
0x95: {  	s2 =	sld [smem:$0x3FFD];
	_ =	sdelay $0x3  }
0x96: {  	_ =	strace s2  }
0x97: {  	_ =	strace $0x8FFFFFFF  }
0x98: {  	s20 =	sld [smem:$0x3FDB];
	_ =	sdelay $0x1  }
0x99: {  	s4 =	simm.s32 $_scs_section_size  }
0x9a: {  	s5 =	simm.s32 $_size__tile_overlayer_lowered;
	s6 =	simm.s32 $_tile_overlayer_lowered  }
0x9b: {  	s7 =	simm.s32 $0x1BFF;
	s21 =	sshll.u32 s6, $0x1;
	s4 =	sadd.s32 s4, s20  }
0x9c: {  	s22 =	simm.s32 $0x0;
	s5 =	sshll.u32 s5, $0x1;
	s6 =	sadd.s32 s21, s4  }
0x9d: {  	[timem:s22], [sflag:s7] =	dma.local [hbm:s6], s5  }
0x9e: {  	_ =	swait.ge [sflag:s7], s5  }
0x9f: {  	s5 =	ssub.s32 $0x0, s5;
	[sflag:s7] =	ssyncset.done $0x0  }
0xa0: {  	[sflag:s7] =	ssyncadd.s32 s5;
	_ =	sdelay $0x1  }
0xa1: {  	s23 =	simm.s32 $0x1B8B  }
0xa2: {  	_ =	swait.ge [sflag:s23], $0x1  }
0xa3: {  	[sflag:s23] =	ssyncset.done $0x0  }
0xa4: {  	[sflag:s23] =	ssyncadd.s32 $0xFFFFFFFF  }
0xa5: {  	s5 =	sld [smem:$0x0]  }
0xa6: {  	s6 =	sand.u32 $0xFFFFFFFE, s1  }
0xa7: {  	p0 =	sne.s32 s1, s6  }
0xa8: {  	s6 =	sshll.u32 @p0 s6, $0xE  }
0xa9: {  	s6 =	sadd.s32 @p0 $0x11B8D, s6;
	s7 =	sshll.u32 @p0 s5, $0x11  }
0xaa: {  	s6 =	sor.u32 @p0 s7, s6  }
0xab: {  	[sflag:s6] =	ssyncadd.remote.s32 @p0 $0x1;
	_ =	sdelay $0x1  }
0xac: {  	s6 =	simm.s32 @p0 $0x1B8D  }
0xad: {  	_ =	swait.eq @p0 [sflag:s6], $0x1  }
0xae: {  	[sflag:s6] =	ssyncadd.s32 @p0 $0xFFFFFFFF  }
0xaf: {  	s7 =	sshll.u32 @!p0 s1, $0xE  }
0xb0: {  	s7 =	sor.u32 @!p0 $0x4000, s7;
	s6 =	simm.s32 @!p0 $0x1B8D  }
0xb1: {  	s5 =	sshll.u32 @!p0 s5, $0x11;
	s7 =	sadd.s32 @!p0 $0x11B8D, s7;
	_ =	swait.eq @!p0 [sflag:s6], $0x1  }
0xb2: {  	s5 =	sor.u32 @!p0 s5, s7;
	[sflag:s6] =	ssyncadd.s32 @!p0 $0xFFFFFFFF  }
0xb3: {  	s25 =	simm.s32 $0x1B8E;
	s24 =	sld [smem:$0x3FFE];
	[sflag:s5] =	ssyncadd.remote.s32 @!p0 $0x1  }
0xb4: {  	s26 =	simm.s32 $execute0_lowered;
	[smem:$0x3FD2] =	sst s25  }
0xb5: {  	s6 =	sshll.u32 s26, $0x1;
	_ =	strace $0x8000004F;
	[dreg:$0x1] =	wrdreg $0xFFFFFFFF  }
0xb6: {  	s28 =	simm.s32 $_size_execute0_lowered;
	s4 =	sadd.s32 s4, s6;
	[dreg:$0x0] =	wrdreg $0x0  }
0xb7: {  	s6 =	sshll.u32 s28, $0x1;
	[dreg:$0x2] =	wrdreg s4  }
0xb8: {  	[dreg:$0x3] =	wrdreg s6  }
0xb9: {  	[dreg:$0x4] =	wrdreg $0xC0  }
0xba: {  	_ =	task [dreg:s22], $0x5FFFF  }
0xbb: {  	[dreg:$0x1] =	wrdreg $0xFFFFFFFF  }
0xbc: {  	[dreg:$0x0] =	wrdreg $0x60  }
0xbd: {  	[dreg:$0x2] =	wrdreg s24  }
0xbe: {  	[dreg:$0x3] =	wrdreg s18  }
0xbf: {  	[dreg:$0x4] =	wrdreg $0x6F000  }
0xc0: {  	[dreg:$0x5] =	wrdreg $0x1AF000  }
0xc1: {  	[dreg:$0x6] =	wrdreg $0x9  }
0xc2: {  	_ =	task.clear_ibuf [dreg:s22], $0x7FFFF;
	_ =	strace $0x9000004F  }
0xc3: {  	s29 =	simm.s32 $0x9;
	_ =	strace $0x80000051  }
0xc4: {  	_ =	swait.ge [sflag:s29], $0x1  }
0xc5: {  	[sflag:s29] =	ssyncadd.s32 $0xFFFFFFFF  }
0xc6: {  	_ =	strace $0x90000051  }
0xc7: {  	_ =	sfence  }
0xc8: {  	s30 =	sld [smem:$0x0];
	_ =	sdelay $0x2  }
0xc9: {  	s31 =	sshll.u32 s1, $0xD;
	s1 =	sshrl.u32 s1, $0x2  }
0xca: {  	s4 =	sand.u32 $0x4000, s31;
	s1 =	sadd.s32 s1, s30  }
0xcb: {  	s0 =	sor.u32 s4, s0;
	s1 =	sshll.u32 s1, $0x11  }
0xcc: {  	s0 =	sor.u32 s1, s0  }
0xcd: {  	s0 =	sadd.s32 $0x8F2B, s0  }
0xce: {  	[sflag:s0] =	ssyncadd.remote.s32 $0x1  }
0xcf: {  	_ =	sfence.sel $0xFFFF  }
0xd0: {  	[dreg:$0x0] =	wrdreg $0xFFFFFFFF;
	(pc) =	sbr.abs _section_cstart, $3  }
0xd1: {  	[dreg:$0x1] =	wrdreg $0xFFFFFFFF  }
0xd2: {  	_ =	task.clear_ibuf [dreg:s22], $0x2FFFF;
	_ =	strace $0x9FFFFFFF  }
0xd3: {  	(tm) =	ssettm $0x7FFFFFFF  }
tec
execute0_lowered:
.L_overlay_start_1:
0x0: {  	(tag) =	ssettag $0x1  }
0x1: {  	s0 =	rddreg [dreg:$0x0]  }
0x2: {  	s1 =	rddreg [dreg:$0x1]  }
0x3: {  	s2 =	rddreg [dreg:$0x2]  }
0x4: {  	s3 =	srdreg.scid;
	s15 =	stileid.u32  }
0x5: {  	s6 =	rddreg [dreg:$0x3];
	s8 =	smul.u32 $0x14000, s15  }
0x6: {  	s28 =	simm.s32 $0x80;
	s29 =	simm.s32 $0x3;
	s9 =	smul.u32 $0x500, s15  }
0x7: {  	s30 =	simm.s32 $0x2080;
	s31 =	simm.s32 $0x2;
	s22 =	smul.u32 $0x50000, s15  }
0x8: {  	s7 =	sand.u32 $0x1, s3;
	s3 =	simm.s32 $0x0;
	s25 =	smul.u32 $0x5000, s15  }
0x9: {  	s4 =	sadd.s32 $0x325000, s0;
	s10 =	sshll.u32 s15, $0x1;
	s19 =	smul.u32 $0x4E0, s15  }
0xa: {  	s24 =	sshrl.u32 s15, $0x3;
	s26 =	sshll.u32 s15, $0x7;
	s5 =	smul.u32 $0x140000, s7  }
0xb: {  	[smem:$0x7FF] =	sst s3;
	s20 =	sshll.u32 s7, $0x7;
	s10 =	sor.u32 s7, s10  }
0xc: {  	s21 =	ssub.s32 $0x2, s7;
	_ =	strace $0x80000050;
	s13 =	smul.u32 $0x1380, s10  }
0xd: {  	s12 =	sshrl.u32 s21, $0x1;
	s10 =	smul.u32 $0x13800, s10;
	s5 =	sadd.s32 s8, s5  }
0xe: {  	s8 =	sadd.s32 $0x6200, s0;
	s5 =	sshrl.u32 s5, $0x3;
	s23 =	sshrl.u32 s13, $0x3  }
0xf: {  	s13 =	smul.u32 $0x50000, s24;
	s10 =	sadd.s32 s4, s10;
	s11 =	sadd.s32 s5, s0  }
0x10: {  	s5 =	sor.u32 s20, s9;
	s9 =	ssub.s32 s21, s12;
	s14 =	sadd.s32 s8, s23  }
0x11: {  	[dreg:$0x6] =	wrdreg s10;
	s10 =	sand.u32 $0x380, s26;
	s12 =	sadd.s32 s1, s23  }
0x12: {  	s1 =	sadd.s32 s19, s1;
	s5 =	sshrl.u32 s5, $0x3;
	s14 =	sadd.s32 $0x5000, s14  }
0x13: {  	s13 =	sshrl.u32 s13, $0x2;
	[dreg:$0x7] =	wrdreg s12;
	s16 =	smax.u32 s9, $0x1  }
0x14: {  	s9 =	simm.s32 $0x4200;
	s12 =	simm.s32 $0x1;
	s0 =	sadd.s32 s5, s0  }
0x15: {  	s5 =	sshrl.u32 s22, $0x2;
	[dreg:$0x5] =	wrdreg s14;
	s22 =	smul.u32 $0x9C, s15  }
0x16: {  	s13 =	sadd.s32 s13, s6;
	s14 =	sshrl.u32 s25, $0x2;
	s25 =	smul.u32 $0x4E, s7  }
0x17: {  	[dreg:$0xb] =	wrdreg s16;
	s7 =	smul.u32 $0x270, s7;
	s10 =	sadd.s32 s10, s13  }
0x18: {  	s5 =	sadd.s32 s5, s2;
	s0 =	sadd.s32 $0x10000, s0;
	[dreg:$0x8] =	wrdreg s10  }
0x19: {  	s10 =	sadd.s32 s14, s6;
	s14 =	sadd.s32 $0x10A00, s11;
	[dreg:$0xa] =	wrdreg s0  }
0x1a: {  	s13 =	simm.s32 $0x0;
	s17 =	sadd.s32 $0x2000, s5;
	[dreg:$0x9] =	wrdreg s14  }
0x1b: {  	s18 =	sadd.s32 $0x4000, s5;
	s20 =	sadd.s32 $0x6000, s5;
	[dreg:$0xc] =	wrdreg s17  }
0x1c: {  	s21 =	sadd.s32 $0x8000, s5;
	s23 =	sadd.s32 $0xA000, s5;
	[dreg:$0xd] =	wrdreg s18  }
0x1d: {  	s24 =	sadd.s32 $0xC000, s5;
	s0 =	sadd.s32 s19, s8;
	[dreg:$0xe] =	wrdreg s20  }
0x1e: {  	s6 =	sadd.s32 s25, s22;
	s1 =	sadd.s32 s7, s1;
	[dreg:$0xf] =	wrdreg s21  }
0x1f: {  	s8 =	simm.s32 $0x400;
	s11 =	simm.s32 $0x4180;
	[dreg:$0x10] =	wrdreg s23  }
0x20: {  	[dreg:$0x11] =	wrdreg s24;
	s20 =	sadd.s32 $0xE000, s5;
	s21 =	sadd.s32 $0x10000, s5  }
0x21: {  	s0 =	sadd.s32 s7, s0;
	s6 =	sshll.u32 s6, $0xA;
	s22 =	sadd.s32 $0x8, s1  }
0x22: {  	s1 =	simm.s32 $0x2100;
	s7 =	simm.s32 $0x4700;
	s23 =	sadd.s32 $0x5008, s0  }
0x23: {  	s26 =	sadd.s32 s6, s4;
	s15 =	sor.u32 $0x400, s6;
	s0 =	simm.s32 $0x40  }
0x24: {  	v0 =	vimm.f32 $0.0e+00;
	s6 =	simm.s32 $0x2180;
	s16 =	sadd.s32 $0x400, s26;
	s26 =	sadd.s32 $0x12000, s5  }
.LBB2_1:
0x25: {  	s14 =	simm.s32 $0x0;
	s17 =	simm.s32 $0x200  }
.LBB2_2:
0x26: {  	p0 =	sne.s32 s17, $0x7E00;
	[tilespmem:s14+$0xF0] =	vst v0  }
0x27: {  	[tilespmem:s14+$0x80] =	vst v0  }
0x28: {  	[tilespmem:s14+$0x90] =	vst v0  }
.Ltmp0:
0x29: {  	[tilespmem:s14+$0xA0] =	vst v0;
	(pc) =	sbr.rel @p0 .LBB2_2-.Ltmp0, $4  }
0x2a: {  	[tilespmem:s14+$0xB0] =	vst v0  }
0x2b: {  	[tilespmem:s14+$0xC0] =	vst v0  }
0x2c: {  	[tilespmem:s14+$0xD0] =	vst v0  }
0x2d: {  	[tilespmem:s14+$0xE0] =	vst v0;
	s14 =	sshra.s32 s17, $0x2;
	s17 =	sadd.s32 $0x200, s17  }
0x2e: {  	[tilespmem:s14+$0xF0] =	vst v0  }
0x2f: {  	[tilespmem:s14+$0x80] =	vst v0  }
0x30: {  	[tilespmem:s14+$0x90] =	vst v0  }
0x31: {  	[tilespmem:s14+$0xA0] =	vst v0  }
0x32: {  	[tilespmem:s14+$0xB0] =	vst v0  }
0x33: {  	[tilespmem:s14+$0xC0] =	vst v0  }
0x34: {  	[tilespmem:s14+$0xD0] =	vst v0  }
0x35: {  	[tilespmem:s14+$0xE0] =	vst v0  }
0x36: {  	[spmem:s5] =	stream.linear.scatter [tilespmem:s28], [sflag:$0x3], $0x2000, $0x38;
	[tilespmem:$0x1D700] =	vst v63  }
0x37: {  	_ =	swait.ge [sflag:s29], $0x2000  }
0x38: {  	[sflag:s29] =	ssyncset.done $0x0  }
0x39: {  	s25 =	rddreg [dreg:$0xc];
	[sflag:s29] =	ssyncadd.s32 $0xFFFFE000  }
0x3a: {  	[spmem:s25] =	stream.linear.scatter [tilespmem:s28], [sflag:$0x3], $0x2000, $0x38;
	[tilespmem:$0x1D700] =	vst v63  }
0x3b: {  	_ =	swait.ge [sflag:s29], $0x2000  }
0x3c: {  	[sflag:s29] =	ssyncset.done $0x0  }
0x3d: {  	s17 =	rddreg [dreg:$0xd];
	[sflag:s29] =	ssyncadd.s32 $0xFFFFE000  }
0x3e: {  	[spmem:s17] =	stream.linear.scatter [tilespmem:s28], [sflag:$0x3], $0x2000, $0x38;
	[tilespmem:$0x1D700] =	vst v63  }
0x3f: {  	_ =	swait.ge [sflag:s29], $0x2000  }
0x40: {  	[sflag:s29] =	ssyncset.done $0x0  }
0x41: {  	s18 =	rddreg [dreg:$0xe];
	[sflag:s29] =	ssyncadd.s32 $0xFFFFE000  }
0x42: {  	[spmem:s18] =	stream.linear.scatter [tilespmem:s28], [sflag:$0x3], $0x2000, $0x38;
	[tilespmem:$0x1D700] =	vst v63  }
0x43: {  	_ =	swait.ge [sflag:s29], $0x2000  }
0x44: {  	[sflag:s29] =	ssyncset.done $0x0  }
0x45: {  	s19 =	rddreg [dreg:$0xf];
	[sflag:s29] =	ssyncadd.s32 $0xFFFFE000  }
0x46: {  	[spmem:s19] =	stream.linear.scatter [tilespmem:s28], [sflag:$0x3], $0x2000, $0x38;
	[tilespmem:$0x1D700] =	vst v63  }
0x47: {  	_ =	swait.ge [sflag:s29], $0x2000  }
0x48: {  	[sflag:s29] =	ssyncset.done $0x0  }
0x49: {  	s24 =	rddreg [dreg:$0x10];
	[sflag:s29] =	ssyncadd.s32 $0xFFFFE000  }
0x4a: {  	[spmem:s24] =	stream.linear.scatter [tilespmem:s28], [sflag:$0x3], $0x2000, $0x38;
	[tilespmem:$0x1D700] =	vst v63  }
0x4b: {  	_ =	swait.ge [sflag:s29], $0x2000  }
0x4c: {  	[sflag:s29] =	ssyncset.done $0x0  }
0x4d: {  	s25 =	rddreg [dreg:$0x11];
	[sflag:s29] =	ssyncadd.s32 $0xFFFFE000  }
0x4e: {  	[spmem:s25] =	stream.linear.scatter [tilespmem:s28], [sflag:$0x3], $0x2000, $0x38;
	[tilespmem:$0x1D700] =	vst v63  }
0x4f: {  	_ =	swait.ge [sflag:s29], $0x2000  }
0x50: {  	[sflag:s29] =	ssyncset.done $0x0  }
0x51: {  	[sflag:s29] =	ssyncadd.s32 $0xFFFFE000  }
0x52: {  	[spmem:s20] =	stream.linear.scatter [tilespmem:s28], [sflag:$0x3], $0x2000, $0x38;
	[tilespmem:$0x1D700] =	vst v63  }
0x53: {  	_ =	swait.ge [sflag:s29], $0x2000  }
0x54: {  	[sflag:s29] =	ssyncset.done $0x0  }
0x55: {  	[sflag:s29] =	ssyncadd.s32 $0xFFFFE000  }
0x56: {  	[spmem:s21] =	stream.linear.scatter [tilespmem:s28], [sflag:$0x3], $0x2000, $0x38;
	[tilespmem:$0x1D700] =	vst v63  }
0x57: {  	_ =	swait.ge [sflag:s29], $0x2000  }
0x58: {  	[sflag:s29] =	ssyncset.done $0x0  }
0x59: {  	[sflag:s29] =	ssyncadd.s32 $0xFFFFE000  }
0x5a: {  	[spmem:s26] =	stream.linear.scatter [tilespmem:s28], [sflag:$0x3], $0x2000, $0x38;
	[tilespmem:$0x1D700] =	vst v63  }
0x5b: {  	_ =	swait.ge [sflag:s29], $0x2000  }
0x5c: {  	[sflag:s29] =	ssyncset.done $0x0  }
0x5d: {  	s14 =	simm.s32 $0x40;
	s17 =	simm.s32 $0x0;
	[sflag:s29] =	ssyncadd.s32 $0xFFFFE000  }
.LBB2_4:
0x5e: {  	p0 =	sne.s32 s14, $0x9FC0;
	[tilespmem:s17+$0x4700] =	vst v0;
	s17 =	smov.u32 s14;
	s14 =	sadd.s32 $0x40, s14  }
.Ltmp1:
0x5f: {  	(pc) =	sbr.rel @p0 .LBB2_4-.Ltmp1, $2  }
0x60: {  	_ =	sdelay $0x2  }
0x61: {  	s17 =	sshra.s32 s17, $0x2  }
0x62: {  	[tilespmem:s17+$0x4700] =	vst v0  }
0x63: {  	[bflag:$0x0] =	sbarrier.arrive $0xFFFF  }
0x64: {  	s14 =	simm.s32 $0x0;
	s19 =	rddreg [dreg:$0x5]  }
0x65: {  	[tilespmem:s14], [sflag:$0x1] =	stream.linear.gather [hbm4b:s19+s14], $0x40, $0x38;
	[tilespmem:$0x1D700] =	vst v63  }
.Ltmp2:
0x66: {  	s24 =	rddreg [dreg:$0x6];
	(pc) =	sbr.rel .LBB2_6-.Ltmp2, $4  }
0x67: {  	[tilespmem:s28], [sflag:$0x1] =	stream.linear.gather [hbm4b:s24+s14], $0x2000, $0x38;
	[tilespmem:$0x1D700] =	vst v63  }
0x68: {  	s25 =	rddreg [dreg:$0x7]  }
0x69: {  	[tilespmem:s30], [sflag:$0x1] =	stream.linear.gather [hbm4b:s25+s14], $0x40, $0x38;
	[tilespmem:$0x1D700] =	vst v63  }
0x6a: {  	s17 =	simm.s32 $0x0;
	s24 =	smov.u32 s16;
	s25 =	smov.u32 s15  }
.LBB2_8:
0x6b: {  	[tilespmem:s3], [sflag:$0x1] =	stream.linear.gather [hbm4b:s19+s3], $0x40, $0x38;
	[tilespmem:$0x1D700] =	vst v63  }
0x6c: {  	s19 =	sand.u32 $0x1FFFF800, s25  }
0x6d: {  	s19 =	sadd.s32 s4, s19  }
0x6e: {  	[tilespmem:s28], [sflag:$0x1] =	stream.linear.gather [hbm4b:s19+s3], $0x2000, $0x38;
	[tilespmem:$0x1D700] =	vst v63  }
0x6f: {  	_ = 	snop  }
0x70: {  	[tilespmem:s30], [sflag:$0x1] =	stream.linear.gather [hbm4b:s18+s3], $0x40, $0x38;
	[tilespmem:$0x1D700] =	vst v63  }
.LBB2_9:
0x71: {  	_ =	swait.ge [sflag:s31], $0x40  }
0x72: {  	[sflag:s31] =	ssyncset.done $0x0  }
0x73: {  	[sflag:s31] =	ssyncadd.s32 $0xFFFFFFC0  }
0x74: {  	_ =	swait.ge [sflag:s31], $0x2000  }
0x75: {  	[sflag:s31] =	ssyncset.done $0x0  }
0x76: {  	[sflag:s31] =	ssyncadd.s32 $0xFFFFE000  }
0x77: {  	_ =	swait.ge [sflag:s31], $0x40  }
0x78: {  	[sflag:s31] =	ssyncset.done $0x0  }
0x79: {  	[sflag:s31] =	ssyncadd.s32 $0xFFFFFFC0  }
0x7a: {  	[spmem:s2] =	stream.indirect.scatter.add.f32 [tilespmem:s6], [sflag:$0x3], $0x80, s1, s0, $0xb8;
	[tilespmem:$0x1D700] =	vst v63  }
0x7b: {  	_ =	swait.ge [sflag:s29], $0x2000  }
0x7c: {  	[sflag:s29] =	ssyncset.done $0x0  }
0x7d: {  	[sflag:s29] =	ssyncadd.s32 $0xFFFFE000  }
0x7e: {  	v1 =	vld [tilespmem:$0x2100];
	_ =	sdelay $0x2  }
0x7f: {  	v2 =	vld [tilespmem:$0x4180];
	_ =	sdelay $0x4  }
0x80: {  	[tilespmem:v1+s7+$0x0] =	vst.idx.add.f32.msk $0xffff, v2  }
0x81: {  	v1 =	vld [tilespmem:$0x2110];
	_ =	sdelay $0x2  }
0x82: {  	v2 =	vld [tilespmem:$0x4190];
	_ =	sdelay $0x4  }
0x83: {  	[tilespmem:v1+s7+$0x0] =	vst.idx.add.f32.msk $0xffff, v2  }
0x84: {  	v1 =	vld [tilespmem:$0x2120];
	_ =	sdelay $0x2  }
0x85: {  	v2 =	vld [tilespmem:$0x41A0];
	_ =	sdelay $0x4  }
0x86: {  	[tilespmem:v1+s7+$0x0] =	vst.idx.add.f32.msk $0xffff, v2  }
0x87: {  	v1 =	vld [tilespmem:$0x2130];
	_ =	sdelay $0x2  }
0x88: {  	v2 =	vld [tilespmem:$0x41B0];
	_ =	sdelay $0x4  }
0x89: {  	[tilespmem:v1+s7+$0x0] =	vst.idx.add.f32.msk $0xffff, v2  }
.LBB2_10:
0x8a: {  	s14 =	sadd.s32 $0x8, s14  }
0x8b: {  	p0 =	sne.s32 s14, $0x270  }
.Ltmp3:
0x8c: {  	_ = 	snop;
	(pc) =	sbr.rel @!p0 .LBB2_11-.Ltmp3, $2  }
0x8d: {  	_ =	sdelay $0x2  }
0x8e: {  	s24 =	sadd.s32 $0x400, s24;
	s25 =	sadd.s32 $0x400, s25;
	s17 =	sadd.s32 $0x1, s17  }
.LBB2_6:
0x8f: {  	p0 =	seq.s32 s14, $0x268  }
.Ltmp4:
0x90: {  	_ = 	snop;
	(pc) =	sbr.rel @p0 .LBB2_9-.Ltmp4, $1  }
0x91: {  	_ =	sdelay $0x3  }
0x92: {  	s18 =	sand.u32 $0x1, s17  }
0x93: {  	p0 =	seq.s32 s18, $0x0  }
.Ltmp5:
0x94: {  	_ = 	snop;
	(pc) =	sbr.rel @!p0 .LBB2_8-.Ltmp5, $2  }
0x95: {  	_ =	sdelay $0x2  }
0x96: {  	s19 =	sadd.s32 s14, s23;
	s18 =	sadd.s32 s14, s22  }
0x97: {  	[tilespmem:s1], [sflag:$0x2] =	stream.linear.gather [hbm4b:s19+s3], $0x40, $0x38;
	[tilespmem:$0x1D700] =	vst v63  }
0x98: {  	_ = 	snop  }
0x99: {  	[tilespmem:s6], [sflag:$0x2] =	stream.linear.gather [hbm4b:s24+s3], $0x2000, $0x38;
	[tilespmem:$0x1D700] =	vst v63  }
0x9a: {  	_ = 	snop  }
0x9b: {  	[tilespmem:s11], [sflag:$0x2] =	stream.linear.gather [hbm4b:s18+s3], $0x40, $0x38;
	[tilespmem:$0x1D700] =	vst v63  }
0x9c: {  	_ =	swait.ge [sflag:s12], $0x40  }
0x9d: {  	[sflag:s12] =	ssyncset.done $0x0  }
0x9e: {  	[sflag:s12] =	ssyncadd.s32 $0xFFFFFFC0  }
0x9f: {  	_ =	swait.ge [sflag:s12], $0x2000  }
0xa0: {  	[sflag:s12] =	ssyncset.done $0x0  }
0xa1: {  	[sflag:s12] =	ssyncadd.s32 $0xFFFFE000  }
0xa2: {  	_ =	swait.ge [sflag:s12], $0x40  }
0xa3: {  	[sflag:s12] =	ssyncset.done $0x0  }
0xa4: {  	[sflag:s12] =	ssyncadd.s32 $0xFFFFFFC0  }
0xa5: {  	[spmem:s2] =	stream.indirect.scatter.add.f32 [tilespmem:s28], [sflag:$0x3], $0x80, s3, s0, $0xb8;
	[tilespmem:$0x1D700] =	vst v63  }
0xa6: {  	_ =	swait.ge [sflag:s29], $0x2000  }
0xa7: {  	[sflag:s29] =	ssyncset.done $0x0  }
0xa8: {  	[sflag:s29] =	ssyncadd.s32 $0xFFFFE000  }
0xa9: {  	v1 =	vld [tilespmem:$0x0];
	_ =	sdelay $0x2  }
0xaa: {  	v2 =	vld [tilespmem:$0x2080];
	_ =	sdelay $0x4  }
0xab: {  	[tilespmem:v1+s7+$0x0] =	vst.idx.add.f32.msk $0xffff, v2  }
0xac: {  	v1 =	vld [tilespmem:$0x10];
	_ =	sdelay $0x2  }
0xad: {  	v2 =	vld [tilespmem:$0x2090];
	_ =	sdelay $0x4  }
0xae: {  	[tilespmem:v1+s7+$0x0] =	vst.idx.add.f32.msk $0xffff, v2  }
0xaf: {  	v1 =	vld [tilespmem:$0x20];
	_ =	sdelay $0x2  }
0xb0: {  	v2 =	vld [tilespmem:$0x20A0];
	_ =	sdelay $0x4  }
0xb1: {  	[tilespmem:v1+s7+$0x0] =	vst.idx.add.f32.msk $0xffff, v2  }
0xb2: {  	v1 =	vld [tilespmem:$0x30];
	_ =	sdelay $0x2  }
0xb3: {  	v2 =	vld [tilespmem:$0x20B0]  }
.Ltmp6:
0xb4: {  	_ = 	snop;
	(pc) =	sbr.rel .LBB2_10-.Ltmp6, $2  }
0xb5: {  	_ =	sdelay $0x2  }
0xb6: {  	[tilespmem:v1+s7+$0x0] =	vst.idx.add.f32.msk $0xffff, v2  }
.LBB2_11:
0xb7: {  	s14 =	rddreg [dreg:$0x8]  }
0xb8: {  	[spmem:s14] =	stream.strided.scatter [tilespmem:s7], [sflag:$0x3], $0x2800, s8, s28, $0x38;
	[tilespmem:$0x1D700] =	vst v63  }
0xb9: {  	_ =	swait.ge [sflag:s29], $0x2800  }
0xba: {  	[sflag:s29] =	ssyncset.done $0x0  }
0xbb: {  	[sflag:s29] =	ssyncadd.s32 $0xFFFFD800  }
0xbc: {  	[bflag:$0x0] =	sbarrier.arrive $0xFFFF  }
0xbd: {  	[tilespmem:$0x4480] =	vst v0  }
0xbe: {  	[tilespmem:$0x4490] =	vst v0  }
0xbf: {  	[tilespmem:$0x44A0] =	vst v0  }
0xc0: {  	[tilespmem:$0x44B0] =	vst v0  }
0xc1: {  	[tilespmem:$0x44C0] =	vst v0  }
0xc2: {  	[tilespmem:$0x44D0] =	vst v0  }
0xc3: {  	[tilespmem:$0x44E0] =	vst v0  }
0xc4: {  	[tilespmem:$0x44F0] =	vst v0  }
0xc5: {  	[tilespmem:$0x4500] =	vst v0  }
0xc6: {  	[tilespmem:$0x4510] =	vst v0  }
0xc7: {  	[tilespmem:$0x4520] =	vst v0  }
0xc8: {  	[tilespmem:$0x4530] =	vst v0  }
0xc9: {  	[tilespmem:$0x4540] =	vst v0  }
0xca: {  	[tilespmem:$0x4550] =	vst v0  }
0xcb: {  	[tilespmem:$0x4560] =	vst v0  }
0xcc: {  	[tilespmem:$0x4570] =	vst v0  }
0xcd: {  	[tilespmem:$0x4580] =	vst v0  }
0xce: {  	[tilespmem:$0x4590] =	vst v0  }
0xcf: {  	[tilespmem:$0x45A0] =	vst v0  }
0xd0: {  	[tilespmem:$0x45B0] =	vst v0  }
0xd1: {  	[tilespmem:$0x45C0] =	vst v0  }
0xd2: {  	[tilespmem:$0x45D0] =	vst v0  }
0xd3: {  	[tilespmem:$0x45E0] =	vst v0  }
0xd4: {  	[tilespmem:$0x45F0] =	vst v0  }
0xd5: {  	[tilespmem:$0x4600] =	vst v0  }
0xd6: {  	[tilespmem:$0x4610] =	vst v0  }
0xd7: {  	[tilespmem:$0x4620] =	vst v0  }
0xd8: {  	[tilespmem:$0x4630] =	vst v0  }
0xd9: {  	[tilespmem:$0x4640] =	vst v0  }
0xda: {  	[tilespmem:$0x4650] =	vst v0  }
0xdb: {  	[tilespmem:$0x4660] =	vst v0  }
0xdc: {  	[tilespmem:$0x4670] =	vst v0  }
0xdd: {  	[tilespmem:$0x4680] =	vst v0  }
0xde: {  	[tilespmem:$0x4690] =	vst v0  }
0xdf: {  	[tilespmem:$0x46A0] =	vst v0  }
0xe0: {  	[tilespmem:$0x46B0] =	vst v0  }
0xe1: {  	[tilespmem:$0x46C0] =	vst v0  }
0xe2: {  	[tilespmem:$0x46D0] =	vst v0  }
0xe3: {  	[tilespmem:$0x46E0] =	vst v0  }
0xe4: {  	s14 =	simm.s32 $0x0;
	[tilespmem:$0x46F0] =	vst v0  }
.LBB2_12:
0xe5: {  	s17 =	sshrl.u32 s14, $0x3  }
0xe6: {  	s17 =	smul.u32 $0x50000, s17;
	_ =	sdelay $0x1  }
0xe7: {  	s18 =	sshll.u32 s14, $0x7;
	s17 =	sshra.s32 s17, $0x2  }
0xe8: {  	s18 =	sand.u32 $0x380, s18;
	s17 =	sadd.s32 s17, s10  }
0xe9: {  	s17 =	sadd.s32 s18, s17  }
0xea: {  	[tilespmem:s9], [sflag:$0x3] =	stream.strided.gather [spmem:s17], $0x280, s8, s28, $0x38;
	[tilespmem:$0x1D700] =	vst v63  }
0xeb: {  	_ =	swait.ge [sflag:s29], $0x280  }
0xec: {  	[sflag:s29] =	ssyncset.done $0x0  }
0xed: {  	s17 =	simm.s32 $0x0;
	[sflag:s29] =	ssyncadd.s32 $0xFFFFFD80  }
0xee: {  	s24 =	simm.s32 $0x40;
	v1 =	vld [tilespmem:s17+$0x4200]  }
.LBB2_13:
0xef: {  	p0 =	sne.s32 s24, $0x9C0;
	v2 =	vld [tilespmem:s17+$0x4480];
	_ =	sdelay $0x2  }
.Ltmp7:
0xf0: {  	(pc) =	sbr.rel @p0 .LBB2_13-.Ltmp7, $4  }
0xf1: {  	_ = 	snop  }
0xf2: {  	v2 =	vadd.f32 v1, v2  }
0xf3: {  	s18 =	sshra.s32 s24, $0x2  }
0xf4: {  	s24 =	sadd.s32 $0x40, s24;
	v1 =	vld [tilespmem:s18+$0x4200];
	[tilespmem:s17+$0x4480] =	vst v2;
	s17 =	smov.u32 s18  }
0xf5: {  	v2 =	vld [tilespmem:s17+$0x4480]  }
0xf6: {  	s14 =	sadd.s32 $0x1, s14  }
0xf7: {  	p0 =	sne.s32 s14, $0x10  }
.Ltmp8:
0xf8: {  	_ = 	snop;
	(pc) =	sbr.rel @p0 .LBB2_12-.Ltmp8, $3  }
0xf9: {  	_ = 	snop  }
0xfa: {  	v1 =	vadd.f32 v1, v2;
	_ =	sdelay $0x1  }
0xfb: {  	[tilespmem:s17+$0x4480] =	vst v1  }
0xfc: {  	s14 =	stileid.u32  }
0xfd: {  	s14 =	sshll.u32 s14, $0x6  }
0xfe: {  	s17 =	sshrl.u32 s5, $0x3;
	s18 =	rddreg [dreg:$0x9];
	s14 =	sor.u32 $0x1C03, s14  }
0xff: {  	[hbm:s18], [sflag:s14] =	dma.local [spmem:s17], $0x2800  }
0x100: {  	_ =	swait.ge [sflag:s29], $0x2800  }
0x101: {  	s19 =	simm.s32 $0x100;
	[sflag:s29] =	ssyncset.done $0x0  }
0x102: {  	s24 =	simm.s32 $0x4480;
	s18 =	rddreg [dreg:$0xa];
	[sflag:s29] =	ssyncadd.s32 $0xFFFFD800  }
0x103: {  	[hbm4b:s18+s28] =	stream.strided.scatter [tilespmem:s24], [sflag:$0x3], $0x280, s19, s28, $0x38;
	[tilespmem:$0x1D700] =	vst v63  }
0x104: {  	_ =	swait.ge [sflag:s29], $0x280  }
0x105: {  	s13 =	sadd.s32 $0x1, s13;
	s25 =	rddreg [dreg:$0xb]  }
0x106: {  	p0 =	sne.s32 s13, s25  }
.Ltmp9:
0x107: {  	_ = 	snop;
	(pc) =	sbr.rel @p0 .LBB2_1-.Ltmp9, $3  }
0x108: {  	_ =	sdelay $0x1  }
0x109: {  	[sflag:s29] =	ssyncset.done $0x0  }
0x10a: {  	[sflag:s29] =	ssyncadd.s32 $0xFFFFFD80  }
0x10b: {  	_ =	sfence.sel $0x180000  }
0x10c: {  	[bflag:$0x0] =	sbarrier.arrive $0xFFFF  }
0x10d: {  	_ =	strace $0x90000050  }
0x10e: {  	s0 =	stileid.u32;
	[bflag:$0x2] =	sbarrier.arrive $0xFFFF  }
0x10f: {  	p0 =	sne.s32 s0, $0x0;
	s0 =	rddreg [dreg:$0x4]  }
0x110: {  	s0 =	sadd.s32 @!p0 $0x100000, s0  }
0x111: {  	[sflag:s0] =	ssyncadd.tile.s32 @!p0 $0x1;
	_ =	shalt  }
.Lfunc_end2:
_tile_overlayer_lowered:
.L_overlay_start_2:
0x112: {  	(tag) =	ssettag $0x2  }
0x113: {  	s0 =	rddreg [dreg:$0x0];
	s2 =	stileid.u32  }
0x114: {  	s1 =	rddreg [dreg:$0x1];
	p0 =	sne.s32 s2, $0x0  }
0x115: {  	s3 =	rddreg [dreg:$0x2];
	[bflag:$0x3] =	sbarrier.arrive $0xFFFF;
	s2 =	simm.s32 @!p0 $0x1C03  }
0x116: {  	[timem:s3], [sflag:s2] =	dma.local @!p0 [hbm:s0], s1  }
0x117: {  	s0 =	simm.s32 @!p0 $0x3  }
0x118: {  	_ =	swait.ge @!p0 [sflag:s0], s1  }
0x119: {  	s1 =	ssub.s32 @!p0 $0x0, s1;
	[sflag:s0] =	ssyncset.done @!p0 $0x0  }
0x11a: {  	[sflag:s0] =	ssyncadd.s32 @!p0 s1  }
0x11b: {  	[bflag:$0x3] =	sbarrier.arrive $0xFFFF  }
0x11c: {  	_ =	shalt  }

</sc_bundles>
